<compile_context>
chip_gen: v7x
topology: tpu7x:2x2x1
jax: 0.10.2.dev20260603
libtpu: 0.0.44.dev20260713+nightly
codegen_flags: <defaults>
</compile_context>

<pallas_src>
import functools

import jax
import jax.numpy as jnp
from jax import lax
from jax.experimental import pallas as pl
from jax.experimental.pallas import tpu as pltpu
from jax.experimental.pallas import tpu_sc as plsc

N = 128
D = 2048
E = 128
K = 256
NSTEPS = 8


CH = 128
NW = 32
ROWS_PER_W = N // NW
VEC = 16
EW = E // 2
WV = EW // VEC
_HI_MASK = -65536


RUNROLL = 4
NBUF = 4


def _sc_ctx_body(pos_hbm, val_hbm, pe_hbm, ve_hbm, out_hbm,
                 idxp_all, idxv_all, pe_rows, ve_tab, acc_v, *sems):
    wid = lax.axis_index("s") * 2 + lax.axis_index("c")
    semp = sems[:NBUF]
    ncps = D // CH
    nch = ROWS_PER_W * ncps
    n0 = wid * ROWS_PER_W

    pltpu.sync_copy(pos_hbm.at[pl.ds(n0, ROWS_PER_W)], idxp_all)
    pltpu.sync_copy(val_hbm.at[pl.ds(n0 * D, ROWS_PER_W * D)], idxv_all)
    pltpu.sync_copy(ve_hbm, ve_tab)
    iota16 = jax.lax.iota(jnp.int32, 16)

    def make_row_body(b, s, off):
        def row_body(rr, a):
            out = list(a)
            for k in range(RUNROLL):
                r = rr * RUNROLL + k
                v_spl = plsc.load_gather(
                    idxv_all, [jnp.full((VEC,), s * D + off + r, jnp.int32)])
                v_base = v_spl * EW + iota16
                for j in range(WV):
                    pw = pe_rows[b, r, pl.ds(VEC * j, VEC)]
                    vw = plsc.load_gather(ve_tab, [v_base + VEC * j])
                    p_lo = lax.bitcast_convert_type(lax.shift_left(pw, 16),
                                                    jnp.float32)
                    p_hi = lax.bitcast_convert_type(pw, jnp.float32)
                    v_lo = lax.bitcast_convert_type(lax.shift_left(vw, 16),
                                                    jnp.float32)
                    v_hi = lax.bitcast_convert_type(vw, jnp.float32)
                    out[2 * j] = out[2 * j] + p_lo * v_lo
                    out[2 * j + 1] = out[2 * j + 1] + p_hi * v_hi
            return tuple(out)
        return row_body

    def gathers(cc, b):
        s = cc // ncps
        off = pl.multiple_of(lax.rem(cc, ncps) * CH, CH)
        return (
            pltpu.make_async_copy(
                pe_hbm.at[idxp_all.at[s, pl.ds(off, CH)]], pe_rows.at[b],
                semp[b]),
        )

    def issue(cc, b):
        for cp in gathers(cc, b):
            cp.start()

    zero = jnp.zeros((VEC,), jnp.float32)

    def process(cc, b):
        for cp in gathers(cc, b):
            cp.wait()

        @pl.when(cc + (NBUF - 1) < nch)
        def _():
            issue(cc + (NBUF - 1), (b + NBUF - 1) % NBUF)

        s = cc // ncps
        off = pl.multiple_of(lax.rem(cc, ncps) * CH, CH)
        accs = lax.fori_loop(0, CH // RUNROLL, make_row_body(b, s, off),
                             (zero,) * (2 * WV))
        for j in range(WV):
            plsc.addupdate(acc_v.at[pl.ds(32 * j, VEC)], accs[2 * j])
            plsc.addupdate(acc_v.at[pl.ds(32 * j + VEC, VEC)],
                           accs[2 * j + 1])

        @pl.when(lax.rem(cc, ncps) == ncps - 1)
        def _():
            pltpu.sync_copy(acc_v, out_hbm.at[n0 + cc // ncps])
            for j in range(2 * WV):
                acc_v[pl.ds(VEC * j, VEC)] = zero

    for j in range(2 * WV):
        acc_v[pl.ds(VEC * j, VEC)] = zero
    for b in range(NBUF - 1):
        issue(b, b)

    def chunk_body(cc, carry):
        for b in range(NBUF):
            @pl.when(lax.rem(cc, NBUF) == b)
            def _(b=b):
                process(cc, b)

        return carry

    lax.fori_loop(0, nch, chunk_body, 0)


def _pack_bf16(table):
    q = jnp.arange(VEC)
    within = jnp.stack([q, q + VEC], axis=1).reshape(-1)
    colperm = (jnp.arange(0, E, 2 * VEC)[:, None] + within[None, :]).reshape(-1)
    t = table[:, colperm].astype(jnp.bfloat16)
    return lax.bitcast_convert_type(t.reshape(-1, EW, 2),
                                    jnp.int32)


def _sc_ctx_sum(pos_list, init_samples, pe, ve):
    mesh = plsc.VectorSubcoreMesh(core_axis_name="c", subcore_axis_name="s")
    return pl.kernel(
        _sc_ctx_body,
        out_type=jax.ShapeDtypeStruct((N, E), jnp.float32),
        mesh=mesh,
        scratch_types=[
            pltpu.VMEM((ROWS_PER_W, D), jnp.int32),
            pltpu.VMEM((ROWS_PER_W * D,), jnp.int32),
            pltpu.VMEM((NBUF, CH, EW), jnp.int32),
            pltpu.VMEM((K * EW,), jnp.int32),
            pltpu.VMEM((E,), jnp.float32),
        ] + [pltpu.SemaphoreType.DMA] * NBUF,
        compiler_params=pltpu.CompilerParams(use_tc_tiling_on_sc=False,
                                             needs_layout_passes=False),
    )(pos_list, init_samples.reshape(-1), _pack_bf16(pe),
      _pack_bf16(ve).reshape(-1))




def _log_softmax(x):
    m = jnp.max(x, axis=-1, keepdims=True)
    sh = x - m
    return sh - jnp.log(jnp.sum(jnp.exp(sh), axis=-1, keepdims=True))


def _argmax_lanes(y, width):
    m = jnp.max(y, axis=-1, keepdims=True)
    iota = lax.broadcasted_iota(jnp.int32, y.shape, 1)
    return jnp.min(jnp.where(y == m, iota, width), axis=-1, keepdims=True)


def _tc_loop_body(ms_ref, ctx0_ref, cur0_ref, pos_ref, pe_ref, ve_ref, mpe_ref,
                  pw1_ref, pb1_ref, pw2_ref, pb2_ref, pw3_ref, pb3_ref,
                  vw1a_ref, vw1b_ref, vb1_ref, vw2_ref, vb2_ref, vw3_ref, vb3_ref,
                  sw1_ref, sb1_ref, sw2_ref, sb2_ref, sw3_ref, sb3_ref,
                  u1s_ref, *noise_and_out):
    g2_refs = noise_and_out[:NSTEPS]
    g3_refs = noise_and_out[NSTEPS:2 * NSTEPS]
    cur_out, nsteps_out, tlog_out = noise_and_out[2 * NSTEPS:]
    f32 = jnp.float32
    dot = functools.partial(jnp.dot, preferred_element_type=f32)
    ms = ms_ref[0, 0]

    ctx = ctx0_ref[...] * (1.0 / D)
    cur = cur0_ref[...]
    total_log = jnp.zeros((N, 1), f32)
    n_steps = jnp.zeros((N, 1), jnp.int32)
    active = jnp.ones((N, 1), jnp.bool_)

    iota_d = lax.broadcasted_iota(jnp.int32, (N, D), 1)
    iota_k = lax.broadcasted_iota(jnp.int32, (N, K), 1)

    for i in range(NSTEPS):
        act = active & (i < ms)
        act_f = act.astype(f32)

        h = jax.nn.relu(dot(ctx, sw1_ref[...]) + sb1_ref[...])
        h = jax.nn.relu(dot(h, sw2_ref[...]) + sb2_ref[...])
        s_logit = jnp.sum(h * sw3_ref[...].T, axis=-1, keepdims=True) + sb3_ref[...]
        stop_prob = 1.0 / (1.0 + jnp.exp(-s_logit))
        u1 = u1s_ref[:, i:i + 1]
        stopped = u1 < stop_prob
        f = stopped.astype(f32)
        log_stop = (f * jnp.log(stop_prob + 1e-18)
                    + (1.0 - f) * jnp.log(1.0 - stop_prob + 1e-18))
        total_log = total_log + act_f * log_stop
        still = act & (~stopped)
        still_f = still.astype(f32)
        n_steps = n_steps + still.astype(jnp.int32)

        h = jax.nn.relu(dot(ctx, pw1_ref[...]) + pb1_ref[...])
        h = jax.nn.relu(dot(h, pw2_ref[...]) + pb2_ref[...])
        log_pos = _log_softmax(dot(h, pw3_ref[...]) + pb3_ref[...])
        tpos = _argmax_lanes(log_pos + g2_refs[i][...], D)
        oh_t = iota_d == tpos
        oh_t_f = oh_t.astype(f32)
        log_tpos = jnp.sum(log_pos * oh_t_f, axis=-1, keepdims=True)

        mpe_t = dot(oh_t_f, mpe_ref[...])
        v = jax.nn.relu(dot(ctx, vw1a_ref[...]) + dot(mpe_t, vw1b_ref[...])
                        + vb1_ref[...])
        v = jax.nn.relu(dot(v, vw2_ref[...]) + vb2_ref[...])
        bit_logit = dot(v, vw3_ref[...]) + vb3_ref[...]
        cur_val = jnp.sum(jnp.where(oh_t, cur, 0), axis=-1, keepdims=True)
        oh_cv = iota_k == cur_val
        bit_logit = jnp.where(oh_cv, -1000000.0, bit_logit)
        log_bits = _log_softmax(bit_logit)
        tbit = _argmax_lanes(log_bits + g3_refs[i][...], K)
        oh_b_f = (iota_k == tbit).astype(f32)
        log_tbit = jnp.sum(log_bits * oh_b_f, axis=-1, keepdims=True)
        total_log = total_log + still_f * (log_tpos + log_tbit)

        new_val = jnp.where(still, tbit, cur_val)
        cur = jnp.where(oh_t, new_val, cur)
        pos_idx = jnp.sum(jnp.where(oh_t, pos_ref[...], 0), axis=-1,
                          keepdims=True)
        oh_p_f = (iota_d == pos_idx).astype(f32)
        pe_row = dot(oh_p_f, pe_ref[...])
        oh_nv_f = (iota_k == new_val).astype(f32)
        dve = dot(oh_nv_f - oh_cv.astype(f32), ve_ref[...])
        ctx = ctx + pe_row * dve * (1.0 / D)
        active = still

    cur_out[...] = cur
    nsteps_out[...] = n_steps
    tlog_out[...] = total_log


def _tc_loop(ms_arr, ctx_sum, init_samples, pos_list, pe, ve, mpe,
             pw1, pb1, pw2, pb2, pw3, pb3,
             vw1, vb1, vw2, vb2, vw3, vb3,
             sw1, sb1, sw2, sb2, sw3, sb3,
             u1s, g2_list, g3_list):
    return pl.pallas_call(
        _tc_loop_body,
        out_shape=[
            jax.ShapeDtypeStruct((N, D), jnp.int32),
            jax.ShapeDtypeStruct((N, 1), jnp.int32),
            jax.ShapeDtypeStruct((N, 1), jnp.float32),
        ],
    )(ms_arr, ctx_sum, init_samples, pos_list, pe, ve, mpe,
      pw1, pb1.reshape(1, -1), pw2, pb2.reshape(1, -1), pw3, pb3.reshape(1, -1),
      vw1[:E], vw1[E:], vb1.reshape(1, -1), vw2, vb2.reshape(1, -1),
      vw3, vb3.reshape(1, -1),
      sw1, sb1.reshape(1, -1), sw2, sb2.reshape(1, -1), sw3, sb3.reshape(1, 1),
      u1s, *g2_list, *g3_list)




def kernel(max_steps, pos_list, init_samples, pe, ve, mpe,
           pw1, pb1, pw2, pb2, pw3, pb3,
           vw1, vb1, vw2, vb2, vw3, vb3,
           sw1, sb1, sw2, sb2, sw3, sb3):
    key = jax.random.key(42)

    def draw(i):
        k1, k2, k3 = jax.random.split(jax.random.fold_in(key, i), 3)
        return (jax.random.uniform(k1, (N, 1)),
                jax.random.gumbel(k2, (N, D), jnp.float32),
                jax.random.gumbel(k3, (N, K), jnp.float32))

    u_s, g2s, g3s = jax.vmap(draw)(jnp.arange(NSTEPS))
    u1s = jnp.transpose(u_s[:, :, 0])
    g2_list = [g2s[i] for i in range(NSTEPS)]
    g3_list = [g3s[i] for i in range(NSTEPS)]

    ctx_sum = _sc_ctx_sum(pos_list, init_samples, pe, ve)
    ms_arr = jnp.asarray(max_steps, jnp.int32).reshape(1, 1)
    cur, n_steps, total_log = _tc_loop(
        ms_arr, ctx_sum, init_samples, pos_list, pe, ve, mpe,
        pw1, pb1, pw2, pb2, pw3, pb3,
        vw1, vb1, vw2, vb2, vw3, vb3,
        sw1, sb1, sw2, sb2, sw3, sb3,
        u1s, g2_list, g3_list)
    return (cur, n_steps, total_log, init_samples)

# --- scband reference (transcript-rebuilt; emitter-appended) ---
"""Pipeline reference for scband-varlen-multinomial-sampler-35270271434836 (READ-ONLY COPY).

The authoritative reference and input builder live on the scoring server;
editing this copy changes nothing except your own understanding.
"""

import jax, jax.numpy as jnp
import numpy as np


def _mlp(x, ws, bs):
    for i in range(len(ws) - 1):
        x = jax.nn.relu(x @ ws[i] + bs[i])
    return x @ ws[-1] + bs[-1]


def setup_inputs(seed: int = 0):
    key = jax.random.key(seed)
    ks = jax.random.split(key, 16)

    def w(k, shape):
        return jax.random.normal(k, shape, jnp.float32) * 0.02

    inp = {}
    inp["max_steps"] = 8
    inp["pos_list"] = jax.random.randint(ks[0], (128, 2048), 0, 2048)
    inp["init_samples"] = jax.random.randint(ks[1], (128, 2048), 0, 256)
    # learned parameters
    inp["pe"] = w(ks[2], (2048, 128))    # position-encode table (get_all_pos_encode)
    inp["ve"] = w(ks[3], (256, 128))     # value embedding (get_context)
    inp["mpe"] = w(ks[4], (2048, 128))   # mod_pos_embed
    inp["pw1"] = w(ks[5], (128, 256)); inp["pb1"] = jnp.zeros((256,), jnp.float32)
    inp["pw2"] = w(ks[6], (256, 256)); inp["pb2"] = jnp.zeros((256,), jnp.float32)
    inp["pw3"] = w(ks[7], (256, 2048)); inp["pb3"] = jnp.zeros((2048,), jnp.float32)
    inp["vw1"] = w(ks[8], (256, 256)); inp["vb1"] = jnp.zeros((256,), jnp.float32)
    inp["vw2"] = w(ks[9], (256, 256)); inp["vb2"] = jnp.zeros((256,), jnp.float32)
    inp["vw3"] = w(ks[10], (256, 256)); inp["vb3"] = jnp.zeros((256,), jnp.float32)
    inp["sw1"] = w(ks[11], (128, 256)); inp["sb1"] = jnp.zeros((256,), jnp.float32)
    inp["sw2"] = w(ks[12], (256, 256)); inp["sb2"] = jnp.zeros((256,), jnp.float32)
    inp["sw3"] = w(ks[13], (256, 1)); inp["sb3"] = jnp.zeros((1,), jnp.float32)
    return inp


def reference(max_steps, pos_list, init_samples, pe, ve, mpe,
              pw1, pb1, pw2, pb2, pw3, pb3,
              vw1, vb1, vw2, vb2, vw3, vb3,
              sw1, sb1, sw2, sb2, sw3, sb3):
    N = pos_list.shape[0]
    key = jax.random.key(42)
    very_init = init_samples
    cur = init_samples
    total_log = jnp.zeros((N, 1), jnp.float32)
    n_steps = jnp.zeros((N, 1), jnp.int32)
    active = jnp.ones((N,), bool)
    all_poses = jnp.take(pe, pos_list, axis=0)  # [N, D, E]
    rows = jnp.arange(N)

    def body(i, carry):
        cur, total_log, n_steps, active = carry
        k1, k2, k3 = jax.random.split(jax.random.fold_in(key, i), 3)
        # get_context: pos-encode gated by current value embeddings, mean over dims
        ctx = jnp.mean(all_poses * jnp.take(ve, cur, axis=0), axis=1)  # [N, E]
        # pred_stop
        stop_prob = jax.nn.sigmoid(_mlp(ctx, [sw1, sw2, sw3], [sb1, sb2, sb3]))  # [N,1]
        stopped = jax.random.uniform(k1, stop_prob.shape) < stop_prob
        f = stopped.astype(jnp.float32)
        log_stop = f * jnp.log(stop_prob + 1e-18) + (1.0 - f) * jnp.log(1.0 - stop_prob + 1e-18)
        total_log = total_log + active[:, None].astype(jnp.float32) * log_stop
        still = active & (~stopped[:, 0])
        n_steps = n_steps + still[:, None].astype(jnp.int32)
        # forward_onestep: sample position
        log_pos = jax.nn.log_softmax(_mlp(ctx, [pw1, pw2, pw3], [pb1, pb2, pb3]), axis=-1)  # [N,D]
        tpos = jax.random.categorical(k2, log_pos, axis=-1)  # [N]
        log_tpos = jnp.take_along_axis(log_pos, tpos[:, None], axis=1)  # [N,1]
        merged = jnp.concatenate([ctx, jnp.take(mpe, tpos, axis=0)], axis=-1)  # [N,2E]
        bit_logit = _mlp(merged, [vw1, vw2, vw3], [vb1, vb2, vb3])  # [N,K]
        cur_val = jnp.take_along_axis(cur, tpos[:, None], axis=1)[:, 0]  # [N]
        bit_logit = bit_logit.at[rows, cur_val].set(-1000000.0)  # forbid resampling current value
        log_bits = jax.nn.log_softmax(bit_logit, axis=-1)
        tbit = jax.random.categorical(k3, log_bits, axis=-1)  # [N]
        log_tbit = jnp.take_along_axis(log_bits, tbit[:, None], axis=1)
        total_log = total_log + still[:, None].astype(jnp.float32) * (log_tpos + log_tbit)
        # scatter new value into still-active rows
        new_val = jnp.where(still, tbit, cur_val)
        cur = cur.at[rows, tpos].set(new_val)
        active = still
        return (cur, total_log, n_steps, active)

    cur, total_log, n_steps, active = jax.lax.fori_loop(
        0, max_steps, body, (cur, total_log, n_steps, active))
    return (cur, n_steps, total_log, very_init)

if __name__ == "__main__":
    import jax
    _d = setup_inputs()
    print(jax.jit(kernel)(*tuple(_d.values())))

</pallas_src>

<mosaic_0001>
#map = affine_map<(d0, d1) -> (0, 0)>
#map1 = affine_map<(d0, d1) -> (0)>
module attributes {stable_mosaic.version = 14 : i64} {
  func.func @_sc_ctx_body(%arg0: i32, %arg1: i32, %arg2: memref<128x2048xi32, #tpu.memory_space<hbm>>, %arg3: memref<262144xi32, #tpu.memory_space<hbm>>, %arg4: memref<2048x64xi32, #tpu.memory_space<hbm>>, %arg5: memref<16384xi32, #tpu.memory_space<hbm>>, %arg6: memref<128x128xf32, #tpu.memory_space<hbm>>, %arg7: memref<4x2048xi32, #tpu.memory_space<vmem>>, %arg8: memref<8192xi32, #tpu.memory_space<vmem>>, %arg9: memref<4x128x64xi32, #tpu.memory_space<vmem>>, %arg10: memref<16384xi32, #tpu.memory_space<vmem>>, %arg11: memref<128xf32, #tpu.memory_space<vmem>>, %arg12: memref<!tpu.dma_semaphore, #tpu.memory_space<semaphore_mem>>, %arg13: memref<!tpu.dma_semaphore, #tpu.memory_space<semaphore_mem>>, %arg14: memref<!tpu.dma_semaphore, #tpu.memory_space<semaphore_mem>>, %arg15: memref<!tpu.dma_semaphore, #tpu.memory_space<semaphore_mem>>) attributes {dimension_semantics = [#tpu.dimension_semantics<core_parallel>, #tpu.dimension_semantics<subcore_parallel>], iteration_bounds = array<i64: 2, 16>, scalar_prefetch = 0 : i64, scratch_operands = 9 : i64, tpu.core_type = #tpu.core_type<sc_vector_subcore>, window_params = [{transform_indices = #map}, {transform_indices = #map1}, {transform_indices = #map}, {transform_indices = #map1}, {transform_indices = #map}]} {
    %mul3A = arith.constant 2 : i32
    %mul3A_0 = arith.muli %arg1, %mul3A : i32
    %add3A = arith.addi %mul3A_0, %arg0 : i32
    %mul3A_1 = arith.constant 4 : i32
    %mul3A_2 = arith.muli %add3A, %mul3A_1 : i32
    "tpu.region"() ({
      %run_scoped3A = tpu.sem_alloc : memref<!tpu.dma_semaphore, #tpu.memory_space<semaphore_mem>>
      %dma_start3A_74 = arith.constant 0 : i32
      %dma_start3A_75 = tpu.memref_slice %arg2[%mul3A_2, %dma_start3A_74] : memref<128x2048xi32, #tpu.memory_space<hbm>> -> memref<4x2048xi32, #tpu.memory_space<hbm>>
      %dma_start3A_76 = arith.constant 0 : i32
      %dma_start3A_77 = tpu.memref_slice %arg2[%mul3A_2, %dma_start3A_76] : memref<128x2048xi32, #tpu.memory_space<hbm>> -> memref<4x2048xi32, #tpu.memory_space<hbm>>
      tpu.enqueue_dma source(%dma_start3A_77 : memref<4x2048xi32, #tpu.memory_space<hbm>>) target(%arg7 : memref<4x2048xi32, #tpu.memory_space<vmem>>) target_semaphore(%run_scoped3A : memref<!tpu.dma_semaphore, #tpu.memory_space<semaphore_mem>>)
      %dma_wait3A = arith.constant 0 : i32
      %dma_wait3A_78 = tpu.memref_slice %arg2[%mul3A_2, %dma_wait3A] : memref<128x2048xi32, #tpu.memory_space<hbm>> -> memref<4x2048xi32, #tpu.memory_space<hbm>>
      %dma_wait3A_79 = arith.constant 0 : i32
      %dma_wait3A_80 = tpu.memref_slice %arg2[%mul3A_2, %dma_wait3A_79] : memref<128x2048xi32, #tpu.memory_space<hbm>> -> memref<4x2048xi32, #tpu.memory_space<hbm>>
      tpu.wait_dma2 semaphore(%run_scoped3A : memref<!tpu.dma_semaphore, #tpu.memory_space<semaphore_mem>>) src(%dma_wait3A_80 : memref<4x2048xi32, #tpu.memory_space<hbm>>) dst(%arg7 : memref<4x2048xi32, #tpu.memory_space<vmem>>)
      tpu.yield
    }) : () -> ()
    %mul3A_3 = arith.constant 2048 : i32
    %mul3A_4 = arith.muli %mul3A_2, %mul3A_3 : i32
    "tpu.region"() ({
      %run_scoped3A = tpu.sem_alloc : memref<!tpu.dma_semaphore, #tpu.memory_space<semaphore_mem>>
      %dma_start3A_74 = tpu.memref_slice %arg3[%mul3A_4] : memref<262144xi32, #tpu.memory_space<hbm>> -> memref<8192xi32, #tpu.memory_space<hbm>>
      %dma_start3A_75 = tpu.memref_slice %arg3[%mul3A_4] : memref<262144xi32, #tpu.memory_space<hbm>> -> memref<8192xi32, #tpu.memory_space<hbm>>
      tpu.enqueue_dma source(%dma_start3A_75 : memref<8192xi32, #tpu.memory_space<hbm>>) target(%arg8 : memref<8192xi32, #tpu.memory_space<vmem>>) target_semaphore(%run_scoped3A : memref<!tpu.dma_semaphore, #tpu.memory_space<semaphore_mem>>)
      %dma_wait3A = tpu.memref_slice %arg3[%mul3A_4] : memref<262144xi32, #tpu.memory_space<hbm>> -> memref<8192xi32, #tpu.memory_space<hbm>>
      %dma_wait3A_76 = tpu.memref_slice %arg3[%mul3A_4] : memref<262144xi32, #tpu.memory_space<hbm>> -> memref<8192xi32, #tpu.memory_space<hbm>>
      tpu.wait_dma2 semaphore(%run_scoped3A : memref<!tpu.dma_semaphore, #tpu.memory_space<semaphore_mem>>) src(%dma_wait3A_76 : memref<8192xi32, #tpu.memory_space<hbm>>) dst(%arg8 : memref<8192xi32, #tpu.memory_space<vmem>>)
      tpu.yield
    }) : () -> ()
    "tpu.region"() ({
      %run_scoped3A = tpu.sem_alloc : memref<!tpu.dma_semaphore, #tpu.memory_space<semaphore_mem>>
      tpu.enqueue_dma source(%arg5 : memref<16384xi32, #tpu.memory_space<hbm>>) target(%arg10 : memref<16384xi32, #tpu.memory_space<vmem>>) target_semaphore(%run_scoped3A : memref<!tpu.dma_semaphore, #tpu.memory_space<semaphore_mem>>)
      tpu.wait_dma2 semaphore(%run_scoped3A : memref<!tpu.dma_semaphore, #tpu.memory_space<semaphore_mem>>) src(%arg5 : memref<16384xi32, #tpu.memory_space<hbm>>) dst(%arg10 : memref<16384xi32, #tpu.memory_space<vmem>>)
      tpu.yield
    }) : () -> ()
    %iota3A = tpu.iota {dimensions = array<i32: 0>} : vector<16xi32>
    %broadcast_in_dim3A = arith.constant 0.000000e+00 : f32
    %broadcast_in_dim3A_5 = vector.broadcast %broadcast_in_dim3A : f32 to vector<16xf32>
    %swap3A = arith.constant 0 : index
    %swap3A_6 = tpu.vector_load %arg11[%swap3A] {strides = array<i32>} : memref<128xf32, #tpu.memory_space<vmem>>, vector<16xf32>,
    tpu.vector_store %arg11[%swap3A], %broadcast_in_dim3A_5 {strides = array<i32>} : memref<128xf32, #tpu.memory_space<vmem>>, vector<16xf32>,
    %swap3A_7 = arith.constant 16 : index
    %swap3A_8 = tpu.vector_load %arg11[%swap3A_7] {strides = array<i32>} : memref<128xf32, #tpu.memory_space<vmem>>, vector<16xf32>,
    tpu.vector_store %arg11[%swap3A_7], %broadcast_in_dim3A_5 {strides = array<i32>} : memref<128xf32, #tpu.memory_space<vmem>>, vector<16xf32>,
    %swap3A_9 = arith.constant 32 : index
    %swap3A_10 = tpu.vector_load %arg11[%swap3A_9] {strides = array<i32>} : memref<128xf32, #tpu.memory_space<vmem>>, vector<16xf32>,
    tpu.vector_store %arg11[%swap3A_9], %broadcast_in_dim3A_5 {strides = array<i32>} : memref<128xf32, #tpu.memory_space<vmem>>, vector<16xf32>,
    %swap3A_11 = arith.constant 48 : index
    %swap3A_12 = tpu.vector_load %arg11[%swap3A_11] {strides = array<i32>} : memref<128xf32, #tpu.memory_space<vmem>>, vector<16xf32>,
    tpu.vector_store %arg11[%swap3A_11], %broadcast_in_dim3A_5 {strides = array<i32>} : memref<128xf32, #tpu.memory_space<vmem>>, vector<16xf32>,
    %swap3A_13 = arith.constant 64 : index
    %swap3A_14 = tpu.vector_load %arg11[%swap3A_13] {strides = array<i32>} : memref<128xf32, #tpu.memory_space<vmem>>, vector<16xf32>,
    tpu.vector_store %arg11[%swap3A_13], %broadcast_in_dim3A_5 {strides = array<i32>} : memref<128xf32, #tpu.memory_space<vmem>>, vector<16xf32>,
    %swap3A_15 = arith.constant 80 : index
    %swap3A_16 = tpu.vector_load %arg11[%swap3A_15] {strides = array<i32>} : memref<128xf32, #tpu.memory_space<vmem>>, vector<16xf32>,
    tpu.vector_store %arg11[%swap3A_15], %broadcast_in_dim3A_5 {strides = array<i32>} : memref<128xf32, #tpu.memory_space<vmem>>, vector<16xf32>,
    %swap3A_17 = arith.constant 96 : index
    %swap3A_18 = tpu.vector_load %arg11[%swap3A_17] {strides = array<i32>} : memref<128xf32, #tpu.memory_space<vmem>>, vector<16xf32>,
    tpu.vector_store %arg11[%swap3A_17], %broadcast_in_dim3A_5 {strides = array<i32>} : memref<128xf32, #tpu.memory_space<vmem>>, vector<16xf32>,
    %swap3A_19 = arith.constant 112 : index
    %swap3A_20 = tpu.vector_load %arg11[%swap3A_19] {strides = array<i32>} : memref<128xf32, #tpu.memory_space<vmem>>, vector<16xf32>,
    tpu.vector_store %arg11[%swap3A_19], %broadcast_in_dim3A_5 {strides = array<i32>} : memref<128xf32, #tpu.memory_space<vmem>>, vector<16xf32>,
    %rem3A = arith.constant 0 : i32
    %rem3A_21 = arith.constant 16 : i32
    %rem3A_22 = arith.remsi %rem3A, %rem3A_21 : i32
    %mul3A_23 = arith.constant 128 : i32
    %mul3A_24 = arith.muli %rem3A_22, %mul3A_23 : i32
    %multiple_of3A = tpu.assume_multiple %mul3A_24, 128 : i32
    %dma_start3A = arith.constant 0 : i32
    %dma_start3A_25 = arith.constant 0 : i32
    %dma_start3A_26 = arith.constant 0 : i32
    %dma_start3A_27 = arith.constant 0 : i32
    %dma_start3A_28 = tpu.memref_slice %arg9[%dma_start3A_25, %dma_start3A_26, %dma_start3A_27] : memref<4x128x64xi32, #tpu.memory_space<vmem>> -> memref<1x128x64xi32, #tpu.memory_space<vmem>>
    %dma_start3A_29 = tpu.memref_squeeze %dma_start3A_28 : memref<1x128x64xi32, #tpu.memory_space<vmem>> -> memref<128x64xi32, #tpu.memory_space<vmem>>
    %dma_start3A_30 = tpu.memref_slice %arg7[%dma_start3A, %multiple_of3A] : memref<4x2048xi32, #tpu.memory_space<vmem>> -> memref<1x128xi32, #tpu.memory_space<vmem>>
    %dma_start3A_31 = tpu.memref_squeeze %dma_start3A_30 : memref<1x128xi32, #tpu.memory_space<vmem>> -> memref<128xi32, #tpu.memory_space<vmem>>
    %dma_start3A_32 = arith.constant 0 : i32
    %dma_start3A_33 = arith.constant 0 : i32
    %dma_start3A_34 = tpu.memref_slice %arg4[%dma_start3A_32, %dma_start3A_33] : memref<2048x64xi32, #tpu.memory_space<hbm>> -> memref<2048x64xi32, #tpu.memory_space<hbm>>
    tpu.enqueue_indirect_dma source(%dma_start3A_34 : memref<2048x64xi32, #tpu.memory_space<hbm>>) target(%dma_start3A_29 : memref<128x64xi32, #tpu.memory_space<vmem>>) offsets(%dma_start3A_31 : memref<128xi32, #tpu.memory_space<vmem>>) semaphore(%arg12 : memref<!tpu.dma_semaphore, #tpu.memory_space<semaphore_mem>>)
    %rem3A_35 = arith.constant 1 : i32
    %rem3A_36 = arith.constant 16 : i32
    %rem3A_37 = arith.remsi %rem3A_35, %rem3A_36 : i32
    %mul3A_38 = arith.constant 128 : i32
    %mul3A_39 = arith.muli %rem3A_37, %mul3A_38 : i32
    %multiple_of3A_40 = tpu.assume_multiple %mul3A_39, 128 : i32
    %dma_start3A_41 = arith.constant 0 : i32
    %dma_start3A_42 = arith.constant 1 : i32
    %dma_start3A_43 = arith.constant 0 : i32
    %dma_start3A_44 = arith.constant 0 : i32
    %dma_start3A_45 = tpu.memref_slice %arg9[%dma_start3A_42, %dma_start3A_43, %dma_start3A_44] : memref<4x128x64xi32, #tpu.memory_space<vmem>> -> memref<1x128x64xi32, #tpu.memory_space<vmem>>
    %dma_start3A_46 = tpu.memref_squeeze %dma_start3A_45 : memref<1x128x64xi32, #tpu.memory_space<vmem>> -> memref<128x64xi32, #tpu.memory_space<vmem>>
    %dma_start3A_47 = tpu.memref_slice %arg7[%dma_start3A_41, %multiple_of3A_40] : memref<4x2048xi32, #tpu.memory_space<vmem>> -> memref<1x128xi32, #tpu.memory_space<vmem>>
    %dma_start3A_48 = tpu.memref_squeeze %dma_start3A_47 : memref<1x128xi32, #tpu.memory_space<vmem>> -> memref<128xi32, #tpu.memory_space<vmem>>
    %dma_start3A_49 = arith.constant 0 : i32
    %dma_start3A_50 = arith.constant 0 : i32
    %dma_start3A_51 = tpu.memref_slice %arg4[%dma_start3A_49, %dma_start3A_50] : memref<2048x64xi32, #tpu.memory_space<hbm>> -> memref<2048x64xi32, #tpu.memory_space<hbm>>
    tpu.enqueue_indirect_dma source(%dma_start3A_51 : memref<2048x64xi32, #tpu.memory_space<hbm>>) target(%dma_start3A_46 : memref<128x64xi32, #tpu.memory_space<vmem>>) offsets(%dma_start3A_48 : memref<128xi32, #tpu.memory_space<vmem>>) semaphore(%arg13 : memref<!tpu.dma_semaphore, #tpu.memory_space<semaphore_mem>>)
    %rem3A_52 = arith.constant 2 : i32
    %rem3A_53 = arith.constant 16 : i32
    %rem3A_54 = arith.remsi %rem3A_52, %rem3A_53 : i32
    %mul3A_55 = arith.constant 128 : i32
    %mul3A_56 = arith.muli %rem3A_54, %mul3A_55 : i32
    %multiple_of3A_57 = tpu.assume_multiple %mul3A_56, 128 : i32
    %dma_start3A_58 = arith.constant 0 : i32
    %dma_start3A_59 = arith.constant 2 : i32
    %dma_start3A_60 = arith.constant 0 : i32
    %dma_start3A_61 = arith.constant 0 : i32
    %dma_start3A_62 = tpu.memref_slice %arg9[%dma_start3A_59, %dma_start3A_60, %dma_start3A_61] : memref<4x128x64xi32, #tpu.memory_space<vmem>> -> memref<1x128x64xi32, #tpu.memory_space<vmem>>
    %dma_start3A_63 = tpu.memref_squeeze %dma_start3A_62 : memref<1x128x64xi32, #tpu.memory_space<vmem>> -> memref<128x64xi32, #tpu.memory_space<vmem>>
    %dma_start3A_64 = tpu.memref_slice %arg7[%dma_start3A_58, %multiple_of3A_57] : memref<4x2048xi32, #tpu.memory_space<vmem>> -> memref<1x128xi32, #tpu.memory_space<vmem>>
    %dma_start3A_65 = tpu.memref_squeeze %dma_start3A_64 : memref<1x128xi32, #tpu.memory_space<vmem>> -> memref<128xi32, #tpu.memory_space<vmem>>
    %dma_start3A_66 = arith.constant 0 : i32
    %dma_start3A_67 = arith.constant 0 : i32
    %dma_start3A_68 = tpu.memref_slice %arg4[%dma_start3A_66, %dma_start3A_67] : memref<2048x64xi32, #tpu.memory_space<hbm>> -> memref<2048x64xi32, #tpu.memory_space<hbm>>
    tpu.enqueue_indirect_dma source(%dma_start3A_68 : memref<2048x64xi32, #tpu.memory_space<hbm>>) target(%dma_start3A_63 : memref<128x64xi32, #tpu.memory_space<vmem>>) offsets(%dma_start3A_65 : memref<128xi32, #tpu.memory_space<vmem>>) semaphore(%arg14 : memref<!tpu.dma_semaphore, #tpu.memory_space<semaphore_mem>>)
    %scan3A = arith.constant 0 : i32
    %scan3A_69 = arith.constant 0 : i32
    %scan3A_70 = arith.constant 64 : i32
    %scan3A_71 = arith.addi %scan3A_69, %scan3A_70 : i32
    %scan3A_72 = arith.constant 1 : i32
    scf.for %scan3A_74 = %scan3A_69 to %scan3A_71 step %scan3A_72  : i32 {
      %rem3A_75 = arith.constant 4 : i32
      %rem3A_76 = arith.remsi %scan3A_74, %rem3A_75 : i32
      %eq3A = arith.constant 0 : i32
      %eq3A_77 = arith.cmpi eq, %rem3A_76, %eq3A : i32
      %convert_element_type3A = arith.extui %eq3A_77 : i1 to i32
      %cond3A = arith.constant 0 : i32
      %cond3A_78 = arith.cmpi ne, %convert_element_type3A, %cond3A : i32
      scf.if %cond3A_78 {
        %jit3A = arith.constant 16 : i32
        %div3A = arith.divsi %scan3A_74, %jit3A : i32
        %sign3A = arith.constant 0 : i32
        %sign3A_100 = arith.cmpi sgt, %scan3A_74, %sign3A : i32
        %sign3A_101 = arith.extui %sign3A_100 : i1 to i32
        %sign3A_102 = arith.constant 0 : i32
        %sign3A_103 = arith.cmpi slt, %scan3A_74, %sign3A_102 : i32
        %sign3A_104 = arith.extui %sign3A_103 : i1 to i32
        %sign3A_105 = arith.subi %sign3A_101, %sign3A_104 : i32
        %sign3A_106 = arith.constant 0 : i32
        %sign3A_107 = arith.cmpi sgt, %jit3A, %sign3A_106 : i32
        %sign3A_108 = arith.extui %sign3A_107 : i1 to i32
        %sign3A_109 = arith.constant 0 : i32
        %sign3A_110 = arith.cmpi slt, %jit3A, %sign3A_109 : i32
        %sign3A_111 = arith.extui %sign3A_110 : i1 to i32
        %sign3A_112 = arith.subi %sign3A_108, %sign3A_111 : i32
        %ne3A = arith.cmpi ne, %sign3A_105, %sign3A_112 : i32
        %rem3A_113 = arith.remsi %scan3A_74, %jit3A : i32
        %ne3A_114 = arith.constant 0 : i32
        %ne3A_115 = arith.cmpi ne, %rem3A_113, %ne3A_114 : i32
        %and3A = arith.andi %ne3A, %ne3A_115 : i1
        %sub3A = arith.constant 1 : i32
        %sub3A_116 = arith.subi %div3A, %sub3A : i32
        %select_n3A = arith.select %and3A, %sub3A_116, %div3A : i32
        %rem3A_117 = arith.constant 16 : i32
        %rem3A_118 = arith.remsi %scan3A_74, %rem3A_117 : i32
        %mul3A_119 = arith.constant 128 : i32
        %mul3A_120 = arith.muli %rem3A_118, %mul3A_119 : i32
        %multiple_of3A_121 = tpu.assume_multiple %mul3A_120, 128 : i32
        %dma_wait3A = arith.constant 0 : i32
        %dma_wait3A_122 = arith.constant 0 : i32
        %dma_wait3A_123 = arith.constant 0 : i32
        %dma_wait3A_124 = tpu.memref_slice %arg9[%dma_wait3A, %dma_wait3A_122, %dma_wait3A_123] : memref<4x128x64xi32, #tpu.memory_space<vmem>> -> memref<1x128x64xi32, #tpu.memory_space<vmem>>
        %dma_wait3A_125 = tpu.memref_squeeze %dma_wait3A_124 : memref<1x128x64xi32, #tpu.memory_space<vmem>> -> memref<128x64xi32, #tpu.memory_space<vmem>>
        %dma_wait3A_126 = tpu.memref_slice %arg7[%select_n3A, %multiple_of3A_121] : memref<4x2048xi32, #tpu.memory_space<vmem>> -> memref<1x128xi32, #tpu.memory_space<vmem>>
        %dma_wait3A_127 = tpu.memref_squeeze %dma_wait3A_126 : memref<1x128xi32, #tpu.memory_space<vmem>> -> memref<128xi32, #tpu.memory_space<vmem>>
        %dma_wait3A_128 = arith.constant 0 : i32
        %dma_wait3A_129 = arith.constant 0 : i32
        %dma_wait3A_130 = tpu.memref_slice %arg4[%dma_wait3A_128, %dma_wait3A_129] : memref<2048x64xi32, #tpu.memory_space<hbm>> -> memref<2048x64xi32, #tpu.memory_space<hbm>>
        tpu.wait_indirect_dma semaphore(%arg12 : memref<!tpu.dma_semaphore, #tpu.memory_space<semaphore_mem>>) src(%dma_wait3A_130 : memref<2048x64xi32, #tpu.memory_space<hbm>>) dst(%dma_wait3A_125 : memref<128x64xi32, #tpu.memory_space<vmem>>)
        %add3A_131 = arith.constant 3 : i32
        %add3A_132 = arith.addi %scan3A_74, %add3A_131 : i32
        %lt3A = arith.constant 64 : i32
        %lt3A_133 = arith.cmpi slt, %add3A_132, %lt3A : i32
        %convert_element_type3A_134 = arith.extui %lt3A_133 : i1 to i32
        %cond3A_135 = arith.constant 0 : i32
        %cond3A_136 = arith.cmpi ne, %convert_element_type3A_134, %cond3A_135 : i32
        scf.if %cond3A_136 {
          %add3A_195 = arith.constant 3 : i32
          %add3A_196 = arith.addi %scan3A_74, %add3A_195 : i32
          %jit3A_197 = arith.constant 16 : i32
          %div3A_198 = arith.divsi %add3A_196, %jit3A_197 : i32
          %sign3A_199 = arith.constant 0 : i32
          %sign3A_200 = arith.cmpi sgt, %add3A_196, %sign3A_199 : i32
          %sign3A_201 = arith.extui %sign3A_200 : i1 to i32
          %sign3A_202 = arith.constant 0 : i32
          %sign3A_203 = arith.cmpi slt, %add3A_196, %sign3A_202 : i32
          %sign3A_204 = arith.extui %sign3A_203 : i1 to i32
          %sign3A_205 = arith.subi %sign3A_201, %sign3A_204 : i32
          %sign3A_206 = arith.constant 0 : i32
          %sign3A_207 = arith.cmpi sgt, %jit3A_197, %sign3A_206 : i32
          %sign3A_208 = arith.extui %sign3A_207 : i1 to i32
          %sign3A_209 = arith.constant 0 : i32
          %sign3A_210 = arith.cmpi slt, %jit3A_197, %sign3A_209 : i32
          %sign3A_211 = arith.extui %sign3A_210 : i1 to i32
          %sign3A_212 = arith.subi %sign3A_208, %sign3A_211 : i32
          %ne3A_213 = arith.cmpi ne, %sign3A_205, %sign3A_212 : i32
          %rem3A_214 = arith.remsi %add3A_196, %jit3A_197 : i32
          %ne3A_215 = arith.constant 0 : i32
          %ne3A_216 = arith.cmpi ne, %rem3A_214, %ne3A_215 : i32
          %and3A_217 = arith.andi %ne3A_213, %ne3A_216 : i1
          %sub3A_218 = arith.constant 1 : i32
          %sub3A_219 = arith.subi %div3A_198, %sub3A_218 : i32
          %select_n3A_220 = arith.select %and3A_217, %sub3A_219, %div3A_198 : i32
          %rem3A_221 = arith.constant 16 : i32
          %rem3A_222 = arith.remsi %add3A_196, %rem3A_221 : i32
          %mul3A_223 = arith.constant 128 : i32
          %mul3A_224 = arith.muli %rem3A_222, %mul3A_223 : i32
          %multiple_of3A_225 = tpu.assume_multiple %mul3A_224, 128 : i32
          %dma_start3A_226 = arith.constant 3 : i32
          %dma_start3A_227 = arith.constant 0 : i32
          %dma_start3A_228 = arith.constant 0 : i32
          %dma_start3A_229 = tpu.memref_slice %arg9[%dma_start3A_226, %dma_start3A_227, %dma_start3A_228] : memref<4x128x64xi32, #tpu.memory_space<vmem>> -> memref<1x128x64xi32, #tpu.memory_space<vmem>>
          %dma_start3A_230 = tpu.memref_squeeze %dma_start3A_229 : memref<1x128x64xi32, #tpu.memory_space<vmem>> -> memref<128x64xi32, #tpu.memory_space<vmem>>
          %dma_start3A_231 = tpu.memref_slice %arg7[%select_n3A_220, %multiple_of3A_225] : memref<4x2048xi32, #tpu.memory_space<vmem>> -> memref<1x128xi32, #tpu.memory_space<vmem>>
          %dma_start3A_232 = tpu.memref_squeeze %dma_start3A_231 : memref<1x128xi32, #tpu.memory_space<vmem>> -> memref<128xi32, #tpu.memory_space<vmem>>
          %dma_start3A_233 = arith.constant 0 : i32
          %dma_start3A_234 = arith.constant 0 : i32
          %dma_start3A_235 = tpu.memref_slice %arg4[%dma_start3A_233, %dma_start3A_234] : memref<2048x64xi32, #tpu.memory_space<hbm>> -> memref<2048x64xi32, #tpu.memory_space<hbm>>
          tpu.enqueue_indirect_dma source(%dma_start3A_235 : memref<2048x64xi32, #tpu.memory_space<hbm>>) target(%dma_start3A_230 : memref<128x64xi32, #tpu.memory_space<vmem>>) offsets(%dma_start3A_232 : memref<128xi32, #tpu.memory_space<vmem>>) semaphore(%arg15 : memref<!tpu.dma_semaphore, #tpu.memory_space<semaphore_mem>>)
        } else {
        }
        %jit3A_137 = arith.constant 16 : i32
        %div3A_138 = arith.divsi %scan3A_74, %jit3A_137 : i32
        %sign3A_139 = arith.constant 0 : i32
        %sign3A_140 = arith.cmpi sgt, %scan3A_74, %sign3A_139 : i32
        %sign3A_141 = arith.extui %sign3A_140 : i1 to i32
        %sign3A_142 = arith.constant 0 : i32
        %sign3A_143 = arith.cmpi slt, %scan3A_74, %sign3A_142 : i32
        %sign3A_144 = arith.extui %sign3A_143 : i1 to i32
        %sign3A_145 = arith.subi %sign3A_141, %sign3A_144 : i32
        %sign3A_146 = arith.constant 0 : i32
        %sign3A_147 = arith.cmpi sgt, %jit3A_137, %sign3A_146 : i32
        %sign3A_148 = arith.extui %sign3A_147 : i1 to i32
        %sign3A_149 = arith.constant 0 : i32
        %sign3A_150 = arith.cmpi slt, %jit3A_137, %sign3A_149 : i32
        %sign3A_151 = arith.extui %sign3A_150 : i1 to i32
        %sign3A_152 = arith.subi %sign3A_148, %sign3A_151 : i32
        %ne3A_153 = arith.cmpi ne, %sign3A_145, %sign3A_152 : i32
        %rem3A_154 = arith.remsi %scan3A_74, %jit3A_137 : i32
        %ne3A_155 = arith.constant 0 : i32
        %ne3A_156 = arith.cmpi ne, %rem3A_154, %ne3A_155 : i32
        %and3A_157 = arith.andi %ne3A_153, %ne3A_156 : i1
        %sub3A_158 = arith.constant 1 : i32
        %sub3A_159 = arith.subi %div3A_138, %sub3A_158 : i32
        %select_n3A_160 = arith.select %and3A_157, %sub3A_159, %div3A_138 : i32
        %rem3A_161 = arith.constant 16 : i32
        %rem3A_162 = arith.remsi %scan3A_74, %rem3A_161 : i32
        %mul3A_163 = arith.constant 128 : i32
        %mul3A_164 = arith.muli %rem3A_162, %mul3A_163 : i32
        %multiple_of3A_165 = tpu.assume_multiple %mul3A_164, 128 : i32
        %scan3A_166 = arith.constant 0 : i32
        %scan3A_167 = arith.constant 32 : i32
        %scan3A_168 = arith.addi %scan3A_166, %scan3A_167 : i32
        %scan3A_169 = arith.constant 1 : i32
        %scan3A_170:8 = scf.for %scan3A_195 = %scan3A_166 to %scan3A_168 step %scan3A_169 iter_args(%scan3A_196 = %broadcast_in_dim3A_5, %scan3A_197 = %broadcast_in_dim3A_5, %scan3A_198 = %broadcast_in_dim3A_5, %scan3A_199 = %broadcast_in_dim3A_5, %scan3A_200 = %broadcast_in_dim3A_5, %scan3A_201 = %broadcast_in_dim3A_5, %scan3A_202 = %broadcast_in_dim3A_5, %scan3A_203 = %broadcast_in_dim3A_5) -> (vector<16xf32>, vector<16xf32>, vector<16xf32>, vector<16xf32>, vector<16xf32>, vector<16xf32>, vector<16xf32>, vector<16xf32>)  : i32 {
          %mul3A_204 = arith.constant 4 : i32
          %mul3A_205 = arith.muli %scan3A_195, %mul3A_204 : i32
          %add3A_206 = arith.constant 0 : i32
          %add3A_207 = arith.addi %mul3A_205, %add3A_206 : i32
          %mul3A_208 = arith.constant 2048 : i32
          %mul3A_209 = arith.muli %select_n3A_160, %mul3A_208 : i32
          %add3A_210 = arith.addi %mul3A_209, %multiple_of3A_165 : i32
          %add3A_211 = arith.addi %add3A_210, %add3A_207 : i32
          %broadcast_in_dim3A_212 = vector.broadcast %add3A_211 : i32 to vector<16xi32>
          %gather3A = tpu.vector_load_idx %arg8[%broadcast_in_dim3A_212] : memref<8192xi32, #tpu.memory_space<vmem>>[vector<16xi32>], vector<16xi32>,
          %mul3A_213 = arith.constant 64 : i32
          %mul3A_214 = vector.broadcast %mul3A_213 : i32 to vector<16xi32>
          %mul3A_215 = arith.muli %gather3A, %mul3A_214 : vector<16xi32>
          %add3A_216 = arith.addi %mul3A_215, %iota3A : vector<16xi32>
          %get3A = arith.constant 0 : i32
          %get3A_217 = arith.index_cast %get3A : i32 to index
          %get3A_218 = arith.index_cast %add3A_207 : i32 to index
          %get3A_219 = arith.constant 0 : index
          %get3A_220 = tpu.vector_load %arg9[%get3A_217, %get3A_218, %get3A_219] {strides = array<i32>} : memref<4x128x64xi32, #tpu.memory_space<vmem>>, vector<16xi32>,
          %add3A_221 = arith.constant 0 : i32
          %add3A_222 = vector.broadcast %add3A_221 : i32 to vector<16xi32>
          %add3A_223 = arith.addi %add3A_216, %add3A_222 : vector<16xi32>
          %gather3A_224 = tpu.vector_load_idx %arg10[%add3A_223] : memref<16384xi32, #tpu.memory_space<vmem>>[vector<16xi32>], vector<16xi32>,
          %shift_left3A = arith.constant 16 : i32
          %shift_left3A_225 = vector.broadcast %shift_left3A : i32 to vector<16xi32>
          %shift_left3A_226 = arith.shli %get3A_220, %shift_left3A_225 : vector<16xi32>
          %bitcast_convert_type3A = tpu.bitcast %shift_left3A_226 : vector<16xi32> -> vector<16xf32>
          %bitcast_convert_type3A_227 = tpu.bitcast %get3A_220 : vector<16xi32> -> vector<16xf32>
          %shift_left3A_228 = arith.constant 16 : i32
          %shift_left3A_229 = vector.broadcast %shift_left3A_228 : i32 to vector<16xi32>
          %shift_left3A_230 = arith.shli %gather3A_224, %shift_left3A_229 : vector<16xi32>
          %bitcast_convert_type3A_231 = tpu.bitcast %shift_left3A_230 : vector<16xi32> -> vector<16xf32>
          %bitcast_convert_type3A_232 = tpu.bitcast %gather3A_224 : vector<16xi32> -> vector<16xf32>
          %mul3A_233 = arith.mulf %bitcast_convert_type3A, %bitcast_convert_type3A_231 : vector<16xf32>
          %add3A_234 = arith.addf %scan3A_196, %mul3A_233 : vector<16xf32>
          %mul3A_235 = arith.mulf %bitcast_convert_type3A_227, %bitcast_convert_type3A_232 : vector<16xf32>
          %add3A_236 = arith.addf %scan3A_197, %mul3A_235 : vector<16xf32>
          %get3A_237 = arith.constant 0 : i32
          %get3A_238 = arith.index_cast %get3A_237 : i32 to index
          %get3A_239 = arith.index_cast %add3A_207 : i32 to index
          %get3A_240 = arith.constant 16 : index
          %get3A_241 = tpu.vector_load %arg9[%get3A_238, %get3A_239, %get3A_240] {strides = array<i32>} : memref<4x128x64xi32, #tpu.memory_space<vmem>>, vector<16xi32>,
          %add3A_242 = arith.constant 16 : i32
          %add3A_243 = vector.broadcast %add3A_242 : i32 to vector<16xi32>
          %add3A_244 = arith.addi %add3A_216, %add3A_243 : vector<16xi32>
          %gather3A_245 = tpu.vector_load_idx %arg10[%add3A_244] : memref<16384xi32, #tpu.memory_space<vmem>>[vector<16xi32>], vector<16xi32>,
          %shift_left3A_246 = arith.constant 16 : i32
          %shift_left3A_247 = vector.broadcast %shift_left3A_246 : i32 to vector<16xi32>
          %shift_left3A_248 = arith.shli %get3A_241, %shift_left3A_247 : vector<16xi32>
          %bitcast_convert_type3A_249 = tpu.bitcast %shift_left3A_248 : vector<16xi32> -> vector<16xf32>
          %bitcast_convert_type3A_250 = tpu.bitcast %get3A_241 : vector<16xi32> -> vector<16xf32>
          %shift_left3A_251 = arith.constant 16 : i32
          %shift_left3A_252 = vector.broadcast %shift_left3A_251 : i32 to vector<16xi32>
          %shift_left3A_253 = arith.shli %gather3A_245, %shift_left3A_252 : vector<16xi32>
          %bitcast_convert_type3A_254 = tpu.bitcast %shift_left3A_253 : vector<16xi32> -> vector<16xf32>
          %bitcast_convert_type3A_255 = tpu.bitcast %gather3A_245 : vector<16xi32> -> vector<16xf32>
          %mul3A_256 = arith.mulf %bitcast_convert_type3A_249, %bitcast_convert_type3A_254 : vector<16xf32>
          %add3A_257 = arith.addf %scan3A_198, %mul3A_256 : vector<16xf32>
          %mul3A_258 = arith.mulf %bitcast_convert_type3A_250, %bitcast_convert_type3A_255 : vector<16xf32>
          %add3A_259 = arith.addf %scan3A_199, %mul3A_258 : vector<16xf32>
          %get3A_260 = arith.constant 0 : i32
          %get3A_261 = arith.index_cast %get3A_260 : i32 to index
          %get3A_262 = arith.index_cast %add3A_207 : i32 to index
          %get3A_263 = arith.constant 32 : index
          %get3A_264 = tpu.vector_load %arg9[%get3A_261, %get3A_262, %get3A_263] {strides = array<i32>} : memref<4x128x64xi32, #tpu.memory_space<vmem>>, vector<16xi32>,
          %add3A_265 = arith.constant 32 : i32
          %add3A_266 = vector.broadcast %add3A_265 : i32 to vector<16xi32>
          %add3A_267 = arith.addi %add3A_216, %add3A_266 : vector<16xi32>
          %gather3A_268 = tpu.vector_load_idx %arg10[%add3A_267] : memref<16384xi32, #tpu.memory_space<vmem>>[vector<16xi32>], vector<16xi32>,
          %shift_left3A_269 = arith.constant 16 : i32
          %shift_left3A_270 = vector.broadcast %shift_left3A_269 : i32 to vector<16xi32>
          %shift_left3A_271 = arith.shli %get3A_264, %shift_left3A_270 : vector<16xi32>
          %bitcast_convert_type3A_272 = tpu.bitcast %shift_left3A_271 : vector<16xi32> -> vector<16xf32>
          %bitcast_convert_type3A_273 = tpu.bitcast %get3A_264 : vector<16xi32> -> vector<16xf32>
          %shift_left3A_274 = arith.constant 16 : i32
          %shift_left3A_275 = vector.broadcast %shift_left3A_274 : i32 to vector<16xi32>
          %shift_left3A_276 = arith.shli %gather3A_268, %shift_left3A_275 : vector<16xi32>
          %bitcast_convert_type3A_277 = tpu.bitcast %shift_left3A_276 : vector<16xi32> -> vector<16xf32>
          %bitcast_convert_type3A_278 = tpu.bitcast %gather3A_268 : vector<16xi32> -> vector<16xf32>
          %mul3A_279 = arith.mulf %bitcast_convert_type3A_272, %bitcast_convert_type3A_277 : vector<16xf32>
          %add3A_280 = arith.addf %scan3A_200, %mul3A_279 : vector<16xf32>
          %mul3A_281 = arith.mulf %bitcast_convert_type3A_273, %bitcast_convert_type3A_278 : vector<16xf32>
          %add3A_282 = arith.addf %scan3A_201, %mul3A_281 : vector<16xf32>
          %get3A_283 = arith.constant 0 : i32
          %get3A_284 = arith.index_cast %get3A_283 : i32 to index
          %get3A_285 = arith.index_cast %add3A_207 : i32 to index
          %get3A_286 = arith.constant 48 : index
          %get3A_287 = tpu.vector_load %arg9[%get3A_284, %get3A_285, %get3A_286] {strides = array<i32>} : memref<4x128x64xi32, #tpu.memory_space<vmem>>, vector<16xi32>,
          %add3A_288 = arith.constant 48 : i32
          %add3A_289 = vector.broadcast %add3A_288 : i32 to vector<16xi32>
          %add3A_290 = arith.addi %add3A_216, %add3A_289 : vector<16xi32>
          %gather3A_291 = tpu.vector_load_idx %arg10[%add3A_290] : memref<16384xi32, #tpu.memory_space<vmem>>[vector<16xi32>], vector<16xi32>,
          %shift_left3A_292 = arith.constant 16 : i32
          %shift_left3A_293 = vector.broadcast %shift_left3A_292 : i32 to vector<16xi32>
          %shift_left3A_294 = arith.shli %get3A_287, %shift_left3A_293 : vector<16xi32>
          %bitcast_convert_type3A_295 = tpu.bitcast %shift_left3A_294 : vector<16xi32> -> vector<16xf32>
          %bitcast_convert_type3A_296 = tpu.bitcast %get3A_287 : vector<16xi32> -> vector<16xf32>
          %shift_left3A_297 = arith.constant 16 : i32
          %shift_left3A_298 = vector.broadcast %shift_left3A_297 : i32 to vector<16xi32>
          %shift_left3A_299 = arith.shli %gather3A_291, %shift_left3A_298 : vector<16xi32>
          %bitcast_convert_type3A_300 = tpu.bitcast %shift_left3A_299 : vector<16xi32> -> vector<16xf32>
          %bitcast_convert_type3A_301 = tpu.bitcast %gather3A_291 : vector<16xi32> -> vector<16xf32>
          %mul3A_302 = arith.mulf %bitcast_convert_type3A_295, %bitcast_convert_type3A_300 : vector<16xf32>
          %add3A_303 = arith.addf %scan3A_202, %mul3A_302 : vector<16xf32>
          %mul3A_304 = arith.mulf %bitcast_convert_type3A_296, %bitcast_convert_type3A_301 : vector<16xf32>
          %add3A_305 = arith.addf %scan3A_203, %mul3A_304 : vector<16xf32>
          %mul3A_306 = arith.constant 4 : i32
          %mul3A_307 = arith.muli %scan3A_195, %mul3A_306 : i32
          %add3A_308 = arith.constant 1 : i32
          %add3A_309 = arith.addi %mul3A_307, %add3A_308 : i32
          %mul3A_310 = arith.constant 2048 : i32
          %mul3A_311 = arith.muli %select_n3A_160, %mul3A_310 : i32
          %add3A_312 = arith.addi %mul3A_311, %multiple_of3A_165 : i32
          %add3A_313 = arith.addi %add3A_312, %add3A_309 : i32
          %broadcast_in_dim3A_314 = vector.broadcast %add3A_313 : i32 to vector<16xi32>
          %gather3A_315 = tpu.vector_load_idx %arg8[%broadcast_in_dim3A_314] : memref<8192xi32, #tpu.memory_space<vmem>>[vector<16xi32>], vector<16xi32>,
          %mul3A_316 = arith.constant 64 : i32
          %mul3A_317 = vector.broadcast %mul3A_316 : i32 to vector<16xi32>
          %mul3A_318 = arith.muli %gather3A_315, %mul3A_317 : vector<16xi32>
          %add3A_319 = arith.addi %mul3A_318, %iota3A : vector<16xi32>
          %get3A_320 = arith.constant 0 : i32
          %get3A_321 = arith.index_cast %get3A_320 : i32 to index
          %get3A_322 = arith.index_cast %add3A_309 : i32 to index
          %get3A_323 = arith.constant 0 : index
          %get3A_324 = tpu.vector_load %arg9[%get3A_321, %get3A_322, %get3A_323] {strides = array<i32>} : memref<4x128x64xi32, #tpu.memory_space<vmem>>, vector<16xi32>,
          %add3A_325 = arith.constant 0 : i32
          %add3A_326 = vector.broadcast %add3A_325 : i32 to vector<16xi32>
          %add3A_327 = arith.addi %add3A_319, %add3A_326 : vector<16xi32>
          %gather3A_328 = tpu.vector_load_idx %arg10[%add3A_327] : memref<16384xi32, #tpu.memory_space<vmem>>[vector<16xi32>], vector<16xi32>,
          %shift_left3A_329 = arith.constant 16 : i32
          %shift_left3A_330 = vector.broadcast %shift_left3A_329 : i32 to vector<16xi32>
          %shift_left3A_331 = arith.shli %get3A_324, %shift_left3A_330 : vector<16xi32>
          %bitcast_convert_type3A_332 = tpu.bitcast %shift_left3A_331 : vector<16xi32> -> vector<16xf32>
          %bitcast_convert_type3A_333 = tpu.bitcast %get3A_324 : vector<16xi32> -> vector<16xf32>
          %shift_left3A_334 = arith.constant 16 : i32
          %shift_left3A_335 = vector.broadcast %shift_left3A_334 : i32 to vector<16xi32>
          %shift_left3A_336 = arith.shli %gather3A_328, %shift_left3A_335 : vector<16xi32>
          %bitcast_convert_type3A_337 = tpu.bitcast %shift_left3A_336 : vector<16xi32> -> vector<16xf32>
          %bitcast_convert_type3A_338 = tpu.bitcast %gather3A_328 : vector<16xi32> -> vector<16xf32>
          %mul3A_339 = arith.mulf %bitcast_convert_type3A_332, %bitcast_convert_type3A_337 : vector<16xf32>
          %add3A_340 = arith.addf %add3A_234, %mul3A_339 : vector<16xf32>
          %mul3A_341 = arith.mulf %bitcast_convert_type3A_333, %bitcast_convert_type3A_338 : vector<16xf32>
          %add3A_342 = arith.addf %add3A_236, %mul3A_341 : vector<16xf32>
          %get3A_343 = arith.constant 0 : i32
          %get3A_344 = arith.index_cast %get3A_343 : i32 to index
          %get3A_345 = arith.index_cast %add3A_309 : i32 to index
          %get3A_346 = arith.constant 16 : index
          %get3A_347 = tpu.vector_load %arg9[%get3A_344, %get3A_345, %get3A_346] {strides = array<i32>} : memref<4x128x64xi32, #tpu.memory_space<vmem>>, vector<16xi32>,
          %add3A_348 = arith.constant 16 : i32
          %add3A_349 = vector.broadcast %add3A_348 : i32 to vector<16xi32>
          %add3A_350 = arith.addi %add3A_319, %add3A_349 : vector<16xi32>
          %gather3A_351 = tpu.vector_load_idx %arg10[%add3A_350] : memref<16384xi32, #tpu.memory_space<vmem>>[vector<16xi32>], vector<16xi32>,
          %shift_left3A_352 = arith.constant 16 : i32
          %shift_left3A_353 = vector.broadcast %shift_left3A_352 : i32 to vector<16xi32>
          %shift_left3A_354 = arith.shli %get3A_347, %shift_left3A_353 : vector<16xi32>
          %bitcast_convert_type3A_355 = tpu.bitcast %shift_left3A_354 : vector<16xi32> -> vector<16xf32>
          %bitcast_convert_type3A_356 = tpu.bitcast %get3A_347 : vector<16xi32> -> vector<16xf32>
          %shift_left3A_357 = arith.constant 16 : i32
          %shift_left3A_358 = vector.broadcast %shift_left3A_357 : i32 to vector<16xi32>
          %shift_left3A_359 = arith.shli %gather3A_351, %shift_left3A_358 : vector<16xi32>
          %bitcast_convert_type3A_360 = tpu.bitcast %shift_left3A_359 : vector<16xi32> -> vector<16xf32>
          %bitcast_convert_type3A_361 = tpu.bitcast %gather3A_351 : vector<16xi32> -> vector<16xf32>
          %mul3A_362 = arith.mulf %bitcast_convert_type3A_355, %bitcast_convert_type3A_360 : vector<16xf32>
          %add3A_363 = arith.addf %add3A_257, %mul3A_362 : vector<16xf32>
          %mul3A_364 = arith.mulf %bitcast_convert_type3A_356, %bitcast_convert_type3A_361 : vector<16xf32>
          %add3A_365 = arith.addf %add3A_259, %mul3A_364 : vector<16xf32>
          %get3A_366 = arith.constant 0 : i32
          %get3A_367 = arith.index_cast %get3A_366 : i32 to index
          %get3A_368 = arith.index_cast %add3A_309 : i32 to index
          %get3A_369 = arith.constant 32 : index
          %get3A_370 = tpu.vector_load %arg9[%get3A_367, %get3A_368, %get3A_369] {strides = array<i32>} : memref<4x128x64xi32, #tpu.memory_space<vmem>>, vector<16xi32>,
          %add3A_371 = arith.constant 32 : i32
          %add3A_372 = vector.broadcast %add3A_371 : i32 to vector<16xi32>
          %add3A_373 = arith.addi %add3A_319, %add3A_372 : vector<16xi32>
          %gather3A_374 = tpu.vector_load_idx %arg10[%add3A_373] : memref<16384xi32, #tpu.memory_space<vmem>>[vector<16xi32>], vector<16xi32>,
          %shift_left3A_375 = arith.constant 16 : i32
          %shift_left3A_376 = vector.broadcast %shift_left3A_375 : i32 to vector<16xi32>
          %shift_left3A_377 = arith.shli %get3A_370, %shift_left3A_376 : vector<16xi32>
          %bitcast_convert_type3A_378 = tpu.bitcast %shift_left3A_377 : vector<16xi32> -> vector<16xf32>
          %bitcast_convert_type3A_379 = tpu.bitcast %get3A_370 : vector<16xi32> -> vector<16xf32>
          %shift_left3A_380 = arith.constant 16 : i32
          %shift_left3A_381 = vector.broadcast %shift_left3A_380 : i32 to vector<16xi32>
          %shift_left3A_382 = arith.shli %gather3A_374, %shift_left3A_381 : vector<16xi32>
          %bitcast_convert_type3A_383 = tpu.bitcast %shift_left3A_382 : vector<16xi32> -> vector<16xf32>
          %bitcast_convert_type3A_384 = tpu.bitcast %gather3A_374 : vector<16xi32> -> vector<16xf32>
          %mul3A_385 = arith.mulf %bitcast_convert_type3A_378, %bitcast_convert_type3A_383 : vector<16xf32>
          %add3A_386 = arith.addf %add3A_280, %mul3A_385 : vector<16xf32>
          %mul3A_387 = arith.mulf %bitcast_convert_type3A_379, %bitcast_convert_type3A_384 : vector<16xf32>
          %add3A_388 = arith.addf %add3A_282, %mul3A_387 : vector<16xf32>
          %get3A_389 = arith.constant 0 : i32
          %get3A_390 = arith.index_cast %get3A_389 : i32 to index
          %get3A_391 = arith.index_cast %add3A_309 : i32 to index
          %get3A_392 = arith.constant 48 : index
          %get3A_393 = tpu.vector_load %arg9[%get3A_390, %get3A_391, %get3A_392] {strides = array<i32>} : memref<4x128x64xi32, #tpu.memory_space<vmem>>, vector<16xi32>,
          %add3A_394 = arith.constant 48 : i32
          %add3A_395 = vector.broadcast %add3A_394 : i32 to vector<16xi32>
          %add3A_396 = arith.addi %add3A_319, %add3A_395 : vector<16xi32>
          %gather3A_397 = tpu.vector_load_idx %arg10[%add3A_396] : memref<16384xi32, #tpu.memory_space<vmem>>[vector<16xi32>], vector<16xi32>,
          %shift_left3A_398 = arith.constant 16 : i32
          %shift_left3A_399 = vector.broadcast %shift_left3A_398 : i32 to vector<16xi32>
          %shift_left3A_400 = arith.shli %get3A_393, %shift_left3A_399 : vector<16xi32>
          %bitcast_convert_type3A_401 = tpu.bitcast %shift_left3A_400 : vector<16xi32> -> vector<16xf32>
          %bitcast_convert_type3A_402 = tpu.bitcast %get3A_393 : vector<16xi32> -> vector<16xf32>
          %shift_left3A_403 = arith.constant 16 : i32
          %shift_left3A_404 = vector.broadcast %shift_left3A_403 : i32 to vector<16xi32>
          %shift_left3A_405 = arith.shli %gather3A_397, %shift_left3A_404 : vector<16xi32>
          %bitcast_convert_type3A_406 = tpu.bitcast %shift_left3A_405 : vector<16xi32> -> vector<16xf32>
          %bitcast_convert_type3A_407 = tpu.bitcast %gather3A_397 : vector<16xi32> -> vector<16xf32>
          %mul3A_408 = arith.mulf %bitcast_convert_type3A_401, %bitcast_convert_type3A_406 : vector<16xf32>
          %add3A_409 = arith.addf %add3A_303, %mul3A_408 : vector<16xf32>
          %mul3A_410 = arith.mulf %bitcast_convert_type3A_402, %bitcast_convert_type3A_407 : vector<16xf32>
          %add3A_411 = arith.addf %add3A_305, %mul3A_410 : vector<16xf32>
          %mul3A_412 = arith.constant 4 : i32
          %mul3A_413 = arith.muli %scan3A_195, %mul3A_412 : i32
          %add3A_414 = arith.constant 2 : i32
          %add3A_415 = arith.addi %mul3A_413, %add3A_414 : i32
          %mul3A_416 = arith.constant 2048 : i32
          %mul3A_417 = arith.muli %select_n3A_160, %mul3A_416 : i32
          %add3A_418 = arith.addi %mul3A_417, %multiple_of3A_165 : i32
          %add3A_419 = arith.addi %add3A_418, %add3A_415 : i32
          %broadcast_in_dim3A_420 = vector.broadcast %add3A_419 : i32 to vector<16xi32>
          %gather3A_421 = tpu.vector_load_idx %arg8[%broadcast_in_dim3A_420] : memref<8192xi32, #tpu.memory_space<vmem>>[vector<16xi32>], vector<16xi32>,
          %mul3A_422 = arith.constant 64 : i32
          %mul3A_423 = vector.broadcast %mul3A_422 : i32 to vector<16xi32>
          %mul3A_424 = arith.muli %gather3A_421, %mul3A_423 : vector<16xi32>
          %add3A_425 = arith.addi %mul3A_424, %iota3A : vector<16xi32>
          %get3A_426 = arith.constant 0 : i32
          %get3A_427 = arith.index_cast %get3A_426 : i32 to index
          %get3A_428 = arith.index_cast %add3A_415 : i32 to index
          %get3A_429 = arith.constant 0 : index
          %get3A_430 = tpu.vector_load %arg9[%get3A_427, %get3A_428, %get3A_429] {strides = array<i32>} : memref<4x128x64xi32, #tpu.memory_space<vmem>>, vector<16xi32>,
          %add3A_431 = arith.constant 0 : i32
          %add3A_432 = vector.broadcast %add3A_431 : i32 to vector<16xi32>
          %add3A_433 = arith.addi %add3A_425, %add3A_432 : vector<16xi32>
          %gather3A_434 = tpu.vector_load_idx %arg10[%add3A_433] : memref<16384xi32, #tpu.memory_space<vmem>>[vector<16xi32>], vector<16xi32>,
          %shift_left3A_435 = arith.constant 16 : i32
          %shift_left3A_436 = vector.broadcast %shift_left3A_435 : i32 to vector<16xi32>
          %shift_left3A_437 = arith.shli %get3A_430, %shift_left3A_436 : vector<16xi32>
          %bitcast_convert_type3A_438 = tpu.bitcast %shift_left3A_437 : vector<16xi32> -> vector<16xf32>
          %bitcast_convert_type3A_439 = tpu.bitcast %get3A_430 : vector<16xi32> -> vector<16xf32>
          %shift_left3A_440 = arith.constant 16 : i32
          %shift_left3A_441 = vector.broadcast %shift_left3A_440 : i32 to vector<16xi32>
          %shift_left3A_442 = arith.shli %gather3A_434, %shift_left3A_441 : vector<16xi32>
          %bitcast_convert_type3A_443 = tpu.bitcast %shift_left3A_442 : vector<16xi32> -> vector<16xf32>
          %bitcast_convert_type3A_444 = tpu.bitcast %gather3A_434 : vector<16xi32> -> vector<16xf32>
          %mul3A_445 = arith.mulf %bitcast_convert_type3A_438, %bitcast_convert_type3A_443 : vector<16xf32>
          %add3A_446 = arith.addf %add3A_340, %mul3A_445 : vector<16xf32>
          %mul3A_447 = arith.mulf %bitcast_convert_type3A_439, %bitcast_convert_type3A_444 : vector<16xf32>
          %add3A_448 = arith.addf %add3A_342, %mul3A_447 : vector<16xf32>
          %get3A_449 = arith.constant 0 : i32
          %get3A_450 = arith.index_cast %get3A_449 : i32 to index
          %get3A_451 = arith.index_cast %add3A_415 : i32 to index
          %get3A_452 = arith.constant 16 : index
          %get3A_453 = tpu.vector_load %arg9[%get3A_450, %get3A_451, %get3A_452] {strides = array<i32>} : memref<4x128x64xi32, #tpu.memory_space<vmem>>, vector<16xi32>,
          %add3A_454 = arith.constant 16 : i32
          %add3A_455 = vector.broadcast %add3A_454 : i32 to vector<16xi32>
          %add3A_456 = arith.addi %add3A_425, %add3A_455 : vector<16xi32>
          %gather3A_457 = tpu.vector_load_idx %arg10[%add3A_456] : memref<16384xi32, #tpu.memory_space<vmem>>[vector<16xi32>], vector<16xi32>,
          %shift_left3A_458 = arith.constant 16 : i32
          %shift_left3A_459 = vector.broadcast %shift_left3A_458 : i32 to vector<16xi32>
          %shift_left3A_460 = arith.shli %get3A_453, %shift_left3A_459 : vector<16xi32>
          %bitcast_convert_type3A_461 = tpu.bitcast %shift_left3A_460 : vector<16xi32> -> vector<16xf32>
          %bitcast_convert_type3A_462 = tpu.bitcast %get3A_453 : vector<16xi32> -> vector<16xf32>
          %shift_left3A_463 = arith.constant 16 : i32
          %shift_left3A_464 = vector.broadcast %shift_left3A_463 : i32 to vector<16xi32>
          %shift_left3A_465 = arith.shli %gather3A_457, %shift_left3A_464 : vector<16xi32>
          %bitcast_convert_type3A_466 = tpu.bitcast %shift_left3A_465 : vector<16xi32> -> vector<16xf32>
          %bitcast_convert_type3A_467 = tpu.bitcast %gather3A_457 : vector<16xi32> -> vector<16xf32>
          %mul3A_468 = arith.mulf %bitcast_convert_type3A_461, %bitcast_convert_type3A_466 : vector<16xf32>
          %add3A_469 = arith.addf %add3A_363, %mul3A_468 : vector<16xf32>
          %mul3A_470 = arith.mulf %bitcast_convert_type3A_462, %bitcast_convert_type3A_467 : vector<16xf32>
          %add3A_471 = arith.addf %add3A_365, %mul3A_470 : vector<16xf32>
          %get3A_472 = arith.constant 0 : i32
          %get3A_473 = arith.index_cast %get3A_472 : i32 to index
          %get3A_474 = arith.index_cast %add3A_415 : i32 to index
          %get3A_475 = arith.constant 32 : index
          %get3A_476 = tpu.vector_load %arg9[%get3A_473, %get3A_474, %get3A_475] {strides = array<i32>} : memref<4x128x64xi32, #tpu.memory_space<vmem>>, vector<16xi32>,
          %add3A_477 = arith.constant 32 : i32
          %add3A_478 = vector.broadcast %add3A_477 : i32 to vector<16xi32>
          %add3A_479 = arith.addi %add3A_425, %add3A_478 : vector<16xi32>
          %gather3A_480 = tpu.vector_load_idx %arg10[%add3A_479] : memref<16384xi32, #tpu.memory_space<vmem>>[vector<16xi32>], vector<16xi32>,
          %shift_left3A_481 = arith.constant 16 : i32
          %shift_left3A_482 = vector.broadcast %shift_left3A_481 : i32 to vector<16xi32>
          %shift_left3A_483 = arith.shli %get3A_476, %shift_left3A_482 : vector<16xi32>
          %bitcast_convert_type3A_484 = tpu.bitcast %shift_left3A_483 : vector<16xi32> -> vector<16xf32>
          %bitcast_convert_type3A_485 = tpu.bitcast %get3A_476 : vector<16xi32> -> vector<16xf32>
          %shift_left3A_486 = arith.constant 16 : i32
          %shift_left3A_487 = vector.broadcast %shift_left3A_486 : i32 to vector<16xi32>
          %shift_left3A_488 = arith.shli %gather3A_480, %shift_left3A_487 : vector<16xi32>
          %bitcast_convert_type3A_489 = tpu.bitcast %shift_left3A_488 : vector<16xi32> -> vector<16xf32>
          %bitcast_convert_type3A_490 = tpu.bitcast %gather3A_480 : vector<16xi32> -> vector<16xf32>
          %mul3A_491 = arith.mulf %bitcast_convert_type3A_484, %bitcast_convert_type3A_489 : vector<16xf32>
          %add3A_492 = arith.addf %add3A_386, %mul3A_491 : vector<16xf32>
          %mul3A_493 = arith.mulf %bitcast_convert_type3A_485, %bitcast_convert_type3A_490 : vector<16xf32>
          %add3A_494 = arith.addf %add3A_388, %mul3A_493 : vector<16xf32>
          %get3A_495 = arith.constant 0 : i32
          %get3A_496 = arith.index_cast %get3A_495 : i32 to index
          %get3A_497 = arith.index_cast %add3A_415 : i32 to index
          %get3A_498 = arith.constant 48 : index
          %get3A_499 = tpu.vector_load %arg9[%get3A_496, %get3A_497, %get3A_498] {strides = array<i32>} : memref<4x128x64xi32, #tpu.memory_space<vmem>>, vector<16xi32>,
          %add3A_500 = arith.constant 48 : i32
          %add3A_501 = vector.broadcast %add3A_500 : i32 to vector<16xi32>
          %add3A_502 = arith.addi %add3A_425, %add3A_501 : vector<16xi32>
          %gather3A_503 = tpu.vector_load_idx %arg10[%add3A_502] : memref<16384xi32, #tpu.memory_space<vmem>>[vector<16xi32>], vector<16xi32>,
          %shift_left3A_504 = arith.constant 16 : i32
          %shift_left3A_505 = vector.broadcast %shift_left3A_504 : i32 to vector<16xi32>
          %shift_left3A_506 = arith.shli %get3A_499, %shift_left3A_505 : vector<16xi32>
          %bitcast_convert_type3A_507 = tpu.bitcast %shift_left3A_506 : vector<16xi32> -> vector<16xf32>
          %bitcast_convert_type3A_508 = tpu.bitcast %get3A_499 : vector<16xi32> -> vector<16xf32>
          %shift_left3A_509 = arith.constant 16 : i32
          %shift_left3A_510 = vector.broadcast %shift_left3A_509 : i32 to vector<16xi32>
          %shift_left3A_511 = arith.shli %gather3A_503, %shift_left3A_510 : vector<16xi32>
          %bitcast_convert_type3A_512 = tpu.bitcast %shift_left3A_511 : vector<16xi32> -> vector<16xf32>
          %bitcast_convert_type3A_513 = tpu.bitcast %gather3A_503 : vector<16xi32> -> vector<16xf32>
          %mul3A_514 = arith.mulf %bitcast_convert_type3A_507, %bitcast_convert_type3A_512 : vector<16xf32>
          %add3A_515 = arith.addf %add3A_409, %mul3A_514 : vector<16xf32>
          %mul3A_516 = arith.mulf %bitcast_convert_type3A_508, %bitcast_convert_type3A_513 : vector<16xf32>
          %add3A_517 = arith.addf %add3A_411, %mul3A_516 : vector<16xf32>
          %mul3A_518 = arith.constant 4 : i32
          %mul3A_519 = arith.muli %scan3A_195, %mul3A_518 : i32
          %add3A_520 = arith.constant 3 : i32
          %add3A_521 = arith.addi %mul3A_519, %add3A_520 : i32
          %mul3A_522 = arith.constant 2048 : i32
          %mul3A_523 = arith.muli %select_n3A_160, %mul3A_522 : i32
          %add3A_524 = arith.addi %mul3A_523, %multiple_of3A_165 : i32
          %add3A_525 = arith.addi %add3A_524, %add3A_521 : i32
          %broadcast_in_dim3A_526 = vector.broadcast %add3A_525 : i32 to vector<16xi32>
          %gather3A_527 = tpu.vector_load_idx %arg8[%broadcast_in_dim3A_526] : memref<8192xi32, #tpu.memory_space<vmem>>[vector<16xi32>], vector<16xi32>,
          %mul3A_528 = arith.constant 64 : i32
          %mul3A_529 = vector.broadcast %mul3A_528 : i32 to vector<16xi32>
          %mul3A_530 = arith.muli %gather3A_527, %mul3A_529 : vector<16xi32>
          %add3A_531 = arith.addi %mul3A_530, %iota3A : vector<16xi32>
          %get3A_532 = arith.constant 0 : i32
          %get3A_533 = arith.index_cast %get3A_532 : i32 to index
          %get3A_534 = arith.index_cast %add3A_521 : i32 to index
          %get3A_535 = arith.constant 0 : index
          %get3A_536 = tpu.vector_load %arg9[%get3A_533, %get3A_534, %get3A_535] {strides = array<i32>} : memref<4x128x64xi32, #tpu.memory_space<vmem>>, vector<16xi32>,
          %add3A_537 = arith.constant 0 : i32
          %add3A_538 = vector.broadcast %add3A_537 : i32 to vector<16xi32>
          %add3A_539 = arith.addi %add3A_531, %add3A_538 : vector<16xi32>
          %gather3A_540 = tpu.vector_load_idx %arg10[%add3A_539] : memref<16384xi32, #tpu.memory_space<vmem>>[vector<16xi32>], vector<16xi32>,
          %shift_left3A_541 = arith.constant 16 : i32
          %shift_left3A_542 = vector.broadcast %shift_left3A_541 : i32 to vector<16xi32>
          %shift_left3A_543 = arith.shli %get3A_536, %shift_left3A_542 : vector<16xi32>
          %bitcast_convert_type3A_544 = tpu.bitcast %shift_left3A_543 : vector<16xi32> -> vector<16xf32>
          %bitcast_convert_type3A_545 = tpu.bitcast %get3A_536 : vector<16xi32> -> vector<16xf32>
          %shift_left3A_546 = arith.constant 16 : i32
          %shift_left3A_547 = vector.broadcast %shift_left3A_546 : i32 to vector<16xi32>
          %shift_left3A_548 = arith.shli %gather3A_540, %shift_left3A_547 : vector<16xi32>
          %bitcast_convert_type3A_549 = tpu.bitcast %shift_left3A_548 : vector<16xi32> -> vector<16xf32>
          %bitcast_convert_type3A_550 = tpu.bitcast %gather3A_540 : vector<16xi32> -> vector<16xf32>
          %mul3A_551 = arith.mulf %bitcast_convert_type3A_544, %bitcast_convert_type3A_549 : vector<16xf32>
          %add3A_552 = arith.addf %add3A_446, %mul3A_551 : vector<16xf32>
          %mul3A_553 = arith.mulf %bitcast_convert_type3A_545, %bitcast_convert_type3A_550 : vector<16xf32>
          %add3A_554 = arith.addf %add3A_448, %mul3A_553 : vector<16xf32>
          %get3A_555 = arith.constant 0 : i32
          %get3A_556 = arith.index_cast %get3A_555 : i32 to index
          %get3A_557 = arith.index_cast %add3A_521 : i32 to index
          %get3A_558 = arith.constant 16 : index
          %get3A_559 = tpu.vector_load %arg9[%get3A_556, %get3A_557, %get3A_558] {strides = array<i32>} : memref<4x128x64xi32, #tpu.memory_space<vmem>>, vector<16xi32>,
          %add3A_560 = arith.constant 16 : i32
          %add3A_561 = vector.broadcast %add3A_560 : i32 to vector<16xi32>
          %add3A_562 = arith.addi %add3A_531, %add3A_561 : vector<16xi32>
          %gather3A_563 = tpu.vector_load_idx %arg10[%add3A_562] : memref<16384xi32, #tpu.memory_space<vmem>>[vector<16xi32>], vector<16xi32>,
          %shift_left3A_564 = arith.constant 16 : i32
          %shift_left3A_565 = vector.broadcast %shift_left3A_564 : i32 to vector<16xi32>
          %shift_left3A_566 = arith.shli %get3A_559, %shift_left3A_565 : vector<16xi32>
          %bitcast_convert_type3A_567 = tpu.bitcast %shift_left3A_566 : vector<16xi32> -> vector<16xf32>
          %bitcast_convert_type3A_568 = tpu.bitcast %get3A_559 : vector<16xi32> -> vector<16xf32>
          %shift_left3A_569 = arith.constant 16 : i32
          %shift_left3A_570 = vector.broadcast %shift_left3A_569 : i32 to vector<16xi32>
          %shift_left3A_571 = arith.shli %gather3A_563, %shift_left3A_570 : vector<16xi32>
          %bitcast_convert_type3A_572 = tpu.bitcast %shift_left3A_571 : vector<16xi32> -> vector<16xf32>
          %bitcast_convert_type3A_573 = tpu.bitcast %gather3A_563 : vector<16xi32> -> vector<16xf32>
          %mul3A_574 = arith.mulf %bitcast_convert_type3A_567, %bitcast_convert_type3A_572 : vector<16xf32>
          %add3A_575 = arith.addf %add3A_469, %mul3A_574 : vector<16xf32>
          %mul3A_576 = arith.mulf %bitcast_convert_type3A_568, %bitcast_convert_type3A_573 : vector<16xf32>
          %add3A_577 = arith.addf %add3A_471, %mul3A_576 : vector<16xf32>
          %get3A_578 = arith.constant 0 : i32
          %get3A_579 = arith.index_cast %get3A_578 : i32 to index
          %get3A_580 = arith.index_cast %add3A_521 : i32 to index
          %get3A_581 = arith.constant 32 : index
          %get3A_582 = tpu.vector_load %arg9[%get3A_579, %get3A_580, %get3A_581] {strides = array<i32>} : memref<4x128x64xi32, #tpu.memory_space<vmem>>, vector<16xi32>,
          %add3A_583 = arith.constant 32 : i32
          %add3A_584 = vector.broadcast %add3A_583 : i32 to vector<16xi32>
          %add3A_585 = arith.addi %add3A_531, %add3A_584 : vector<16xi32>
          %gather3A_586 = tpu.vector_load_idx %arg10[%add3A_585] : memref<16384xi32, #tpu.memory_space<vmem>>[vector<16xi32>], vector<16xi32>,
          %shift_left3A_587 = arith.constant 16 : i32
          %shift_left3A_588 = vector.broadcast %shift_left3A_587 : i32 to vector<16xi32>
          %shift_left3A_589 = arith.shli %get3A_582, %shift_left3A_588 : vector<16xi32>
          %bitcast_convert_type3A_590 = tpu.bitcast %shift_left3A_589 : vector<16xi32> -> vector<16xf32>
          %bitcast_convert_type3A_591 = tpu.bitcast %get3A_582 : vector<16xi32> -> vector<16xf32>
          %shift_left3A_592 = arith.constant 16 : i32
          %shift_left3A_593 = vector.broadcast %shift_left3A_592 : i32 to vector<16xi32>
          %shift_left3A_594 = arith.shli %gather3A_586, %shift_left3A_593 : vector<16xi32>
          %bitcast_convert_type3A_595 = tpu.bitcast %shift_left3A_594 : vector<16xi32> -> vector<16xf32>
          %bitcast_convert_type3A_596 = tpu.bitcast %gather3A_586 : vector<16xi32> -> vector<16xf32>
          %mul3A_597 = arith.mulf %bitcast_convert_type3A_590, %bitcast_convert_type3A_595 : vector<16xf32>
          %add3A_598 = arith.addf %add3A_492, %mul3A_597 : vector<16xf32>
          %mul3A_599 = arith.mulf %bitcast_convert_type3A_591, %bitcast_convert_type3A_596 : vector<16xf32>
          %add3A_600 = arith.addf %add3A_494, %mul3A_599 : vector<16xf32>
          %get3A_601 = arith.constant 0 : i32
          %get3A_602 = arith.index_cast %get3A_601 : i32 to index
          %get3A_603 = arith.index_cast %add3A_521 : i32 to index
          %get3A_604 = arith.constant 48 : index
          %get3A_605 = tpu.vector_load %arg9[%get3A_602, %get3A_603, %get3A_604] {strides = array<i32>} : memref<4x128x64xi32, #tpu.memory_space<vmem>>, vector<16xi32>,
          %add3A_606 = arith.constant 48 : i32
          %add3A_607 = vector.broadcast %add3A_606 : i32 to vector<16xi32>
          %add3A_608 = arith.addi %add3A_531, %add3A_607 : vector<16xi32>
          %gather3A_609 = tpu.vector_load_idx %arg10[%add3A_608] : memref<16384xi32, #tpu.memory_space<vmem>>[vector<16xi32>], vector<16xi32>,
          %shift_left3A_610 = arith.constant 16 : i32
          %shift_left3A_611 = vector.broadcast %shift_left3A_610 : i32 to vector<16xi32>
          %shift_left3A_612 = arith.shli %get3A_605, %shift_left3A_611 : vector<16xi32>
          %bitcast_convert_type3A_613 = tpu.bitcast %shift_left3A_612 : vector<16xi32> -> vector<16xf32>
          %bitcast_convert_type3A_614 = tpu.bitcast %get3A_605 : vector<16xi32> -> vector<16xf32>
          %shift_left3A_615 = arith.constant 16 : i32
          %shift_left3A_616 = vector.broadcast %shift_left3A_615 : i32 to vector<16xi32>
          %shift_left3A_617 = arith.shli %gather3A_609, %shift_left3A_616 : vector<16xi32>
          %bitcast_convert_type3A_618 = tpu.bitcast %shift_left3A_617 : vector<16xi32> -> vector<16xf32>
          %bitcast_convert_type3A_619 = tpu.bitcast %gather3A_609 : vector<16xi32> -> vector<16xf32>
          %mul3A_620 = arith.mulf %bitcast_convert_type3A_613, %bitcast_convert_type3A_618 : vector<16xf32>
          %add3A_621 = arith.addf %add3A_515, %mul3A_620 : vector<16xf32>
          %mul3A_622 = arith.mulf %bitcast_convert_type3A_614, %bitcast_convert_type3A_619 : vector<16xf32>
          %add3A_623 = arith.addf %add3A_517, %mul3A_622 : vector<16xf32>
          scf.yield %add3A_552, %add3A_554, %add3A_575, %add3A_577, %add3A_598, %add3A_600, %add3A_621, %add3A_623 : vector<16xf32>, vector<16xf32>, vector<16xf32>, vector<16xf32>, vector<16xf32>, vector<16xf32>, vector<16xf32>, vector<16xf32>
        }
        %scan3A_171 = arith.constant 32 : i32
        %swap3A_172 = arith.constant 0 : index
        %swap3A_173 = tpu.vector_load %arg11[%swap3A_172] {strides = array<i32>} : memref<128xf32, #tpu.memory_space<vmem>>, vector<16xf32>,
        tpu.vector_store %arg11[%swap3A_172], %scan3A_170#0 {add = true, strides = array<i32>} : memref<128xf32, #tpu.memory_space<vmem>>, vector<16xf32>,
        %swap3A_174 = arith.constant 16 : index
        %swap3A_175 = tpu.vector_load %arg11[%swap3A_174] {strides = array<i32>} : memref<128xf32, #tpu.memory_space<vmem>>, vector<16xf32>,
        tpu.vector_store %arg11[%swap3A_174], %scan3A_170#1 {add = true, strides = array<i32>} : memref<128xf32, #tpu.memory_space<vmem>>, vector<16xf32>,
        %swap3A_176 = arith.constant 32 : index
        %swap3A_177 = tpu.vector_load %arg11[%swap3A_176] {strides = array<i32>} : memref<128xf32, #tpu.memory_space<vmem>>, vector<16xf32>,
        tpu.vector_store %arg11[%swap3A_176], %scan3A_170#2 {add = true, strides = array<i32>} : memref<128xf32, #tpu.memory_space<vmem>>, vector<16xf32>,
        %swap3A_178 = arith.constant 48 : index
        %swap3A_179 = tpu.vector_load %arg11[%swap3A_178] {strides = array<i32>} : memref<128xf32, #tpu.memory_space<vmem>>, vector<16xf32>,
        tpu.vector_store %arg11[%swap3A_178], %scan3A_170#3 {add = true, strides = array<i32>} : memref<128xf32, #tpu.memory_space<vmem>>, vector<16xf32>,
        %swap3A_180 = arith.constant 64 : index
        %swap3A_181 = tpu.vector_load %arg11[%swap3A_180] {strides = array<i32>} : memref<128xf32, #tpu.memory_space<vmem>>, vector<16xf32>,
        tpu.vector_store %arg11[%swap3A_180], %scan3A_170#4 {add = true, strides = array<i32>} : memref<128xf32, #tpu.memory_space<vmem>>, vector<16xf32>,
        %swap3A_182 = arith.constant 80 : index
        %swap3A_183 = tpu.vector_load %arg11[%swap3A_182] {strides = array<i32>} : memref<128xf32, #tpu.memory_space<vmem>>, vector<16xf32>,
        tpu.vector_store %arg11[%swap3A_182], %scan3A_170#5 {add = true, strides = array<i32>} : memref<128xf32, #tpu.memory_space<vmem>>, vector<16xf32>,
        %swap3A_184 = arith.constant 96 : index
        %swap3A_185 = tpu.vector_load %arg11[%swap3A_184] {strides = array<i32>} : memref<128xf32, #tpu.memory_space<vmem>>, vector<16xf32>,
        tpu.vector_store %arg11[%swap3A_184], %scan3A_170#6 {add = true, strides = array<i32>} : memref<128xf32, #tpu.memory_space<vmem>>, vector<16xf32>,
        %swap3A_186 = arith.constant 112 : index
        %swap3A_187 = tpu.vector_load %arg11[%swap3A_186] {strides = array<i32>} : memref<128xf32, #tpu.memory_space<vmem>>, vector<16xf32>,
        tpu.vector_store %arg11[%swap3A_186], %scan3A_170#7 {add = true, strides = array<i32>} : memref<128xf32, #tpu.memory_space<vmem>>, vector<16xf32>,
        %rem3A_188 = arith.constant 16 : i32
        %rem3A_189 = arith.remsi %scan3A_74, %rem3A_188 : i32
        %eq3A_190 = arith.constant 15 : i32
        %eq3A_191 = arith.cmpi eq, %rem3A_189, %eq3A_190 : i32
        %convert_element_type3A_192 = arith.extui %eq3A_191 : i1 to i32
        %cond3A_193 = arith.constant 0 : i32
        %cond3A_194 = arith.cmpi ne, %convert_element_type3A_192, %cond3A_193 : i32
        scf.if %cond3A_194 {
          %jit3A_195 = arith.constant 16 : i32
          %div3A_196 = arith.divsi %scan3A_74, %jit3A_195 : i32
          %sign3A_197 = arith.constant 0 : i32
          %sign3A_198 = arith.cmpi sgt, %scan3A_74, %sign3A_197 : i32
          %sign3A_199 = arith.extui %sign3A_198 : i1 to i32
          %sign3A_200 = arith.constant 0 : i32
          %sign3A_201 = arith.cmpi slt, %scan3A_74, %sign3A_200 : i32
          %sign3A_202 = arith.extui %sign3A_201 : i1 to i32
          %sign3A_203 = arith.subi %sign3A_199, %sign3A_202 : i32
          %sign3A_204 = arith.constant 0 : i32
          %sign3A_205 = arith.cmpi sgt, %jit3A_195, %sign3A_204 : i32
          %sign3A_206 = arith.extui %sign3A_205 : i1 to i32
          %sign3A_207 = arith.constant 0 : i32
          %sign3A_208 = arith.cmpi slt, %jit3A_195, %sign3A_207 : i32
          %sign3A_209 = arith.extui %sign3A_208 : i1 to i32
          %sign3A_210 = arith.subi %sign3A_206, %sign3A_209 : i32
          %ne3A_211 = arith.cmpi ne, %sign3A_203, %sign3A_210 : i32
          %rem3A_212 = arith.remsi %scan3A_74, %jit3A_195 : i32
          %ne3A_213 = arith.constant 0 : i32
          %ne3A_214 = arith.cmpi ne, %rem3A_212, %ne3A_213 : i32
          %and3A_215 = arith.andi %ne3A_211, %ne3A_214 : i1
          %sub3A_216 = arith.constant 1 : i32
          %sub3A_217 = arith.subi %div3A_196, %sub3A_216 : i32
          %select_n3A_218 = arith.select %and3A_215, %sub3A_217, %div3A_196 : i32
          %add3A_219 = arith.addi %mul3A_2, %select_n3A_218 : i32
          "tpu.region"() ({
            %run_scoped3A = tpu.sem_alloc : memref<!tpu.dma_semaphore, #tpu.memory_space<semaphore_mem>>
            %dma_start3A_236 = arith.constant 0 : i32
            %dma_start3A_237 = tpu.memref_slice %arg6[%add3A_219, %dma_start3A_236] : memref<128x128xf32, #tpu.memory_space<hbm>> -> memref<1x128xf32, #tpu.memory_space<hbm>>
            %dma_start3A_238 = tpu.memref_squeeze %dma_start3A_237 : memref<1x128xf32, #tpu.memory_space<hbm>> -> memref<128xf32, #tpu.memory_space<hbm>>
            %dma_start3A_239 = arith.constant 0 : i32
            %dma_start3A_240 = tpu.memref_slice %arg6[%add3A_219, %dma_start3A_239] : memref<128x128xf32, #tpu.memory_space<hbm>> -> memref<1x128xf32, #tpu.memory_space<hbm>>
            %dma_start3A_241 = tpu.memref_squeeze %dma_start3A_240 : memref<1x128xf32, #tpu.memory_space<hbm>> -> memref<128xf32, #tpu.memory_space<hbm>>
            tpu.enqueue_dma source(%arg11 : memref<128xf32, #tpu.memory_space<vmem>>) target(%dma_start3A_241 : memref<128xf32, #tpu.memory_space<hbm>>) target_semaphore(%run_scoped3A : memref<!tpu.dma_semaphore, #tpu.memory_space<semaphore_mem>>)
            %dma_wait3A_242 = arith.constant 0 : i32
            %dma_wait3A_243 = tpu.memref_slice %arg6[%add3A_219, %dma_wait3A_242] : memref<128x128xf32, #tpu.memory_space<hbm>> -> memref<1x128xf32, #tpu.memory_space<hbm>>
            %dma_wait3A_244 = tpu.memref_squeeze %dma_wait3A_243 : memref<1x128xf32, #tpu.memory_space<hbm>> -> memref<128xf32, #tpu.memory_space<hbm>>
            %dma_wait3A_245 = arith.constant 0 : i32
            %dma_wait3A_246 = tpu.memref_slice %arg6[%add3A_219, %dma_wait3A_245] : memref<128x128xf32, #tpu.memory_space<hbm>> -> memref<1x128xf32, #tpu.memory_space<hbm>>
            %dma_wait3A_247 = tpu.memref_squeeze %dma_wait3A_246 : memref<1x128xf32, #tpu.memory_space<hbm>> -> memref<128xf32, #tpu.memory_space<hbm>>
            tpu.wait_dma2 semaphore(%run_scoped3A : memref<!tpu.dma_semaphore, #tpu.memory_space<semaphore_mem>>) src(%arg11 : memref<128xf32, #tpu.memory_space<vmem>>) dst(%dma_wait3A_247 : memref<128xf32, #tpu.memory_space<hbm>>)
            tpu.yield
          }) : () -> ()
          %swap3A_220 = arith.constant 0 : index
          %swap3A_221 = tpu.vector_load %arg11[%swap3A_220] {strides = array<i32>} : memref<128xf32, #tpu.memory_space<vmem>>, vector<16xf32>,
          tpu.vector_store %arg11[%swap3A_220], %broadcast_in_dim3A_5 {strides = array<i32>} : memref<128xf32, #tpu.memory_space<vmem>>, vector<16xf32>,
          %swap3A_222 = arith.constant 16 : index
          %swap3A_223 = tpu.vector_load %arg11[%swap3A_222] {strides = array<i32>} : memref<128xf32, #tpu.memory_space<vmem>>, vector<16xf32>,
          tpu.vector_store %arg11[%swap3A_222], %broadcast_in_dim3A_5 {strides = array<i32>} : memref<128xf32, #tpu.memory_space<vmem>>, vector<16xf32>,
          %swap3A_224 = arith.constant 32 : index
          %swap3A_225 = tpu.vector_load %arg11[%swap3A_224] {strides = array<i32>} : memref<128xf32, #tpu.memory_space<vmem>>, vector<16xf32>,
          tpu.vector_store %arg11[%swap3A_224], %broadcast_in_dim3A_5 {strides = array<i32>} : memref<128xf32, #tpu.memory_space<vmem>>, vector<16xf32>,
          %swap3A_226 = arith.constant 48 : index
          %swap3A_227 = tpu.vector_load %arg11[%swap3A_226] {strides = array<i32>} : memref<128xf32, #tpu.memory_space<vmem>>, vector<16xf32>,
          tpu.vector_store %arg11[%swap3A_226], %broadcast_in_dim3A_5 {strides = array<i32>} : memref<128xf32, #tpu.memory_space<vmem>>, vector<16xf32>,
          %swap3A_228 = arith.constant 64 : index
          %swap3A_229 = tpu.vector_load %arg11[%swap3A_228] {strides = array<i32>} : memref<128xf32, #tpu.memory_space<vmem>>, vector<16xf32>,
          tpu.vector_store %arg11[%swap3A_228], %broadcast_in_dim3A_5 {strides = array<i32>} : memref<128xf32, #tpu.memory_space<vmem>>, vector<16xf32>,
          %swap3A_230 = arith.constant 80 : index
          %swap3A_231 = tpu.vector_load %arg11[%swap3A_230] {strides = array<i32>} : memref<128xf32, #tpu.memory_space<vmem>>, vector<16xf32>,
          tpu.vector_store %arg11[%swap3A_230], %broadcast_in_dim3A_5 {strides = array<i32>} : memref<128xf32, #tpu.memory_space<vmem>>, vector<16xf32>,
          %swap3A_232 = arith.constant 96 : index
          %swap3A_233 = tpu.vector_load %arg11[%swap3A_232] {strides = array<i32>} : memref<128xf32, #tpu.memory_space<vmem>>, vector<16xf32>,
          tpu.vector_store %arg11[%swap3A_232], %broadcast_in_dim3A_5 {strides = array<i32>} : memref<128xf32, #tpu.memory_space<vmem>>, vector<16xf32>,
          %swap3A_234 = arith.constant 112 : index
          %swap3A_235 = tpu.vector_load %arg11[%swap3A_234] {strides = array<i32>} : memref<128xf32, #tpu.memory_space<vmem>>, vector<16xf32>,
          tpu.vector_store %arg11[%swap3A_234], %broadcast_in_dim3A_5 {strides = array<i32>} : memref<128xf32, #tpu.memory_space<vmem>>, vector<16xf32>,
        } else {
        }
      } else {
      }
      %rem3A_79 = arith.constant 4 : i32
      %rem3A_80 = arith.remsi %scan3A_74, %rem3A_79 : i32
      %eq3A_81 = arith.constant 1 : i32
      %eq3A_82 = arith.cmpi eq, %rem3A_80, %eq3A_81 : i32
      %convert_element_type3A_83 = arith.extui %eq3A_82 : i1 to i32
      %cond3A_84 = arith.constant 0 : i32
      %cond3A_85 = arith.cmpi ne, %convert_element_type3A_83, %cond3A_84 : i32
      scf.if %cond3A_85 {
        %jit3A = arith.constant 16 : i32
        %div3A = arith.divsi %scan3A_74, %jit3A : i32
        %sign3A = arith.constant 0 : i32
        %sign3A_100 = arith.cmpi sgt, %scan3A_74, %sign3A : i32
        %sign3A_101 = arith.extui %sign3A_100 : i1 to i32
        %sign3A_102 = arith.constant 0 : i32
        %sign3A_103 = arith.cmpi slt, %scan3A_74, %sign3A_102 : i32
        %sign3A_104 = arith.extui %sign3A_103 : i1 to i32
        %sign3A_105 = arith.subi %sign3A_101, %sign3A_104 : i32
        %sign3A_106 = arith.constant 0 : i32
        %sign3A_107 = arith.cmpi sgt, %jit3A, %sign3A_106 : i32
        %sign3A_108 = arith.extui %sign3A_107 : i1 to i32
        %sign3A_109 = arith.constant 0 : i32
        %sign3A_110 = arith.cmpi slt, %jit3A, %sign3A_109 : i32
        %sign3A_111 = arith.extui %sign3A_110 : i1 to i32
        %sign3A_112 = arith.subi %sign3A_108, %sign3A_111 : i32
        %ne3A = arith.cmpi ne, %sign3A_105, %sign3A_112 : i32
        %rem3A_113 = arith.remsi %scan3A_74, %jit3A : i32
        %ne3A_114 = arith.constant 0 : i32
        %ne3A_115 = arith.cmpi ne, %rem3A_113, %ne3A_114 : i32
        %and3A = arith.andi %ne3A, %ne3A_115 : i1
        %sub3A = arith.constant 1 : i32
        %sub3A_116 = arith.subi %div3A, %sub3A : i32
        %select_n3A = arith.select %and3A, %sub3A_116, %div3A : i32
        %rem3A_117 = arith.constant 16 : i32
        %rem3A_118 = arith.remsi %scan3A_74, %rem3A_117 : i32
        %mul3A_119 = arith.constant 128 : i32
        %mul3A_120 = arith.muli %rem3A_118, %mul3A_119 : i32
        %multiple_of3A_121 = tpu.assume_multiple %mul3A_120, 128 : i32
        %dma_wait3A = arith.constant 1 : i32
        %dma_wait3A_122 = arith.constant 0 : i32
        %dma_wait3A_123 = arith.constant 0 : i32
        %dma_wait3A_124 = tpu.memref_slice %arg9[%dma_wait3A, %dma_wait3A_122, %dma_wait3A_123] : memref<4x128x64xi32, #tpu.memory_space<vmem>> -> memref<1x128x64xi32, #tpu.memory_space<vmem>>
        %dma_wait3A_125 = tpu.memref_squeeze %dma_wait3A_124 : memref<1x128x64xi32, #tpu.memory_space<vmem>> -> memref<128x64xi32, #tpu.memory_space<vmem>>
        %dma_wait3A_126 = tpu.memref_slice %arg7[%select_n3A, %multiple_of3A_121] : memref<4x2048xi32, #tpu.memory_space<vmem>> -> memref<1x128xi32, #tpu.memory_space<vmem>>
        %dma_wait3A_127 = tpu.memref_squeeze %dma_wait3A_126 : memref<1x128xi32, #tpu.memory_space<vmem>> -> memref<128xi32, #tpu.memory_space<vmem>>
        %dma_wait3A_128 = arith.constant 0 : i32
        %dma_wait3A_129 = arith.constant 0 : i32
        %dma_wait3A_130 = tpu.memref_slice %arg4[%dma_wait3A_128, %dma_wait3A_129] : memref<2048x64xi32, #tpu.memory_space<hbm>> -> memref<2048x64xi32, #tpu.memory_space<hbm>>
        tpu.wait_indirect_dma semaphore(%arg13 : memref<!tpu.dma_semaphore, #tpu.memory_space<semaphore_mem>>) src(%dma_wait3A_130 : memref<2048x64xi32, #tpu.memory_space<hbm>>) dst(%dma_wait3A_125 : memref<128x64xi32, #tpu.memory_space<vmem>>)
        %add3A_131 = arith.constant 3 : i32
        %add3A_132 = arith.addi %scan3A_74, %add3A_131 : i32
        %lt3A = arith.constant 64 : i32
        %lt3A_133 = arith.cmpi slt, %add3A_132, %lt3A : i32
        %convert_element_type3A_134 = arith.extui %lt3A_133 : i1 to i32
        %cond3A_135 = arith.constant 0 : i32
        %cond3A_136 = arith.cmpi ne, %convert_element_type3A_134, %cond3A_135 : i32
        scf.if %cond3A_136 {
          %add3A_195 = arith.constant 3 : i32
          %add3A_196 = arith.addi %scan3A_74, %add3A_195 : i32
          %jit3A_197 = arith.constant 16 : i32
          %div3A_198 = arith.divsi %add3A_196, %jit3A_197 : i32
          %sign3A_199 = arith.constant 0 : i32
          %sign3A_200 = arith.cmpi sgt, %add3A_196, %sign3A_199 : i32
          %sign3A_201 = arith.extui %sign3A_200 : i1 to i32
          %sign3A_202 = arith.constant 0 : i32
          %sign3A_203 = arith.cmpi slt, %add3A_196, %sign3A_202 : i32
          %sign3A_204 = arith.extui %sign3A_203 : i1 to i32
          %sign3A_205 = arith.subi %sign3A_201, %sign3A_204 : i32
          %sign3A_206 = arith.constant 0 : i32
          %sign3A_207 = arith.cmpi sgt, %jit3A_197, %sign3A_206 : i32
          %sign3A_208 = arith.extui %sign3A_207 : i1 to i32
          %sign3A_209 = arith.constant 0 : i32
          %sign3A_210 = arith.cmpi slt, %jit3A_197, %sign3A_209 : i32
          %sign3A_211 = arith.extui %sign3A_210 : i1 to i32
          %sign3A_212 = arith.subi %sign3A_208, %sign3A_211 : i32
          %ne3A_213 = arith.cmpi ne, %sign3A_205, %sign3A_212 : i32
          %rem3A_214 = arith.remsi %add3A_196, %jit3A_197 : i32
          %ne3A_215 = arith.constant 0 : i32
          %ne3A_216 = arith.cmpi ne, %rem3A_214, %ne3A_215 : i32
          %and3A_217 = arith.andi %ne3A_213, %ne3A_216 : i1
          %sub3A_218 = arith.constant 1 : i32
          %sub3A_219 = arith.subi %div3A_198, %sub3A_218 : i32
          %select_n3A_220 = arith.select %and3A_217, %sub3A_219, %div3A_198 : i32
          %rem3A_221 = arith.constant 16 : i32
          %rem3A_222 = arith.remsi %add3A_196, %rem3A_221 : i32
          %mul3A_223 = arith.constant 128 : i32
          %mul3A_224 = arith.muli %rem3A_222, %mul3A_223 : i32
          %multiple_of3A_225 = tpu.assume_multiple %mul3A_224, 128 : i32
          %dma_start3A_226 = arith.constant 0 : i32
          %dma_start3A_227 = arith.constant 0 : i32
          %dma_start3A_228 = arith.constant 0 : i32
          %dma_start3A_229 = tpu.memref_slice %arg9[%dma_start3A_226, %dma_start3A_227, %dma_start3A_228] : memref<4x128x64xi32, #tpu.memory_space<vmem>> -> memref<1x128x64xi32, #tpu.memory_space<vmem>>
          %dma_start3A_230 = tpu.memref_squeeze %dma_start3A_229 : memref<1x128x64xi32, #tpu.memory_space<vmem>> -> memref<128x64xi32, #tpu.memory_space<vmem>>
          %dma_start3A_231 = tpu.memref_slice %arg7[%select_n3A_220, %multiple_of3A_225] : memref<4x2048xi32, #tpu.memory_space<vmem>> -> memref<1x128xi32, #tpu.memory_space<vmem>>
          %dma_start3A_232 = tpu.memref_squeeze %dma_start3A_231 : memref<1x128xi32, #tpu.memory_space<vmem>> -> memref<128xi32, #tpu.memory_space<vmem>>
          %dma_start3A_233 = arith.constant 0 : i32
          %dma_start3A_234 = arith.constant 0 : i32
          %dma_start3A_235 = tpu.memref_slice %arg4[%dma_start3A_233, %dma_start3A_234] : memref<2048x64xi32, #tpu.memory_space<hbm>> -> memref<2048x64xi32, #tpu.memory_space<hbm>>
          tpu.enqueue_indirect_dma source(%dma_start3A_235 : memref<2048x64xi32, #tpu.memory_space<hbm>>) target(%dma_start3A_230 : memref<128x64xi32, #tpu.memory_space<vmem>>) offsets(%dma_start3A_232 : memref<128xi32, #tpu.memory_space<vmem>>) semaphore(%arg12 : memref<!tpu.dma_semaphore, #tpu.memory_space<semaphore_mem>>)
        } else {
        }
        %jit3A_137 = arith.constant 16 : i32
        %div3A_138 = arith.divsi %scan3A_74, %jit3A_137 : i32
        %sign3A_139 = arith.constant 0 : i32
        %sign3A_140 = arith.cmpi sgt, %scan3A_74, %sign3A_139 : i32
        %sign3A_141 = arith.extui %sign3A_140 : i1 to i32
        %sign3A_142 = arith.constant 0 : i32
        %sign3A_143 = arith.cmpi slt, %scan3A_74, %sign3A_142 : i32
        %sign3A_144 = arith.extui %sign3A_143 : i1 to i32
        %sign3A_145 = arith.subi %sign3A_141, %sign3A_144 : i32
        %sign3A_146 = arith.constant 0 : i32
        %sign3A_147 = arith.cmpi sgt, %jit3A_137, %sign3A_146 : i32
        %sign3A_148 = arith.extui %sign3A_147 : i1 to i32
        %sign3A_149 = arith.constant 0 : i32
        %sign3A_150 = arith.cmpi slt, %jit3A_137, %sign3A_149 : i32
        %sign3A_151 = arith.extui %sign3A_150 : i1 to i32
        %sign3A_152 = arith.subi %sign3A_148, %sign3A_151 : i32
        %ne3A_153 = arith.cmpi ne, %sign3A_145, %sign3A_152 : i32
        %rem3A_154 = arith.remsi %scan3A_74, %jit3A_137 : i32
        %ne3A_155 = arith.constant 0 : i32
        %ne3A_156 = arith.cmpi ne, %rem3A_154, %ne3A_155 : i32
        %and3A_157 = arith.andi %ne3A_153, %ne3A_156 : i1
        %sub3A_158 = arith.constant 1 : i32
        %sub3A_159 = arith.subi %div3A_138, %sub3A_158 : i32
        %select_n3A_160 = arith.select %and3A_157, %sub3A_159, %div3A_138 : i32
        %rem3A_161 = arith.constant 16 : i32
        %rem3A_162 = arith.remsi %scan3A_74, %rem3A_161 : i32
        %mul3A_163 = arith.constant 128 : i32
        %mul3A_164 = arith.muli %rem3A_162, %mul3A_163 : i32
        %multiple_of3A_165 = tpu.assume_multiple %mul3A_164, 128 : i32
        %scan3A_166 = arith.constant 0 : i32
        %scan3A_167 = arith.constant 32 : i32
        %scan3A_168 = arith.addi %scan3A_166, %scan3A_167 : i32
        %scan3A_169 = arith.constant 1 : i32
        %scan3A_170:8 = scf.for %scan3A_195 = %scan3A_166 to %scan3A_168 step %scan3A_169 iter_args(%scan3A_196 = %broadcast_in_dim3A_5, %scan3A_197 = %broadcast_in_dim3A_5, %scan3A_198 = %broadcast_in_dim3A_5, %scan3A_199 = %broadcast_in_dim3A_5, %scan3A_200 = %broadcast_in_dim3A_5, %scan3A_201 = %broadcast_in_dim3A_5, %scan3A_202 = %broadcast_in_dim3A_5, %scan3A_203 = %broadcast_in_dim3A_5) -> (vector<16xf32>, vector<16xf32>, vector<16xf32>, vector<16xf32>, vector<16xf32>, vector<16xf32>, vector<16xf32>, vector<16xf32>)  : i32 {
          %mul3A_204 = arith.constant 4 : i32
          %mul3A_205 = arith.muli %scan3A_195, %mul3A_204 : i32
          %add3A_206 = arith.constant 0 : i32
          %add3A_207 = arith.addi %mul3A_205, %add3A_206 : i32
          %mul3A_208 = arith.constant 2048 : i32
          %mul3A_209 = arith.muli %select_n3A_160, %mul3A_208 : i32
          %add3A_210 = arith.addi %mul3A_209, %multiple_of3A_165 : i32
          %add3A_211 = arith.addi %add3A_210, %add3A_207 : i32
          %broadcast_in_dim3A_212 = vector.broadcast %add3A_211 : i32 to vector<16xi32>
          %gather3A = tpu.vector_load_idx %arg8[%broadcast_in_dim3A_212] : memref<8192xi32, #tpu.memory_space<vmem>>[vector<16xi32>], vector<16xi32>,
          %mul3A_213 = arith.constant 64 : i32
          %mul3A_214 = vector.broadcast %mul3A_213 : i32 to vector<16xi32>
          %mul3A_215 = arith.muli %gather3A, %mul3A_214 : vector<16xi32>
          %add3A_216 = arith.addi %mul3A_215, %iota3A : vector<16xi32>
          %get3A = arith.constant 1 : i32
          %get3A_217 = arith.index_cast %get3A : i32 to index
          %get3A_218 = arith.index_cast %add3A_207 : i32 to index
          %get3A_219 = arith.constant 0 : index
          %get3A_220 = tpu.vector_load %arg9[%get3A_217, %get3A_218, %get3A_219] {strides = array<i32>} : memref<4x128x64xi32, #tpu.memory_space<vmem>>, vector<16xi32>,
          %add3A_221 = arith.constant 0 : i32
          %add3A_222 = vector.broadcast %add3A_221 : i32 to vector<16xi32>
          %add3A_223 = arith.addi %add3A_216, %add3A_222 : vector<16xi32>
          %gather3A_224 = tpu.vector_load_idx %arg10[%add3A_223] : memref<16384xi32, #tpu.memory_space<vmem>>[vector<16xi32>], vector<16xi32>,
          %shift_left3A = arith.constant 16 : i32
          %shift_left3A_225 = vector.broadcast %shift_left3A : i32 to vector<16xi32>
          %shift_left3A_226 = arith.shli %get3A_220, %shift_left3A_225 : vector<16xi32>
          %bitcast_convert_type3A = tpu.bitcast %shift_left3A_226 : vector<16xi32> -> vector<16xf32>
          %bitcast_convert_type3A_227 = tpu.bitcast %get3A_220 : vector<16xi32> -> vector<16xf32>
          %shift_left3A_228 = arith.constant 16 : i32
          %shift_left3A_229 = vector.broadcast %shift_left3A_228 : i32 to vector<16xi32>
          %shift_left3A_230 = arith.shli %gather3A_224, %shift_left3A_229 : vector<16xi32>
          %bitcast_convert_type3A_231 = tpu.bitcast %shift_left3A_230 : vector<16xi32> -> vector<16xf32>
          %bitcast_convert_type3A_232 = tpu.bitcast %gather3A_224 : vector<16xi32> -> vector<16xf32>
          %mul3A_233 = arith.mulf %bitcast_convert_type3A, %bitcast_convert_type3A_231 : vector<16xf32>
          %add3A_234 = arith.addf %scan3A_196, %mul3A_233 : vector<16xf32>
          %mul3A_235 = arith.mulf %bitcast_convert_type3A_227, %bitcast_convert_type3A_232 : vector<16xf32>
          %add3A_236 = arith.addf %scan3A_197, %mul3A_235 : vector<16xf32>
          %get3A_237 = arith.constant 1 : i32
          %get3A_238 = arith.index_cast %get3A_237 : i32 to index
          %get3A_239 = arith.index_cast %add3A_207 : i32 to index
          %get3A_240 = arith.constant 16 : index
          %get3A_241 = tpu.vector_load %arg9[%get3A_238, %get3A_239, %get3A_240] {strides = array<i32>} : memref<4x128x64xi32, #tpu.memory_space<vmem>>, vector<16xi32>,
          %add3A_242 = arith.constant 16 : i32
          %add3A_243 = vector.broadcast %add3A_242 : i32 to vector<16xi32>
          %add3A_244 = arith.addi %add3A_216, %add3A_243 : vector<16xi32>
          %gather3A_245 = tpu.vector_load_idx %arg10[%add3A_244] : memref<16384xi32, #tpu.memory_space<vmem>>[vector<16xi32>], vector<16xi32>,
          %shift_left3A_246 = arith.constant 16 : i32
          %shift_left3A_247 = vector.broadcast %shift_left3A_246 : i32 to vector<16xi32>
          %shift_left3A_248 = arith.shli %get3A_241, %shift_left3A_247 : vector<16xi32>
          %bitcast_convert_type3A_249 = tpu.bitcast %shift_left3A_248 : vector<16xi32> -> vector<16xf32>
          %bitcast_convert_type3A_250 = tpu.bitcast %get3A_241 : vector<16xi32> -> vector<16xf32>
          %shift_left3A_251 = arith.constant 16 : i32
          %shift_left3A_252 = vector.broadcast %shift_left3A_251 : i32 to vector<16xi32>
          %shift_left3A_253 = arith.shli %gather3A_245, %shift_left3A_252 : vector<16xi32>
          %bitcast_convert_type3A_254 = tpu.bitcast %shift_left3A_253 : vector<16xi32> -> vector<16xf32>
          %bitcast_convert_type3A_255 = tpu.bitcast %gather3A_245 : vector<16xi32> -> vector<16xf32>
          %mul3A_256 = arith.mulf %bitcast_convert_type3A_249, %bitcast_convert_type3A_254 : vector<16xf32>
          %add3A_257 = arith.addf %scan3A_198, %mul3A_256 : vector<16xf32>
          %mul3A_258 = arith.mulf %bitcast_convert_type3A_250, %bitcast_convert_type3A_255 : vector<16xf32>
          %add3A_259 = arith.addf %scan3A_199, %mul3A_258 : vector<16xf32>
          %get3A_260 = arith.constant 1 : i32
          %get3A_261 = arith.index_cast %get3A_260 : i32 to index
          %get3A_262 = arith.index_cast %add3A_207 : i32 to index
          %get3A_263 = arith.constant 32 : index
          %get3A_264 = tpu.vector_load %arg9[%get3A_261, %get3A_262, %get3A_263] {strides = array<i32>} : memref<4x128x64xi32, #tpu.memory_space<vmem>>, vector<16xi32>,
          %add3A_265 = arith.constant 32 : i32
          %add3A_266 = vector.broadcast %add3A_265 : i32 to vector<16xi32>
          %add3A_267 = arith.addi %add3A_216, %add3A_266 : vector<16xi32>
          %gather3A_268 = tpu.vector_load_idx %arg10[%add3A_267] : memref<16384xi32, #tpu.memory_space<vmem>>[vector<16xi32>], vector<16xi32>,
          %shift_left3A_269 = arith.constant 16 : i32
          %shift_left3A_270 = vector.broadcast %shift_left3A_269 : i32 to vector<16xi32>
          %shift_left3A_271 = arith.shli %get3A_264, %shift_left3A_270 : vector<16xi32>
          %bitcast_convert_type3A_272 = tpu.bitcast %shift_left3A_271 : vector<16xi32> -> vector<16xf32>
          %bitcast_convert_type3A_273 = tpu.bitcast %get3A_264 : vector<16xi32> -> vector<16xf32>
          %shift_left3A_274 = arith.constant 16 : i32
          %shift_left3A_275 = vector.broadcast %shift_left3A_274 : i32 to vector<16xi32>
          %shift_left3A_276 = arith.shli %gather3A_268, %shift_left3A_275 : vector<16xi32>
          %bitcast_convert_type3A_277 = tpu.bitcast %shift_left3A_276 : vector<16xi32> -> vector<16xf32>
          %bitcast_convert_type3A_278 = tpu.bitcast %gather3A_268 : vector<16xi32> -> vector<16xf32>
          %mul3A_279 = arith.mulf %bitcast_convert_type3A_272, %bitcast_convert_type3A_277 : vector<16xf32>
          %add3A_280 = arith.addf %scan3A_200, %mul3A_279 : vector<16xf32>
          %mul3A_281 = arith.mulf %bitcast_convert_type3A_273, %bitcast_convert_type3A_278 : vector<16xf32>
          %add3A_282 = arith.addf %scan3A_201, %mul3A_281 : vector<16xf32>
          %get3A_283 = arith.constant 1 : i32
          %get3A_284 = arith.index_cast %get3A_283 : i32 to index
          %get3A_285 = arith.index_cast %add3A_207 : i32 to index
          %get3A_286 = arith.constant 48 : index
          %get3A_287 = tpu.vector_load %arg9[%get3A_284, %get3A_285, %get3A_286] {strides = array<i32>} : memref<4x128x64xi32, #tpu.memory_space<vmem>>, vector<16xi32>,
          %add3A_288 = arith.constant 48 : i32
          %add3A_289 = vector.broadcast %add3A_288 : i32 to vector<16xi32>
          %add3A_290 = arith.addi %add3A_216, %add3A_289 : vector<16xi32>
          %gather3A_291 = tpu.vector_load_idx %arg10[%add3A_290] : memref<16384xi32, #tpu.memory_space<vmem>>[vector<16xi32>], vector<16xi32>,
          %shift_left3A_292 = arith.constant 16 : i32
          %shift_left3A_293 = vector.broadcast %shift_left3A_292 : i32 to vector<16xi32>
          %shift_left3A_294 = arith.shli %get3A_287, %shift_left3A_293 : vector<16xi32>
          %bitcast_convert_type3A_295 = tpu.bitcast %shift_left3A_294 : vector<16xi32> -> vector<16xf32>
          %bitcast_convert_type3A_296 = tpu.bitcast %get3A_287 : vector<16xi32> -> vector<16xf32>
          %shift_left3A_297 = arith.constant 16 : i32
          %shift_left3A_298 = vector.broadcast %shift_left3A_297 : i32 to vector<16xi32>
          %shift_left3A_299 = arith.shli %gather3A_291, %shift_left3A_298 : vector<16xi32>
          %bitcast_convert_type3A_300 = tpu.bitcast %shift_left3A_299 : vector<16xi32> -> vector<16xf32>
          %bitcast_convert_type3A_301 = tpu.bitcast %gather3A_291 : vector<16xi32> -> vector<16xf32>
          %mul3A_302 = arith.mulf %bitcast_convert_type3A_295, %bitcast_convert_type3A_300 : vector<16xf32>
          %add3A_303 = arith.addf %scan3A_202, %mul3A_302 : vector<16xf32>
          %mul3A_304 = arith.mulf %bitcast_convert_type3A_296, %bitcast_convert_type3A_301 : vector<16xf32>
          %add3A_305 = arith.addf %scan3A_203, %mul3A_304 : vector<16xf32>
          %mul3A_306 = arith.constant 4 : i32
          %mul3A_307 = arith.muli %scan3A_195, %mul3A_306 : i32
          %add3A_308 = arith.constant 1 : i32
          %add3A_309 = arith.addi %mul3A_307, %add3A_308 : i32
          %mul3A_310 = arith.constant 2048 : i32
          %mul3A_311 = arith.muli %select_n3A_160, %mul3A_310 : i32
          %add3A_312 = arith.addi %mul3A_311, %multiple_of3A_165 : i32
          %add3A_313 = arith.addi %add3A_312, %add3A_309 : i32
          %broadcast_in_dim3A_314 = vector.broadcast %add3A_313 : i32 to vector<16xi32>
          %gather3A_315 = tpu.vector_load_idx %arg8[%broadcast_in_dim3A_314] : memref<8192xi32, #tpu.memory_space<vmem>>[vector<16xi32>], vector<16xi32>,
          %mul3A_316 = arith.constant 64 : i32
          %mul3A_317 = vector.broadcast %mul3A_316 : i32 to vector<16xi32>
          %mul3A_318 = arith.muli %gather3A_315, %mul3A_317 : vector<16xi32>
          %add3A_319 = arith.addi %mul3A_318, %iota3A : vector<16xi32>
          %get3A_320 = arith.constant 1 : i32
          %get3A_321 = arith.index_cast %get3A_320 : i32 to index
          %get3A_322 = arith.index_cast %add3A_309 : i32 to index
          %get3A_323 = arith.constant 0 : index
          %get3A_324 = tpu.vector_load %arg9[%get3A_321, %get3A_322, %get3A_323] {strides = array<i32>} : memref<4x128x64xi32, #tpu.memory_space<vmem>>, vector<16xi32>,
          %add3A_325 = arith.constant 0 : i32
          %add3A_326 = vector.broadcast %add3A_325 : i32 to vector<16xi32>
          %add3A_327 = arith.addi %add3A_319, %add3A_326 : vector<16xi32>
          %gather3A_328 = tpu.vector_load_idx %arg10[%add3A_327] : memref<16384xi32, #tpu.memory_space<vmem>>[vector<16xi32>], vector<16xi32>,
          %shift_left3A_329 = arith.constant 16 : i32
          %shift_left3A_330 = vector.broadcast %shift_left3A_329 : i32 to vector<16xi32>
          %shift_left3A_331 = arith.shli %get3A_324, %shift_left3A_330 : vector<16xi32>
          %bitcast_convert_type3A_332 = tpu.bitcast %shift_left3A_331 : vector<16xi32> -> vector<16xf32>
          %bitcast_convert_type3A_333 = tpu.bitcast %get3A_324 : vector<16xi32> -> vector<16xf32>
          %shift_left3A_334 = arith.constant 16 : i32
          %shift_left3A_335 = vector.broadcast %shift_left3A_334 : i32 to vector<16xi32>
          %shift_left3A_336 = arith.shli %gather3A_328, %shift_left3A_335 : vector<16xi32>
          %bitcast_convert_type3A_337 = tpu.bitcast %shift_left3A_336 : vector<16xi32> -> vector<16xf32>
          %bitcast_convert_type3A_338 = tpu.bitcast %gather3A_328 : vector<16xi32> -> vector<16xf32>
          %mul3A_339 = arith.mulf %bitcast_convert_type3A_332, %bitcast_convert_type3A_337 : vector<16xf32>
          %add3A_340 = arith.addf %add3A_234, %mul3A_339 : vector<16xf32>
          %mul3A_341 = arith.mulf %bitcast_convert_type3A_333, %bitcast_convert_type3A_338 : vector<16xf32>
          %add3A_342 = arith.addf %add3A_236, %mul3A_341 : vector<16xf32>
          %get3A_343 = arith.constant 1 : i32
          %get3A_344 = arith.index_cast %get3A_343 : i32 to index
          %get3A_345 = arith.index_cast %add3A_309 : i32 to index
          %get3A_346 = arith.constant 16 : index
          %get3A_347 = tpu.vector_load %arg9[%get3A_344, %get3A_345, %get3A_346] {strides = array<i32>} : memref<4x128x64xi32, #tpu.memory_space<vmem>>, vector<16xi32>,
          %add3A_348 = arith.constant 16 : i32
          %add3A_349 = vector.broadcast %add3A_348 : i32 to vector<16xi32>
          %add3A_350 = arith.addi %add3A_319, %add3A_349 : vector<16xi32>
          %gather3A_351 = tpu.vector_load_idx %arg10[%add3A_350] : memref<16384xi32, #tpu.memory_space<vmem>>[vector<16xi32>], vector<16xi32>,
          %shift_left3A_352 = arith.constant 16 : i32
          %shift_left3A_353 = vector.broadcast %shift_left3A_352 : i32 to vector<16xi32>
          %shift_left3A_354 = arith.shli %get3A_347, %shift_left3A_353 : vector<16xi32>
          %bitcast_convert_type3A_355 = tpu.bitcast %shift_left3A_354 : vector<16xi32> -> vector<16xf32>
          %bitcast_convert_type3A_356 = tpu.bitcast %get3A_347 : vector<16xi32> -> vector<16xf32>
          %shift_left3A_357 = arith.constant 16 : i32
          %shift_left3A_358 = vector.broadcast %shift_left3A_357 : i32 to vector<16xi32>
          %shift_left3A_359 = arith.shli %gather3A_351, %shift_left3A_358 : vector<16xi32>
          %bitcast_convert_type3A_360 = tpu.bitcast %shift_left3A_359 : vector<16xi32> -> vector<16xf32>
          %bitcast_convert_type3A_361 = tpu.bitcast %gather3A_351 : vector<16xi32> -> vector<16xf32>
          %mul3A_362 = arith.mulf %bitcast_convert_type3A_355, %bitcast_convert_type3A_360 : vector<16xf32>
          %add3A_363 = arith.addf %add3A_257, %mul3A_362 : vector<16xf32>
          %mul3A_364 = arith.mulf %bitcast_convert_type3A_356, %bitcast_convert_type3A_361 : vector<16xf32>
          %add3A_365 = arith.addf %add3A_259, %mul3A_364 : vector<16xf32>
          %get3A_366 = arith.constant 1 : i32
          %get3A_367 = arith.index_cast %get3A_366 : i32 to index
          %get3A_368 = arith.index_cast %add3A_309 : i32 to index
          %get3A_369 = arith.constant 32 : index
          %get3A_370 = tpu.vector_load %arg9[%get3A_367, %get3A_368, %get3A_369] {strides = array<i32>} : memref<4x128x64xi32, #tpu.memory_space<vmem>>, vector<16xi32>,
          %add3A_371 = arith.constant 32 : i32
          %add3A_372 = vector.broadcast %add3A_371 : i32 to vector<16xi32>
          %add3A_373 = arith.addi %add3A_319, %add3A_372 : vector<16xi32>
          %gather3A_374 = tpu.vector_load_idx %arg10[%add3A_373] : memref<16384xi32, #tpu.memory_space<vmem>>[vector<16xi32>], vector<16xi32>,
          %shift_left3A_375 = arith.constant 16 : i32
          %shift_left3A_376 = vector.broadcast %shift_left3A_375 : i32 to vector<16xi32>
          %shift_left3A_377 = arith.shli %get3A_370, %shift_left3A_376 : vector<16xi32>
          %bitcast_convert_type3A_378 = tpu.bitcast %shift_left3A_377 : vector<16xi32> -> vector<16xf32>
          %bitcast_convert_type3A_379 = tpu.bitcast %get3A_370 : vector<16xi32> -> vector<16xf32>
          %shift_left3A_380 = arith.constant 16 : i32
          %shift_left3A_381 = vector.broadcast %shift_left3A_380 : i32 to vector<16xi32>
          %shift_left3A_382 = arith.shli %gather3A_374, %shift_left3A_381 : vector<16xi32>
          %bitcast_convert_type3A_383 = tpu.bitcast %shift_left3A_382 : vector<16xi32> -> vector<16xf32>
          %bitcast_convert_type3A_384 = tpu.bitcast %gather3A_374 : vector<16xi32> -> vector<16xf32>
          %mul3A_385 = arith.mulf %bitcast_convert_type3A_378, %bitcast_convert_type3A_383 : vector<16xf32>
          %add3A_386 = arith.addf %add3A_280, %mul3A_385 : vector<16xf32>
          %mul3A_387 = arith.mulf %bitcast_convert_type3A_379, %bitcast_convert_type3A_384 : vector<16xf32>
          %add3A_388 = arith.addf %add3A_282, %mul3A_387 : vector<16xf32>
          %get3A_389 = arith.constant 1 : i32
          %get3A_390 = arith.index_cast %get3A_389 : i32 to index
          %get3A_391 = arith.index_cast %add3A_309 : i32 to index
          %get3A_392 = arith.constant 48 : index
          %get3A_393 = tpu.vector_load %arg9[%get3A_390, %get3A_391, %get3A_392] {strides = array<i32>} : memref<4x128x64xi32, #tpu.memory_space<vmem>>, vector<16xi32>,
          %add3A_394 = arith.constant 48 : i32
          %add3A_395 = vector.broadcast %add3A_394 : i32 to vector<16xi32>
          %add3A_396 = arith.addi %add3A_319, %add3A_395 : vector<16xi32>
          %gather3A_397 = tpu.vector_load_idx %arg10[%add3A_396] : memref<16384xi32, #tpu.memory_space<vmem>>[vector<16xi32>], vector<16xi32>,
          %shift_left3A_398 = arith.constant 16 : i32
          %shift_left3A_399 = vector.broadcast %shift_left3A_398 : i32 to vector<16xi32>
          %shift_left3A_400 = arith.shli %get3A_393, %shift_left3A_399 : vector<16xi32>
          %bitcast_convert_type3A_401 = tpu.bitcast %shift_left3A_400 : vector<16xi32> -> vector<16xf32>
          %bitcast_convert_type3A_402 = tpu.bitcast %get3A_393 : vector<16xi32> -> vector<16xf32>
          %shift_left3A_403 = arith.constant 16 : i32
          %shift_left3A_404 = vector.broadcast %shift_left3A_403 : i32 to vector<16xi32>
          %shift_left3A_405 = arith.shli %gather3A_397, %shift_left3A_404 : vector<16xi32>
          %bitcast_convert_type3A_406 = tpu.bitcast %shift_left3A_405 : vector<16xi32> -> vector<16xf32>
          %bitcast_convert_type3A_407 = tpu.bitcast %gather3A_397 : vector<16xi32> -> vector<16xf32>
          %mul3A_408 = arith.mulf %bitcast_convert_type3A_401, %bitcast_convert_type3A_406 : vector<16xf32>
          %add3A_409 = arith.addf %add3A_303, %mul3A_408 : vector<16xf32>
          %mul3A_410 = arith.mulf %bitcast_convert_type3A_402, %bitcast_convert_type3A_407 : vector<16xf32>
          %add3A_411 = arith.addf %add3A_305, %mul3A_410 : vector<16xf32>
          %mul3A_412 = arith.constant 4 : i32
          %mul3A_413 = arith.muli %scan3A_195, %mul3A_412 : i32
          %add3A_414 = arith.constant 2 : i32
          %add3A_415 = arith.addi %mul3A_413, %add3A_414 : i32
          %mul3A_416 = arith.constant 2048 : i32
          %mul3A_417 = arith.muli %select_n3A_160, %mul3A_416 : i32
          %add3A_418 = arith.addi %mul3A_417, %multiple_of3A_165 : i32
          %add3A_419 = arith.addi %add3A_418, %add3A_415 : i32
          %broadcast_in_dim3A_420 = vector.broadcast %add3A_419 : i32 to vector<16xi32>
          %gather3A_421 = tpu.vector_load_idx %arg8[%broadcast_in_dim3A_420] : memref<8192xi32, #tpu.memory_space<vmem>>[vector<16xi32>], vector<16xi32>,
          %mul3A_422 = arith.constant 64 : i32
          %mul3A_423 = vector.broadcast %mul3A_422 : i32 to vector<16xi32>
          %mul3A_424 = arith.muli %gather3A_421, %mul3A_423 : vector<16xi32>
          %add3A_425 = arith.addi %mul3A_424, %iota3A : vector<16xi32>
          %get3A_426 = arith.constant 1 : i32
          %get3A_427 = arith.index_cast %get3A_426 : i32 to index
          %get3A_428 = arith.index_cast %add3A_415 : i32 to index
          %get3A_429 = arith.constant 0 : index
          %get3A_430 = tpu.vector_load %arg9[%get3A_427, %get3A_428, %get3A_429] {strides = array<i32>} : memref<4x128x64xi32, #tpu.memory_space<vmem>>, vector<16xi32>,
          %add3A_431 = arith.constant 0 : i32
          %add3A_432 = vector.broadcast %add3A_431 : i32 to vector<16xi32>
          %add3A_433 = arith.addi %add3A_425, %add3A_432 : vector<16xi32>
          %gather3A_434 = tpu.vector_load_idx %arg10[%add3A_433] : memref<16384xi32, #tpu.memory_space<vmem>>[vector<16xi32>], vector<16xi32>,
          %shift_left3A_435 = arith.constant 16 : i32
          %shift_left3A_436 = vector.broadcast %shift_left3A_435 : i32 to vector<16xi32>
          %shift_left3A_437 = arith.shli %get3A_430, %shift_left3A_436 : vector<16xi32>
          %bitcast_convert_type3A_438 = tpu.bitcast %shift_left3A_437 : vector<16xi32> -> vector<16xf32>
          %bitcast_convert_type3A_439 = tpu.bitcast %get3A_430 : vector<16xi32> -> vector<16xf32>
          %shift_left3A_440 = arith.constant 16 : i32
          %shift_left3A_441 = vector.broadcast %shift_left3A_440 : i32 to vector<16xi32>
          %shift_left3A_442 = arith.shli %gather3A_434, %shift_left3A_441 : vector<16xi32>
          %bitcast_convert_type3A_443 = tpu.bitcast %shift_left3A_442 : vector<16xi32> -> vector<16xf32>
          %bitcast_convert_type3A_444 = tpu.bitcast %gather3A_434 : vector<16xi32> -> vector<16xf32>
          %mul3A_445 = arith.mulf %bitcast_convert_type3A_438, %bitcast_convert_type3A_443 : vector<16xf32>
          %add3A_446 = arith.addf %add3A_340, %mul3A_445 : vector<16xf32>
          %mul3A_447 = arith.mulf %bitcast_convert_type3A_439, %bitcast_convert_type3A_444 : vector<16xf32>
          %add3A_448 = arith.addf %add3A_342, %mul3A_447 : vector<16xf32>
          %get3A_449 = arith.constant 1 : i32
          %get3A_450 = arith.index_cast %get3A_449 : i32 to index
          %get3A_451 = arith.index_cast %add3A_415 : i32 to index
          %get3A_452 = arith.constant 16 : index
          %get3A_453 = tpu.vector_load %arg9[%get3A_450, %get3A_451, %get3A_452] {strides = array<i32>} : memref<4x128x64xi32, #tpu.memory_space<vmem>>, vector<16xi32>,
          %add3A_454 = arith.constant 16 : i32
          %add3A_455 = vector.broadcast %add3A_454 : i32 to vector<16xi32>
          %add3A_456 = arith.addi %add3A_425, %add3A_455 : vector<16xi32>
          %gather3A_457 = tpu.vector_load_idx %arg10[%add3A_456] : memref<16384xi32, #tpu.memory_space<vmem>>[vector<16xi32>], vector<16xi32>,
          %shift_left3A_458 = arith.constant 16 : i32
          %shift_left3A_459 = vector.broadcast %shift_left3A_458 : i32 to vector<16xi32>
          %shift_left3A_460 = arith.shli %get3A_453, %shift_left3A_459 : vector<16xi32>
          %bitcast_convert_type3A_461 = tpu.bitcast %shift_left3A_460 : vector<16xi32> -> vector<16xf32>
          %bitcast_convert_type3A_462 = tpu.bitcast %get3A_453 : vector<16xi32> -> vector<16xf32>
          %shift_left3A_463 = arith.constant 16 : i32
          %shift_left3A_464 = vector.broadcast %shift_left3A_463 : i32 to vector<16xi32>
          %shift_left3A_465 = arith.shli %gather3A_457, %shift_left3A_464 : vector<16xi32>
          %bitcast_convert_type3A_466 = tpu.bitcast %shift_left3A_465 : vector<16xi32> -> vector<16xf32>
          %bitcast_convert_type3A_467 = tpu.bitcast %gather3A_457 : vector<16xi32> -> vector<16xf32>
          %mul3A_468 = arith.mulf %bitcast_convert_type3A_461, %bitcast_convert_type3A_466 : vector<16xf32>
          %add3A_469 = arith.addf %add3A_363, %mul3A_468 : vector<16xf32>
          %mul3A_470 = arith.mulf %bitcast_convert_type3A_462, %bitcast_convert_type3A_467 : vector<16xf32>
          %add3A_471 = arith.addf %add3A_365, %mul3A_470 : vector<16xf32>
          %get3A_472 = arith.constant 1 : i32
          %get3A_473 = arith.index_cast %get3A_472 : i32 to index
          %get3A_474 = arith.index_cast %add3A_415 : i32 to index
          %get3A_475 = arith.constant 32 : index
          %get3A_476 = tpu.vector_load %arg9[%get3A_473, %get3A_474, %get3A_475] {strides = array<i32>} : memref<4x128x64xi32, #tpu.memory_space<vmem>>, vector<16xi32>,
          %add3A_477 = arith.constant 32 : i32
          %add3A_478 = vector.broadcast %add3A_477 : i32 to vector<16xi32>
          %add3A_479 = arith.addi %add3A_425, %add3A_478 : vector<16xi32>
          %gather3A_480 = tpu.vector_load_idx %arg10[%add3A_479] : memref<16384xi32, #tpu.memory_space<vmem>>[vector<16xi32>], vector<16xi32>,
          %shift_left3A_481 = arith.constant 16 : i32
          %shift_left3A_482 = vector.broadcast %shift_left3A_481 : i32 to vector<16xi32>
          %shift_left3A_483 = arith.shli %get3A_476, %shift_left3A_482 : vector<16xi32>
          %bitcast_convert_type3A_484 = tpu.bitcast %shift_left3A_483 : vector<16xi32> -> vector<16xf32>
          %bitcast_convert_type3A_485 = tpu.bitcast %get3A_476 : vector<16xi32> -> vector<16xf32>
          %shift_left3A_486 = arith.constant 16 : i32
          %shift_left3A_487 = vector.broadcast %shift_left3A_486 : i32 to vector<16xi32>
          %shift_left3A_488 = arith.shli %gather3A_480, %shift_left3A_487 : vector<16xi32>
          %bitcast_convert_type3A_489 = tpu.bitcast %shift_left3A_488 : vector<16xi32> -> vector<16xf32>
          %bitcast_convert_type3A_490 = tpu.bitcast %gather3A_480 : vector<16xi32> -> vector<16xf32>
          %mul3A_491 = arith.mulf %bitcast_convert_type3A_484, %bitcast_convert_type3A_489 : vector<16xf32>
          %add3A_492 = arith.addf %add3A_386, %mul3A_491 : vector<16xf32>
          %mul3A_493 = arith.mulf %bitcast_convert_type3A_485, %bitcast_convert_type3A_490 : vector<16xf32>
          %add3A_494 = arith.addf %add3A_388, %mul3A_493 : vector<16xf32>
          %get3A_495 = arith.constant 1 : i32
          %get3A_496 = arith.index_cast %get3A_495 : i32 to index
          %get3A_497 = arith.index_cast %add3A_415 : i32 to index
          %get3A_498 = arith.constant 48 : index
          %get3A_499 = tpu.vector_load %arg9[%get3A_496, %get3A_497, %get3A_498] {strides = array<i32>} : memref<4x128x64xi32, #tpu.memory_space<vmem>>, vector<16xi32>,
          %add3A_500 = arith.constant 48 : i32
          %add3A_501 = vector.broadcast %add3A_500 : i32 to vector<16xi32>
          %add3A_502 = arith.addi %add3A_425, %add3A_501 : vector<16xi32>
          %gather3A_503 = tpu.vector_load_idx %arg10[%add3A_502] : memref<16384xi32, #tpu.memory_space<vmem>>[vector<16xi32>], vector<16xi32>,
          %shift_left3A_504 = arith.constant 16 : i32
          %shift_left3A_505 = vector.broadcast %shift_left3A_504 : i32 to vector<16xi32>
          %shift_left3A_506 = arith.shli %get3A_499, %shift_left3A_505 : vector<16xi32>
          %bitcast_convert_type3A_507 = tpu.bitcast %shift_left3A_506 : vector<16xi32> -> vector<16xf32>
          %bitcast_convert_type3A_508 = tpu.bitcast %get3A_499 : vector<16xi32> -> vector<16xf32>
          %shift_left3A_509 = arith.constant 16 : i32
          %shift_left3A_510 = vector.broadcast %shift_left3A_509 : i32 to vector<16xi32>
          %shift_left3A_511 = arith.shli %gather3A_503, %shift_left3A_510 : vector<16xi32>
          %bitcast_convert_type3A_512 = tpu.bitcast %shift_left3A_511 : vector<16xi32> -> vector<16xf32>
          %bitcast_convert_type3A_513 = tpu.bitcast %gather3A_503 : vector<16xi32> -> vector<16xf32>
          %mul3A_514 = arith.mulf %bitcast_convert_type3A_507, %bitcast_convert_type3A_512 : vector<16xf32>
          %add3A_515 = arith.addf %add3A_409, %mul3A_514 : vector<16xf32>
          %mul3A_516 = arith.mulf %bitcast_convert_type3A_508, %bitcast_convert_type3A_513 : vector<16xf32>
          %add3A_517 = arith.addf %add3A_411, %mul3A_516 : vector<16xf32>
          %mul3A_518 = arith.constant 4 : i32
          %mul3A_519 = arith.muli %scan3A_195, %mul3A_518 : i32
          %add3A_520 = arith.constant 3 : i32
          %add3A_521 = arith.addi %mul3A_519, %add3A_520 : i32
          %mul3A_522 = arith.constant 2048 : i32
          %mul3A_523 = arith.muli %select_n3A_160, %mul3A_522 : i32
          %add3A_524 = arith.addi %mul3A_523, %multiple_of3A_165 : i32
          %add3A_525 = arith.addi %add3A_524, %add3A_521 : i32
          %broadcast_in_dim3A_526 = vector.broadcast %add3A_525 : i32 to vector<16xi32>
          %gather3A_527 = tpu.vector_load_idx %arg8[%broadcast_in_dim3A_526] : memref<8192xi32, #tpu.memory_space<vmem>>[vector<16xi32>], vector<16xi32>,
          %mul3A_528 = arith.constant 64 : i32
          %mul3A_529 = vector.broadcast %mul3A_528 : i32 to vector<16xi32>
          %mul3A_530 = arith.muli %gather3A_527, %mul3A_529 : vector<16xi32>
          %add3A_531 = arith.addi %mul3A_530, %iota3A : vector<16xi32>
          %get3A_532 = arith.constant 1 : i32
          %get3A_533 = arith.index_cast %get3A_532 : i32 to index
          %get3A_534 = arith.index_cast %add3A_521 : i32 to index
          %get3A_535 = arith.constant 0 : index
          %get3A_536 = tpu.vector_load %arg9[%get3A_533, %get3A_534, %get3A_535] {strides = array<i32>} : memref<4x128x64xi32, #tpu.memory_space<vmem>>, vector<16xi32>,
          %add3A_537 = arith.constant 0 : i32
          %add3A_538 = vector.broadcast %add3A_537 : i32 to vector<16xi32>
          %add3A_539 = arith.addi %add3A_531, %add3A_538 : vector<16xi32>
          %gather3A_540 = tpu.vector_load_idx %arg10[%add3A_539] : memref<16384xi32, #tpu.memory_space<vmem>>[vector<16xi32>], vector<16xi32>,
          %shift_left3A_541 = arith.constant 16 : i32
          %shift_left3A_542 = vector.broadcast %shift_left3A_541 : i32 to vector<16xi32>
          %shift_left3A_543 = arith.shli %get3A_536, %shift_left3A_542 : vector<16xi32>
          %bitcast_convert_type3A_544 = tpu.bitcast %shift_left3A_543 : vector<16xi32> -> vector<16xf32>
          %bitcast_convert_type3A_545 = tpu.bitcast %get3A_536 : vector<16xi32> -> vector<16xf32>
          %shift_left3A_546 = arith.constant 16 : i32
          %shift_left3A_547 = vector.broadcast %shift_left3A_546 : i32 to vector<16xi32>
          %shift_left3A_548 = arith.shli %gather3A_540, %shift_left3A_547 : vector<16xi32>
          %bitcast_convert_type3A_549 = tpu.bitcast %shift_left3A_548 : vector<16xi32> -> vector<16xf32>
          %bitcast_convert_type3A_550 = tpu.bitcast %gather3A_540 : vector<16xi32> -> vector<16xf32>
          %mul3A_551 = arith.mulf %bitcast_convert_type3A_544, %bitcast_convert_type3A_549 : vector<16xf32>
          %add3A_552 = arith.addf %add3A_446, %mul3A_551 : vector<16xf32>
          %mul3A_553 = arith.mulf %bitcast_convert_type3A_545, %bitcast_convert_type3A_550 : vector<16xf32>
          %add3A_554 = arith.addf %add3A_448, %mul3A_553 : vector<16xf32>
          %get3A_555 = arith.constant 1 : i32
          %get3A_556 = arith.index_cast %get3A_555 : i32 to index
          %get3A_557 = arith.index_cast %add3A_521 : i32 to index
          %get3A_558 = arith.constant 16 : index
          %get3A_559 = tpu.vector_load %arg9[%get3A_556, %get3A_557, %get3A_558] {strides = array<i32>} : memref<4x128x64xi32, #tpu.memory_space<vmem>>, vector<16xi32>,
          %add3A_560 = arith.constant 16 : i32
          %add3A_561 = vector.broadcast %add3A_560 : i32 to vector<16xi32>
          %add3A_562 = arith.addi %add3A_531, %add3A_561 : vector<16xi32>
          %gather3A_563 = tpu.vector_load_idx %arg10[%add3A_562] : memref<16384xi32, #tpu.memory_space<vmem>>[vector<16xi32>], vector<16xi32>,
          %shift_left3A_564 = arith.constant 16 : i32
          %shift_left3A_565 = vector.broadcast %shift_left3A_564 : i32 to vector<16xi32>
          %shift_left3A_566 = arith.shli %get3A_559, %shift_left3A_565 : vector<16xi32>
          %bitcast_convert_type3A_567 = tpu.bitcast %shift_left3A_566 : vector<16xi32> -> vector<16xf32>
          %bitcast_convert_type3A_568 = tpu.bitcast %get3A_559 : vector<16xi32> -> vector<16xf32>
          %shift_left3A_569 = arith.constant 16 : i32
          %shift_left3A_570 = vector.broadcast %shift_left3A_569 : i32 to vector<16xi32>
          %shift_left3A_571 = arith.shli %gather3A_563, %shift_left3A_570 : vector<16xi32>
          %bitcast_convert_type3A_572 = tpu.bitcast %shift_left3A_571 : vector<16xi32> -> vector<16xf32>
          %bitcast_convert_type3A_573 = tpu.bitcast %gather3A_563 : vector<16xi32> -> vector<16xf32>
          %mul3A_574 = arith.mulf %bitcast_convert_type3A_567, %bitcast_convert_type3A_572 : vector<16xf32>
          %add3A_575 = arith.addf %add3A_469, %mul3A_574 : vector<16xf32>
          %mul3A_576 = arith.mulf %bitcast_convert_type3A_568, %bitcast_convert_type3A_573 : vector<16xf32>
          %add3A_577 = arith.addf %add3A_471, %mul3A_576 : vector<16xf32>
          %get3A_578 = arith.constant 1 : i32
          %get3A_579 = arith.index_cast %get3A_578 : i32 to index
          %get3A_580 = arith.index_cast %add3A_521 : i32 to index
          %get3A_581 = arith.constant 32 : index
          %get3A_582 = tpu.vector_load %arg9[%get3A_579, %get3A_580, %get3A_581] {strides = array<i32>} : memref<4x128x64xi32, #tpu.memory_space<vmem>>, vector<16xi32>,
          %add3A_583 = arith.constant 32 : i32
          %add3A_584 = vector.broadcast %add3A_583 : i32 to vector<16xi32>
          %add3A_585 = arith.addi %add3A_531, %add3A_584 : vector<16xi32>
          %gather3A_586 = tpu.vector_load_idx %arg10[%add3A_585] : memref<16384xi32, #tpu.memory_space<vmem>>[vector<16xi32>], vector<16xi32>,
          %shift_left3A_587 = arith.constant 16 : i32
          %shift_left3A_588 = vector.broadcast %shift_left3A_587 : i32 to vector<16xi32>
          %shift_left3A_589 = arith.shli %get3A_582, %shift_left3A_588 : vector<16xi32>
          %bitcast_convert_type3A_590 = tpu.bitcast %shift_left3A_589 : vector<16xi32> -> vector<16xf32>
          %bitcast_convert_type3A_591 = tpu.bitcast %get3A_582 : vector<16xi32> -> vector<16xf32>
          %shift_left3A_592 = arith.constant 16 : i32
          %shift_left3A_593 = vector.broadcast %shift_left3A_592 : i32 to vector<16xi32>
          %shift_left3A_594 = arith.shli %gather3A_586, %shift_left3A_593 : vector<16xi32>
          %bitcast_convert_type3A_595 = tpu.bitcast %shift_left3A_594 : vector<16xi32> -> vector<16xf32>
          %bitcast_convert_type3A_596 = tpu.bitcast %gather3A_586 : vector<16xi32> -> vector<16xf32>
          %mul3A_597 = arith.mulf %bitcast_convert_type3A_590, %bitcast_convert_type3A_595 : vector<16xf32>
          %add3A_598 = arith.addf %add3A_492, %mul3A_597 : vector<16xf32>
          %mul3A_599 = arith.mulf %bitcast_convert_type3A_591, %bitcast_convert_type3A_596 : vector<16xf32>
          %add3A_600 = arith.addf %add3A_494, %mul3A_599 : vector<16xf32>
          %get3A_601 = arith.constant 1 : i32
          %get3A_602 = arith.index_cast %get3A_601 : i32 to index
          %get3A_603 = arith.index_cast %add3A_521 : i32 to index
          %get3A_604 = arith.constant 48 : index
          %get3A_605 = tpu.vector_load %arg9[%get3A_602, %get3A_603, %get3A_604] {strides = array<i32>} : memref<4x128x64xi32, #tpu.memory_space<vmem>>, vector<16xi32>,
          %add3A_606 = arith.constant 48 : i32
          %add3A_607 = vector.broadcast %add3A_606 : i32 to vector<16xi32>
          %add3A_608 = arith.addi %add3A_531, %add3A_607 : vector<16xi32>
          %gather3A_609 = tpu.vector_load_idx %arg10[%add3A_608] : memref<16384xi32, #tpu.memory_space<vmem>>[vector<16xi32>], vector<16xi32>,
          %shift_left3A_610 = arith.constant 16 : i32
          %shift_left3A_611 = vector.broadcast %shift_left3A_610 : i32 to vector<16xi32>
          %shift_left3A_612 = arith.shli %get3A_605, %shift_left3A_611 : vector<16xi32>
          %bitcast_convert_type3A_613 = tpu.bitcast %shift_left3A_612 : vector<16xi32> -> vector<16xf32>
          %bitcast_convert_type3A_614 = tpu.bitcast %get3A_605 : vector<16xi32> -> vector<16xf32>
          %shift_left3A_615 = arith.constant 16 : i32
          %shift_left3A_616 = vector.broadcast %shift_left3A_615 : i32 to vector<16xi32>
          %shift_left3A_617 = arith.shli %gather3A_609, %shift_left3A_616 : vector<16xi32>
          %bitcast_convert_type3A_618 = tpu.bitcast %shift_left3A_617 : vector<16xi32> -> vector<16xf32>
          %bitcast_convert_type3A_619 = tpu.bitcast %gather3A_609 : vector<16xi32> -> vector<16xf32>
          %mul3A_620 = arith.mulf %bitcast_convert_type3A_613, %bitcast_convert_type3A_618 : vector<16xf32>
          %add3A_621 = arith.addf %add3A_515, %mul3A_620 : vector<16xf32>
          %mul3A_622 = arith.mulf %bitcast_convert_type3A_614, %bitcast_convert_type3A_619 : vector<16xf32>
          %add3A_623 = arith.addf %add3A_517, %mul3A_622 : vector<16xf32>
          scf.yield %add3A_552, %add3A_554, %add3A_575, %add3A_577, %add3A_598, %add3A_600, %add3A_621, %add3A_623 : vector<16xf32>, vector<16xf32>, vector<16xf32>, vector<16xf32>, vector<16xf32>, vector<16xf32>, vector<16xf32>, vector<16xf32>
        }
        %scan3A_171 = arith.constant 32 : i32
        %swap3A_172 = arith.constant 0 : index
        %swap3A_173 = tpu.vector_load %arg11[%swap3A_172] {strides = array<i32>} : memref<128xf32, #tpu.memory_space<vmem>>, vector<16xf32>,
        tpu.vector_store %arg11[%swap3A_172], %scan3A_170#0 {add = true, strides = array<i32>} : memref<128xf32, #tpu.memory_space<vmem>>, vector<16xf32>,
        %swap3A_174 = arith.constant 16 : index
        %swap3A_175 = tpu.vector_load %arg11[%swap3A_174] {strides = array<i32>} : memref<128xf32, #tpu.memory_space<vmem>>, vector<16xf32>,
        tpu.vector_store %arg11[%swap3A_174], %scan3A_170#1 {add = true, strides = array<i32>} : memref<128xf32, #tpu.memory_space<vmem>>, vector<16xf32>,
        %swap3A_176 = arith.constant 32 : index
        %swap3A_177 = tpu.vector_load %arg11[%swap3A_176] {strides = array<i32>} : memref<128xf32, #tpu.memory_space<vmem>>, vector<16xf32>,
        tpu.vector_store %arg11[%swap3A_176], %scan3A_170#2 {add = true, strides = array<i32>} : memref<128xf32, #tpu.memory_space<vmem>>, vector<16xf32>,
        %swap3A_178 = arith.constant 48 : index
        %swap3A_179 = tpu.vector_load %arg11[%swap3A_178] {strides = array<i32>} : memref<128xf32, #tpu.memory_space<vmem>>, vector<16xf32>,
        tpu.vector_store %arg11[%swap3A_178], %scan3A_170#3 {add = true, strides = array<i32>} : memref<128xf32, #tpu.memory_space<vmem>>, vector<16xf32>,
        %swap3A_180 = arith.constant 64 : index
        %swap3A_181 = tpu.vector_load %arg11[%swap3A_180] {strides = array<i32>} : memref<128xf32, #tpu.memory_space<vmem>>, vector<16xf32>,
        tpu.vector_store %arg11[%swap3A_180], %scan3A_170#4 {add = true, strides = array<i32>} : memref<128xf32, #tpu.memory_space<vmem>>, vector<16xf32>,
        %swap3A_182 = arith.constant 80 : index
        %swap3A_183 = tpu.vector_load %arg11[%swap3A_182] {strides = array<i32>} : memref<128xf32, #tpu.memory_space<vmem>>, vector<16xf32>,
        tpu.vector_store %arg11[%swap3A_182], %scan3A_170#5 {add = true, strides = array<i32>} : memref<128xf32, #tpu.memory_space<vmem>>, vector<16xf32>,
        %swap3A_184 = arith.constant 96 : index
        %swap3A_185 = tpu.vector_load %arg11[%swap3A_184] {strides = array<i32>} : memref<128xf32, #tpu.memory_space<vmem>>, vector<16xf32>,
        tpu.vector_store %arg11[%swap3A_184], %scan3A_170#6 {add = true, strides = array<i32>} : memref<128xf32, #tpu.memory_space<vmem>>, vector<16xf32>,
        %swap3A_186 = arith.constant 112 : index
        %swap3A_187 = tpu.vector_load %arg11[%swap3A_186] {strides = array<i32>} : memref<128xf32, #tpu.memory_space<vmem>>, vector<16xf32>,
        tpu.vector_store %arg11[%swap3A_186], %scan3A_170#7 {add = true, strides = array<i32>} : memref<128xf32, #tpu.memory_space<vmem>>, vector<16xf32>,
        %rem3A_188 = arith.constant 16 : i32
        %rem3A_189 = arith.remsi %scan3A_74, %rem3A_188 : i32
        %eq3A_190 = arith.constant 15 : i32
        %eq3A_191 = arith.cmpi eq, %rem3A_189, %eq3A_190 : i32
        %convert_element_type3A_192 = arith.extui %eq3A_191 : i1 to i32
        %cond3A_193 = arith.constant 0 : i32
        %cond3A_194 = arith.cmpi ne, %convert_element_type3A_192, %cond3A_193 : i32
        scf.if %cond3A_194 {
          %jit3A_195 = arith.constant 16 : i32
          %div3A_196 = arith.divsi %scan3A_74, %jit3A_195 : i32
          %sign3A_197 = arith.constant 0 : i32
          %sign3A_198 = arith.cmpi sgt, %scan3A_74, %sign3A_197 : i32
          %sign3A_199 = arith.extui %sign3A_198 : i1 to i32
          %sign3A_200 = arith.constant 0 : i32
          %sign3A_201 = arith.cmpi slt, %scan3A_74, %sign3A_200 : i32
          %sign3A_202 = arith.extui %sign3A_201 : i1 to i32
          %sign3A_203 = arith.subi %sign3A_199, %sign3A_202 : i32
          %sign3A_204 = arith.constant 0 : i32
          %sign3A_205 = arith.cmpi sgt, %jit3A_195, %sign3A_204 : i32
          %sign3A_206 = arith.extui %sign3A_205 : i1 to i32
          %sign3A_207 = arith.constant 0 : i32
          %sign3A_208 = arith.cmpi slt, %jit3A_195, %sign3A_207 : i32
          %sign3A_209 = arith.extui %sign3A_208 : i1 to i32
          %sign3A_210 = arith.subi %sign3A_206, %sign3A_209 : i32
          %ne3A_211 = arith.cmpi ne, %sign3A_203, %sign3A_210 : i32
          %rem3A_212 = arith.remsi %scan3A_74, %jit3A_195 : i32
          %ne3A_213 = arith.constant 0 : i32
          %ne3A_214 = arith.cmpi ne, %rem3A_212, %ne3A_213 : i32
          %and3A_215 = arith.andi %ne3A_211, %ne3A_214 : i1
          %sub3A_216 = arith.constant 1 : i32
          %sub3A_217 = arith.subi %div3A_196, %sub3A_216 : i32
          %select_n3A_218 = arith.select %and3A_215, %sub3A_217, %div3A_196 : i32
          %add3A_219 = arith.addi %mul3A_2, %select_n3A_218 : i32
          "tpu.region"() ({
            %run_scoped3A = tpu.sem_alloc : memref<!tpu.dma_semaphore, #tpu.memory_space<semaphore_mem>>
            %dma_start3A_236 = arith.constant 0 : i32
            %dma_start3A_237 = tpu.memref_slice %arg6[%add3A_219, %dma_start3A_236] : memref<128x128xf32, #tpu.memory_space<hbm>> -> memref<1x128xf32, #tpu.memory_space<hbm>>
            %dma_start3A_238 = tpu.memref_squeeze %dma_start3A_237 : memref<1x128xf32, #tpu.memory_space<hbm>> -> memref<128xf32, #tpu.memory_space<hbm>>
            %dma_start3A_239 = arith.constant 0 : i32
            %dma_start3A_240 = tpu.memref_slice %arg6[%add3A_219, %dma_start3A_239] : memref<128x128xf32, #tpu.memory_space<hbm>> -> memref<1x128xf32, #tpu.memory_space<hbm>>
            %dma_start3A_241 = tpu.memref_squeeze %dma_start3A_240 : memref<1x128xf32, #tpu.memory_space<hbm>> -> memref<128xf32, #tpu.memory_space<hbm>>
            tpu.enqueue_dma source(%arg11 : memref<128xf32, #tpu.memory_space<vmem>>) target(%dma_start3A_241 : memref<128xf32, #tpu.memory_space<hbm>>) target_semaphore(%run_scoped3A : memref<!tpu.dma_semaphore, #tpu.memory_space<semaphore_mem>>)
            %dma_wait3A_242 = arith.constant 0 : i32
            %dma_wait3A_243 = tpu.memref_slice %arg6[%add3A_219, %dma_wait3A_242] : memref<128x128xf32, #tpu.memory_space<hbm>> -> memref<1x128xf32, #tpu.memory_space<hbm>>
            %dma_wait3A_244 = tpu.memref_squeeze %dma_wait3A_243 : memref<1x128xf32, #tpu.memory_space<hbm>> -> memref<128xf32, #tpu.memory_space<hbm>>
            %dma_wait3A_245 = arith.constant 0 : i32
            %dma_wait3A_246 = tpu.memref_slice %arg6[%add3A_219, %dma_wait3A_245] : memref<128x128xf32, #tpu.memory_space<hbm>> -> memref<1x128xf32, #tpu.memory_space<hbm>>
            %dma_wait3A_247 = tpu.memref_squeeze %dma_wait3A_246 : memref<1x128xf32, #tpu.memory_space<hbm>> -> memref<128xf32, #tpu.memory_space<hbm>>
            tpu.wait_dma2 semaphore(%run_scoped3A : memref<!tpu.dma_semaphore, #tpu.memory_space<semaphore_mem>>) src(%arg11 : memref<128xf32, #tpu.memory_space<vmem>>) dst(%dma_wait3A_247 : memref<128xf32, #tpu.memory_space<hbm>>)
            tpu.yield
          }) : () -> ()
          %swap3A_220 = arith.constant 0 : index
          %swap3A_221 = tpu.vector_load %arg11[%swap3A_220] {strides = array<i32>} : memref<128xf32, #tpu.memory_space<vmem>>, vector<16xf32>,
          tpu.vector_store %arg11[%swap3A_220], %broadcast_in_dim3A_5 {strides = array<i32>} : memref<128xf32, #tpu.memory_space<vmem>>, vector<16xf32>,
          %swap3A_222 = arith.constant 16 : index
          %swap3A_223 = tpu.vector_load %arg11[%swap3A_222] {strides = array<i32>} : memref<128xf32, #tpu.memory_space<vmem>>, vector<16xf32>,
          tpu.vector_store %arg11[%swap3A_222], %broadcast_in_dim3A_5 {strides = array<i32>} : memref<128xf32, #tpu.memory_space<vmem>>, vector<16xf32>,
          %swap3A_224 = arith.constant 32 : index
          %swap3A_225 = tpu.vector_load %arg11[%swap3A_224] {strides = array<i32>} : memref<128xf32, #tpu.memory_space<vmem>>, vector<16xf32>,
          tpu.vector_store %arg11[%swap3A_224], %broadcast_in_dim3A_5 {strides = array<i32>} : memref<128xf32, #tpu.memory_space<vmem>>, vector<16xf32>,
          %swap3A_226 = arith.constant 48 : index
          %swap3A_227 = tpu.vector_load %arg11[%swap3A_226] {strides = array<i32>} : memref<128xf32, #tpu.memory_space<vmem>>, vector<16xf32>,
          tpu.vector_store %arg11[%swap3A_226], %broadcast_in_dim3A_5 {strides = array<i32>} : memref<128xf32, #tpu.memory_space<vmem>>, vector<16xf32>,
          %swap3A_228 = arith.constant 64 : index
          %swap3A_229 = tpu.vector_load %arg11[%swap3A_228] {strides = array<i32>} : memref<128xf32, #tpu.memory_space<vmem>>, vector<16xf32>,
          tpu.vector_store %arg11[%swap3A_228], %broadcast_in_dim3A_5 {strides = array<i32>} : memref<128xf32, #tpu.memory_space<vmem>>, vector<16xf32>,
          %swap3A_230 = arith.constant 80 : index
          %swap3A_231 = tpu.vector_load %arg11[%swap3A_230] {strides = array<i32>} : memref<128xf32, #tpu.memory_space<vmem>>, vector<16xf32>,
          tpu.vector_store %arg11[%swap3A_230], %broadcast_in_dim3A_5 {strides = array<i32>} : memref<128xf32, #tpu.memory_space<vmem>>, vector<16xf32>,
          %swap3A_232 = arith.constant 96 : index
          %swap3A_233 = tpu.vector_load %arg11[%swap3A_232] {strides = array<i32>} : memref<128xf32, #tpu.memory_space<vmem>>, vector<16xf32>,
          tpu.vector_store %arg11[%swap3A_232], %broadcast_in_dim3A_5 {strides = array<i32>} : memref<128xf32, #tpu.memory_space<vmem>>, vector<16xf32>,
          %swap3A_234 = arith.constant 112 : index
          %swap3A_235 = tpu.vector_load %arg11[%swap3A_234] {strides = array<i32>} : memref<128xf32, #tpu.memory_space<vmem>>, vector<16xf32>,
          tpu.vector_store %arg11[%swap3A_234], %broadcast_in_dim3A_5 {strides = array<i32>} : memref<128xf32, #tpu.memory_space<vmem>>, vector<16xf32>,
        } else {
        }
      } else {
      }
      %rem3A_86 = arith.constant 4 : i32
      %rem3A_87 = arith.remsi %scan3A_74, %rem3A_86 : i32
      %eq3A_88 = arith.constant 2 : i32
      %eq3A_89 = arith.cmpi eq, %rem3A_87, %eq3A_88 : i32
      %convert_element_type3A_90 = arith.extui %eq3A_89 : i1 to i32
      %cond3A_91 = arith.constant 0 : i32
      %cond3A_92 = arith.cmpi ne, %convert_element_type3A_90, %cond3A_91 : i32
      scf.if %cond3A_92 {
        %jit3A = arith.constant 16 : i32
        %div3A = arith.divsi %scan3A_74, %jit3A : i32
        %sign3A = arith.constant 0 : i32
        %sign3A_100 = arith.cmpi sgt, %scan3A_74, %sign3A : i32
        %sign3A_101 = arith.extui %sign3A_100 : i1 to i32
        %sign3A_102 = arith.constant 0 : i32
        %sign3A_103 = arith.cmpi slt, %scan3A_74, %sign3A_102 : i32
        %sign3A_104 = arith.extui %sign3A_103 : i1 to i32
        %sign3A_105 = arith.subi %sign3A_101, %sign3A_104 : i32
        %sign3A_106 = arith.constant 0 : i32
        %sign3A_107 = arith.cmpi sgt, %jit3A, %sign3A_106 : i32
        %sign3A_108 = arith.extui %sign3A_107 : i1 to i32
        %sign3A_109 = arith.constant 0 : i32
        %sign3A_110 = arith.cmpi slt, %jit3A, %sign3A_109 : i32
        %sign3A_111 = arith.extui %sign3A_110 : i1 to i32
        %sign3A_112 = arith.subi %sign3A_108, %sign3A_111 : i32
        %ne3A = arith.cmpi ne, %sign3A_105, %sign3A_112 : i32
        %rem3A_113 = arith.remsi %scan3A_74, %jit3A : i32
        %ne3A_114 = arith.constant 0 : i32
        %ne3A_115 = arith.cmpi ne, %rem3A_113, %ne3A_114 : i32
        %and3A = arith.andi %ne3A, %ne3A_115 : i1
        %sub3A = arith.constant 1 : i32
        %sub3A_116 = arith.subi %div3A, %sub3A : i32
        %select_n3A = arith.select %and3A, %sub3A_116, %div3A : i32
        %rem3A_117 = arith.constant 16 : i32
        %rem3A_118 = arith.remsi %scan3A_74, %rem3A_117 : i32
        %mul3A_119 = arith.constant 128 : i32
        %mul3A_120 = arith.muli %rem3A_118, %mul3A_119 : i32
        %multiple_of3A_121 = tpu.assume_multiple %mul3A_120, 128 : i32
        %dma_wait3A = arith.constant 2 : i32
        %dma_wait3A_122 = arith.constant 0 : i32
        %dma_wait3A_123 = arith.constant 0 : i32
        %dma_wait3A_124 = tpu.memref_slice %arg9[%dma_wait3A, %dma_wait3A_122, %dma_wait3A_123] : memref<4x128x64xi32, #tpu.memory_space<vmem>> -> memref<1x128x64xi32, #tpu.memory_space<vmem>>
        %dma_wait3A_125 = tpu.memref_squeeze %dma_wait3A_124 : memref<1x128x64xi32, #tpu.memory_space<vmem>> -> memref<128x64xi32, #tpu.memory_space<vmem>>
        %dma_wait3A_126 = tpu.memref_slice %arg7[%select_n3A, %multiple_of3A_121] : memref<4x2048xi32, #tpu.memory_space<vmem>> -> memref<1x128xi32, #tpu.memory_space<vmem>>
        %dma_wait3A_127 = tpu.memref_squeeze %dma_wait3A_126 : memref<1x128xi32, #tpu.memory_space<vmem>> -> memref<128xi32, #tpu.memory_space<vmem>>
        %dma_wait3A_128 = arith.constant 0 : i32
        %dma_wait3A_129 = arith.constant 0 : i32
        %dma_wait3A_130 = tpu.memref_slice %arg4[%dma_wait3A_128, %dma_wait3A_129] : memref<2048x64xi32, #tpu.memory_space<hbm>> -> memref<2048x64xi32, #tpu.memory_space<hbm>>
        tpu.wait_indirect_dma semaphore(%arg14 : memref<!tpu.dma_semaphore, #tpu.memory_space<semaphore_mem>>) src(%dma_wait3A_130 : memref<2048x64xi32, #tpu.memory_space<hbm>>) dst(%dma_wait3A_125 : memref<128x64xi32, #tpu.memory_space<vmem>>)
        %add3A_131 = arith.constant 3 : i32
        %add3A_132 = arith.addi %scan3A_74, %add3A_131 : i32
        %lt3A = arith.constant 64 : i32
        %lt3A_133 = arith.cmpi slt, %add3A_132, %lt3A : i32
        %convert_element_type3A_134 = arith.extui %lt3A_133 : i1 to i32
        %cond3A_135 = arith.constant 0 : i32
        %cond3A_136 = arith.cmpi ne, %convert_element_type3A_134, %cond3A_135 : i32
        scf.if %cond3A_136 {
          %add3A_195 = arith.constant 3 : i32
          %add3A_196 = arith.addi %scan3A_74, %add3A_195 : i32
          %jit3A_197 = arith.constant 16 : i32
          %div3A_198 = arith.divsi %add3A_196, %jit3A_197 : i32
          %sign3A_199 = arith.constant 0 : i32
          %sign3A_200 = arith.cmpi sgt, %add3A_196, %sign3A_199 : i32
          %sign3A_201 = arith.extui %sign3A_200 : i1 to i32
          %sign3A_202 = arith.constant 0 : i32
          %sign3A_203 = arith.cmpi slt, %add3A_196, %sign3A_202 : i32
          %sign3A_204 = arith.extui %sign3A_203 : i1 to i32
          %sign3A_205 = arith.subi %sign3A_201, %sign3A_204 : i32
          %sign3A_206 = arith.constant 0 : i32
          %sign3A_207 = arith.cmpi sgt, %jit3A_197, %sign3A_206 : i32
          %sign3A_208 = arith.extui %sign3A_207 : i1 to i32
          %sign3A_209 = arith.constant 0 : i32
          %sign3A_210 = arith.cmpi slt, %jit3A_197, %sign3A_209 : i32
          %sign3A_211 = arith.extui %sign3A_210 : i1 to i32
          %sign3A_212 = arith.subi %sign3A_208, %sign3A_211 : i32
          %ne3A_213 = arith.cmpi ne, %sign3A_205, %sign3A_212 : i32
          %rem3A_214 = arith.remsi %add3A_196, %jit3A_197 : i32
          %ne3A_215 = arith.constant 0 : i32
          %ne3A_216 = arith.cmpi ne, %rem3A_214, %ne3A_215 : i32
          %and3A_217 = arith.andi %ne3A_213, %ne3A_216 : i1
          %sub3A_218 = arith.constant 1 : i32
          %sub3A_219 = arith.subi %div3A_198, %sub3A_218 : i32
          %select_n3A_220 = arith.select %and3A_217, %sub3A_219, %div3A_198 : i32
          %rem3A_221 = arith.constant 16 : i32
          %rem3A_222 = arith.remsi %add3A_196, %rem3A_221 : i32
          %mul3A_223 = arith.constant 128 : i32
          %mul3A_224 = arith.muli %rem3A_222, %mul3A_223 : i32
          %multiple_of3A_225 = tpu.assume_multiple %mul3A_224, 128 : i32
          %dma_start3A_226 = arith.constant 1 : i32
          %dma_start3A_227 = arith.constant 0 : i32
          %dma_start3A_228 = arith.constant 0 : i32
          %dma_start3A_229 = tpu.memref_slice %arg9[%dma_start3A_226, %dma_start3A_227, %dma_start3A_228] : memref<4x128x64xi32, #tpu.memory_space<vmem>> -> memref<1x128x64xi32, #tpu.memory_space<vmem>>
          %dma_start3A_230 = tpu.memref_squeeze %dma_start3A_229 : memref<1x128x64xi32, #tpu.memory_space<vmem>> -> memref<128x64xi32, #tpu.memory_space<vmem>>
          %dma_start3A_231 = tpu.memref_slice %arg7[%select_n3A_220, %multiple_of3A_225] : memref<4x2048xi32, #tpu.memory_space<vmem>> -> memref<1x128xi32, #tpu.memory_space<vmem>>
          %dma_start3A_232 = tpu.memref_squeeze %dma_start3A_231 : memref<1x128xi32, #tpu.memory_space<vmem>> -> memref<128xi32, #tpu.memory_space<vmem>>
          %dma_start3A_233 = arith.constant 0 : i32
          %dma_start3A_234 = arith.constant 0 : i32
          %dma_start3A_235 = tpu.memref_slice %arg4[%dma_start3A_233, %dma_start3A_234] : memref<2048x64xi32, #tpu.memory_space<hbm>> -> memref<2048x64xi32, #tpu.memory_space<hbm>>
          tpu.enqueue_indirect_dma source(%dma_start3A_235 : memref<2048x64xi32, #tpu.memory_space<hbm>>) target(%dma_start3A_230 : memref<128x64xi32, #tpu.memory_space<vmem>>) offsets(%dma_start3A_232 : memref<128xi32, #tpu.memory_space<vmem>>) semaphore(%arg13 : memref<!tpu.dma_semaphore, #tpu.memory_space<semaphore_mem>>)
        } else {
        }
        %jit3A_137 = arith.constant 16 : i32
        %div3A_138 = arith.divsi %scan3A_74, %jit3A_137 : i32
        %sign3A_139 = arith.constant 0 : i32
        %sign3A_140 = arith.cmpi sgt, %scan3A_74, %sign3A_139 : i32
        %sign3A_141 = arith.extui %sign3A_140 : i1 to i32
        %sign3A_142 = arith.constant 0 : i32
        %sign3A_143 = arith.cmpi slt, %scan3A_74, %sign3A_142 : i32
        %sign3A_144 = arith.extui %sign3A_143 : i1 to i32
        %sign3A_145 = arith.subi %sign3A_141, %sign3A_144 : i32
        %sign3A_146 = arith.constant 0 : i32
        %sign3A_147 = arith.cmpi sgt, %jit3A_137, %sign3A_146 : i32
        %sign3A_148 = arith.extui %sign3A_147 : i1 to i32
        %sign3A_149 = arith.constant 0 : i32
        %sign3A_150 = arith.cmpi slt, %jit3A_137, %sign3A_149 : i32
        %sign3A_151 = arith.extui %sign3A_150 : i1 to i32
        %sign3A_152 = arith.subi %sign3A_148, %sign3A_151 : i32
        %ne3A_153 = arith.cmpi ne, %sign3A_145, %sign3A_152 : i32
        %rem3A_154 = arith.remsi %scan3A_74, %jit3A_137 : i32
        %ne3A_155 = arith.constant 0 : i32
        %ne3A_156 = arith.cmpi ne, %rem3A_154, %ne3A_155 : i32
        %and3A_157 = arith.andi %ne3A_153, %ne3A_156 : i1
        %sub3A_158 = arith.constant 1 : i32
        %sub3A_159 = arith.subi %div3A_138, %sub3A_158 : i32
        %select_n3A_160 = arith.select %and3A_157, %sub3A_159, %div3A_138 : i32
        %rem3A_161 = arith.constant 16 : i32
        %rem3A_162 = arith.remsi %scan3A_74, %rem3A_161 : i32
        %mul3A_163 = arith.constant 128 : i32
        %mul3A_164 = arith.muli %rem3A_162, %mul3A_163 : i32
        %multiple_of3A_165 = tpu.assume_multiple %mul3A_164, 128 : i32
        %scan3A_166 = arith.constant 0 : i32
        %scan3A_167 = arith.constant 32 : i32
        %scan3A_168 = arith.addi %scan3A_166, %scan3A_167 : i32
        %scan3A_169 = arith.constant 1 : i32
        %scan3A_170:8 = scf.for %scan3A_195 = %scan3A_166 to %scan3A_168 step %scan3A_169 iter_args(%scan3A_196 = %broadcast_in_dim3A_5, %scan3A_197 = %broadcast_in_dim3A_5, %scan3A_198 = %broadcast_in_dim3A_5, %scan3A_199 = %broadcast_in_dim3A_5, %scan3A_200 = %broadcast_in_dim3A_5, %scan3A_201 = %broadcast_in_dim3A_5, %scan3A_202 = %broadcast_in_dim3A_5, %scan3A_203 = %broadcast_in_dim3A_5) -> (vector<16xf32>, vector<16xf32>, vector<16xf32>, vector<16xf32>, vector<16xf32>, vector<16xf32>, vector<16xf32>, vector<16xf32>)  : i32 {
          %mul3A_204 = arith.constant 4 : i32
          %mul3A_205 = arith.muli %scan3A_195, %mul3A_204 : i32
          %add3A_206 = arith.constant 0 : i32
          %add3A_207 = arith.addi %mul3A_205, %add3A_206 : i32
          %mul3A_208 = arith.constant 2048 : i32
          %mul3A_209 = arith.muli %select_n3A_160, %mul3A_208 : i32
          %add3A_210 = arith.addi %mul3A_209, %multiple_of3A_165 : i32
          %add3A_211 = arith.addi %add3A_210, %add3A_207 : i32
          %broadcast_in_dim3A_212 = vector.broadcast %add3A_211 : i32 to vector<16xi32>
          %gather3A = tpu.vector_load_idx %arg8[%broadcast_in_dim3A_212] : memref<8192xi32, #tpu.memory_space<vmem>>[vector<16xi32>], vector<16xi32>,
          %mul3A_213 = arith.constant 64 : i32
          %mul3A_214 = vector.broadcast %mul3A_213 : i32 to vector<16xi32>
          %mul3A_215 = arith.muli %gather3A, %mul3A_214 : vector<16xi32>
          %add3A_216 = arith.addi %mul3A_215, %iota3A : vector<16xi32>
          %get3A = arith.constant 2 : i32
          %get3A_217 = arith.index_cast %get3A : i32 to index
          %get3A_218 = arith.index_cast %add3A_207 : i32 to index
          %get3A_219 = arith.constant 0 : index
          %get3A_220 = tpu.vector_load %arg9[%get3A_217, %get3A_218, %get3A_219] {strides = array<i32>} : memref<4x128x64xi32, #tpu.memory_space<vmem>>, vector<16xi32>,
          %add3A_221 = arith.constant 0 : i32
          %add3A_222 = vector.broadcast %add3A_221 : i32 to vector<16xi32>
          %add3A_223 = arith.addi %add3A_216, %add3A_222 : vector<16xi32>
          %gather3A_224 = tpu.vector_load_idx %arg10[%add3A_223] : memref<16384xi32, #tpu.memory_space<vmem>>[vector<16xi32>], vector<16xi32>,
          %shift_left3A = arith.constant 16 : i32
          %shift_left3A_225 = vector.broadcast %shift_left3A : i32 to vector<16xi32>
          %shift_left3A_226 = arith.shli %get3A_220, %shift_left3A_225 : vector<16xi32>
          %bitcast_convert_type3A = tpu.bitcast %shift_left3A_226 : vector<16xi32> -> vector<16xf32>
          %bitcast_convert_type3A_227 = tpu.bitcast %get3A_220 : vector<16xi32> -> vector<16xf32>
          %shift_left3A_228 = arith.constant 16 : i32
          %shift_left3A_229 = vector.broadcast %shift_left3A_228 : i32 to vector<16xi32>
          %shift_left3A_230 = arith.shli %gather3A_224, %shift_left3A_229 : vector<16xi32>
          %bitcast_convert_type3A_231 = tpu.bitcast %shift_left3A_230 : vector<16xi32> -> vector<16xf32>
          %bitcast_convert_type3A_232 = tpu.bitcast %gather3A_224 : vector<16xi32> -> vector<16xf32>
          %mul3A_233 = arith.mulf %bitcast_convert_type3A, %bitcast_convert_type3A_231 : vector<16xf32>
          %add3A_234 = arith.addf %scan3A_196, %mul3A_233 : vector<16xf32>
          %mul3A_235 = arith.mulf %bitcast_convert_type3A_227, %bitcast_convert_type3A_232 : vector<16xf32>
          %add3A_236 = arith.addf %scan3A_197, %mul3A_235 : vector<16xf32>
          %get3A_237 = arith.constant 2 : i32
          %get3A_238 = arith.index_cast %get3A_237 : i32 to index
          %get3A_239 = arith.index_cast %add3A_207 : i32 to index
          %get3A_240 = arith.constant 16 : index
          %get3A_241 = tpu.vector_load %arg9[%get3A_238, %get3A_239, %get3A_240] {strides = array<i32>} : memref<4x128x64xi32, #tpu.memory_space<vmem>>, vector<16xi32>,
          %add3A_242 = arith.constant 16 : i32
          %add3A_243 = vector.broadcast %add3A_242 : i32 to vector<16xi32>
          %add3A_244 = arith.addi %add3A_216, %add3A_243 : vector<16xi32>
          %gather3A_245 = tpu.vector_load_idx %arg10[%add3A_244] : memref<16384xi32, #tpu.memory_space<vmem>>[vector<16xi32>], vector<16xi32>,
          %shift_left3A_246 = arith.constant 16 : i32
          %shift_left3A_247 = vector.broadcast %shift_left3A_246 : i32 to vector<16xi32>
          %shift_left3A_248 = arith.shli %get3A_241, %shift_left3A_247 : vector<16xi32>
          %bitcast_convert_type3A_249 = tpu.bitcast %shift_left3A_248 : vector<16xi32> -> vector<16xf32>
          %bitcast_convert_type3A_250 = tpu.bitcast %get3A_241 : vector<16xi32> -> vector<16xf32>
          %shift_left3A_251 = arith.constant 16 : i32
          %shift_left3A_252 = vector.broadcast %shift_left3A_251 : i32 to vector<16xi32>
          %shift_left3A_253 = arith.shli %gather3A_245, %shift_left3A_252 : vector<16xi32>
          %bitcast_convert_type3A_254 = tpu.bitcast %shift_left3A_253 : vector<16xi32> -> vector<16xf32>
          %bitcast_convert_type3A_255 = tpu.bitcast %gather3A_245 : vector<16xi32> -> vector<16xf32>
          %mul3A_256 = arith.mulf %bitcast_convert_type3A_249, %bitcast_convert_type3A_254 : vector<16xf32>
          %add3A_257 = arith.addf %scan3A_198, %mul3A_256 : vector<16xf32>
          %mul3A_258 = arith.mulf %bitcast_convert_type3A_250, %bitcast_convert_type3A_255 : vector<16xf32>
          %add3A_259 = arith.addf %scan3A_199, %mul3A_258 : vector<16xf32>
          %get3A_260 = arith.constant 2 : i32
          %get3A_261 = arith.index_cast %get3A_260 : i32 to index
          %get3A_262 = arith.index_cast %add3A_207 : i32 to index
          %get3A_263 = arith.constant 32 : index
          %get3A_264 = tpu.vector_load %arg9[%get3A_261, %get3A_262, %get3A_263] {strides = array<i32>} : memref<4x128x64xi32, #tpu.memory_space<vmem>>, vector<16xi32>,
          %add3A_265 = arith.constant 32 : i32
          %add3A_266 = vector.broadcast %add3A_265 : i32 to vector<16xi32>
          %add3A_267 = arith.addi %add3A_216, %add3A_266 : vector<16xi32>
          %gather3A_268 = tpu.vector_load_idx %arg10[%add3A_267] : memref<16384xi32, #tpu.memory_space<vmem>>[vector<16xi32>], vector<16xi32>,
          %shift_left3A_269 = arith.constant 16 : i32
          %shift_left3A_270 = vector.broadcast %shift_left3A_269 : i32 to vector<16xi32>
          %shift_left3A_271 = arith.shli %get3A_264, %shift_left3A_270 : vector<16xi32>
          %bitcast_convert_type3A_272 = tpu.bitcast %shift_left3A_271 : vector<16xi32> -> vector<16xf32>
          %bitcast_convert_type3A_273 = tpu.bitcast %get3A_264 : vector<16xi32> -> vector<16xf32>
          %shift_left3A_274 = arith.constant 16 : i32
          %shift_left3A_275 = vector.broadcast %shift_left3A_274 : i32 to vector<16xi32>
          %shift_left3A_276 = arith.shli %gather3A_268, %shift_left3A_275 : vector<16xi32>
          %bitcast_convert_type3A_277 = tpu.bitcast %shift_left3A_276 : vector<16xi32> -> vector<16xf32>
          %bitcast_convert_type3A_278 = tpu.bitcast %gather3A_268 : vector<16xi32> -> vector<16xf32>
          %mul3A_279 = arith.mulf %bitcast_convert_type3A_272, %bitcast_convert_type3A_277 : vector<16xf32>
          %add3A_280 = arith.addf %scan3A_200, %mul3A_279 : vector<16xf32>
          %mul3A_281 = arith.mulf %bitcast_convert_type3A_273, %bitcast_convert_type3A_278 : vector<16xf32>
          %add3A_282 = arith.addf %scan3A_201, %mul3A_281 : vector<16xf32>
          %get3A_283 = arith.constant 2 : i32
          %get3A_284 = arith.index_cast %get3A_283 : i32 to index
          %get3A_285 = arith.index_cast %add3A_207 : i32 to index
          %get3A_286 = arith.constant 48 : index
          %get3A_287 = tpu.vector_load %arg9[%get3A_284, %get3A_285, %get3A_286] {strides = array<i32>} : memref<4x128x64xi32, #tpu.memory_space<vmem>>, vector<16xi32>,
          %add3A_288 = arith.constant 48 : i32
          %add3A_289 = vector.broadcast %add3A_288 : i32 to vector<16xi32>
          %add3A_290 = arith.addi %add3A_216, %add3A_289 : vector<16xi32>
          %gather3A_291 = tpu.vector_load_idx %arg10[%add3A_290] : memref<16384xi32, #tpu.memory_space<vmem>>[vector<16xi32>], vector<16xi32>,
          %shift_left3A_292 = arith.constant 16 : i32
          %shift_left3A_293 = vector.broadcast %shift_left3A_292 : i32 to vector<16xi32>
          %shift_left3A_294 = arith.shli %get3A_287, %shift_left3A_293 : vector<16xi32>
          %bitcast_convert_type3A_295 = tpu.bitcast %shift_left3A_294 : vector<16xi32> -> vector<16xf32>
          %bitcast_convert_type3A_296 = tpu.bitcast %get3A_287 : vector<16xi32> -> vector<16xf32>
          %shift_left3A_297 = arith.constant 16 : i32
          %shift_left3A_298 = vector.broadcast %shift_left3A_297 : i32 to vector<16xi32>
          %shift_left3A_299 = arith.shli %gather3A_291, %shift_left3A_298 : vector<16xi32>
          %bitcast_convert_type3A_300 = tpu.bitcast %shift_left3A_299 : vector<16xi32> -> vector<16xf32>
          %bitcast_convert_type3A_301 = tpu.bitcast %gather3A_291 : vector<16xi32> -> vector<16xf32>
          %mul3A_302 = arith.mulf %bitcast_convert_type3A_295, %bitcast_convert_type3A_300 : vector<16xf32>
          %add3A_303 = arith.addf %scan3A_202, %mul3A_302 : vector<16xf32>
          %mul3A_304 = arith.mulf %bitcast_convert_type3A_296, %bitcast_convert_type3A_301 : vector<16xf32>
          %add3A_305 = arith.addf %scan3A_203, %mul3A_304 : vector<16xf32>
          %mul3A_306 = arith.constant 4 : i32
          %mul3A_307 = arith.muli %scan3A_195, %mul3A_306 : i32
          %add3A_308 = arith.constant 1 : i32
          %add3A_309 = arith.addi %mul3A_307, %add3A_308 : i32
          %mul3A_310 = arith.constant 2048 : i32
          %mul3A_311 = arith.muli %select_n3A_160, %mul3A_310 : i32
          %add3A_312 = arith.addi %mul3A_311, %multiple_of3A_165 : i32
          %add3A_313 = arith.addi %add3A_312, %add3A_309 : i32
          %broadcast_in_dim3A_314 = vector.broadcast %add3A_313 : i32 to vector<16xi32>
          %gather3A_315 = tpu.vector_load_idx %arg8[%broadcast_in_dim3A_314] : memref<8192xi32, #tpu.memory_space<vmem>>[vector<16xi32>], vector<16xi32>,
          %mul3A_316 = arith.constant 64 : i32
          %mul3A_317 = vector.broadcast %mul3A_316 : i32 to vector<16xi32>
          %mul3A_318 = arith.muli %gather3A_315, %mul3A_317 : vector<16xi32>
          %add3A_319 = arith.addi %mul3A_318, %iota3A : vector<16xi32>
          %get3A_320 = arith.constant 2 : i32
          %get3A_321 = arith.index_cast %get3A_320 : i32 to index
          %get3A_322 = arith.index_cast %add3A_309 : i32 to index
          %get3A_323 = arith.constant 0 : index
          %get3A_324 = tpu.vector_load %arg9[%get3A_321, %get3A_322, %get3A_323] {strides = array<i32>} : memref<4x128x64xi32, #tpu.memory_space<vmem>>, vector<16xi32>,
          %add3A_325 = arith.constant 0 : i32
          %add3A_326 = vector.broadcast %add3A_325 : i32 to vector<16xi32>
          %add3A_327 = arith.addi %add3A_319, %add3A_326 : vector<16xi32>
          %gather3A_328 = tpu.vector_load_idx %arg10[%add3A_327] : memref<16384xi32, #tpu.memory_space<vmem>>[vector<16xi32>], vector<16xi32>,
          %shift_left3A_329 = arith.constant 16 : i32
          %shift_left3A_330 = vector.broadcast %shift_left3A_329 : i32 to vector<16xi32>
          %shift_left3A_331 = arith.shli %get3A_324, %shift_left3A_330 : vector<16xi32>
          %bitcast_convert_type3A_332 = tpu.bitcast %shift_left3A_331 : vector<16xi32> -> vector<16xf32>
          %bitcast_convert_type3A_333 = tpu.bitcast %get3A_324 : vector<16xi32> -> vector<16xf32>
          %shift_left3A_334 = arith.constant 16 : i32
          %shift_left3A_335 = vector.broadcast %shift_left3A_334 : i32 to vector<16xi32>
          %shift_left3A_336 = arith.shli %gather3A_328, %shift_left3A_335 : vector<16xi32>
          %bitcast_convert_type3A_337 = tpu.bitcast %shift_left3A_336 : vector<16xi32> -> vector<16xf32>
          %bitcast_convert_type3A_338 = tpu.bitcast %gather3A_328 : vector<16xi32> -> vector<16xf32>
          %mul3A_339 = arith.mulf %bitcast_convert_type3A_332, %bitcast_convert_type3A_337 : vector<16xf32>
          %add3A_340 = arith.addf %add3A_234, %mul3A_339 : vector<16xf32>
          %mul3A_341 = arith.mulf %bitcast_convert_type3A_333, %bitcast_convert_type3A_338 : vector<16xf32>
          %add3A_342 = arith.addf %add3A_236, %mul3A_341 : vector<16xf32>
          %get3A_343 = arith.constant 2 : i32
          %get3A_344 = arith.index_cast %get3A_343 : i32 to index
          %get3A_345 = arith.index_cast %add3A_309 : i32 to index
          %get3A_346 = arith.constant 16 : index
          %get3A_347 = tpu.vector_load %arg9[%get3A_344, %get3A_345, %get3A_346] {strides = array<i32>} : memref<4x128x64xi32, #tpu.memory_space<vmem>>, vector<16xi32>,
          %add3A_348 = arith.constant 16 : i32
          %add3A_349 = vector.broadcast %add3A_348 : i32 to vector<16xi32>
          %add3A_350 = arith.addi %add3A_319, %add3A_349 : vector<16xi32>
          %gather3A_351 = tpu.vector_load_idx %arg10[%add3A_350] : memref<16384xi32, #tpu.memory_space<vmem>>[vector<16xi32>], vector<16xi32>,
          %shift_left3A_352 = arith.constant 16 : i32
          %shift_left3A_353 = vector.broadcast %shift_left3A_352 : i32 to vector<16xi32>
          %shift_left3A_354 = arith.shli %get3A_347, %shift_left3A_353 : vector<16xi32>
          %bitcast_convert_type3A_355 = tpu.bitcast %shift_left3A_354 : vector<16xi32> -> vector<16xf32>
          %bitcast_convert_type3A_356 = tpu.bitcast %get3A_347 : vector<16xi32> -> vector<16xf32>
          %shift_left3A_357 = arith.constant 16 : i32
          %shift_left3A_358 = vector.broadcast %shift_left3A_357 : i32 to vector<16xi32>
          %shift_left3A_359 = arith.shli %gather3A_351, %shift_left3A_358 : vector<16xi32>
          %bitcast_convert_type3A_360 = tpu.bitcast %shift_left3A_359 : vector<16xi32> -> vector<16xf32>
          %bitcast_convert_type3A_361 = tpu.bitcast %gather3A_351 : vector<16xi32> -> vector<16xf32>
          %mul3A_362 = arith.mulf %bitcast_convert_type3A_355, %bitcast_convert_type3A_360 : vector<16xf32>
          %add3A_363 = arith.addf %add3A_257, %mul3A_362 : vector<16xf32>
          %mul3A_364 = arith.mulf %bitcast_convert_type3A_356, %bitcast_convert_type3A_361 : vector<16xf32>
          %add3A_365 = arith.addf %add3A_259, %mul3A_364 : vector<16xf32>
          %get3A_366 = arith.constant 2 : i32
          %get3A_367 = arith.index_cast %get3A_366 : i32 to index
          %get3A_368 = arith.index_cast %add3A_309 : i32 to index
          %get3A_369 = arith.constant 32 : index
          %get3A_370 = tpu.vector_load %arg9[%get3A_367, %get3A_368, %get3A_369] {strides = array<i32>} : memref<4x128x64xi32, #tpu.memory_space<vmem>>, vector<16xi32>,
          %add3A_371 = arith.constant 32 : i32
          %add3A_372 = vector.broadcast %add3A_371 : i32 to vector<16xi32>
          %add3A_373 = arith.addi %add3A_319, %add3A_372 : vector<16xi32>
          %gather3A_374 = tpu.vector_load_idx %arg10[%add3A_373] : memref<16384xi32, #tpu.memory_space<vmem>>[vector<16xi32>], vector<16xi32>,
          %shift_left3A_375 = arith.constant 16 : i32
          %shift_left3A_376 = vector.broadcast %shift_left3A_375 : i32 to vector<16xi32>
          %shift_left3A_377 = arith.shli %get3A_370, %shift_left3A_376 : vector<16xi32>
          %bitcast_convert_type3A_378 = tpu.bitcast %shift_left3A_377 : vector<16xi32> -> vector<16xf32>
          %bitcast_convert_type3A_379 = tpu.bitcast %get3A_370 : vector<16xi32> -> vector<16xf32>
          %shift_left3A_380 = arith.constant 16 : i32
          %shift_left3A_381 = vector.broadcast %shift_left3A_380 : i32 to vector<16xi32>
          %shift_left3A_382 = arith.shli %gather3A_374, %shift_left3A_381 : vector<16xi32>
          %bitcast_convert_type3A_383 = tpu.bitcast %shift_left3A_382 : vector<16xi32> -> vector<16xf32>
          %bitcast_convert_type3A_384 = tpu.bitcast %gather3A_374 : vector<16xi32> -> vector<16xf32>
          %mul3A_385 = arith.mulf %bitcast_convert_type3A_378, %bitcast_convert_type3A_383 : vector<16xf32>
          %add3A_386 = arith.addf %add3A_280, %mul3A_385 : vector<16xf32>
          %mul3A_387 = arith.mulf %bitcast_convert_type3A_379, %bitcast_convert_type3A_384 : vector<16xf32>
          %add3A_388 = arith.addf %add3A_282, %mul3A_387 : vector<16xf32>
          %get3A_389 = arith.constant 2 : i32
          %get3A_390 = arith.index_cast %get3A_389 : i32 to index
          %get3A_391 = arith.index_cast %add3A_309 : i32 to index
          %get3A_392 = arith.constant 48 : index
          %get3A_393 = tpu.vector_load %arg9[%get3A_390, %get3A_391, %get3A_392] {strides = array<i32>} : memref<4x128x64xi32, #tpu.memory_space<vmem>>, vector<16xi32>,
          %add3A_394 = arith.constant 48 : i32
          %add3A_395 = vector.broadcast %add3A_394 : i32 to vector<16xi32>
          %add3A_396 = arith.addi %add3A_319, %add3A_395 : vector<16xi32>
          %gather3A_397 = tpu.vector_load_idx %arg10[%add3A_396] : memref<16384xi32, #tpu.memory_space<vmem>>[vector<16xi32>], vector<16xi32>,
          %shift_left3A_398 = arith.constant 16 : i32
          %shift_left3A_399 = vector.broadcast %shift_left3A_398 : i32 to vector<16xi32>
          %shift_left3A_400 = arith.shli %get3A_393, %shift_left3A_399 : vector<16xi32>
          %bitcast_convert_type3A_401 = tpu.bitcast %shift_left3A_400 : vector<16xi32> -> vector<16xf32>
          %bitcast_convert_type3A_402 = tpu.bitcast %get3A_393 : vector<16xi32> -> vector<16xf32>
          %shift_left3A_403 = arith.constant 16 : i32
          %shift_left3A_404 = vector.broadcast %shift_left3A_403 : i32 to vector<16xi32>
          %shift_left3A_405 = arith.shli %gather3A_397, %shift_left3A_404 : vector<16xi32>
          %bitcast_convert_type3A_406 = tpu.bitcast %shift_left3A_405 : vector<16xi32> -> vector<16xf32>
          %bitcast_convert_type3A_407 = tpu.bitcast %gather3A_397 : vector<16xi32> -> vector<16xf32>
          %mul3A_408 = arith.mulf %bitcast_convert_type3A_401, %bitcast_convert_type3A_406 : vector<16xf32>
          %add3A_409 = arith.addf %add3A_303, %mul3A_408 : vector<16xf32>
          %mul3A_410 = arith.mulf %bitcast_convert_type3A_402, %bitcast_convert_type3A_407 : vector<16xf32>
          %add3A_411 = arith.addf %add3A_305, %mul3A_410 : vector<16xf32>
          %mul3A_412 = arith.constant 4 : i32
          %mul3A_413 = arith.muli %scan3A_195, %mul3A_412 : i32
          %add3A_414 = arith.constant 2 : i32
          %add3A_415 = arith.addi %mul3A_413, %add3A_414 : i32
          %mul3A_416 = arith.constant 2048 : i32
          %mul3A_417 = arith.muli %select_n3A_160, %mul3A_416 : i32
          %add3A_418 = arith.addi %mul3A_417, %multiple_of3A_165 : i32
          %add3A_419 = arith.addi %add3A_418, %add3A_415 : i32
          %broadcast_in_dim3A_420 = vector.broadcast %add3A_419 : i32 to vector<16xi32>
          %gather3A_421 = tpu.vector_load_idx %arg8[%broadcast_in_dim3A_420] : memref<8192xi32, #tpu.memory_space<vmem>>[vector<16xi32>], vector<16xi32>,
          %mul3A_422 = arith.constant 64 : i32
          %mul3A_423 = vector.broadcast %mul3A_422 : i32 to vector<16xi32>
          %mul3A_424 = arith.muli %gather3A_421, %mul3A_423 : vector<16xi32>
          %add3A_425 = arith.addi %mul3A_424, %iota3A : vector<16xi32>
          %get3A_426 = arith.constant 2 : i32
          %get3A_427 = arith.index_cast %get3A_426 : i32 to index
          %get3A_428 = arith.index_cast %add3A_415 : i32 to index
          %get3A_429 = arith.constant 0 : index
          %get3A_430 = tpu.vector_load %arg9[%get3A_427, %get3A_428, %get3A_429] {strides = array<i32>} : memref<4x128x64xi32, #tpu.memory_space<vmem>>, vector<16xi32>,
          %add3A_431 = arith.constant 0 : i32
          %add3A_432 = vector.broadcast %add3A_431 : i32 to vector<16xi32>
          %add3A_433 = arith.addi %add3A_425, %add3A_432 : vector<16xi32>
          %gather3A_434 = tpu.vector_load_idx %arg10[%add3A_433] : memref<16384xi32, #tpu.memory_space<vmem>>[vector<16xi32>], vector<16xi32>,
          %shift_left3A_435 = arith.constant 16 : i32
          %shift_left3A_436 = vector.broadcast %shift_left3A_435 : i32 to vector<16xi32>
          %shift_left3A_437 = arith.shli %get3A_430, %shift_left3A_436 : vector<16xi32>
          %bitcast_convert_type3A_438 = tpu.bitcast %shift_left3A_437 : vector<16xi32> -> vector<16xf32>
          %bitcast_convert_type3A_439 = tpu.bitcast %get3A_430 : vector<16xi32> -> vector<16xf32>
          %shift_left3A_440 = arith.constant 16 : i32
          %shift_left3A_441 = vector.broadcast %shift_left3A_440 : i32 to vector<16xi32>
          %shift_left3A_442 = arith.shli %gather3A_434, %shift_left3A_441 : vector<16xi32>
          %bitcast_convert_type3A_443 = tpu.bitcast %shift_left3A_442 : vector<16xi32> -> vector<16xf32>
          %bitcast_convert_type3A_444 = tpu.bitcast %gather3A_434 : vector<16xi32> -> vector<16xf32>
          %mul3A_445 = arith.mulf %bitcast_convert_type3A_438, %bitcast_convert_type3A_443 : vector<16xf32>
          %add3A_446 = arith.addf %add3A_340, %mul3A_445 : vector<16xf32>
          %mul3A_447 = arith.mulf %bitcast_convert_type3A_439, %bitcast_convert_type3A_444 : vector<16xf32>
          %add3A_448 = arith.addf %add3A_342, %mul3A_447 : vector<16xf32>
          %get3A_449 = arith.constant 2 : i32
          %get3A_450 = arith.index_cast %get3A_449 : i32 to index
          %get3A_451 = arith.index_cast %add3A_415 : i32 to index
          %get3A_452 = arith.constant 16 : index
          %get3A_453 = tpu.vector_load %arg9[%get3A_450, %get3A_451, %get3A_452] {strides = array<i32>} : memref<4x128x64xi32, #tpu.memory_space<vmem>>, vector<16xi32>,
          %add3A_454 = arith.constant 16 : i32
          %add3A_455 = vector.broadcast %add3A_454 : i32 to vector<16xi32>
          %add3A_456 = arith.addi %add3A_425, %add3A_455 : vector<16xi32>
          %gather3A_457 = tpu.vector_load_idx %arg10[%add3A_456] : memref<16384xi32, #tpu.memory_space<vmem>>[vector<16xi32>], vector<16xi32>,
          %shift_left3A_458 = arith.constant 16 : i32
          %shift_left3A_459 = vector.broadcast %shift_left3A_458 : i32 to vector<16xi32>
          %shift_left3A_460 = arith.shli %get3A_453, %shift_left3A_459 : vector<16xi32>
          %bitcast_convert_type3A_461 = tpu.bitcast %shift_left3A_460 : vector<16xi32> -> vector<16xf32>
          %bitcast_convert_type3A_462 = tpu.bitcast %get3A_453 : vector<16xi32> -> vector<16xf32>
          %shift_left3A_463 = arith.constant 16 : i32
          %shift_left3A_464 = vector.broadcast %shift_left3A_463 : i32 to vector<16xi32>
          %shift_left3A_465 = arith.shli %gather3A_457, %shift_left3A_464 : vector<16xi32>
          %bitcast_convert_type3A_466 = tpu.bitcast %shift_left3A_465 : vector<16xi32> -> vector<16xf32>
          %bitcast_convert_type3A_467 = tpu.bitcast %gather3A_457 : vector<16xi32> -> vector<16xf32>
          %mul3A_468 = arith.mulf %bitcast_convert_type3A_461, %bitcast_convert_type3A_466 : vector<16xf32>
          %add3A_469 = arith.addf %add3A_363, %mul3A_468 : vector<16xf32>
          %mul3A_470 = arith.mulf %bitcast_convert_type3A_462, %bitcast_convert_type3A_467 : vector<16xf32>
          %add3A_471 = arith.addf %add3A_365, %mul3A_470 : vector<16xf32>
          %get3A_472 = arith.constant 2 : i32
          %get3A_473 = arith.index_cast %get3A_472 : i32 to index
          %get3A_474 = arith.index_cast %add3A_415 : i32 to index
          %get3A_475 = arith.constant 32 : index
          %get3A_476 = tpu.vector_load %arg9[%get3A_473, %get3A_474, %get3A_475] {strides = array<i32>} : memref<4x128x64xi32, #tpu.memory_space<vmem>>, vector<16xi32>,
          %add3A_477 = arith.constant 32 : i32
          %add3A_478 = vector.broadcast %add3A_477 : i32 to vector<16xi32>
          %add3A_479 = arith.addi %add3A_425, %add3A_478 : vector<16xi32>
          %gather3A_480 = tpu.vector_load_idx %arg10[%add3A_479] : memref<16384xi32, #tpu.memory_space<vmem>>[vector<16xi32>], vector<16xi32>,
          %shift_left3A_481 = arith.constant 16 : i32
          %shift_left3A_482 = vector.broadcast %shift_left3A_481 : i32 to vector<16xi32>
          %shift_left3A_483 = arith.shli %get3A_476, %shift_left3A_482 : vector<16xi32>
          %bitcast_convert_type3A_484 = tpu.bitcast %shift_left3A_483 : vector<16xi32> -> vector<16xf32>
          %bitcast_convert_type3A_485 = tpu.bitcast %get3A_476 : vector<16xi32> -> vector<16xf32>
          %shift_left3A_486 = arith.constant 16 : i32
          %shift_left3A_487 = vector.broadcast %shift_left3A_486 : i32 to vector<16xi32>
          %shift_left3A_488 = arith.shli %gather3A_480, %shift_left3A_487 : vector<16xi32>
          %bitcast_convert_type3A_489 = tpu.bitcast %shift_left3A_488 : vector<16xi32> -> vector<16xf32>
          %bitcast_convert_type3A_490 = tpu.bitcast %gather3A_480 : vector<16xi32> -> vector<16xf32>
          %mul3A_491 = arith.mulf %bitcast_convert_type3A_484, %bitcast_convert_type3A_489 : vector<16xf32>
          %add3A_492 = arith.addf %add3A_386, %mul3A_491 : vector<16xf32>
          %mul3A_493 = arith.mulf %bitcast_convert_type3A_485, %bitcast_convert_type3A_490 : vector<16xf32>
          %add3A_494 = arith.addf %add3A_388, %mul3A_493 : vector<16xf32>
          %get3A_495 = arith.constant 2 : i32
          %get3A_496 = arith.index_cast %get3A_495 : i32 to index
          %get3A_497 = arith.index_cast %add3A_415 : i32 to index
          %get3A_498 = arith.constant 48 : index
          %get3A_499 = tpu.vector_load %arg9[%get3A_496, %get3A_497, %get3A_498] {strides = array<i32>} : memref<4x128x64xi32, #tpu.memory_space<vmem>>, vector<16xi32>,
          %add3A_500 = arith.constant 48 : i32
          %add3A_501 = vector.broadcast %add3A_500 : i32 to vector<16xi32>
          %add3A_502 = arith.addi %add3A_425, %add3A_501 : vector<16xi32>
          %gather3A_503 = tpu.vector_load_idx %arg10[%add3A_502] : memref<16384xi32, #tpu.memory_space<vmem>>[vector<16xi32>], vector<16xi32>,
          %shift_left3A_504 = arith.constant 16 : i32
          %shift_left3A_505 = vector.broadcast %shift_left3A_504 : i32 to vector<16xi32>
          %shift_left3A_506 = arith.shli %get3A_499, %shift_left3A_505 : vector<16xi32>
          %bitcast_convert_type3A_507 = tpu.bitcast %shift_left3A_506 : vector<16xi32> -> vector<16xf32>
          %bitcast_convert_type3A_508 = tpu.bitcast %get3A_499 : vector<16xi32> -> vector<16xf32>
          %shift_left3A_509 = arith.constant 16 : i32
          %shift_left3A_510 = vector.broadcast %shift_left3A_509 : i32 to vector<16xi32>
          %shift_left3A_511 = arith.shli %gather3A_503, %shift_left3A_510 : vector<16xi32>
          %bitcast_convert_type3A_512 = tpu.bitcast %shift_left3A_511 : vector<16xi32> -> vector<16xf32>
          %bitcast_convert_type3A_513 = tpu.bitcast %gather3A_503 : vector<16xi32> -> vector<16xf32>
          %mul3A_514 = arith.mulf %bitcast_convert_type3A_507, %bitcast_convert_type3A_512 : vector<16xf32>
          %add3A_515 = arith.addf %add3A_409, %mul3A_514 : vector<16xf32>
          %mul3A_516 = arith.mulf %bitcast_convert_type3A_508, %bitcast_convert_type3A_513 : vector<16xf32>
          %add3A_517 = arith.addf %add3A_411, %mul3A_516 : vector<16xf32>
          %mul3A_518 = arith.constant 4 : i32
          %mul3A_519 = arith.muli %scan3A_195, %mul3A_518 : i32
          %add3A_520 = arith.constant 3 : i32
          %add3A_521 = arith.addi %mul3A_519, %add3A_520 : i32
          %mul3A_522 = arith.constant 2048 : i32
          %mul3A_523 = arith.muli %select_n3A_160, %mul3A_522 : i32
          %add3A_524 = arith.addi %mul3A_523, %multiple_of3A_165 : i32
          %add3A_525 = arith.addi %add3A_524, %add3A_521 : i32
          %broadcast_in_dim3A_526 = vector.broadcast %add3A_525 : i32 to vector<16xi32>
          %gather3A_527 = tpu.vector_load_idx %arg8[%broadcast_in_dim3A_526] : memref<8192xi32, #tpu.memory_space<vmem>>[vector<16xi32>], vector<16xi32>,
          %mul3A_528 = arith.constant 64 : i32
          %mul3A_529 = vector.broadcast %mul3A_528 : i32 to vector<16xi32>
          %mul3A_530 = arith.muli %gather3A_527, %mul3A_529 : vector<16xi32>
          %add3A_531 = arith.addi %mul3A_530, %iota3A : vector<16xi32>
          %get3A_532 = arith.constant 2 : i32
          %get3A_533 = arith.index_cast %get3A_532 : i32 to index
          %get3A_534 = arith.index_cast %add3A_521 : i32 to index
          %get3A_535 = arith.constant 0 : index
          %get3A_536 = tpu.vector_load %arg9[%get3A_533, %get3A_534, %get3A_535] {strides = array<i32>} : memref<4x128x64xi32, #tpu.memory_space<vmem>>, vector<16xi32>,
          %add3A_537 = arith.constant 0 : i32
          %add3A_538 = vector.broadcast %add3A_537 : i32 to vector<16xi32>
          %add3A_539 = arith.addi %add3A_531, %add3A_538 : vector<16xi32>
          %gather3A_540 = tpu.vector_load_idx %arg10[%add3A_539] : memref<16384xi32, #tpu.memory_space<vmem>>[vector<16xi32>], vector<16xi32>,
          %shift_left3A_541 = arith.constant 16 : i32
          %shift_left3A_542 = vector.broadcast %shift_left3A_541 : i32 to vector<16xi32>
          %shift_left3A_543 = arith.shli %get3A_536, %shift_left3A_542 : vector<16xi32>
          %bitcast_convert_type3A_544 = tpu.bitcast %shift_left3A_543 : vector<16xi32> -> vector<16xf32>
          %bitcast_convert_type3A_545 = tpu.bitcast %get3A_536 : vector<16xi32> -> vector<16xf32>
          %shift_left3A_546 = arith.constant 16 : i32
          %shift_left3A_547 = vector.broadcast %shift_left3A_546 : i32 to vector<16xi32>
          %shift_left3A_548 = arith.shli %gather3A_540, %shift_left3A_547 : vector<16xi32>
          %bitcast_convert_type3A_549 = tpu.bitcast %shift_left3A_548 : vector<16xi32> -> vector<16xf32>
          %bitcast_convert_type3A_550 = tpu.bitcast %gather3A_540 : vector<16xi32> -> vector<16xf32>
          %mul3A_551 = arith.mulf %bitcast_convert_type3A_544, %bitcast_convert_type3A_549 : vector<16xf32>
          %add3A_552 = arith.addf %add3A_446, %mul3A_551 : vector<16xf32>
          %mul3A_553 = arith.mulf %bitcast_convert_type3A_545, %bitcast_convert_type3A_550 : vector<16xf32>
          %add3A_554 = arith.addf %add3A_448, %mul3A_553 : vector<16xf32>
          %get3A_555 = arith.constant 2 : i32
          %get3A_556 = arith.index_cast %get3A_555 : i32 to index
          %get3A_557 = arith.index_cast %add3A_521 : i32 to index
          %get3A_558 = arith.constant 16 : index
          %get3A_559 = tpu.vector_load %arg9[%get3A_556, %get3A_557, %get3A_558] {strides = array<i32>} : memref<4x128x64xi32, #tpu.memory_space<vmem>>, vector<16xi32>,
          %add3A_560 = arith.constant 16 : i32
          %add3A_561 = vector.broadcast %add3A_560 : i32 to vector<16xi32>
          %add3A_562 = arith.addi %add3A_531, %add3A_561 : vector<16xi32>
          %gather3A_563 = tpu.vector_load_idx %arg10[%add3A_562] : memref<16384xi32, #tpu.memory_space<vmem>>[vector<16xi32>], vector<16xi32>,
          %shift_left3A_564 = arith.constant 16 : i32
          %shift_left3A_565 = vector.broadcast %shift_left3A_564 : i32 to vector<16xi32>
          %shift_left3A_566 = arith.shli %get3A_559, %shift_left3A_565 : vector<16xi32>
          %bitcast_convert_type3A_567 = tpu.bitcast %shift_left3A_566 : vector<16xi32> -> vector<16xf32>
          %bitcast_convert_type3A_568 = tpu.bitcast %get3A_559 : vector<16xi32> -> vector<16xf32>
          %shift_left3A_569 = arith.constant 16 : i32
          %shift_left3A_570 = vector.broadcast %shift_left3A_569 : i32 to vector<16xi32>
          %shift_left3A_571 = arith.shli %gather3A_563, %shift_left3A_570 : vector<16xi32>
          %bitcast_convert_type3A_572 = tpu.bitcast %shift_left3A_571 : vector<16xi32> -> vector<16xf32>
          %bitcast_convert_type3A_573 = tpu.bitcast %gather3A_563 : vector<16xi32> -> vector<16xf32>
          %mul3A_574 = arith.mulf %bitcast_convert_type3A_567, %bitcast_convert_type3A_572 : vector<16xf32>
          %add3A_575 = arith.addf %add3A_469, %mul3A_574 : vector<16xf32>
          %mul3A_576 = arith.mulf %bitcast_convert_type3A_568, %bitcast_convert_type3A_573 : vector<16xf32>
          %add3A_577 = arith.addf %add3A_471, %mul3A_576 : vector<16xf32>
          %get3A_578 = arith.constant 2 : i32
          %get3A_579 = arith.index_cast %get3A_578 : i32 to index
          %get3A_580 = arith.index_cast %add3A_521 : i32 to index
          %get3A_581 = arith.constant 32 : index
          %get3A_582 = tpu.vector_load %arg9[%get3A_579, %get3A_580, %get3A_581] {strides = array<i32>} : memref<4x128x64xi32, #tpu.memory_space<vmem>>, vector<16xi32>,
          %add3A_583 = arith.constant 32 : i32
          %add3A_584 = vector.broadcast %add3A_583 : i32 to vector<16xi32>
          %add3A_585 = arith.addi %add3A_531, %add3A_584 : vector<16xi32>
          %gather3A_586 = tpu.vector_load_idx %arg10[%add3A_585] : memref<16384xi32, #tpu.memory_space<vmem>>[vector<16xi32>], vector<16xi32>,
          %shift_left3A_587 = arith.constant 16 : i32
          %shift_left3A_588 = vector.broadcast %shift_left3A_587 : i32 to vector<16xi32>
          %shift_left3A_589 = arith.shli %get3A_582, %shift_left3A_588 : vector<16xi32>
          %bitcast_convert_type3A_590 = tpu.bitcast %shift_left3A_589 : vector<16xi32> -> vector<16xf32>
          %bitcast_convert_type3A_591 = tpu.bitcast %get3A_582 : vector<16xi32> -> vector<16xf32>
          %shift_left3A_592 = arith.constant 16 : i32
          %shift_left3A_593 = vector.broadcast %shift_left3A_592 : i32 to vector<16xi32>
          %shift_left3A_594 = arith.shli %gather3A_586, %shift_left3A_593 : vector<16xi32>
          %bitcast_convert_type3A_595 = tpu.bitcast %shift_left3A_594 : vector<16xi32> -> vector<16xf32>
          %bitcast_convert_type3A_596 = tpu.bitcast %gather3A_586 : vector<16xi32> -> vector<16xf32>
          %mul3A_597 = arith.mulf %bitcast_convert_type3A_590, %bitcast_convert_type3A_595 : vector<16xf32>
          %add3A_598 = arith.addf %add3A_492, %mul3A_597 : vector<16xf32>
          %mul3A_599 = arith.mulf %bitcast_convert_type3A_591, %bitcast_convert_type3A_596 : vector<16xf32>
          %add3A_600 = arith.addf %add3A_494, %mul3A_599 : vector<16xf32>
          %get3A_601 = arith.constant 2 : i32
          %get3A_602 = arith.index_cast %get3A_601 : i32 to index
          %get3A_603 = arith.index_cast %add3A_521 : i32 to index
          %get3A_604 = arith.constant 48 : index
          %get3A_605 = tpu.vector_load %arg9[%get3A_602, %get3A_603, %get3A_604] {strides = array<i32>} : memref<4x128x64xi32, #tpu.memory_space<vmem>>, vector<16xi32>,
          %add3A_606 = arith.constant 48 : i32
          %add3A_607 = vector.broadcast %add3A_606 : i32 to vector<16xi32>
          %add3A_608 = arith.addi %add3A_531, %add3A_607 : vector<16xi32>
          %gather3A_609 = tpu.vector_load_idx %arg10[%add3A_608] : memref<16384xi32, #tpu.memory_space<vmem>>[vector<16xi32>], vector<16xi32>,
          %shift_left3A_610 = arith.constant 16 : i32
          %shift_left3A_611 = vector.broadcast %shift_left3A_610 : i32 to vector<16xi32>
          %shift_left3A_612 = arith.shli %get3A_605, %shift_left3A_611 : vector<16xi32>
          %bitcast_convert_type3A_613 = tpu.bitcast %shift_left3A_612 : vector<16xi32> -> vector<16xf32>
          %bitcast_convert_type3A_614 = tpu.bitcast %get3A_605 : vector<16xi32> -> vector<16xf32>
          %shift_left3A_615 = arith.constant 16 : i32
          %shift_left3A_616 = vector.broadcast %shift_left3A_615 : i32 to vector<16xi32>
          %shift_left3A_617 = arith.shli %gather3A_609, %shift_left3A_616 : vector<16xi32>
          %bitcast_convert_type3A_618 = tpu.bitcast %shift_left3A_617 : vector<16xi32> -> vector<16xf32>
          %bitcast_convert_type3A_619 = tpu.bitcast %gather3A_609 : vector<16xi32> -> vector<16xf32>
          %mul3A_620 = arith.mulf %bitcast_convert_type3A_613, %bitcast_convert_type3A_618 : vector<16xf32>
          %add3A_621 = arith.addf %add3A_515, %mul3A_620 : vector<16xf32>
          %mul3A_622 = arith.mulf %bitcast_convert_type3A_614, %bitcast_convert_type3A_619 : vector<16xf32>
          %add3A_623 = arith.addf %add3A_517, %mul3A_622 : vector<16xf32>
          scf.yield %add3A_552, %add3A_554, %add3A_575, %add3A_577, %add3A_598, %add3A_600, %add3A_621, %add3A_623 : vector<16xf32>, vector<16xf32>, vector<16xf32>, vector<16xf32>, vector<16xf32>, vector<16xf32>, vector<16xf32>, vector<16xf32>
        }
        %scan3A_171 = arith.constant 32 : i32
        %swap3A_172 = arith.constant 0 : index
        %swap3A_173 = tpu.vector_load %arg11[%swap3A_172] {strides = array<i32>} : memref<128xf32, #tpu.memory_space<vmem>>, vector<16xf32>,
        tpu.vector_store %arg11[%swap3A_172], %scan3A_170#0 {add = true, strides = array<i32>} : memref<128xf32, #tpu.memory_space<vmem>>, vector<16xf32>,
        %swap3A_174 = arith.constant 16 : index
        %swap3A_175 = tpu.vector_load %arg11[%swap3A_174] {strides = array<i32>} : memref<128xf32, #tpu.memory_space<vmem>>, vector<16xf32>,
        tpu.vector_store %arg11[%swap3A_174], %scan3A_170#1 {add = true, strides = array<i32>} : memref<128xf32, #tpu.memory_space<vmem>>, vector<16xf32>,
        %swap3A_176 = arith.constant 32 : index
        %swap3A_177 = tpu.vector_load %arg11[%swap3A_176] {strides = array<i32>} : memref<128xf32, #tpu.memory_space<vmem>>, vector<16xf32>,
        tpu.vector_store %arg11[%swap3A_176], %scan3A_170#2 {add = true, strides = array<i32>} : memref<128xf32, #tpu.memory_space<vmem>>, vector<16xf32>,
        %swap3A_178 = arith.constant 48 : index
        %swap3A_179 = tpu.vector_load %arg11[%swap3A_178] {strides = array<i32>} : memref<128xf32, #tpu.memory_space<vmem>>, vector<16xf32>,
        tpu.vector_store %arg11[%swap3A_178], %scan3A_170#3 {add = true, strides = array<i32>} : memref<128xf32, #tpu.memory_space<vmem>>, vector<16xf32>,
        %swap3A_180 = arith.constant 64 : index
        %swap3A_181 = tpu.vector_load %arg11[%swap3A_180] {strides = array<i32>} : memref<128xf32, #tpu.memory_space<vmem>>, vector<16xf32>,
        tpu.vector_store %arg11[%swap3A_180], %scan3A_170#4 {add = true, strides = array<i32>} : memref<128xf32, #tpu.memory_space<vmem>>, vector<16xf32>,
        %swap3A_182 = arith.constant 80 : index
        %swap3A_183 = tpu.vector_load %arg11[%swap3A_182] {strides = array<i32>} : memref<128xf32, #tpu.memory_space<vmem>>, vector<16xf32>,
        tpu.vector_store %arg11[%swap3A_182], %scan3A_170#5 {add = true, strides = array<i32>} : memref<128xf32, #tpu.memory_space<vmem>>, vector<16xf32>,
        %swap3A_184 = arith.constant 96 : index
        %swap3A_185 = tpu.vector_load %arg11[%swap3A_184] {strides = array<i32>} : memref<128xf32, #tpu.memory_space<vmem>>, vector<16xf32>,
        tpu.vector_store %arg11[%swap3A_184], %scan3A_170#6 {add = true, strides = array<i32>} : memref<128xf32, #tpu.memory_space<vmem>>, vector<16xf32>,
        %swap3A_186 = arith.constant 112 : index
        %swap3A_187 = tpu.vector_load %arg11[%swap3A_186] {strides = array<i32>} : memref<128xf32, #tpu.memory_space<vmem>>, vector<16xf32>,
        tpu.vector_store %arg11[%swap3A_186], %scan3A_170#7 {add = true, strides = array<i32>} : memref<128xf32, #tpu.memory_space<vmem>>, vector<16xf32>,
        %rem3A_188 = arith.constant 16 : i32
        %rem3A_189 = arith.remsi %scan3A_74, %rem3A_188 : i32
        %eq3A_190 = arith.constant 15 : i32
        %eq3A_191 = arith.cmpi eq, %rem3A_189, %eq3A_190 : i32
        %convert_element_type3A_192 = arith.extui %eq3A_191 : i1 to i32
        %cond3A_193 = arith.constant 0 : i32
        %cond3A_194 = arith.cmpi ne, %convert_element_type3A_192, %cond3A_193 : i32
        scf.if %cond3A_194 {
          %jit3A_195 = arith.constant 16 : i32
          %div3A_196 = arith.divsi %scan3A_74, %jit3A_195 : i32
          %sign3A_197 = arith.constant 0 : i32
          %sign3A_198 = arith.cmpi sgt, %scan3A_74, %sign3A_197 : i32
          %sign3A_199 = arith.extui %sign3A_198 : i1 to i32
          %sign3A_200 = arith.constant 0 : i32
          %sign3A_201 = arith.cmpi slt, %scan3A_74, %sign3A_200 : i32
          %sign3A_202 = arith.extui %sign3A_201 : i1 to i32
          %sign3A_203 = arith.subi %sign3A_199, %sign3A_202 : i32
          %sign3A_204 = arith.constant 0 : i32
          %sign3A_205 = arith.cmpi sgt, %jit3A_195, %sign3A_204 : i32
          %sign3A_206 = arith.extui %sign3A_205 : i1 to i32
          %sign3A_207 = arith.constant 0 : i32
          %sign3A_208 = arith.cmpi slt, %jit3A_195, %sign3A_207 : i32
          %sign3A_209 = arith.extui %sign3A_208 : i1 to i32
          %sign3A_210 = arith.subi %sign3A_206, %sign3A_209 : i32
          %ne3A_211 = arith.cmpi ne, %sign3A_203, %sign3A_210 : i32
          %rem3A_212 = arith.remsi %scan3A_74, %jit3A_195 : i32
          %ne3A_213 = arith.constant 0 : i32
          %ne3A_214 = arith.cmpi ne, %rem3A_212, %ne3A_213 : i32
          %and3A_215 = arith.andi %ne3A_211, %ne3A_214 : i1
          %sub3A_216 = arith.constant 1 : i32
          %sub3A_217 = arith.subi %div3A_196, %sub3A_216 : i32
          %select_n3A_218 = arith.select %and3A_215, %sub3A_217, %div3A_196 : i32
          %add3A_219 = arith.addi %mul3A_2, %select_n3A_218 : i32
          "tpu.region"() ({
            %run_scoped3A = tpu.sem_alloc : memref<!tpu.dma_semaphore, #tpu.memory_space<semaphore_mem>>
            %dma_start3A_236 = arith.constant 0 : i32
            %dma_start3A_237 = tpu.memref_slice %arg6[%add3A_219, %dma_start3A_236] : memref<128x128xf32, #tpu.memory_space<hbm>> -> memref<1x128xf32, #tpu.memory_space<hbm>>
            %dma_start3A_238 = tpu.memref_squeeze %dma_start3A_237 : memref<1x128xf32, #tpu.memory_space<hbm>> -> memref<128xf32, #tpu.memory_space<hbm>>
            %dma_start3A_239 = arith.constant 0 : i32
            %dma_start3A_240 = tpu.memref_slice %arg6[%add3A_219, %dma_start3A_239] : memref<128x128xf32, #tpu.memory_space<hbm>> -> memref<1x128xf32, #tpu.memory_space<hbm>>
            %dma_start3A_241 = tpu.memref_squeeze %dma_start3A_240 : memref<1x128xf32, #tpu.memory_space<hbm>> -> memref<128xf32, #tpu.memory_space<hbm>>
            tpu.enqueue_dma source(%arg11 : memref<128xf32, #tpu.memory_space<vmem>>) target(%dma_start3A_241 : memref<128xf32, #tpu.memory_space<hbm>>) target_semaphore(%run_scoped3A : memref<!tpu.dma_semaphore, #tpu.memory_space<semaphore_mem>>)
            %dma_wait3A_242 = arith.constant 0 : i32
            %dma_wait3A_243 = tpu.memref_slice %arg6[%add3A_219, %dma_wait3A_242] : memref<128x128xf32, #tpu.memory_space<hbm>> -> memref<1x128xf32, #tpu.memory_space<hbm>>
            %dma_wait3A_244 = tpu.memref_squeeze %dma_wait3A_243 : memref<1x128xf32, #tpu.memory_space<hbm>> -> memref<128xf32, #tpu.memory_space<hbm>>
            %dma_wait3A_245 = arith.constant 0 : i32
            %dma_wait3A_246 = tpu.memref_slice %arg6[%add3A_219, %dma_wait3A_245] : memref<128x128xf32, #tpu.memory_space<hbm>> -> memref<1x128xf32, #tpu.memory_space<hbm>>
            %dma_wait3A_247 = tpu.memref_squeeze %dma_wait3A_246 : memref<1x128xf32, #tpu.memory_space<hbm>> -> memref<128xf32, #tpu.memory_space<hbm>>
            tpu.wait_dma2 semaphore(%run_scoped3A : memref<!tpu.dma_semaphore, #tpu.memory_space<semaphore_mem>>) src(%arg11 : memref<128xf32, #tpu.memory_space<vmem>>) dst(%dma_wait3A_247 : memref<128xf32, #tpu.memory_space<hbm>>)
            tpu.yield
          }) : () -> ()
          %swap3A_220 = arith.constant 0 : index
          %swap3A_221 = tpu.vector_load %arg11[%swap3A_220] {strides = array<i32>} : memref<128xf32, #tpu.memory_space<vmem>>, vector<16xf32>,
          tpu.vector_store %arg11[%swap3A_220], %broadcast_in_dim3A_5 {strides = array<i32>} : memref<128xf32, #tpu.memory_space<vmem>>, vector<16xf32>,
          %swap3A_222 = arith.constant 16 : index
          %swap3A_223 = tpu.vector_load %arg11[%swap3A_222] {strides = array<i32>} : memref<128xf32, #tpu.memory_space<vmem>>, vector<16xf32>,
          tpu.vector_store %arg11[%swap3A_222], %broadcast_in_dim3A_5 {strides = array<i32>} : memref<128xf32, #tpu.memory_space<vmem>>, vector<16xf32>,
          %swap3A_224 = arith.constant 32 : index
          %swap3A_225 = tpu.vector_load %arg11[%swap3A_224] {strides = array<i32>} : memref<128xf32, #tpu.memory_space<vmem>>, vector<16xf32>,
          tpu.vector_store %arg11[%swap3A_224], %broadcast_in_dim3A_5 {strides = array<i32>} : memref<128xf32, #tpu.memory_space<vmem>>, vector<16xf32>,
          %swap3A_226 = arith.constant 48 : index
          %swap3A_227 = tpu.vector_load %arg11[%swap3A_226] {strides = array<i32>} : memref<128xf32, #tpu.memory_space<vmem>>, vector<16xf32>,
          tpu.vector_store %arg11[%swap3A_226], %broadcast_in_dim3A_5 {strides = array<i32>} : memref<128xf32, #tpu.memory_space<vmem>>, vector<16xf32>,
          %swap3A_228 = arith.constant 64 : index
          %swap3A_229 = tpu.vector_load %arg11[%swap3A_228] {strides = array<i32>} : memref<128xf32, #tpu.memory_space<vmem>>, vector<16xf32>,
          tpu.vector_store %arg11[%swap3A_228], %broadcast_in_dim3A_5 {strides = array<i32>} : memref<128xf32, #tpu.memory_space<vmem>>, vector<16xf32>,
          %swap3A_230 = arith.constant 80 : index
          %swap3A_231 = tpu.vector_load %arg11[%swap3A_230] {strides = array<i32>} : memref<128xf32, #tpu.memory_space<vmem>>, vector<16xf32>,
          tpu.vector_store %arg11[%swap3A_230], %broadcast_in_dim3A_5 {strides = array<i32>} : memref<128xf32, #tpu.memory_space<vmem>>, vector<16xf32>,
          %swap3A_232 = arith.constant 96 : index
          %swap3A_233 = tpu.vector_load %arg11[%swap3A_232] {strides = array<i32>} : memref<128xf32, #tpu.memory_space<vmem>>, vector<16xf32>,
          tpu.vector_store %arg11[%swap3A_232], %broadcast_in_dim3A_5 {strides = array<i32>} : memref<128xf32, #tpu.memory_space<vmem>>, vector<16xf32>,
          %swap3A_234 = arith.constant 112 : index
          %swap3A_235 = tpu.vector_load %arg11[%swap3A_234] {strides = array<i32>} : memref<128xf32, #tpu.memory_space<vmem>>, vector<16xf32>,
          tpu.vector_store %arg11[%swap3A_234], %broadcast_in_dim3A_5 {strides = array<i32>} : memref<128xf32, #tpu.memory_space<vmem>>, vector<16xf32>,
        } else {
        }
      } else {
      }
      %rem3A_93 = arith.constant 4 : i32
      %rem3A_94 = arith.remsi %scan3A_74, %rem3A_93 : i32
      %eq3A_95 = arith.constant 3 : i32
      %eq3A_96 = arith.cmpi eq, %rem3A_94, %eq3A_95 : i32
      %convert_element_type3A_97 = arith.extui %eq3A_96 : i1 to i32
      %cond3A_98 = arith.constant 0 : i32
      %cond3A_99 = arith.cmpi ne, %convert_element_type3A_97, %cond3A_98 : i32
      scf.if %cond3A_99 {
        %jit3A = arith.constant 16 : i32
        %div3A = arith.divsi %scan3A_74, %jit3A : i32
        %sign3A = arith.constant 0 : i32
        %sign3A_100 = arith.cmpi sgt, %scan3A_74, %sign3A : i32
        %sign3A_101 = arith.extui %sign3A_100 : i1 to i32
        %sign3A_102 = arith.constant 0 : i32
        %sign3A_103 = arith.cmpi slt, %scan3A_74, %sign3A_102 : i32
        %sign3A_104 = arith.extui %sign3A_103 : i1 to i32
        %sign3A_105 = arith.subi %sign3A_101, %sign3A_104 : i32
        %sign3A_106 = arith.constant 0 : i32
        %sign3A_107 = arith.cmpi sgt, %jit3A, %sign3A_106 : i32
        %sign3A_108 = arith.extui %sign3A_107 : i1 to i32
        %sign3A_109 = arith.constant 0 : i32
        %sign3A_110 = arith.cmpi slt, %jit3A, %sign3A_109 : i32
        %sign3A_111 = arith.extui %sign3A_110 : i1 to i32
        %sign3A_112 = arith.subi %sign3A_108, %sign3A_111 : i32
        %ne3A = arith.cmpi ne, %sign3A_105, %sign3A_112 : i32
        %rem3A_113 = arith.remsi %scan3A_74, %jit3A : i32
        %ne3A_114 = arith.constant 0 : i32
        %ne3A_115 = arith.cmpi ne, %rem3A_113, %ne3A_114 : i32
        %and3A = arith.andi %ne3A, %ne3A_115 : i1
        %sub3A = arith.constant 1 : i32
        %sub3A_116 = arith.subi %div3A, %sub3A : i32
        %select_n3A = arith.select %and3A, %sub3A_116, %div3A : i32
        %rem3A_117 = arith.constant 16 : i32
        %rem3A_118 = arith.remsi %scan3A_74, %rem3A_117 : i32
        %mul3A_119 = arith.constant 128 : i32
        %mul3A_120 = arith.muli %rem3A_118, %mul3A_119 : i32
        %multiple_of3A_121 = tpu.assume_multiple %mul3A_120, 128 : i32
        %dma_wait3A = arith.constant 3 : i32
        %dma_wait3A_122 = arith.constant 0 : i32
        %dma_wait3A_123 = arith.constant 0 : i32
        %dma_wait3A_124 = tpu.memref_slice %arg9[%dma_wait3A, %dma_wait3A_122, %dma_wait3A_123] : memref<4x128x64xi32, #tpu.memory_space<vmem>> -> memref<1x128x64xi32, #tpu.memory_space<vmem>>
        %dma_wait3A_125 = tpu.memref_squeeze %dma_wait3A_124 : memref<1x128x64xi32, #tpu.memory_space<vmem>> -> memref<128x64xi32, #tpu.memory_space<vmem>>
        %dma_wait3A_126 = tpu.memref_slice %arg7[%select_n3A, %multiple_of3A_121] : memref<4x2048xi32, #tpu.memory_space<vmem>> -> memref<1x128xi32, #tpu.memory_space<vmem>>
        %dma_wait3A_127 = tpu.memref_squeeze %dma_wait3A_126 : memref<1x128xi32, #tpu.memory_space<vmem>> -> memref<128xi32, #tpu.memory_space<vmem>>
        %dma_wait3A_128 = arith.constant 0 : i32
        %dma_wait3A_129 = arith.constant 0 : i32
        %dma_wait3A_130 = tpu.memref_slice %arg4[%dma_wait3A_128, %dma_wait3A_129] : memref<2048x64xi32, #tpu.memory_space<hbm>> -> memref<2048x64xi32, #tpu.memory_space<hbm>>
        tpu.wait_indirect_dma semaphore(%arg15 : memref<!tpu.dma_semaphore, #tpu.memory_space<semaphore_mem>>) src(%dma_wait3A_130 : memref<2048x64xi32, #tpu.memory_space<hbm>>) dst(%dma_wait3A_125 : memref<128x64xi32, #tpu.memory_space<vmem>>)
        %add3A_131 = arith.constant 3 : i32
        %add3A_132 = arith.addi %scan3A_74, %add3A_131 : i32
        %lt3A = arith.constant 64 : i32
        %lt3A_133 = arith.cmpi slt, %add3A_132, %lt3A : i32
        %convert_element_type3A_134 = arith.extui %lt3A_133 : i1 to i32
        %cond3A_135 = arith.constant 0 : i32
        %cond3A_136 = arith.cmpi ne, %convert_element_type3A_134, %cond3A_135 : i32
        scf.if %cond3A_136 {
          %add3A_195 = arith.constant 3 : i32
          %add3A_196 = arith.addi %scan3A_74, %add3A_195 : i32
          %jit3A_197 = arith.constant 16 : i32
          %div3A_198 = arith.divsi %add3A_196, %jit3A_197 : i32
          %sign3A_199 = arith.constant 0 : i32
          %sign3A_200 = arith.cmpi sgt, %add3A_196, %sign3A_199 : i32
          %sign3A_201 = arith.extui %sign3A_200 : i1 to i32
          %sign3A_202 = arith.constant 0 : i32
          %sign3A_203 = arith.cmpi slt, %add3A_196, %sign3A_202 : i32
          %sign3A_204 = arith.extui %sign3A_203 : i1 to i32
          %sign3A_205 = arith.subi %sign3A_201, %sign3A_204 : i32
          %sign3A_206 = arith.constant 0 : i32
          %sign3A_207 = arith.cmpi sgt, %jit3A_197, %sign3A_206 : i32
          %sign3A_208 = arith.extui %sign3A_207 : i1 to i32
          %sign3A_209 = arith.constant 0 : i32
          %sign3A_210 = arith.cmpi slt, %jit3A_197, %sign3A_209 : i32
          %sign3A_211 = arith.extui %sign3A_210 : i1 to i32
          %sign3A_212 = arith.subi %sign3A_208, %sign3A_211 : i32
          %ne3A_213 = arith.cmpi ne, %sign3A_205, %sign3A_212 : i32
          %rem3A_214 = arith.remsi %add3A_196, %jit3A_197 : i32
          %ne3A_215 = arith.constant 0 : i32
          %ne3A_216 = arith.cmpi ne, %rem3A_214, %ne3A_215 : i32
          %and3A_217 = arith.andi %ne3A_213, %ne3A_216 : i1
          %sub3A_218 = arith.constant 1 : i32
          %sub3A_219 = arith.subi %div3A_198, %sub3A_218 : i32
          %select_n3A_220 = arith.select %and3A_217, %sub3A_219, %div3A_198 : i32
          %rem3A_221 = arith.constant 16 : i32
          %rem3A_222 = arith.remsi %add3A_196, %rem3A_221 : i32
          %mul3A_223 = arith.constant 128 : i32
          %mul3A_224 = arith.muli %rem3A_222, %mul3A_223 : i32
          %multiple_of3A_225 = tpu.assume_multiple %mul3A_224, 128 : i32
          %dma_start3A_226 = arith.constant 2 : i32
          %dma_start3A_227 = arith.constant 0 : i32
          %dma_start3A_228 = arith.constant 0 : i32
          %dma_start3A_229 = tpu.memref_slice %arg9[%dma_start3A_226, %dma_start3A_227, %dma_start3A_228] : memref<4x128x64xi32, #tpu.memory_space<vmem>> -> memref<1x128x64xi32, #tpu.memory_space<vmem>>
          %dma_start3A_230 = tpu.memref_squeeze %dma_start3A_229 : memref<1x128x64xi32, #tpu.memory_space<vmem>> -> memref<128x64xi32, #tpu.memory_space<vmem>>
          %dma_start3A_231 = tpu.memref_slice %arg7[%select_n3A_220, %multiple_of3A_225] : memref<4x2048xi32, #tpu.memory_space<vmem>> -> memref<1x128xi32, #tpu.memory_space<vmem>>
          %dma_start3A_232 = tpu.memref_squeeze %dma_start3A_231 : memref<1x128xi32, #tpu.memory_space<vmem>> -> memref<128xi32, #tpu.memory_space<vmem>>
          %dma_start3A_233 = arith.constant 0 : i32
          %dma_start3A_234 = arith.constant 0 : i32
          %dma_start3A_235 = tpu.memref_slice %arg4[%dma_start3A_233, %dma_start3A_234] : memref<2048x64xi32, #tpu.memory_space<hbm>> -> memref<2048x64xi32, #tpu.memory_space<hbm>>
          tpu.enqueue_indirect_dma source(%dma_start3A_235 : memref<2048x64xi32, #tpu.memory_space<hbm>>) target(%dma_start3A_230 : memref<128x64xi32, #tpu.memory_space<vmem>>) offsets(%dma_start3A_232 : memref<128xi32, #tpu.memory_space<vmem>>) semaphore(%arg14 : memref<!tpu.dma_semaphore, #tpu.memory_space<semaphore_mem>>)
        } else {
        }
        %jit3A_137 = arith.constant 16 : i32
        %div3A_138 = arith.divsi %scan3A_74, %jit3A_137 : i32
        %sign3A_139 = arith.constant 0 : i32
        %sign3A_140 = arith.cmpi sgt, %scan3A_74, %sign3A_139 : i32
        %sign3A_141 = arith.extui %sign3A_140 : i1 to i32
        %sign3A_142 = arith.constant 0 : i32
        %sign3A_143 = arith.cmpi slt, %scan3A_74, %sign3A_142 : i32
        %sign3A_144 = arith.extui %sign3A_143 : i1 to i32
        %sign3A_145 = arith.subi %sign3A_141, %sign3A_144 : i32
        %sign3A_146 = arith.constant 0 : i32
        %sign3A_147 = arith.cmpi sgt, %jit3A_137, %sign3A_146 : i32
        %sign3A_148 = arith.extui %sign3A_147 : i1 to i32
        %sign3A_149 = arith.constant 0 : i32
        %sign3A_150 = arith.cmpi slt, %jit3A_137, %sign3A_149 : i32
        %sign3A_151 = arith.extui %sign3A_150 : i1 to i32
        %sign3A_152 = arith.subi %sign3A_148, %sign3A_151 : i32
        %ne3A_153 = arith.cmpi ne, %sign3A_145, %sign3A_152 : i32
        %rem3A_154 = arith.remsi %scan3A_74, %jit3A_137 : i32
        %ne3A_155 = arith.constant 0 : i32
        %ne3A_156 = arith.cmpi ne, %rem3A_154, %ne3A_155 : i32
        %and3A_157 = arith.andi %ne3A_153, %ne3A_156 : i1
        %sub3A_158 = arith.constant 1 : i32
        %sub3A_159 = arith.subi %div3A_138, %sub3A_158 : i32
        %select_n3A_160 = arith.select %and3A_157, %sub3A_159, %div3A_138 : i32
        %rem3A_161 = arith.constant 16 : i32
        %rem3A_162 = arith.remsi %scan3A_74, %rem3A_161 : i32
        %mul3A_163 = arith.constant 128 : i32
        %mul3A_164 = arith.muli %rem3A_162, %mul3A_163 : i32
        %multiple_of3A_165 = tpu.assume_multiple %mul3A_164, 128 : i32
        %scan3A_166 = arith.constant 0 : i32
        %scan3A_167 = arith.constant 32 : i32
        %scan3A_168 = arith.addi %scan3A_166, %scan3A_167 : i32
        %scan3A_169 = arith.constant 1 : i32
        %scan3A_170:8 = scf.for %scan3A_195 = %scan3A_166 to %scan3A_168 step %scan3A_169 iter_args(%scan3A_196 = %broadcast_in_dim3A_5, %scan3A_197 = %broadcast_in_dim3A_5, %scan3A_198 = %broadcast_in_dim3A_5, %scan3A_199 = %broadcast_in_dim3A_5, %scan3A_200 = %broadcast_in_dim3A_5, %scan3A_201 = %broadcast_in_dim3A_5, %scan3A_202 = %broadcast_in_dim3A_5, %scan3A_203 = %broadcast_in_dim3A_5) -> (vector<16xf32>, vector<16xf32>, vector<16xf32>, vector<16xf32>, vector<16xf32>, vector<16xf32>, vector<16xf32>, vector<16xf32>)  : i32 {
          %mul3A_204 = arith.constant 4 : i32
          %mul3A_205 = arith.muli %scan3A_195, %mul3A_204 : i32
          %add3A_206 = arith.constant 0 : i32
          %add3A_207 = arith.addi %mul3A_205, %add3A_206 : i32
          %mul3A_208 = arith.constant 2048 : i32
          %mul3A_209 = arith.muli %select_n3A_160, %mul3A_208 : i32
          %add3A_210 = arith.addi %mul3A_209, %multiple_of3A_165 : i32
          %add3A_211 = arith.addi %add3A_210, %add3A_207 : i32
          %broadcast_in_dim3A_212 = vector.broadcast %add3A_211 : i32 to vector<16xi32>
          %gather3A = tpu.vector_load_idx %arg8[%broadcast_in_dim3A_212] : memref<8192xi32, #tpu.memory_space<vmem>>[vector<16xi32>], vector<16xi32>,
          %mul3A_213 = arith.constant 64 : i32
          %mul3A_214 = vector.broadcast %mul3A_213 : i32 to vector<16xi32>
          %mul3A_215 = arith.muli %gather3A, %mul3A_214 : vector<16xi32>
          %add3A_216 = arith.addi %mul3A_215, %iota3A : vector<16xi32>
          %get3A = arith.constant 3 : i32
          %get3A_217 = arith.index_cast %get3A : i32 to index
          %get3A_218 = arith.index_cast %add3A_207 : i32 to index
          %get3A_219 = arith.constant 0 : index
          %get3A_220 = tpu.vector_load %arg9[%get3A_217, %get3A_218, %get3A_219] {strides = array<i32>} : memref<4x128x64xi32, #tpu.memory_space<vmem>>, vector<16xi32>,
          %add3A_221 = arith.constant 0 : i32
          %add3A_222 = vector.broadcast %add3A_221 : i32 to vector<16xi32>
          %add3A_223 = arith.addi %add3A_216, %add3A_222 : vector<16xi32>
          %gather3A_224 = tpu.vector_load_idx %arg10[%add3A_223] : memref<16384xi32, #tpu.memory_space<vmem>>[vector<16xi32>], vector<16xi32>,
          %shift_left3A = arith.constant 16 : i32
          %shift_left3A_225 = vector.broadcast %shift_left3A : i32 to vector<16xi32>
          %shift_left3A_226 = arith.shli %get3A_220, %shift_left3A_225 : vector<16xi32>
          %bitcast_convert_type3A = tpu.bitcast %shift_left3A_226 : vector<16xi32> -> vector<16xf32>
          %bitcast_convert_type3A_227 = tpu.bitcast %get3A_220 : vector<16xi32> -> vector<16xf32>
          %shift_left3A_228 = arith.constant 16 : i32
          %shift_left3A_229 = vector.broadcast %shift_left3A_228 : i32 to vector<16xi32>
          %shift_left3A_230 = arith.shli %gather3A_224, %shift_left3A_229 : vector<16xi32>
          %bitcast_convert_type3A_231 = tpu.bitcast %shift_left3A_230 : vector<16xi32> -> vector<16xf32>
          %bitcast_convert_type3A_232 = tpu.bitcast %gather3A_224 : vector<16xi32> -> vector<16xf32>
          %mul3A_233 = arith.mulf %bitcast_convert_type3A, %bitcast_convert_type3A_231 : vector<16xf32>
          %add3A_234 = arith.addf %scan3A_196, %mul3A_233 : vector<16xf32>
          %mul3A_235 = arith.mulf %bitcast_convert_type3A_227, %bitcast_convert_type3A_232 : vector<16xf32>
          %add3A_236 = arith.addf %scan3A_197, %mul3A_235 : vector<16xf32>
          %get3A_237 = arith.constant 3 : i32
          %get3A_238 = arith.index_cast %get3A_237 : i32 to index
          %get3A_239 = arith.index_cast %add3A_207 : i32 to index
          %get3A_240 = arith.constant 16 : index
          %get3A_241 = tpu.vector_load %arg9[%get3A_238, %get3A_239, %get3A_240] {strides = array<i32>} : memref<4x128x64xi32, #tpu.memory_space<vmem>>, vector<16xi32>,
          %add3A_242 = arith.constant 16 : i32
          %add3A_243 = vector.broadcast %add3A_242 : i32 to vector<16xi32>
          %add3A_244 = arith.addi %add3A_216, %add3A_243 : vector<16xi32>
          %gather3A_245 = tpu.vector_load_idx %arg10[%add3A_244] : memref<16384xi32, #tpu.memory_space<vmem>>[vector<16xi32>], vector<16xi32>,
          %shift_left3A_246 = arith.constant 16 : i32
          %shift_left3A_247 = vector.broadcast %shift_left3A_246 : i32 to vector<16xi32>
          %shift_left3A_248 = arith.shli %get3A_241, %shift_left3A_247 : vector<16xi32>
          %bitcast_convert_type3A_249 = tpu.bitcast %shift_left3A_248 : vector<16xi32> -> vector<16xf32>
          %bitcast_convert_type3A_250 = tpu.bitcast %get3A_241 : vector<16xi32> -> vector<16xf32>
          %shift_left3A_251 = arith.constant 16 : i32
          %shift_left3A_252 = vector.broadcast %shift_left3A_251 : i32 to vector<16xi32>
          %shift_left3A_253 = arith.shli %gather3A_245, %shift_left3A_252 : vector<16xi32>
          %bitcast_convert_type3A_254 = tpu.bitcast %shift_left3A_253 : vector<16xi32> -> vector<16xf32>
          %bitcast_convert_type3A_255 = tpu.bitcast %gather3A_245 : vector<16xi32> -> vector<16xf32>
          %mul3A_256 = arith.mulf %bitcast_convert_type3A_249, %bitcast_convert_type3A_254 : vector<16xf32>
          %add3A_257 = arith.addf %scan3A_198, %mul3A_256 : vector<16xf32>
          %mul3A_258 = arith.mulf %bitcast_convert_type3A_250, %bitcast_convert_type3A_255 : vector<16xf32>
          %add3A_259 = arith.addf %scan3A_199, %mul3A_258 : vector<16xf32>
          %get3A_260 = arith.constant 3 : i32
          %get3A_261 = arith.index_cast %get3A_260 : i32 to index
          %get3A_262 = arith.index_cast %add3A_207 : i32 to index
          %get3A_263 = arith.constant 32 : index
          %get3A_264 = tpu.vector_load %arg9[%get3A_261, %get3A_262, %get3A_263] {strides = array<i32>} : memref<4x128x64xi32, #tpu.memory_space<vmem>>, vector<16xi32>,
          %add3A_265 = arith.constant 32 : i32
          %add3A_266 = vector.broadcast %add3A_265 : i32 to vector<16xi32>
          %add3A_267 = arith.addi %add3A_216, %add3A_266 : vector<16xi32>
          %gather3A_268 = tpu.vector_load_idx %arg10[%add3A_267] : memref<16384xi32, #tpu.memory_space<vmem>>[vector<16xi32>], vector<16xi32>,
          %shift_left3A_269 = arith.constant 16 : i32
          %shift_left3A_270 = vector.broadcast %shift_left3A_269 : i32 to vector<16xi32>
          %shift_left3A_271 = arith.shli %get3A_264, %shift_left3A_270 : vector<16xi32>
          %bitcast_convert_type3A_272 = tpu.bitcast %shift_left3A_271 : vector<16xi32> -> vector<16xf32>
          %bitcast_convert_type3A_273 = tpu.bitcast %get3A_264 : vector<16xi32> -> vector<16xf32>
          %shift_left3A_274 = arith.constant 16 : i32
          %shift_left3A_275 = vector.broadcast %shift_left3A_274 : i32 to vector<16xi32>
          %shift_left3A_276 = arith.shli %gather3A_268, %shift_left3A_275 : vector<16xi32>
          %bitcast_convert_type3A_277 = tpu.bitcast %shift_left3A_276 : vector<16xi32> -> vector<16xf32>
          %bitcast_convert_type3A_278 = tpu.bitcast %gather3A_268 : vector<16xi32> -> vector<16xf32>
          %mul3A_279 = arith.mulf %bitcast_convert_type3A_272, %bitcast_convert_type3A_277 : vector<16xf32>
          %add3A_280 = arith.addf %scan3A_200, %mul3A_279 : vector<16xf32>
          %mul3A_281 = arith.mulf %bitcast_convert_type3A_273, %bitcast_convert_type3A_278 : vector<16xf32>
          %add3A_282 = arith.addf %scan3A_201, %mul3A_281 : vector<16xf32>
          %get3A_283 = arith.constant 3 : i32
          %get3A_284 = arith.index_cast %get3A_283 : i32 to index
          %get3A_285 = arith.index_cast %add3A_207 : i32 to index
          %get3A_286 = arith.constant 48 : index
          %get3A_287 = tpu.vector_load %arg9[%get3A_284, %get3A_285, %get3A_286] {strides = array<i32>} : memref<4x128x64xi32, #tpu.memory_space<vmem>>, vector<16xi32>,
          %add3A_288 = arith.constant 48 : i32
          %add3A_289 = vector.broadcast %add3A_288 : i32 to vector<16xi32>
          %add3A_290 = arith.addi %add3A_216, %add3A_289 : vector<16xi32>
          %gather3A_291 = tpu.vector_load_idx %arg10[%add3A_290] : memref<16384xi32, #tpu.memory_space<vmem>>[vector<16xi32>], vector<16xi32>,
          %shift_left3A_292 = arith.constant 16 : i32
          %shift_left3A_293 = vector.broadcast %shift_left3A_292 : i32 to vector<16xi32>
          %shift_left3A_294 = arith.shli %get3A_287, %shift_left3A_293 : vector<16xi32>
          %bitcast_convert_type3A_295 = tpu.bitcast %shift_left3A_294 : vector<16xi32> -> vector<16xf32>
          %bitcast_convert_type3A_296 = tpu.bitcast %get3A_287 : vector<16xi32> -> vector<16xf32>
          %shift_left3A_297 = arith.constant 16 : i32
          %shift_left3A_298 = vector.broadcast %shift_left3A_297 : i32 to vector<16xi32>
          %shift_left3A_299 = arith.shli %gather3A_291, %shift_left3A_298 : vector<16xi32>
          %bitcast_convert_type3A_300 = tpu.bitcast %shift_left3A_299 : vector<16xi32> -> vector<16xf32>
          %bitcast_convert_type3A_301 = tpu.bitcast %gather3A_291 : vector<16xi32> -> vector<16xf32>
          %mul3A_302 = arith.mulf %bitcast_convert_type3A_295, %bitcast_convert_type3A_300 : vector<16xf32>
          %add3A_303 = arith.addf %scan3A_202, %mul3A_302 : vector<16xf32>
          %mul3A_304 = arith.mulf %bitcast_convert_type3A_296, %bitcast_convert_type3A_301 : vector<16xf32>
          %add3A_305 = arith.addf %scan3A_203, %mul3A_304 : vector<16xf32>
          %mul3A_306 = arith.constant 4 : i32
          %mul3A_307 = arith.muli %scan3A_195, %mul3A_306 : i32
          %add3A_308 = arith.constant 1 : i32
          %add3A_309 = arith.addi %mul3A_307, %add3A_308 : i32
          %mul3A_310 = arith.constant 2048 : i32
          %mul3A_311 = arith.muli %select_n3A_160, %mul3A_310 : i32
          %add3A_312 = arith.addi %mul3A_311, %multiple_of3A_165 : i32
          %add3A_313 = arith.addi %add3A_312, %add3A_309 : i32
          %broadcast_in_dim3A_314 = vector.broadcast %add3A_313 : i32 to vector<16xi32>
          %gather3A_315 = tpu.vector_load_idx %arg8[%broadcast_in_dim3A_314] : memref<8192xi32, #tpu.memory_space<vmem>>[vector<16xi32>], vector<16xi32>,
          %mul3A_316 = arith.constant 64 : i32
          %mul3A_317 = vector.broadcast %mul3A_316 : i32 to vector<16xi32>
          %mul3A_318 = arith.muli %gather3A_315, %mul3A_317 : vector<16xi32>
          %add3A_319 = arith.addi %mul3A_318, %iota3A : vector<16xi32>
          %get3A_320 = arith.constant 3 : i32
          %get3A_321 = arith.index_cast %get3A_320 : i32 to index
          %get3A_322 = arith.index_cast %add3A_309 : i32 to index
          %get3A_323 = arith.constant 0 : index
          %get3A_324 = tpu.vector_load %arg9[%get3A_321, %get3A_322, %get3A_323] {strides = array<i32>} : memref<4x128x64xi32, #tpu.memory_space<vmem>>, vector<16xi32>,
          %add3A_325 = arith.constant 0 : i32
          %add3A_326 = vector.broadcast %add3A_325 : i32 to vector<16xi32>
          %add3A_327 = arith.addi %add3A_319, %add3A_326 : vector<16xi32>
          %gather3A_328 = tpu.vector_load_idx %arg10[%add3A_327] : memref<16384xi32, #tpu.memory_space<vmem>>[vector<16xi32>], vector<16xi32>,
          %shift_left3A_329 = arith.constant 16 : i32
          %shift_left3A_330 = vector.broadcast %shift_left3A_329 : i32 to vector<16xi32>
          %shift_left3A_331 = arith.shli %get3A_324, %shift_left3A_330 : vector<16xi32>
          %bitcast_convert_type3A_332 = tpu.bitcast %shift_left3A_331 : vector<16xi32> -> vector<16xf32>
          %bitcast_convert_type3A_333 = tpu.bitcast %get3A_324 : vector<16xi32> -> vector<16xf32>
          %shift_left3A_334 = arith.constant 16 : i32
          %shift_left3A_335 = vector.broadcast %shift_left3A_334 : i32 to vector<16xi32>
          %shift_left3A_336 = arith.shli %gather3A_328, %shift_left3A_335 : vector<16xi32>
          %bitcast_convert_type3A_337 = tpu.bitcast %shift_left3A_336 : vector<16xi32> -> vector<16xf32>
          %bitcast_convert_type3A_338 = tpu.bitcast %gather3A_328 : vector<16xi32> -> vector<16xf32>
          %mul3A_339 = arith.mulf %bitcast_convert_type3A_332, %bitcast_convert_type3A_337 : vector<16xf32>
          %add3A_340 = arith.addf %add3A_234, %mul3A_339 : vector<16xf32>
          %mul3A_341 = arith.mulf %bitcast_convert_type3A_333, %bitcast_convert_type3A_338 : vector<16xf32>
          %add3A_342 = arith.addf %add3A_236, %mul3A_341 : vector<16xf32>
          %get3A_343 = arith.constant 3 : i32
          %get3A_344 = arith.index_cast %get3A_343 : i32 to index
          %get3A_345 = arith.index_cast %add3A_309 : i32 to index
          %get3A_346 = arith.constant 16 : index
          %get3A_347 = tpu.vector_load %arg9[%get3A_344, %get3A_345, %get3A_346] {strides = array<i32>} : memref<4x128x64xi32, #tpu.memory_space<vmem>>, vector<16xi32>,
          %add3A_348 = arith.constant 16 : i32
          %add3A_349 = vector.broadcast %add3A_348 : i32 to vector<16xi32>
          %add3A_350 = arith.addi %add3A_319, %add3A_349 : vector<16xi32>
          %gather3A_351 = tpu.vector_load_idx %arg10[%add3A_350] : memref<16384xi32, #tpu.memory_space<vmem>>[vector<16xi32>], vector<16xi32>,
          %shift_left3A_352 = arith.constant 16 : i32
          %shift_left3A_353 = vector.broadcast %shift_left3A_352 : i32 to vector<16xi32>
          %shift_left3A_354 = arith.shli %get3A_347, %shift_left3A_353 : vector<16xi32>
          %bitcast_convert_type3A_355 = tpu.bitcast %shift_left3A_354 : vector<16xi32> -> vector<16xf32>
          %bitcast_convert_type3A_356 = tpu.bitcast %get3A_347 : vector<16xi32> -> vector<16xf32>
          %shift_left3A_357 = arith.constant 16 : i32
          %shift_left3A_358 = vector.broadcast %shift_left3A_357 : i32 to vector<16xi32>
          %shift_left3A_359 = arith.shli %gather3A_351, %shift_left3A_358 : vector<16xi32>
          %bitcast_convert_type3A_360 = tpu.bitcast %shift_left3A_359 : vector<16xi32> -> vector<16xf32>
          %bitcast_convert_type3A_361 = tpu.bitcast %gather3A_351 : vector<16xi32> -> vector<16xf32>
          %mul3A_362 = arith.mulf %bitcast_convert_type3A_355, %bitcast_convert_type3A_360 : vector<16xf32>
          %add3A_363 = arith.addf %add3A_257, %mul3A_362 : vector<16xf32>
          %mul3A_364 = arith.mulf %bitcast_convert_type3A_356, %bitcast_convert_type3A_361 : vector<16xf32>
          %add3A_365 = arith.addf %add3A_259, %mul3A_364 : vector<16xf32>
          %get3A_366 = arith.constant 3 : i32
          %get3A_367 = arith.index_cast %get3A_366 : i32 to index
          %get3A_368 = arith.index_cast %add3A_309 : i32 to index
          %get3A_369 = arith.constant 32 : index
          %get3A_370 = tpu.vector_load %arg9[%get3A_367, %get3A_368, %get3A_369] {strides = array<i32>} : memref<4x128x64xi32, #tpu.memory_space<vmem>>, vector<16xi32>,
          %add3A_371 = arith.constant 32 : i32
          %add3A_372 = vector.broadcast %add3A_371 : i32 to vector<16xi32>
          %add3A_373 = arith.addi %add3A_319, %add3A_372 : vector<16xi32>
          %gather3A_374 = tpu.vector_load_idx %arg10[%add3A_373] : memref<16384xi32, #tpu.memory_space<vmem>>[vector<16xi32>], vector<16xi32>,
          %shift_left3A_375 = arith.constant 16 : i32
          %shift_left3A_376 = vector.broadcast %shift_left3A_375 : i32 to vector<16xi32>
          %shift_left3A_377 = arith.shli %get3A_370, %shift_left3A_376 : vector<16xi32>
          %bitcast_convert_type3A_378 = tpu.bitcast %shift_left3A_377 : vector<16xi32> -> vector<16xf32>
          %bitcast_convert_type3A_379 = tpu.bitcast %get3A_370 : vector<16xi32> -> vector<16xf32>
          %shift_left3A_380 = arith.constant 16 : i32
          %shift_left3A_381 = vector.broadcast %shift_left3A_380 : i32 to vector<16xi32>
          %shift_left3A_382 = arith.shli %gather3A_374, %shift_left3A_381 : vector<16xi32>
          %bitcast_convert_type3A_383 = tpu.bitcast %shift_left3A_382 : vector<16xi32> -> vector<16xf32>
          %bitcast_convert_type3A_384 = tpu.bitcast %gather3A_374 : vector<16xi32> -> vector<16xf32>
          %mul3A_385 = arith.mulf %bitcast_convert_type3A_378, %bitcast_convert_type3A_383 : vector<16xf32>
          %add3A_386 = arith.addf %add3A_280, %mul3A_385 : vector<16xf32>
          %mul3A_387 = arith.mulf %bitcast_convert_type3A_379, %bitcast_convert_type3A_384 : vector<16xf32>
          %add3A_388 = arith.addf %add3A_282, %mul3A_387 : vector<16xf32>
          %get3A_389 = arith.constant 3 : i32
          %get3A_390 = arith.index_cast %get3A_389 : i32 to index
          %get3A_391 = arith.index_cast %add3A_309 : i32 to index
          %get3A_392 = arith.constant 48 : index
          %get3A_393 = tpu.vector_load %arg9[%get3A_390, %get3A_391, %get3A_392] {strides = array<i32>} : memref<4x128x64xi32, #tpu.memory_space<vmem>>, vector<16xi32>,
          %add3A_394 = arith.constant 48 : i32
          %add3A_395 = vector.broadcast %add3A_394 : i32 to vector<16xi32>
          %add3A_396 = arith.addi %add3A_319, %add3A_395 : vector<16xi32>
          %gather3A_397 = tpu.vector_load_idx %arg10[%add3A_396] : memref<16384xi32, #tpu.memory_space<vmem>>[vector<16xi32>], vector<16xi32>,
          %shift_left3A_398 = arith.constant 16 : i32
          %shift_left3A_399 = vector.broadcast %shift_left3A_398 : i32 to vector<16xi32>
          %shift_left3A_400 = arith.shli %get3A_393, %shift_left3A_399 : vector<16xi32>
          %bitcast_convert_type3A_401 = tpu.bitcast %shift_left3A_400 : vector<16xi32> -> vector<16xf32>
          %bitcast_convert_type3A_402 = tpu.bitcast %get3A_393 : vector<16xi32> -> vector<16xf32>
          %shift_left3A_403 = arith.constant 16 : i32
          %shift_left3A_404 = vector.broadcast %shift_left3A_403 : i32 to vector<16xi32>
          %shift_left3A_405 = arith.shli %gather3A_397, %shift_left3A_404 : vector<16xi32>
          %bitcast_convert_type3A_406 = tpu.bitcast %shift_left3A_405 : vector<16xi32> -> vector<16xf32>
          %bitcast_convert_type3A_407 = tpu.bitcast %gather3A_397 : vector<16xi32> -> vector<16xf32>
          %mul3A_408 = arith.mulf %bitcast_convert_type3A_401, %bitcast_convert_type3A_406 : vector<16xf32>
          %add3A_409 = arith.addf %add3A_303, %mul3A_408 : vector<16xf32>
          %mul3A_410 = arith.mulf %bitcast_convert_type3A_402, %bitcast_convert_type3A_407 : vector<16xf32>
          %add3A_411 = arith.addf %add3A_305, %mul3A_410 : vector<16xf32>
          %mul3A_412 = arith.constant 4 : i32
          %mul3A_413 = arith.muli %scan3A_195, %mul3A_412 : i32
          %add3A_414 = arith.constant 2 : i32
          %add3A_415 = arith.addi %mul3A_413, %add3A_414 : i32
          %mul3A_416 = arith.constant 2048 : i32
          %mul3A_417 = arith.muli %select_n3A_160, %mul3A_416 : i32
          %add3A_418 = arith.addi %mul3A_417, %multiple_of3A_165 : i32
          %add3A_419 = arith.addi %add3A_418, %add3A_415 : i32
          %broadcast_in_dim3A_420 = vector.broadcast %add3A_419 : i32 to vector<16xi32>
          %gather3A_421 = tpu.vector_load_idx %arg8[%broadcast_in_dim3A_420] : memref<8192xi32, #tpu.memory_space<vmem>>[vector<16xi32>], vector<16xi32>,
          %mul3A_422 = arith.constant 64 : i32
          %mul3A_423 = vector.broadcast %mul3A_422 : i32 to vector<16xi32>
          %mul3A_424 = arith.muli %gather3A_421, %mul3A_423 : vector<16xi32>
          %add3A_425 = arith.addi %mul3A_424, %iota3A : vector<16xi32>
          %get3A_426 = arith.constant 3 : i32
          %get3A_427 = arith.index_cast %get3A_426 : i32 to index
          %get3A_428 = arith.index_cast %add3A_415 : i32 to index
          %get3A_429 = arith.constant 0 : index
          %get3A_430 = tpu.vector_load %arg9[%get3A_427, %get3A_428, %get3A_429] {strides = array<i32>} : memref<4x128x64xi32, #tpu.memory_space<vmem>>, vector<16xi32>,
          %add3A_431 = arith.constant 0 : i32
          %add3A_432 = vector.broadcast %add3A_431 : i32 to vector<16xi32>
          %add3A_433 = arith.addi %add3A_425, %add3A_432 : vector<16xi32>
          %gather3A_434 = tpu.vector_load_idx %arg10[%add3A_433] : memref<16384xi32, #tpu.memory_space<vmem>>[vector<16xi32>], vector<16xi32>,
          %shift_left3A_435 = arith.constant 16 : i32
          %shift_left3A_436 = vector.broadcast %shift_left3A_435 : i32 to vector<16xi32>
          %shift_left3A_437 = arith.shli %get3A_430, %shift_left3A_436 : vector<16xi32>
          %bitcast_convert_type3A_438 = tpu.bitcast %shift_left3A_437 : vector<16xi32> -> vector<16xf32>
          %bitcast_convert_type3A_439 = tpu.bitcast %get3A_430 : vector<16xi32> -> vector<16xf32>
          %shift_left3A_440 = arith.constant 16 : i32
          %shift_left3A_441 = vector.broadcast %shift_left3A_440 : i32 to vector<16xi32>
          %shift_left3A_442 = arith.shli %gather3A_434, %shift_left3A_441 : vector<16xi32>
          %bitcast_convert_type3A_443 = tpu.bitcast %shift_left3A_442 : vector<16xi32> -> vector<16xf32>
          %bitcast_convert_type3A_444 = tpu.bitcast %gather3A_434 : vector<16xi32> -> vector<16xf32>
          %mul3A_445 = arith.mulf %bitcast_convert_type3A_438, %bitcast_convert_type3A_443 : vector<16xf32>
          %add3A_446 = arith.addf %add3A_340, %mul3A_445 : vector<16xf32>
          %mul3A_447 = arith.mulf %bitcast_convert_type3A_439, %bitcast_convert_type3A_444 : vector<16xf32>
          %add3A_448 = arith.addf %add3A_342, %mul3A_447 : vector<16xf32>
          %get3A_449 = arith.constant 3 : i32
          %get3A_450 = arith.index_cast %get3A_449 : i32 to index
          %get3A_451 = arith.index_cast %add3A_415 : i32 to index
          %get3A_452 = arith.constant 16 : index
          %get3A_453 = tpu.vector_load %arg9[%get3A_450, %get3A_451, %get3A_452] {strides = array<i32>} : memref<4x128x64xi32, #tpu.memory_space<vmem>>, vector<16xi32>,
          %add3A_454 = arith.constant 16 : i32
          %add3A_455 = vector.broadcast %add3A_454 : i32 to vector<16xi32>
          %add3A_456 = arith.addi %add3A_425, %add3A_455 : vector<16xi32>
          %gather3A_457 = tpu.vector_load_idx %arg10[%add3A_456] : memref<16384xi32, #tpu.memory_space<vmem>>[vector<16xi32>], vector<16xi32>,
          %shift_left3A_458 = arith.constant 16 : i32
          %shift_left3A_459 = vector.broadcast %shift_left3A_458 : i32 to vector<16xi32>
          %shift_left3A_460 = arith.shli %get3A_453, %shift_left3A_459 : vector<16xi32>
          %bitcast_convert_type3A_461 = tpu.bitcast %shift_left3A_460 : vector<16xi32> -> vector<16xf32>
          %bitcast_convert_type3A_462 = tpu.bitcast %get3A_453 : vector<16xi32> -> vector<16xf32>
          %shift_left3A_463 = arith.constant 16 : i32
          %shift_left3A_464 = vector.broadcast %shift_left3A_463 : i32 to vector<16xi32>
          %shift_left3A_465 = arith.shli %gather3A_457, %shift_left3A_464 : vector<16xi32>
          %bitcast_convert_type3A_466 = tpu.bitcast %shift_left3A_465 : vector<16xi32> -> vector<16xf32>
          %bitcast_convert_type3A_467 = tpu.bitcast %gather3A_457 : vector<16xi32> -> vector<16xf32>
          %mul3A_468 = arith.mulf %bitcast_convert_type3A_461, %bitcast_convert_type3A_466 : vector<16xf32>
          %add3A_469 = arith.addf %add3A_363, %mul3A_468 : vector<16xf32>
          %mul3A_470 = arith.mulf %bitcast_convert_type3A_462, %bitcast_convert_type3A_467 : vector<16xf32>
          %add3A_471 = arith.addf %add3A_365, %mul3A_470 : vector<16xf32>
          %get3A_472 = arith.constant 3 : i32
          %get3A_473 = arith.index_cast %get3A_472 : i32 to index
          %get3A_474 = arith.index_cast %add3A_415 : i32 to index
          %get3A_475 = arith.constant 32 : index
          %get3A_476 = tpu.vector_load %arg9[%get3A_473, %get3A_474, %get3A_475] {strides = array<i32>} : memref<4x128x64xi32, #tpu.memory_space<vmem>>, vector<16xi32>,
          %add3A_477 = arith.constant 32 : i32
          %add3A_478 = vector.broadcast %add3A_477 : i32 to vector<16xi32>
          %add3A_479 = arith.addi %add3A_425, %add3A_478 : vector<16xi32>
          %gather3A_480 = tpu.vector_load_idx %arg10[%add3A_479] : memref<16384xi32, #tpu.memory_space<vmem>>[vector<16xi32>], vector<16xi32>,
          %shift_left3A_481 = arith.constant 16 : i32
          %shift_left3A_482 = vector.broadcast %shift_left3A_481 : i32 to vector<16xi32>
          %shift_left3A_483 = arith.shli %get3A_476, %shift_left3A_482 : vector<16xi32>
          %bitcast_convert_type3A_484 = tpu.bitcast %shift_left3A_483 : vector<16xi32> -> vector<16xf32>
          %bitcast_convert_type3A_485 = tpu.bitcast %get3A_476 : vector<16xi32> -> vector<16xf32>
          %shift_left3A_486 = arith.constant 16 : i32
          %shift_left3A_487 = vector.broadcast %shift_left3A_486 : i32 to vector<16xi32>
          %shift_left3A_488 = arith.shli %gather3A_480, %shift_left3A_487 : vector<16xi32>
          %bitcast_convert_type3A_489 = tpu.bitcast %shift_left3A_488 : vector<16xi32> -> vector<16xf32>
          %bitcast_convert_type3A_490 = tpu.bitcast %gather3A_480 : vector<16xi32> -> vector<16xf32>
          %mul3A_491 = arith.mulf %bitcast_convert_type3A_484, %bitcast_convert_type3A_489 : vector<16xf32>
          %add3A_492 = arith.addf %add3A_386, %mul3A_491 : vector<16xf32>
          %mul3A_493 = arith.mulf %bitcast_convert_type3A_485, %bitcast_convert_type3A_490 : vector<16xf32>
          %add3A_494 = arith.addf %add3A_388, %mul3A_493 : vector<16xf32>
          %get3A_495 = arith.constant 3 : i32
          %get3A_496 = arith.index_cast %get3A_495 : i32 to index
          %get3A_497 = arith.index_cast %add3A_415 : i32 to index
          %get3A_498 = arith.constant 48 : index
          %get3A_499 = tpu.vector_load %arg9[%get3A_496, %get3A_497, %get3A_498] {strides = array<i32>} : memref<4x128x64xi32, #tpu.memory_space<vmem>>, vector<16xi32>,
          %add3A_500 = arith.constant 48 : i32
          %add3A_501 = vector.broadcast %add3A_500 : i32 to vector<16xi32>
          %add3A_502 = arith.addi %add3A_425, %add3A_501 : vector<16xi32>
          %gather3A_503 = tpu.vector_load_idx %arg10[%add3A_502] : memref<16384xi32, #tpu.memory_space<vmem>>[vector<16xi32>], vector<16xi32>,
          %shift_left3A_504 = arith.constant 16 : i32
          %shift_left3A_505 = vector.broadcast %shift_left3A_504 : i32 to vector<16xi32>
          %shift_left3A_506 = arith.shli %get3A_499, %shift_left3A_505 : vector<16xi32>
          %bitcast_convert_type3A_507 = tpu.bitcast %shift_left3A_506 : vector<16xi32> -> vector<16xf32>
          %bitcast_convert_type3A_508 = tpu.bitcast %get3A_499 : vector<16xi32> -> vector<16xf32>
          %shift_left3A_509 = arith.constant 16 : i32
          %shift_left3A_510 = vector.broadcast %shift_left3A_509 : i32 to vector<16xi32>
          %shift_left3A_511 = arith.shli %gather3A_503, %shift_left3A_510 : vector<16xi32>
          %bitcast_convert_type3A_512 = tpu.bitcast %shift_left3A_511 : vector<16xi32> -> vector<16xf32>
          %bitcast_convert_type3A_513 = tpu.bitcast %gather3A_503 : vector<16xi32> -> vector<16xf32>
          %mul3A_514 = arith.mulf %bitcast_convert_type3A_507, %bitcast_convert_type3A_512 : vector<16xf32>
          %add3A_515 = arith.addf %add3A_409, %mul3A_514 : vector<16xf32>
          %mul3A_516 = arith.mulf %bitcast_convert_type3A_508, %bitcast_convert_type3A_513 : vector<16xf32>
          %add3A_517 = arith.addf %add3A_411, %mul3A_516 : vector<16xf32>
          %mul3A_518 = arith.constant 4 : i32
          %mul3A_519 = arith.muli %scan3A_195, %mul3A_518 : i32
          %add3A_520 = arith.constant 3 : i32
          %add3A_521 = arith.addi %mul3A_519, %add3A_520 : i32
          %mul3A_522 = arith.constant 2048 : i32
          %mul3A_523 = arith.muli %select_n3A_160, %mul3A_522 : i32
          %add3A_524 = arith.addi %mul3A_523, %multiple_of3A_165 : i32
          %add3A_525 = arith.addi %add3A_524, %add3A_521 : i32
          %broadcast_in_dim3A_526 = vector.broadcast %add3A_525 : i32 to vector<16xi32>
          %gather3A_527 = tpu.vector_load_idx %arg8[%broadcast_in_dim3A_526] : memref<8192xi32, #tpu.memory_space<vmem>>[vector<16xi32>], vector<16xi32>,
          %mul3A_528 = arith.constant 64 : i32
          %mul3A_529 = vector.broadcast %mul3A_528 : i32 to vector<16xi32>
          %mul3A_530 = arith.muli %gather3A_527, %mul3A_529 : vector<16xi32>
          %add3A_531 = arith.addi %mul3A_530, %iota3A : vector<16xi32>
          %get3A_532 = arith.constant 3 : i32
          %get3A_533 = arith.index_cast %get3A_532 : i32 to index
          %get3A_534 = arith.index_cast %add3A_521 : i32 to index
          %get3A_535 = arith.constant 0 : index
          %get3A_536 = tpu.vector_load %arg9[%get3A_533, %get3A_534, %get3A_535] {strides = array<i32>} : memref<4x128x64xi32, #tpu.memory_space<vmem>>, vector<16xi32>,
          %add3A_537 = arith.constant 0 : i32
          %add3A_538 = vector.broadcast %add3A_537 : i32 to vector<16xi32>
          %add3A_539 = arith.addi %add3A_531, %add3A_538 : vector<16xi32>
          %gather3A_540 = tpu.vector_load_idx %arg10[%add3A_539] : memref<16384xi32, #tpu.memory_space<vmem>>[vector<16xi32>], vector<16xi32>,
          %shift_left3A_541 = arith.constant 16 : i32
          %shift_left3A_542 = vector.broadcast %shift_left3A_541 : i32 to vector<16xi32>
          %shift_left3A_543 = arith.shli %get3A_536, %shift_left3A_542 : vector<16xi32>
          %bitcast_convert_type3A_544 = tpu.bitcast %shift_left3A_543 : vector<16xi32> -> vector<16xf32>
          %bitcast_convert_type3A_545 = tpu.bitcast %get3A_536 : vector<16xi32> -> vector<16xf32>
          %shift_left3A_546 = arith.constant 16 : i32
          %shift_left3A_547 = vector.broadcast %shift_left3A_546 : i32 to vector<16xi32>
          %shift_left3A_548 = arith.shli %gather3A_540, %shift_left3A_547 : vector<16xi32>
          %bitcast_convert_type3A_549 = tpu.bitcast %shift_left3A_548 : vector<16xi32> -> vector<16xf32>
          %bitcast_convert_type3A_550 = tpu.bitcast %gather3A_540 : vector<16xi32> -> vector<16xf32>
          %mul3A_551 = arith.mulf %bitcast_convert_type3A_544, %bitcast_convert_type3A_549 : vector<16xf32>
          %add3A_552 = arith.addf %add3A_446, %mul3A_551 : vector<16xf32>
          %mul3A_553 = arith.mulf %bitcast_convert_type3A_545, %bitcast_convert_type3A_550 : vector<16xf32>
          %add3A_554 = arith.addf %add3A_448, %mul3A_553 : vector<16xf32>
          %get3A_555 = arith.constant 3 : i32
          %get3A_556 = arith.index_cast %get3A_555 : i32 to index
          %get3A_557 = arith.index_cast %add3A_521 : i32 to index
          %get3A_558 = arith.constant 16 : index
          %get3A_559 = tpu.vector_load %arg9[%get3A_556, %get3A_557, %get3A_558] {strides = array<i32>} : memref<4x128x64xi32, #tpu.memory_space<vmem>>, vector<16xi32>,
          %add3A_560 = arith.constant 16 : i32
          %add3A_561 = vector.broadcast %add3A_560 : i32 to vector<16xi32>
          %add3A_562 = arith.addi %add3A_531, %add3A_561 : vector<16xi32>
          %gather3A_563 = tpu.vector_load_idx %arg10[%add3A_562] : memref<16384xi32, #tpu.memory_space<vmem>>[vector<16xi32>], vector<16xi32>,
          %shift_left3A_564 = arith.constant 16 : i32
          %shift_left3A_565 = vector.broadcast %shift_left3A_564 : i32 to vector<16xi32>
          %shift_left3A_566 = arith.shli %get3A_559, %shift_left3A_565 : vector<16xi32>
          %bitcast_convert_type3A_567 = tpu.bitcast %shift_left3A_566 : vector<16xi32> -> vector<16xf32>
          %bitcast_convert_type3A_568 = tpu.bitcast %get3A_559 : vector<16xi32> -> vector<16xf32>
          %shift_left3A_569 = arith.constant 16 : i32
          %shift_left3A_570 = vector.broadcast %shift_left3A_569 : i32 to vector<16xi32>
          %shift_left3A_571 = arith.shli %gather3A_563, %shift_left3A_570 : vector<16xi32>
          %bitcast_convert_type3A_572 = tpu.bitcast %shift_left3A_571 : vector<16xi32> -> vector<16xf32>
          %bitcast_convert_type3A_573 = tpu.bitcast %gather3A_563 : vector<16xi32> -> vector<16xf32>
          %mul3A_574 = arith.mulf %bitcast_convert_type3A_567, %bitcast_convert_type3A_572 : vector<16xf32>
          %add3A_575 = arith.addf %add3A_469, %mul3A_574 : vector<16xf32>
          %mul3A_576 = arith.mulf %bitcast_convert_type3A_568, %bitcast_convert_type3A_573 : vector<16xf32>
          %add3A_577 = arith.addf %add3A_471, %mul3A_576 : vector<16xf32>
          %get3A_578 = arith.constant 3 : i32
          %get3A_579 = arith.index_cast %get3A_578 : i32 to index
          %get3A_580 = arith.index_cast %add3A_521 : i32 to index
          %get3A_581 = arith.constant 32 : index
          %get3A_582 = tpu.vector_load %arg9[%get3A_579, %get3A_580, %get3A_581] {strides = array<i32>} : memref<4x128x64xi32, #tpu.memory_space<vmem>>, vector<16xi32>,
          %add3A_583 = arith.constant 32 : i32
          %add3A_584 = vector.broadcast %add3A_583 : i32 to vector<16xi32>
          %add3A_585 = arith.addi %add3A_531, %add3A_584 : vector<16xi32>
          %gather3A_586 = tpu.vector_load_idx %arg10[%add3A_585] : memref<16384xi32, #tpu.memory_space<vmem>>[vector<16xi32>], vector<16xi32>,
          %shift_left3A_587 = arith.constant 16 : i32
          %shift_left3A_588 = vector.broadcast %shift_left3A_587 : i32 to vector<16xi32>
          %shift_left3A_589 = arith.shli %get3A_582, %shift_left3A_588 : vector<16xi32>
          %bitcast_convert_type3A_590 = tpu.bitcast %shift_left3A_589 : vector<16xi32> -> vector<16xf32>
          %bitcast_convert_type3A_591 = tpu.bitcast %get3A_582 : vector<16xi32> -> vector<16xf32>
          %shift_left3A_592 = arith.constant 16 : i32
          %shift_left3A_593 = vector.broadcast %shift_left3A_592 : i32 to vector<16xi32>
          %shift_left3A_594 = arith.shli %gather3A_586, %shift_left3A_593 : vector<16xi32>
          %bitcast_convert_type3A_595 = tpu.bitcast %shift_left3A_594 : vector<16xi32> -> vector<16xf32>
          %bitcast_convert_type3A_596 = tpu.bitcast %gather3A_586 : vector<16xi32> -> vector<16xf32>
          %mul3A_597 = arith.mulf %bitcast_convert_type3A_590, %bitcast_convert_type3A_595 : vector<16xf32>
          %add3A_598 = arith.addf %add3A_492, %mul3A_597 : vector<16xf32>
          %mul3A_599 = arith.mulf %bitcast_convert_type3A_591, %bitcast_convert_type3A_596 : vector<16xf32>
          %add3A_600 = arith.addf %add3A_494, %mul3A_599 : vector<16xf32>
          %get3A_601 = arith.constant 3 : i32
          %get3A_602 = arith.index_cast %get3A_601 : i32 to index
          %get3A_603 = arith.index_cast %add3A_521 : i32 to index
          %get3A_604 = arith.constant 48 : index
          %get3A_605 = tpu.vector_load %arg9[%get3A_602, %get3A_603, %get3A_604] {strides = array<i32>} : memref<4x128x64xi32, #tpu.memory_space<vmem>>, vector<16xi32>,
          %add3A_606 = arith.constant 48 : i32
          %add3A_607 = vector.broadcast %add3A_606 : i32 to vector<16xi32>
          %add3A_608 = arith.addi %add3A_531, %add3A_607 : vector<16xi32>
          %gather3A_609 = tpu.vector_load_idx %arg10[%add3A_608] : memref<16384xi32, #tpu.memory_space<vmem>>[vector<16xi32>], vector<16xi32>,
          %shift_left3A_610 = arith.constant 16 : i32
          %shift_left3A_611 = vector.broadcast %shift_left3A_610 : i32 to vector<16xi32>
          %shift_left3A_612 = arith.shli %get3A_605, %shift_left3A_611 : vector<16xi32>
          %bitcast_convert_type3A_613 = tpu.bitcast %shift_left3A_612 : vector<16xi32> -> vector<16xf32>
          %bitcast_convert_type3A_614 = tpu.bitcast %get3A_605 : vector<16xi32> -> vector<16xf32>
          %shift_left3A_615 = arith.constant 16 : i32
          %shift_left3A_616 = vector.broadcast %shift_left3A_615 : i32 to vector<16xi32>
          %shift_left3A_617 = arith.shli %gather3A_609, %shift_left3A_616 : vector<16xi32>
          %bitcast_convert_type3A_618 = tpu.bitcast %shift_left3A_617 : vector<16xi32> -> vector<16xf32>
          %bitcast_convert_type3A_619 = tpu.bitcast %gather3A_609 : vector<16xi32> -> vector<16xf32>
          %mul3A_620 = arith.mulf %bitcast_convert_type3A_613, %bitcast_convert_type3A_618 : vector<16xf32>
          %add3A_621 = arith.addf %add3A_515, %mul3A_620 : vector<16xf32>
          %mul3A_622 = arith.mulf %bitcast_convert_type3A_614, %bitcast_convert_type3A_619 : vector<16xf32>
          %add3A_623 = arith.addf %add3A_517, %mul3A_622 : vector<16xf32>
          scf.yield %add3A_552, %add3A_554, %add3A_575, %add3A_577, %add3A_598, %add3A_600, %add3A_621, %add3A_623 : vector<16xf32>, vector<16xf32>, vector<16xf32>, vector<16xf32>, vector<16xf32>, vector<16xf32>, vector<16xf32>, vector<16xf32>
        }
        %scan3A_171 = arith.constant 32 : i32
        %swap3A_172 = arith.constant 0 : index
        %swap3A_173 = tpu.vector_load %arg11[%swap3A_172] {strides = array<i32>} : memref<128xf32, #tpu.memory_space<vmem>>, vector<16xf32>,
        tpu.vector_store %arg11[%swap3A_172], %scan3A_170#0 {add = true, strides = array<i32>} : memref<128xf32, #tpu.memory_space<vmem>>, vector<16xf32>,
        %swap3A_174 = arith.constant 16 : index
        %swap3A_175 = tpu.vector_load %arg11[%swap3A_174] {strides = array<i32>} : memref<128xf32, #tpu.memory_space<vmem>>, vector<16xf32>,
        tpu.vector_store %arg11[%swap3A_174], %scan3A_170#1 {add = true, strides = array<i32>} : memref<128xf32, #tpu.memory_space<vmem>>, vector<16xf32>,
        %swap3A_176 = arith.constant 32 : index
        %swap3A_177 = tpu.vector_load %arg11[%swap3A_176] {strides = array<i32>} : memref<128xf32, #tpu.memory_space<vmem>>, vector<16xf32>,
        tpu.vector_store %arg11[%swap3A_176], %scan3A_170#2 {add = true, strides = array<i32>} : memref<128xf32, #tpu.memory_space<vmem>>, vector<16xf32>,
        %swap3A_178 = arith.constant 48 : index
        %swap3A_179 = tpu.vector_load %arg11[%swap3A_178] {strides = array<i32>} : memref<128xf32, #tpu.memory_space<vmem>>, vector<16xf32>,
        tpu.vector_store %arg11[%swap3A_178], %scan3A_170#3 {add = true, strides = array<i32>} : memref<128xf32, #tpu.memory_space<vmem>>, vector<16xf32>,
        %swap3A_180 = arith.constant 64 : index
        %swap3A_181 = tpu.vector_load %arg11[%swap3A_180] {strides = array<i32>} : memref<128xf32, #tpu.memory_space<vmem>>, vector<16xf32>,
        tpu.vector_store %arg11[%swap3A_180], %scan3A_170#4 {add = true, strides = array<i32>} : memref<128xf32, #tpu.memory_space<vmem>>, vector<16xf32>,
        %swap3A_182 = arith.constant 80 : index
        %swap3A_183 = tpu.vector_load %arg11[%swap3A_182] {strides = array<i32>} : memref<128xf32, #tpu.memory_space<vmem>>, vector<16xf32>,
        tpu.vector_store %arg11[%swap3A_182], %scan3A_170#5 {add = true, strides = array<i32>} : memref<128xf32, #tpu.memory_space<vmem>>, vector<16xf32>,
        %swap3A_184 = arith.constant 96 : index
        %swap3A_185 = tpu.vector_load %arg11[%swap3A_184] {strides = array<i32>} : memref<128xf32, #tpu.memory_space<vmem>>, vector<16xf32>,
        tpu.vector_store %arg11[%swap3A_184], %scan3A_170#6 {add = true, strides = array<i32>} : memref<128xf32, #tpu.memory_space<vmem>>, vector<16xf32>,
        %swap3A_186 = arith.constant 112 : index
        %swap3A_187 = tpu.vector_load %arg11[%swap3A_186] {strides = array<i32>} : memref<128xf32, #tpu.memory_space<vmem>>, vector<16xf32>,
        tpu.vector_store %arg11[%swap3A_186], %scan3A_170#7 {add = true, strides = array<i32>} : memref<128xf32, #tpu.memory_space<vmem>>, vector<16xf32>,
        %rem3A_188 = arith.constant 16 : i32
        %rem3A_189 = arith.remsi %scan3A_74, %rem3A_188 : i32
        %eq3A_190 = arith.constant 15 : i32
        %eq3A_191 = arith.cmpi eq, %rem3A_189, %eq3A_190 : i32
        %convert_element_type3A_192 = arith.extui %eq3A_191 : i1 to i32
        %cond3A_193 = arith.constant 0 : i32
        %cond3A_194 = arith.cmpi ne, %convert_element_type3A_192, %cond3A_193 : i32
        scf.if %cond3A_194 {
          %jit3A_195 = arith.constant 16 : i32
          %div3A_196 = arith.divsi %scan3A_74, %jit3A_195 : i32
          %sign3A_197 = arith.constant 0 : i32
          %sign3A_198 = arith.cmpi sgt, %scan3A_74, %sign3A_197 : i32
          %sign3A_199 = arith.extui %sign3A_198 : i1 to i32
          %sign3A_200 = arith.constant 0 : i32
          %sign3A_201 = arith.cmpi slt, %scan3A_74, %sign3A_200 : i32
          %sign3A_202 = arith.extui %sign3A_201 : i1 to i32
          %sign3A_203 = arith.subi %sign3A_199, %sign3A_202 : i32
          %sign3A_204 = arith.constant 0 : i32
          %sign3A_205 = arith.cmpi sgt, %jit3A_195, %sign3A_204 : i32
          %sign3A_206 = arith.extui %sign3A_205 : i1 to i32
          %sign3A_207 = arith.constant 0 : i32
          %sign3A_208 = arith.cmpi slt, %jit3A_195, %sign3A_207 : i32
          %sign3A_209 = arith.extui %sign3A_208 : i1 to i32
          %sign3A_210 = arith.subi %sign3A_206, %sign3A_209 : i32
          %ne3A_211 = arith.cmpi ne, %sign3A_203, %sign3A_210 : i32
          %rem3A_212 = arith.remsi %scan3A_74, %jit3A_195 : i32
          %ne3A_213 = arith.constant 0 : i32
          %ne3A_214 = arith.cmpi ne, %rem3A_212, %ne3A_213 : i32
          %and3A_215 = arith.andi %ne3A_211, %ne3A_214 : i1
          %sub3A_216 = arith.constant 1 : i32
          %sub3A_217 = arith.subi %div3A_196, %sub3A_216 : i32
          %select_n3A_218 = arith.select %and3A_215, %sub3A_217, %div3A_196 : i32
          %add3A_219 = arith.addi %mul3A_2, %select_n3A_218 : i32
          "tpu.region"() ({
            %run_scoped3A = tpu.sem_alloc : memref<!tpu.dma_semaphore, #tpu.memory_space<semaphore_mem>>
            %dma_start3A_236 = arith.constant 0 : i32
            %dma_start3A_237 = tpu.memref_slice %arg6[%add3A_219, %dma_start3A_236] : memref<128x128xf32, #tpu.memory_space<hbm>> -> memref<1x128xf32, #tpu.memory_space<hbm>>
            %dma_start3A_238 = tpu.memref_squeeze %dma_start3A_237 : memref<1x128xf32, #tpu.memory_space<hbm>> -> memref<128xf32, #tpu.memory_space<hbm>>
            %dma_start3A_239 = arith.constant 0 : i32
            %dma_start3A_240 = tpu.memref_slice %arg6[%add3A_219, %dma_start3A_239] : memref<128x128xf32, #tpu.memory_space<hbm>> -> memref<1x128xf32, #tpu.memory_space<hbm>>
            %dma_start3A_241 = tpu.memref_squeeze %dma_start3A_240 : memref<1x128xf32, #tpu.memory_space<hbm>> -> memref<128xf32, #tpu.memory_space<hbm>>
            tpu.enqueue_dma source(%arg11 : memref<128xf32, #tpu.memory_space<vmem>>) target(%dma_start3A_241 : memref<128xf32, #tpu.memory_space<hbm>>) target_semaphore(%run_scoped3A : memref<!tpu.dma_semaphore, #tpu.memory_space<semaphore_mem>>)
            %dma_wait3A_242 = arith.constant 0 : i32
            %dma_wait3A_243 = tpu.memref_slice %arg6[%add3A_219, %dma_wait3A_242] : memref<128x128xf32, #tpu.memory_space<hbm>> -> memref<1x128xf32, #tpu.memory_space<hbm>>
            %dma_wait3A_244 = tpu.memref_squeeze %dma_wait3A_243 : memref<1x128xf32, #tpu.memory_space<hbm>> -> memref<128xf32, #tpu.memory_space<hbm>>
            %dma_wait3A_245 = arith.constant 0 : i32
            %dma_wait3A_246 = tpu.memref_slice %arg6[%add3A_219, %dma_wait3A_245] : memref<128x128xf32, #tpu.memory_space<hbm>> -> memref<1x128xf32, #tpu.memory_space<hbm>>
            %dma_wait3A_247 = tpu.memref_squeeze %dma_wait3A_246 : memref<1x128xf32, #tpu.memory_space<hbm>> -> memref<128xf32, #tpu.memory_space<hbm>>
            tpu.wait_dma2 semaphore(%run_scoped3A : memref<!tpu.dma_semaphore, #tpu.memory_space<semaphore_mem>>) src(%arg11 : memref<128xf32, #tpu.memory_space<vmem>>) dst(%dma_wait3A_247 : memref<128xf32, #tpu.memory_space<hbm>>)
            tpu.yield
          }) : () -> ()
          %swap3A_220 = arith.constant 0 : index
          %swap3A_221 = tpu.vector_load %arg11[%swap3A_220] {strides = array<i32>} : memref<128xf32, #tpu.memory_space<vmem>>, vector<16xf32>,
          tpu.vector_store %arg11[%swap3A_220], %broadcast_in_dim3A_5 {strides = array<i32>} : memref<128xf32, #tpu.memory_space<vmem>>, vector<16xf32>,
          %swap3A_222 = arith.constant 16 : index
          %swap3A_223 = tpu.vector_load %arg11[%swap3A_222] {strides = array<i32>} : memref<128xf32, #tpu.memory_space<vmem>>, vector<16xf32>,
          tpu.vector_store %arg11[%swap3A_222], %broadcast_in_dim3A_5 {strides = array<i32>} : memref<128xf32, #tpu.memory_space<vmem>>, vector<16xf32>,
          %swap3A_224 = arith.constant 32 : index
          %swap3A_225 = tpu.vector_load %arg11[%swap3A_224] {strides = array<i32>} : memref<128xf32, #tpu.memory_space<vmem>>, vector<16xf32>,
          tpu.vector_store %arg11[%swap3A_224], %broadcast_in_dim3A_5 {strides = array<i32>} : memref<128xf32, #tpu.memory_space<vmem>>, vector<16xf32>,
          %swap3A_226 = arith.constant 48 : index
          %swap3A_227 = tpu.vector_load %arg11[%swap3A_226] {strides = array<i32>} : memref<128xf32, #tpu.memory_space<vmem>>, vector<16xf32>,
          tpu.vector_store %arg11[%swap3A_226], %broadcast_in_dim3A_5 {strides = array<i32>} : memref<128xf32, #tpu.memory_space<vmem>>, vector<16xf32>,
          %swap3A_228 = arith.constant 64 : index
          %swap3A_229 = tpu.vector_load %arg11[%swap3A_228] {strides = array<i32>} : memref<128xf32, #tpu.memory_space<vmem>>, vector<16xf32>,
          tpu.vector_store %arg11[%swap3A_228], %broadcast_in_dim3A_5 {strides = array<i32>} : memref<128xf32, #tpu.memory_space<vmem>>, vector<16xf32>,
          %swap3A_230 = arith.constant 80 : index
          %swap3A_231 = tpu.vector_load %arg11[%swap3A_230] {strides = array<i32>} : memref<128xf32, #tpu.memory_space<vmem>>, vector<16xf32>,
          tpu.vector_store %arg11[%swap3A_230], %broadcast_in_dim3A_5 {strides = array<i32>} : memref<128xf32, #tpu.memory_space<vmem>>, vector<16xf32>,
          %swap3A_232 = arith.constant 96 : index
          %swap3A_233 = tpu.vector_load %arg11[%swap3A_232] {strides = array<i32>} : memref<128xf32, #tpu.memory_space<vmem>>, vector<16xf32>,
          tpu.vector_store %arg11[%swap3A_232], %broadcast_in_dim3A_5 {strides = array<i32>} : memref<128xf32, #tpu.memory_space<vmem>>, vector<16xf32>,
          %swap3A_234 = arith.constant 112 : index
          %swap3A_235 = tpu.vector_load %arg11[%swap3A_234] {strides = array<i32>} : memref<128xf32, #tpu.memory_space<vmem>>, vector<16xf32>,
          tpu.vector_store %arg11[%swap3A_234], %broadcast_in_dim3A_5 {strides = array<i32>} : memref<128xf32, #tpu.memory_space<vmem>>, vector<16xf32>,
        } else {
        }
      } else {
      }
    }
    %scan3A_73 = arith.constant 64 : i32
    return
  }
}

module attributes {stable_mosaic.version = 14 : i64} {
  func.func @_tc_loop_body(%arg0: memref<1x1xi32, #tpu.memory_space<vmem>>, %arg1: memref<128x128xf32, #tpu.memory_space<vmem>>, %arg2: memref<128x2048xi32, #tpu.memory_space<vmem>>, %arg3: memref<128x2048xi32, #tpu.memory_space<vmem>>, %arg4: memref<2048x128xf32, #tpu.memory_space<vmem>>, %arg5: memref<256x128xf32, #tpu.memory_space<vmem>>, %arg6: memref<2048x128xf32, #tpu.memory_space<vmem>>, %arg7: memref<128x256xf32, #tpu.memory_space<vmem>>, %arg8: memref<1x256xf32, #tpu.memory_space<vmem>>, %arg9: memref<256x256xf32, #tpu.memory_space<vmem>>, %arg10: memref<1x256xf32, #tpu.memory_space<vmem>>, %arg11: memref<256x2048xf32, #tpu.memory_space<vmem>>, %arg12: memref<1x2048xf32, #tpu.memory_space<vmem>>, %arg13: memref<128x256xf32, #tpu.memory_space<vmem>>, %arg14: memref<128x256xf32, #tpu.memory_space<vmem>>, %arg15: memref<1x256xf32, #tpu.memory_space<vmem>>, %arg16: memref<256x256xf32, #tpu.memory_space<vmem>>, %arg17: memref<1x256xf32, #tpu.memory_space<vmem>>, %arg18: memref<256x256xf32, #tpu.memory_space<vmem>>, %arg19: memref<1x256xf32, #tpu.memory_space<vmem>>, %arg20: memref<128x256xf32, #tpu.memory_space<vmem>>, %arg21: memref<1x256xf32, #tpu.memory_space<vmem>>, %arg22: memref<256x256xf32, #tpu.memory_space<vmem>>, %arg23: memref<1x256xf32, #tpu.memory_space<vmem>>, %arg24: memref<256x1xf32, #tpu.memory_space<vmem>>, %arg25: memref<1x1xf32, #tpu.memory_space<vmem>>, %arg26: memref<128x8xf32, #tpu.memory_space<vmem>>, %arg27: memref<128x2048xf32, #tpu.memory_space<vmem>>, %arg28: memref<128x2048xf32, #tpu.memory_space<vmem>>, %arg29: memref<128x2048xf32, #tpu.memory_space<vmem>>, %arg30: memref<128x2048xf32, #tpu.memory_space<vmem>>, %arg31: memref<128x2048xf32, #tpu.memory_space<vmem>>, %arg32: memref<128x2048xf32, #tpu.memory_space<vmem>>, %arg33: memref<128x2048xf32, #tpu.memory_space<vmem>>, %arg34: memref<128x2048xf32, #tpu.memory_space<vmem>>, %arg35: memref<128x256xf32, #tpu.memory_space<vmem>>, %arg36: memref<128x256xf32, #tpu.memory_space<vmem>>, %arg37: memref<128x256xf32, #tpu.memory_space<vmem>>, %arg38: memref<128x256xf32, #tpu.memory_space<vmem>>, %arg39: memref<128x256xf32, #tpu.memory_space<vmem>>, %arg40: memref<128x256xf32, #tpu.memory_space<vmem>>, %arg41: memref<128x256xf32, #tpu.memory_space<vmem>>, %arg42: memref<128x256xf32, #tpu.memory_space<vmem>>, %arg43: memref<128x2048xi32, #tpu.memory_space<vmem>>, %arg44: memref<128x1xi32, #tpu.memory_space<vmem>>, %arg45: memref<128x1xf32, #tpu.memory_space<vmem>>) attributes {dimension_semantics = [], scalar_prefetch = 0 : i64, scratch_operands = 0 : i64, tpu.core_type = #tpu.core_type<tc>} {
    %get3A = arith.constant 0 : index
    %get3A_0 = arith.constant 0 : index
    %get3A_1 = vector.load %arg0[%get3A, %get3A_0] : memref<1x1xi32, #tpu.memory_space<vmem>>, vector<1x1xi32>
    %get3A_2 = vector.extract %get3A_1[0, 0] : i32 from vector<1x1xi32>
    %get3A_3 = arith.constant 0 : index
    %get3A_4 = arith.constant 0 : index
    %get3A_5 = vector.load %arg1[%get3A_3, %get3A_4] : memref<128x128xf32, #tpu.memory_space<vmem>>, vector<128x128xf32>
    %mul3A = arith.constant 4.8828125E-4 : f32
    %mul3A_6 = vector.broadcast %mul3A : f32 to vector<128x128xf32>
    %mul3A_7 = arith.mulf %get3A_5, %mul3A_6 : vector<128x128xf32>
    %get3A_8 = arith.constant 0 : index
    %get3A_9 = arith.constant 0 : index
    %get3A_10 = vector.load %arg2[%get3A_8, %get3A_9] : memref<128x2048xi32, #tpu.memory_space<vmem>>, vector<128x2048xi32>
    %broadcast_in_dim3A = arith.constant 0.000000e+00 : f32
    %broadcast_in_dim3A_11 = vector.broadcast %broadcast_in_dim3A : f32 to vector<128x1xf32>
    %broadcast_in_dim3A_12 = arith.constant 0 : i32
    %broadcast_in_dim3A_13 = vector.broadcast %broadcast_in_dim3A_12 : i32 to vector<128x1xi32>
    %broadcast_in_dim3A_14 = arith.constant true
    %broadcast_in_dim3A_15 = vector.broadcast %broadcast_in_dim3A_14 : i1 to vector<128x1xi1>
    %iota3A = tpu.iota {dimensions = array<i32: 1>} : vector<128x2048xi32>
    %iota3A_16 = tpu.iota {dimensions = array<i32: 1>} : vector<128x256xi32>
    %gt3A = arith.constant 0 : i32
    %gt3A_17 = arith.cmpi sgt, %get3A_2, %gt3A : i32
    %and3A = vector.broadcast %gt3A_17 : i1 to vector<128x1xi1>
    %and3A_18 = arith.andi %broadcast_in_dim3A_15, %and3A : vector<128x1xi1>
    %convert_element_type3A = arith.extui %and3A_18 : vector<128x1xi1> to vector<128x1xi32>
    %convert_element_type3A_19 = arith.sitofp %convert_element_type3A : vector<128x1xi32> to vector<128x1xf32>
    %get3A_20 = arith.constant 0 : index
    %get3A_21 = arith.constant 0 : index
    %get3A_22 = vector.load %arg20[%get3A_20, %get3A_21] : memref<128x256xf32, #tpu.memory_space<vmem>>, vector<128x256xf32>
    %dot_general3A = arith.constant dense<0.000000e+00> : vector<128x256xf32>
    %dot_general3A_23 = tpu.matmul %mul3A_7, %get3A_22, %dot_general3A {dimension_numbers = #tpu.dot_dimension_numbers<[1], [0], [0], [1], [0, 0, 1, 1], [], []>, transpose_lhs_hint = false} : vector<128x128xf32>, vector<128x256xf32>, vector<128x256xf32> -> vector<128x256xf32>
    %get3A_24 = arith.constant 0 : index
    %get3A_25 = arith.constant 0 : index
    %get3A_26 = vector.load %arg21[%get3A_24, %get3A_25] : memref<1x256xf32, #tpu.memory_space<vmem>>, vector<1x256xf32>
    %add3A = vector.broadcast %get3A_26 : vector<1x256xf32> to vector<128x256xf32>
    %add3A_27 = arith.addf %dot_general3A_23, %add3A : vector<128x256xf32>
    %max3A = arith.constant 0.000000e+00 : f32
    %max3A_28 = vector.broadcast %max3A : f32 to vector<128x256xf32>
    %max3A_29 = arith.maximumf %add3A_27, %max3A_28 : vector<128x256xf32>
    %get3A_30 = arith.constant 0 : index
    %get3A_31 = arith.constant 0 : index
    %get3A_32 = vector.load %arg22[%get3A_30, %get3A_31] : memref<256x256xf32, #tpu.memory_space<vmem>>, vector<256x256xf32>
    %dot_general3A_33 = arith.constant dense<0.000000e+00> : vector<128x256xf32>
    %dot_general3A_34 = tpu.matmul %max3A_29, %get3A_32, %dot_general3A_33 {dimension_numbers = #tpu.dot_dimension_numbers<[1], [0], [0], [1], [0, 0, 1, 1], [], []>, transpose_lhs_hint = false} : vector<128x256xf32>, vector<256x256xf32>, vector<128x256xf32> -> vector<128x256xf32>
    %get3A_35 = arith.constant 0 : index
    %get3A_36 = arith.constant 0 : index
    %get3A_37 = vector.load %arg23[%get3A_35, %get3A_36] : memref<1x256xf32, #tpu.memory_space<vmem>>, vector<1x256xf32>
    %add3A_38 = vector.broadcast %get3A_37 : vector<1x256xf32> to vector<128x256xf32>
    %add3A_39 = arith.addf %dot_general3A_34, %add3A_38 : vector<128x256xf32>
    %max3A_40 = arith.constant 0.000000e+00 : f32
    %max3A_41 = vector.broadcast %max3A_40 : f32 to vector<128x256xf32>
    %max3A_42 = arith.maximumf %add3A_39, %max3A_41 : vector<128x256xf32>
    %get3A_43 = arith.constant 0 : index
    %get3A_44 = arith.constant 0 : index
    %get3A_45 = vector.load %arg24[%get3A_43, %get3A_44] : memref<256x1xf32, #tpu.memory_space<vmem>>, vector<256x1xf32>
    %transpose3A = tpu.transpose %get3A_45, [1, 0] : vector<256x1xf32> -> vector<1x256xf32>
    %mul3A_46 = vector.broadcast %transpose3A : vector<1x256xf32> to vector<128x256xf32>
    %mul3A_47 = arith.mulf %max3A_42, %mul3A_46 : vector<128x256xf32>
    %reduce_sum3A = arith.constant dense<0.000000e+00> : vector<128xf32>
    %reduce_sum3A_48 = vector.multi_reduction <add>, %mul3A_47, %reduce_sum3A [1] : vector<128x256xf32> to vector<128xf32>
    %broadcast_in_dim3A_49 = vector.shape_cast %reduce_sum3A_48 : vector<128xf32> to vector<128x1xf32>
    %get3A_50 = arith.constant 0 : index
    %get3A_51 = arith.constant 0 : index
    %get3A_52 = vector.load %arg25[%get3A_50, %get3A_51] : memref<1x1xf32, #tpu.memory_space<vmem>>, vector<1x1xf32>
    %add3A_53 = vector.broadcast %get3A_52 : vector<1x1xf32> to vector<128x1xf32>
    %add3A_54 = arith.addf %broadcast_in_dim3A_49, %add3A_53 : vector<128x1xf32>
    %neg3A = arith.constant 0.000000e+00 : f32
    %neg3A_55 = vector.broadcast %neg3A : f32 to vector<128x1xf32>
    %neg3A_56 = arith.subf %neg3A_55, %add3A_54 : vector<128x1xf32>
    %exp3A = math.exp %neg3A_56 : vector<128x1xf32>
    %add3A_57 = arith.constant 1.000000e+00 : f32
    %add3A_58 = vector.broadcast %add3A_57 : f32 to vector<128x1xf32>
    %add3A_59 = arith.addf %add3A_58, %exp3A : vector<128x1xf32>
    %div3A = arith.constant 1.000000e+00 : f32
    %div3A_60 = vector.broadcast %div3A : f32 to vector<128x1xf32>
    %div3A_61 = arith.divf %div3A_60, %add3A_59 : vector<128x1xf32>
    %get3A_62 = arith.constant 0 : index
    %get3A_63 = arith.constant 0 : index
    %get3A_64 = vector.load %arg26[%get3A_62, %get3A_63] : memref<128x8xf32, #tpu.memory_space<vmem>>, vector<128x1xf32>
    %lt3A = arith.cmpf olt, %get3A_64, %div3A_61 : vector<128x1xf32>
    %convert_element_type3A_65 = arith.extui %lt3A : vector<128x1xi1> to vector<128x1xi32>
    %convert_element_type3A_66 = arith.sitofp %convert_element_type3A_65 : vector<128x1xi32> to vector<128x1xf32>
    %add3A_67 = arith.constant 1.000000e-18 : f32
    %add3A_68 = vector.broadcast %add3A_67 : f32 to vector<128x1xf32>
    %add3A_69 = arith.addf %div3A_61, %add3A_68 : vector<128x1xf32>
    %log3A = math.log %add3A_69 : vector<128x1xf32>
    %mul3A_70 = arith.mulf %convert_element_type3A_66, %log3A : vector<128x1xf32>
    %sub3A = arith.constant 1.000000e+00 : f32
    %sub3A_71 = vector.broadcast %sub3A : f32 to vector<128x1xf32>
    %sub3A_72 = arith.subf %sub3A_71, %convert_element_type3A_66 : vector<128x1xf32>
    %sub3A_73 = arith.constant 1.000000e+00 : f32
    %sub3A_74 = vector.broadcast %sub3A_73 : f32 to vector<128x1xf32>
    %sub3A_75 = arith.subf %sub3A_74, %div3A_61 : vector<128x1xf32>
    %add3A_76 = arith.constant 1.000000e-18 : f32
    %add3A_77 = vector.broadcast %add3A_76 : f32 to vector<128x1xf32>
    %add3A_78 = arith.addf %sub3A_75, %add3A_77 : vector<128x1xf32>
    %log3A_79 = math.log %add3A_78 : vector<128x1xf32>
    %mul3A_80 = arith.mulf %sub3A_72, %log3A_79 : vector<128x1xf32>
    %add3A_81 = arith.addf %mul3A_70, %mul3A_80 : vector<128x1xf32>
    %mul3A_82 = arith.mulf %convert_element_type3A_19, %add3A_81 : vector<128x1xf32>
    %add3A_83 = arith.addf %broadcast_in_dim3A_11, %mul3A_82 : vector<128x1xf32>
    %not3A = arith.constant dense<true> : vector<128x1xi1>
    %not3A_84 = arith.xori %lt3A, %not3A : vector<128x1xi1>
    %and3A_85 = arith.andi %and3A_18, %not3A_84 : vector<128x1xi1>
    %convert_element_type3A_86 = arith.extui %and3A_85 : vector<128x1xi1> to vector<128x1xi32>
    %convert_element_type3A_87 = arith.sitofp %convert_element_type3A_86 : vector<128x1xi32> to vector<128x1xf32>
    %convert_element_type3A_88 = arith.extui %and3A_85 : vector<128x1xi1> to vector<128x1xi32>
    %add3A_89 = arith.addi %broadcast_in_dim3A_13, %convert_element_type3A_88 : vector<128x1xi32>
    %get3A_90 = arith.constant 0 : index
    %get3A_91 = arith.constant 0 : index
    %get3A_92 = vector.load %arg7[%get3A_90, %get3A_91] : memref<128x256xf32, #tpu.memory_space<vmem>>, vector<128x256xf32>
    %dot_general3A_93 = arith.constant dense<0.000000e+00> : vector<128x256xf32>
    %dot_general3A_94 = tpu.matmul %mul3A_7, %get3A_92, %dot_general3A_93 {dimension_numbers = #tpu.dot_dimension_numbers<[1], [0], [0], [1], [0, 0, 1, 1], [], []>, transpose_lhs_hint = false} : vector<128x128xf32>, vector<128x256xf32>, vector<128x256xf32> -> vector<128x256xf32>
    %get3A_95 = arith.constant 0 : index
    %get3A_96 = arith.constant 0 : index
    %get3A_97 = vector.load %arg8[%get3A_95, %get3A_96] : memref<1x256xf32, #tpu.memory_space<vmem>>, vector<1x256xf32>
    %add3A_98 = vector.broadcast %get3A_97 : vector<1x256xf32> to vector<128x256xf32>
    %add3A_99 = arith.addf %dot_general3A_94, %add3A_98 : vector<128x256xf32>
    %max3A_100 = arith.constant 0.000000e+00 : f32
    %max3A_101 = vector.broadcast %max3A_100 : f32 to vector<128x256xf32>
    %max3A_102 = arith.maximumf %add3A_99, %max3A_101 : vector<128x256xf32>
    %get3A_103 = arith.constant 0 : index
    %get3A_104 = arith.constant 0 : index
    %get3A_105 = vector.load %arg9[%get3A_103, %get3A_104] : memref<256x256xf32, #tpu.memory_space<vmem>>, vector<256x256xf32>
    %dot_general3A_106 = arith.constant dense<0.000000e+00> : vector<128x256xf32>
    %dot_general3A_107 = tpu.matmul %max3A_102, %get3A_105, %dot_general3A_106 {dimension_numbers = #tpu.dot_dimension_numbers<[1], [0], [0], [1], [0, 0, 1, 1], [], []>, transpose_lhs_hint = false} : vector<128x256xf32>, vector<256x256xf32>, vector<128x256xf32> -> vector<128x256xf32>
    %get3A_108 = arith.constant 0 : index
    %get3A_109 = arith.constant 0 : index
    %get3A_110 = vector.load %arg10[%get3A_108, %get3A_109] : memref<1x256xf32, #tpu.memory_space<vmem>>, vector<1x256xf32>
    %add3A_111 = vector.broadcast %get3A_110 : vector<1x256xf32> to vector<128x256xf32>
    %add3A_112 = arith.addf %dot_general3A_107, %add3A_111 : vector<128x256xf32>
    %max3A_113 = arith.constant 0.000000e+00 : f32
    %max3A_114 = vector.broadcast %max3A_113 : f32 to vector<128x256xf32>
    %max3A_115 = arith.maximumf %add3A_112, %max3A_114 : vector<128x256xf32>
    %get3A_116 = arith.constant 0 : index
    %get3A_117 = arith.constant 0 : index
    %get3A_118 = vector.load %arg11[%get3A_116, %get3A_117] : memref<256x2048xf32, #tpu.memory_space<vmem>>, vector<256x2048xf32>
    %dot_general3A_119 = arith.constant dense<0.000000e+00> : vector<128x2048xf32>
    %dot_general3A_120 = tpu.matmul %max3A_115, %get3A_118, %dot_general3A_119 {dimension_numbers = #tpu.dot_dimension_numbers<[1], [0], [0], [1], [0, 0, 1, 1], [], []>, transpose_lhs_hint = false} : vector<128x256xf32>, vector<256x2048xf32>, vector<128x2048xf32> -> vector<128x2048xf32>
    %get3A_121 = arith.constant 0 : index
    %get3A_122 = arith.constant 0 : index
    %get3A_123 = vector.load %arg12[%get3A_121, %get3A_122] : memref<1x2048xf32, #tpu.memory_space<vmem>>, vector<1x2048xf32>
    %add3A_124 = vector.broadcast %get3A_123 : vector<1x2048xf32> to vector<128x2048xf32>
    %add3A_125 = arith.addf %dot_general3A_120, %add3A_124 : vector<128x2048xf32>
    %reduce_max3A = arith.constant dense<0xFF800000> : vector<128xf32>
    %reduce_max3A_126 = vector.multi_reduction <maximumf>, %add3A_125, %reduce_max3A [1] : vector<128x2048xf32> to vector<128xf32>
    %broadcast_in_dim3A_127 = vector.shape_cast %reduce_max3A_126 : vector<128xf32> to vector<128x1xf32>
    %sub3A_128 = vector.broadcast %broadcast_in_dim3A_127 : vector<128x1xf32> to vector<128x2048xf32>
    %sub3A_129 = arith.subf %add3A_125, %sub3A_128 : vector<128x2048xf32>
    %exp3A_130 = math.exp %sub3A_129 : vector<128x2048xf32>
    %reduce_sum3A_131 = arith.constant dense<0.000000e+00> : vector<128xf32>
    %reduce_sum3A_132 = vector.multi_reduction <add>, %exp3A_130, %reduce_sum3A_131 [1] : vector<128x2048xf32> to vector<128xf32>
    %broadcast_in_dim3A_133 = vector.shape_cast %reduce_sum3A_132 : vector<128xf32> to vector<128x1xf32>
    %log3A_134 = math.log %broadcast_in_dim3A_133 : vector<128x1xf32>
    %sub3A_135 = vector.broadcast %log3A_134 : vector<128x1xf32> to vector<128x2048xf32>
    %sub3A_136 = arith.subf %sub3A_129, %sub3A_135 : vector<128x2048xf32>
    %get3A_137 = arith.constant 0 : index
    %get3A_138 = arith.constant 0 : index
    %get3A_139 = vector.load %arg27[%get3A_137, %get3A_138] : memref<128x2048xf32, #tpu.memory_space<vmem>>, vector<128x2048xf32>
    %add3A_140 = arith.addf %sub3A_136, %get3A_139 : vector<128x2048xf32>
    %reduce_max3A_141 = arith.constant dense<0xFF800000> : vector<128xf32>
    %reduce_max3A_142 = vector.multi_reduction <maximumf>, %add3A_140, %reduce_max3A_141 [1] : vector<128x2048xf32> to vector<128xf32>
    %broadcast_in_dim3A_143 = vector.shape_cast %reduce_max3A_142 : vector<128xf32> to vector<128x1xf32>
    %iota3A_144 = tpu.iota {dimensions = array<i32: 1>} : vector<128x2048xi32>
    %eq3A = vector.broadcast %broadcast_in_dim3A_143 : vector<128x1xf32> to vector<128x2048xf32>
    %eq3A_145 = arith.cmpf oeq, %add3A_140, %eq3A : vector<128x2048xf32>
    %jit3A = arith.constant 2048 : i32
    %broadcast_in_dim3A_146 = vector.broadcast %jit3A : i32 to vector<128x2048xi32>
    %select_n3A = arith.select %eq3A_145, %iota3A_144, %broadcast_in_dim3A_146 : vector<128x2048xi1>, vector<128x2048xi32>
    %reduce_min3A = arith.constant dense<2147483647> : vector<128xi32>
    %reduce_min3A_147 = vector.multi_reduction <minsi>, %select_n3A, %reduce_min3A [1] : vector<128x2048xi32> to vector<128xi32>
    %broadcast_in_dim3A_148 = vector.shape_cast %reduce_min3A_147 : vector<128xi32> to vector<128x1xi32>
    %eq3A_149 = vector.broadcast %broadcast_in_dim3A_148 : vector<128x1xi32> to vector<128x2048xi32>
    %eq3A_150 = arith.cmpi eq, %iota3A, %eq3A_149 : vector<128x2048xi32>
    %convert_element_type3A_151 = arith.extui %eq3A_150 : vector<128x2048xi1> to vector<128x2048xi32>
    %convert_element_type3A_152 = arith.sitofp %convert_element_type3A_151 : vector<128x2048xi32> to vector<128x2048xf32>
    %mul3A_153 = arith.mulf %sub3A_136, %convert_element_type3A_152 : vector<128x2048xf32>
    %reduce_sum3A_154 = arith.constant dense<0.000000e+00> : vector<128xf32>
    %reduce_sum3A_155 = vector.multi_reduction <add>, %mul3A_153, %reduce_sum3A_154 [1] : vector<128x2048xf32> to vector<128xf32>
    %broadcast_in_dim3A_156 = vector.shape_cast %reduce_sum3A_155 : vector<128xf32> to vector<128x1xf32>
    %get3A_157 = arith.constant 0 : index
    %get3A_158 = arith.constant 0 : index
    %get3A_159 = vector.load %arg6[%get3A_157, %get3A_158] : memref<2048x128xf32, #tpu.memory_space<vmem>>, vector<2048x128xf32>
    %dot_general3A_160 = arith.constant dense<0.000000e+00> : vector<128x128xf32>
    %dot_general3A_161 = tpu.matmul %convert_element_type3A_152, %get3A_159, %dot_general3A_160 {dimension_numbers = #tpu.dot_dimension_numbers<[1], [0], [0], [1], [0, 0, 1, 1], [], []>, transpose_lhs_hint = false} : vector<128x2048xf32>, vector<2048x128xf32>, vector<128x128xf32> -> vector<128x128xf32>
    %get3A_162 = arith.constant 0 : index
    %get3A_163 = arith.constant 0 : index
    %get3A_164 = vector.load %arg13[%get3A_162, %get3A_163] : memref<128x256xf32, #tpu.memory_space<vmem>>, vector<128x256xf32>
    %dot_general3A_165 = arith.constant dense<0.000000e+00> : vector<128x256xf32>
    %dot_general3A_166 = tpu.matmul %mul3A_7, %get3A_164, %dot_general3A_165 {dimension_numbers = #tpu.dot_dimension_numbers<[1], [0], [0], [1], [0, 0, 1, 1], [], []>, transpose_lhs_hint = false} : vector<128x128xf32>, vector<128x256xf32>, vector<128x256xf32> -> vector<128x256xf32>
    %get3A_167 = arith.constant 0 : index
    %get3A_168 = arith.constant 0 : index
    %get3A_169 = vector.load %arg14[%get3A_167, %get3A_168] : memref<128x256xf32, #tpu.memory_space<vmem>>, vector<128x256xf32>
    %dot_general3A_170 = arith.constant dense<0.000000e+00> : vector<128x256xf32>
    %dot_general3A_171 = tpu.matmul %dot_general3A_161, %get3A_169, %dot_general3A_170 {dimension_numbers = #tpu.dot_dimension_numbers<[1], [0], [0], [1], [0, 0, 1, 1], [], []>, transpose_lhs_hint = false} : vector<128x128xf32>, vector<128x256xf32>, vector<128x256xf32> -> vector<128x256xf32>
    %add3A_172 = arith.addf %dot_general3A_166, %dot_general3A_171 : vector<128x256xf32>
    %get3A_173 = arith.constant 0 : index
    %get3A_174 = arith.constant 0 : index
    %get3A_175 = vector.load %arg15[%get3A_173, %get3A_174] : memref<1x256xf32, #tpu.memory_space<vmem>>, vector<1x256xf32>
    %add3A_176 = vector.broadcast %get3A_175 : vector<1x256xf32> to vector<128x256xf32>
    %add3A_177 = arith.addf %add3A_172, %add3A_176 : vector<128x256xf32>
    %max3A_178 = arith.constant 0.000000e+00 : f32
    %max3A_179 = vector.broadcast %max3A_178 : f32 to vector<128x256xf32>
    %max3A_180 = arith.maximumf %add3A_177, %max3A_179 : vector<128x256xf32>
    %get3A_181 = arith.constant 0 : index
    %get3A_182 = arith.constant 0 : index
    %get3A_183 = vector.load %arg16[%get3A_181, %get3A_182] : memref<256x256xf32, #tpu.memory_space<vmem>>, vector<256x256xf32>
    %dot_general3A_184 = arith.constant dense<0.000000e+00> : vector<128x256xf32>
    %dot_general3A_185 = tpu.matmul %max3A_180, %get3A_183, %dot_general3A_184 {dimension_numbers = #tpu.dot_dimension_numbers<[1], [0], [0], [1], [0, 0, 1, 1], [], []>, transpose_lhs_hint = false} : vector<128x256xf32>, vector<256x256xf32>, vector<128x256xf32> -> vector<128x256xf32>
    %get3A_186 = arith.constant 0 : index
    %get3A_187 = arith.constant 0 : index
    %get3A_188 = vector.load %arg17[%get3A_186, %get3A_187] : memref<1x256xf32, #tpu.memory_space<vmem>>, vector<1x256xf32>
    %add3A_189 = vector.broadcast %get3A_188 : vector<1x256xf32> to vector<128x256xf32>
    %add3A_190 = arith.addf %dot_general3A_185, %add3A_189 : vector<128x256xf32>
    %max3A_191 = arith.constant 0.000000e+00 : f32
    %max3A_192 = vector.broadcast %max3A_191 : f32 to vector<128x256xf32>
    %max3A_193 = arith.maximumf %add3A_190, %max3A_192 : vector<128x256xf32>
    %get3A_194 = arith.constant 0 : index
    %get3A_195 = arith.constant 0 : index
    %get3A_196 = vector.load %arg18[%get3A_194, %get3A_195] : memref<256x256xf32, #tpu.memory_space<vmem>>, vector<256x256xf32>
    %dot_general3A_197 = arith.constant dense<0.000000e+00> : vector<128x256xf32>
    %dot_general3A_198 = tpu.matmul %max3A_193, %get3A_196, %dot_general3A_197 {dimension_numbers = #tpu.dot_dimension_numbers<[1], [0], [0], [1], [0, 0, 1, 1], [], []>, transpose_lhs_hint = false} : vector<128x256xf32>, vector<256x256xf32>, vector<128x256xf32> -> vector<128x256xf32>
    %get3A_199 = arith.constant 0 : index
    %get3A_200 = arith.constant 0 : index
    %get3A_201 = vector.load %arg19[%get3A_199, %get3A_200] : memref<1x256xf32, #tpu.memory_space<vmem>>, vector<1x256xf32>
    %add3A_202 = vector.broadcast %get3A_201 : vector<1x256xf32> to vector<128x256xf32>
    %add3A_203 = arith.addf %dot_general3A_198, %add3A_202 : vector<128x256xf32>
    %jit3A_204 = arith.constant 0 : i32
    %broadcast_in_dim3A_205 = vector.broadcast %jit3A_204 : i32 to vector<128x2048xi32>
    %select_n3A_206 = arith.select %eq3A_150, %get3A_10, %broadcast_in_dim3A_205 : vector<128x2048xi1>, vector<128x2048xi32>
    %reduce_sum3A_207 = arith.constant dense<0> : vector<128xi32>
    %reduce_sum3A_208 = vector.multi_reduction <add>, %select_n3A_206, %reduce_sum3A_207 [1] : vector<128x2048xi32> to vector<128xi32>
    %broadcast_in_dim3A_209 = vector.shape_cast %reduce_sum3A_208 : vector<128xi32> to vector<128x1xi32>
    %eq3A_210 = vector.broadcast %broadcast_in_dim3A_209 : vector<128x1xi32> to vector<128x256xi32>
    %eq3A_211 = arith.cmpi eq, %iota3A_16, %eq3A_210 : vector<128x256xi32>
    %jit3A_212 = arith.constant -1.000000e+06 : f32
    %broadcast_in_dim3A_213 = vector.broadcast %jit3A_212 : f32 to vector<128x256xf32>
    %select_n3A_214 = arith.select %eq3A_211, %broadcast_in_dim3A_213, %add3A_203 : vector<128x256xi1>, vector<128x256xf32>
    %reduce_max3A_215 = arith.constant dense<0xFF800000> : vector<128xf32>
    %reduce_max3A_216 = vector.multi_reduction <maximumf>, %select_n3A_214, %reduce_max3A_215 [1] : vector<128x256xf32> to vector<128xf32>
    %broadcast_in_dim3A_217 = vector.shape_cast %reduce_max3A_216 : vector<128xf32> to vector<128x1xf32>
    %sub3A_218 = vector.broadcast %broadcast_in_dim3A_217 : vector<128x1xf32> to vector<128x256xf32>
    %sub3A_219 = arith.subf %select_n3A_214, %sub3A_218 : vector<128x256xf32>
    %exp3A_220 = math.exp %sub3A_219 : vector<128x256xf32>
    %reduce_sum3A_221 = arith.constant dense<0.000000e+00> : vector<128xf32>
    %reduce_sum3A_222 = vector.multi_reduction <add>, %exp3A_220, %reduce_sum3A_221 [1] : vector<128x256xf32> to vector<128xf32>
    %broadcast_in_dim3A_223 = vector.shape_cast %reduce_sum3A_222 : vector<128xf32> to vector<128x1xf32>
    %log3A_224 = math.log %broadcast_in_dim3A_223 : vector<128x1xf32>
    %sub3A_225 = vector.broadcast %log3A_224 : vector<128x1xf32> to vector<128x256xf32>
    %sub3A_226 = arith.subf %sub3A_219, %sub3A_225 : vector<128x256xf32>
    %get3A_227 = arith.constant 0 : index
    %get3A_228 = arith.constant 0 : index
    %get3A_229 = vector.load %arg35[%get3A_227, %get3A_228] : memref<128x256xf32, #tpu.memory_space<vmem>>, vector<128x256xf32>
    %add3A_230 = arith.addf %sub3A_226, %get3A_229 : vector<128x256xf32>
    %reduce_max3A_231 = arith.constant dense<0xFF800000> : vector<128xf32>
    %reduce_max3A_232 = vector.multi_reduction <maximumf>, %add3A_230, %reduce_max3A_231 [1] : vector<128x256xf32> to vector<128xf32>
    %broadcast_in_dim3A_233 = vector.shape_cast %reduce_max3A_232 : vector<128xf32> to vector<128x1xf32>
    %iota3A_234 = tpu.iota {dimensions = array<i32: 1>} : vector<128x256xi32>
    %eq3A_235 = vector.broadcast %broadcast_in_dim3A_233 : vector<128x1xf32> to vector<128x256xf32>
    %eq3A_236 = arith.cmpf oeq, %add3A_230, %eq3A_235 : vector<128x256xf32>
    %jit3A_237 = arith.constant 256 : i32
    %broadcast_in_dim3A_238 = vector.broadcast %jit3A_237 : i32 to vector<128x256xi32>
    %select_n3A_239 = arith.select %eq3A_236, %iota3A_234, %broadcast_in_dim3A_238 : vector<128x256xi1>, vector<128x256xi32>
    %reduce_min3A_240 = arith.constant dense<2147483647> : vector<128xi32>
    %reduce_min3A_241 = vector.multi_reduction <minsi>, %select_n3A_239, %reduce_min3A_240 [1] : vector<128x256xi32> to vector<128xi32>
    %broadcast_in_dim3A_242 = vector.shape_cast %reduce_min3A_241 : vector<128xi32> to vector<128x1xi32>
    %eq3A_243 = vector.broadcast %broadcast_in_dim3A_242 : vector<128x1xi32> to vector<128x256xi32>
    %eq3A_244 = arith.cmpi eq, %iota3A_16, %eq3A_243 : vector<128x256xi32>
    %convert_element_type3A_245 = arith.extui %eq3A_244 : vector<128x256xi1> to vector<128x256xi32>
    %convert_element_type3A_246 = arith.sitofp %convert_element_type3A_245 : vector<128x256xi32> to vector<128x256xf32>
    %mul3A_247 = arith.mulf %sub3A_226, %convert_element_type3A_246 : vector<128x256xf32>
    %reduce_sum3A_248 = arith.constant dense<0.000000e+00> : vector<128xf32>
    %reduce_sum3A_249 = vector.multi_reduction <add>, %mul3A_247, %reduce_sum3A_248 [1] : vector<128x256xf32> to vector<128xf32>
    %broadcast_in_dim3A_250 = vector.shape_cast %reduce_sum3A_249 : vector<128xf32> to vector<128x1xf32>
    %add3A_251 = arith.addf %broadcast_in_dim3A_156, %broadcast_in_dim3A_250 : vector<128x1xf32>
    %mul3A_252 = arith.mulf %convert_element_type3A_87, %add3A_251 : vector<128x1xf32>
    %add3A_253 = arith.addf %add3A_83, %mul3A_252 : vector<128x1xf32>
    %select_n3A_254 = arith.select %and3A_85, %broadcast_in_dim3A_242, %broadcast_in_dim3A_209 : vector<128x1xi1>, vector<128x1xi32>
    %broadcast_in_dim3A_255 = vector.shape_cast %select_n3A_254 : vector<128x1xi32> to vector<128x1xi32>
    %broadcast_in_dim3A_256 = vector.broadcast %broadcast_in_dim3A_255 : vector<128x1xi32> to vector<128x2048xi32>
    %select_n3A_257 = arith.select %eq3A_150, %broadcast_in_dim3A_256, %get3A_10 : vector<128x2048xi1>, vector<128x2048xi32>
    %get3A_258 = arith.constant 0 : index
    %get3A_259 = arith.constant 0 : index
    %get3A_260 = vector.load %arg3[%get3A_258, %get3A_259] : memref<128x2048xi32, #tpu.memory_space<vmem>>, vector<128x2048xi32>
    %jit3A_261 = arith.constant 0 : i32
    %broadcast_in_dim3A_262 = vector.broadcast %jit3A_261 : i32 to vector<128x2048xi32>
    %select_n3A_263 = arith.select %eq3A_150, %get3A_260, %broadcast_in_dim3A_262 : vector<128x2048xi1>, vector<128x2048xi32>
    %reduce_sum3A_264 = arith.constant dense<0> : vector<128xi32>
    %reduce_sum3A_265 = vector.multi_reduction <add>, %select_n3A_263, %reduce_sum3A_264 [1] : vector<128x2048xi32> to vector<128xi32>
    %broadcast_in_dim3A_266 = vector.shape_cast %reduce_sum3A_265 : vector<128xi32> to vector<128x1xi32>
    %eq3A_267 = vector.broadcast %broadcast_in_dim3A_266 : vector<128x1xi32> to vector<128x2048xi32>
    %eq3A_268 = arith.cmpi eq, %iota3A, %eq3A_267 : vector<128x2048xi32>
    %convert_element_type3A_269 = arith.extui %eq3A_268 : vector<128x2048xi1> to vector<128x2048xi32>
    %convert_element_type3A_270 = arith.sitofp %convert_element_type3A_269 : vector<128x2048xi32> to vector<128x2048xf32>
    %get3A_271 = arith.constant 0 : index
    %get3A_272 = arith.constant 0 : index
    %get3A_273 = vector.load %arg4[%get3A_271, %get3A_272] : memref<2048x128xf32, #tpu.memory_space<vmem>>, vector<2048x128xf32>
    %dot_general3A_274 = arith.constant dense<0.000000e+00> : vector<128x128xf32>
    %dot_general3A_275 = tpu.matmul %convert_element_type3A_270, %get3A_273, %dot_general3A_274 {dimension_numbers = #tpu.dot_dimension_numbers<[1], [0], [0], [1], [0, 0, 1, 1], [], []>, transpose_lhs_hint = false} : vector<128x2048xf32>, vector<2048x128xf32>, vector<128x128xf32> -> vector<128x128xf32>
    %eq3A_276 = vector.broadcast %select_n3A_254 : vector<128x1xi32> to vector<128x256xi32>
    %eq3A_277 = arith.cmpi eq, %iota3A_16, %eq3A_276 : vector<128x256xi32>
    %convert_element_type3A_278 = arith.extui %eq3A_277 : vector<128x256xi1> to vector<128x256xi32>
    %convert_element_type3A_279 = arith.sitofp %convert_element_type3A_278 : vector<128x256xi32> to vector<128x256xf32>
    %convert_element_type3A_280 = arith.extui %eq3A_211 : vector<128x256xi1> to vector<128x256xi32>
    %convert_element_type3A_281 = arith.sitofp %convert_element_type3A_280 : vector<128x256xi32> to vector<128x256xf32>
    %sub3A_282 = arith.subf %convert_element_type3A_279, %convert_element_type3A_281 : vector<128x256xf32>
    %get3A_283 = arith.constant 0 : index
    %get3A_284 = arith.constant 0 : index
    %get3A_285 = vector.load %arg5[%get3A_283, %get3A_284] : memref<256x128xf32, #tpu.memory_space<vmem>>, vector<256x128xf32>
    %dot_general3A_286 = arith.constant dense<0.000000e+00> : vector<128x128xf32>
    %dot_general3A_287 = tpu.matmul %sub3A_282, %get3A_285, %dot_general3A_286 {dimension_numbers = #tpu.dot_dimension_numbers<[1], [0], [0], [1], [0, 0, 1, 1], [], []>, transpose_lhs_hint = false} : vector<128x256xf32>, vector<256x128xf32>, vector<128x128xf32> -> vector<128x128xf32>
    %mul3A_288 = arith.mulf %dot_general3A_275, %dot_general3A_287 : vector<128x128xf32>
    %mul3A_289 = arith.constant 4.8828125E-4 : f32
    %mul3A_290 = vector.broadcast %mul3A_289 : f32 to vector<128x128xf32>
    %mul3A_291 = arith.mulf %mul3A_288, %mul3A_290 : vector<128x128xf32>
    %add3A_292 = arith.addf %mul3A_7, %mul3A_291 : vector<128x128xf32>
    %gt3A_293 = arith.constant 1 : i32
    %gt3A_294 = arith.cmpi sgt, %get3A_2, %gt3A_293 : i32
    %and3A_295 = vector.broadcast %gt3A_294 : i1 to vector<128x1xi1>
    %and3A_296 = arith.andi %and3A_85, %and3A_295 : vector<128x1xi1>
    %convert_element_type3A_297 = arith.extui %and3A_296 : vector<128x1xi1> to vector<128x1xi32>
    %convert_element_type3A_298 = arith.sitofp %convert_element_type3A_297 : vector<128x1xi32> to vector<128x1xf32>
    %get3A_299 = arith.constant 0 : index
    %get3A_300 = arith.constant 0 : index
    %get3A_301 = vector.load %arg20[%get3A_299, %get3A_300] : memref<128x256xf32, #tpu.memory_space<vmem>>, vector<128x256xf32>
    %dot_general3A_302 = arith.constant dense<0.000000e+00> : vector<128x256xf32>
    %dot_general3A_303 = tpu.matmul %add3A_292, %get3A_301, %dot_general3A_302 {dimension_numbers = #tpu.dot_dimension_numbers<[1], [0], [0], [1], [0, 0, 1, 1], [], []>, transpose_lhs_hint = false} : vector<128x128xf32>, vector<128x256xf32>, vector<128x256xf32> -> vector<128x256xf32>
    %get3A_304 = arith.constant 0 : index
    %get3A_305 = arith.constant 0 : index
    %get3A_306 = vector.load %arg21[%get3A_304, %get3A_305] : memref<1x256xf32, #tpu.memory_space<vmem>>, vector<1x256xf32>
    %add3A_307 = vector.broadcast %get3A_306 : vector<1x256xf32> to vector<128x256xf32>
    %add3A_308 = arith.addf %dot_general3A_303, %add3A_307 : vector<128x256xf32>
    %max3A_309 = arith.constant 0.000000e+00 : f32
    %max3A_310 = vector.broadcast %max3A_309 : f32 to vector<128x256xf32>
    %max3A_311 = arith.maximumf %add3A_308, %max3A_310 : vector<128x256xf32>
    %get3A_312 = arith.constant 0 : index
    %get3A_313 = arith.constant 0 : index
    %get3A_314 = vector.load %arg22[%get3A_312, %get3A_313] : memref<256x256xf32, #tpu.memory_space<vmem>>, vector<256x256xf32>
    %dot_general3A_315 = arith.constant dense<0.000000e+00> : vector<128x256xf32>
    %dot_general3A_316 = tpu.matmul %max3A_311, %get3A_314, %dot_general3A_315 {dimension_numbers = #tpu.dot_dimension_numbers<[1], [0], [0], [1], [0, 0, 1, 1], [], []>, transpose_lhs_hint = false} : vector<128x256xf32>, vector<256x256xf32>, vector<128x256xf32> -> vector<128x256xf32>
    %get3A_317 = arith.constant 0 : index
    %get3A_318 = arith.constant 0 : index
    %get3A_319 = vector.load %arg23[%get3A_317, %get3A_318] : memref<1x256xf32, #tpu.memory_space<vmem>>, vector<1x256xf32>
    %add3A_320 = vector.broadcast %get3A_319 : vector<1x256xf32> to vector<128x256xf32>
    %add3A_321 = arith.addf %dot_general3A_316, %add3A_320 : vector<128x256xf32>
    %max3A_322 = arith.constant 0.000000e+00 : f32
    %max3A_323 = vector.broadcast %max3A_322 : f32 to vector<128x256xf32>
    %max3A_324 = arith.maximumf %add3A_321, %max3A_323 : vector<128x256xf32>
    %get3A_325 = arith.constant 0 : index
    %get3A_326 = arith.constant 0 : index
    %get3A_327 = vector.load %arg24[%get3A_325, %get3A_326] : memref<256x1xf32, #tpu.memory_space<vmem>>, vector<256x1xf32>
    %transpose3A_328 = tpu.transpose %get3A_327, [1, 0] : vector<256x1xf32> -> vector<1x256xf32>
    %mul3A_329 = vector.broadcast %transpose3A_328 : vector<1x256xf32> to vector<128x256xf32>
    %mul3A_330 = arith.mulf %max3A_324, %mul3A_329 : vector<128x256xf32>
    %reduce_sum3A_331 = arith.constant dense<0.000000e+00> : vector<128xf32>
    %reduce_sum3A_332 = vector.multi_reduction <add>, %mul3A_330, %reduce_sum3A_331 [1] : vector<128x256xf32> to vector<128xf32>
    %broadcast_in_dim3A_333 = vector.shape_cast %reduce_sum3A_332 : vector<128xf32> to vector<128x1xf32>
    %get3A_334 = arith.constant 0 : index
    %get3A_335 = arith.constant 0 : index
    %get3A_336 = vector.load %arg25[%get3A_334, %get3A_335] : memref<1x1xf32, #tpu.memory_space<vmem>>, vector<1x1xf32>
    %add3A_337 = vector.broadcast %get3A_336 : vector<1x1xf32> to vector<128x1xf32>
    %add3A_338 = arith.addf %broadcast_in_dim3A_333, %add3A_337 : vector<128x1xf32>
    %neg3A_339 = arith.constant 0.000000e+00 : f32
    %neg3A_340 = vector.broadcast %neg3A_339 : f32 to vector<128x1xf32>
    %neg3A_341 = arith.subf %neg3A_340, %add3A_338 : vector<128x1xf32>
    %exp3A_342 = math.exp %neg3A_341 : vector<128x1xf32>
    %add3A_343 = arith.constant 1.000000e+00 : f32
    %add3A_344 = vector.broadcast %add3A_343 : f32 to vector<128x1xf32>
    %add3A_345 = arith.addf %add3A_344, %exp3A_342 : vector<128x1xf32>
    %div3A_346 = arith.constant 1.000000e+00 : f32
    %div3A_347 = vector.broadcast %div3A_346 : f32 to vector<128x1xf32>
    %div3A_348 = arith.divf %div3A_347, %add3A_345 : vector<128x1xf32>
    %get3A_349 = arith.constant 0 : index
    %get3A_350 = arith.constant 1 : index
    %get3A_351 = vector.load %arg26[%get3A_349, %get3A_350] : memref<128x8xf32, #tpu.memory_space<vmem>>, vector<128x1xf32>
    %lt3A_352 = arith.cmpf olt, %get3A_351, %div3A_348 : vector<128x1xf32>
    %convert_element_type3A_353 = arith.extui %lt3A_352 : vector<128x1xi1> to vector<128x1xi32>
    %convert_element_type3A_354 = arith.sitofp %convert_element_type3A_353 : vector<128x1xi32> to vector<128x1xf32>
    %add3A_355 = arith.constant 1.000000e-18 : f32
    %add3A_356 = vector.broadcast %add3A_355 : f32 to vector<128x1xf32>
    %add3A_357 = arith.addf %div3A_348, %add3A_356 : vector<128x1xf32>
    %log3A_358 = math.log %add3A_357 : vector<128x1xf32>
    %mul3A_359 = arith.mulf %convert_element_type3A_354, %log3A_358 : vector<128x1xf32>
    %sub3A_360 = arith.constant 1.000000e+00 : f32
    %sub3A_361 = vector.broadcast %sub3A_360 : f32 to vector<128x1xf32>
    %sub3A_362 = arith.subf %sub3A_361, %convert_element_type3A_354 : vector<128x1xf32>
    %sub3A_363 = arith.constant 1.000000e+00 : f32
    %sub3A_364 = vector.broadcast %sub3A_363 : f32 to vector<128x1xf32>
    %sub3A_365 = arith.subf %sub3A_364, %div3A_348 : vector<128x1xf32>
    %add3A_366 = arith.constant 1.000000e-18 : f32
    %add3A_367 = vector.broadcast %add3A_366 : f32 to vector<128x1xf32>
    %add3A_368 = arith.addf %sub3A_365, %add3A_367 : vector<128x1xf32>
    %log3A_369 = math.log %add3A_368 : vector<128x1xf32>
    %mul3A_370 = arith.mulf %sub3A_362, %log3A_369 : vector<128x1xf32>
    %add3A_371 = arith.addf %mul3A_359, %mul3A_370 : vector<128x1xf32>
    %mul3A_372 = arith.mulf %convert_element_type3A_298, %add3A_371 : vector<128x1xf32>
    %add3A_373 = arith.addf %add3A_253, %mul3A_372 : vector<128x1xf32>
    %not3A_374 = arith.constant dense<true> : vector<128x1xi1>
    %not3A_375 = arith.xori %lt3A_352, %not3A_374 : vector<128x1xi1>
    %and3A_376 = arith.andi %and3A_296, %not3A_375 : vector<128x1xi1>
    %convert_element_type3A_377 = arith.extui %and3A_376 : vector<128x1xi1> to vector<128x1xi32>
    %convert_element_type3A_378 = arith.sitofp %convert_element_type3A_377 : vector<128x1xi32> to vector<128x1xf32>
    %convert_element_type3A_379 = arith.extui %and3A_376 : vector<128x1xi1> to vector<128x1xi32>
    %add3A_380 = arith.addi %add3A_89, %convert_element_type3A_379 : vector<128x1xi32>
    %get3A_381 = arith.constant 0 : index
    %get3A_382 = arith.constant 0 : index
    %get3A_383 = vector.load %arg7[%get3A_381, %get3A_382] : memref<128x256xf32, #tpu.memory_space<vmem>>, vector<128x256xf32>
    %dot_general3A_384 = arith.constant dense<0.000000e+00> : vector<128x256xf32>
    %dot_general3A_385 = tpu.matmul %add3A_292, %get3A_383, %dot_general3A_384 {dimension_numbers = #tpu.dot_dimension_numbers<[1], [0], [0], [1], [0, 0, 1, 1], [], []>, transpose_lhs_hint = false} : vector<128x128xf32>, vector<128x256xf32>, vector<128x256xf32> -> vector<128x256xf32>
    %get3A_386 = arith.constant 0 : index
    %get3A_387 = arith.constant 0 : index
    %get3A_388 = vector.load %arg8[%get3A_386, %get3A_387] : memref<1x256xf32, #tpu.memory_space<vmem>>, vector<1x256xf32>
    %add3A_389 = vector.broadcast %get3A_388 : vector<1x256xf32> to vector<128x256xf32>
    %add3A_390 = arith.addf %dot_general3A_385, %add3A_389 : vector<128x256xf32>
    %max3A_391 = arith.constant 0.000000e+00 : f32
    %max3A_392 = vector.broadcast %max3A_391 : f32 to vector<128x256xf32>
    %max3A_393 = arith.maximumf %add3A_390, %max3A_392 : vector<128x256xf32>
    %get3A_394 = arith.constant 0 : index
    %get3A_395 = arith.constant 0 : index
    %get3A_396 = vector.load %arg9[%get3A_394, %get3A_395] : memref<256x256xf32, #tpu.memory_space<vmem>>, vector<256x256xf32>
    %dot_general3A_397 = arith.constant dense<0.000000e+00> : vector<128x256xf32>
    %dot_general3A_398 = tpu.matmul %max3A_393, %get3A_396, %dot_general3A_397 {dimension_numbers = #tpu.dot_dimension_numbers<[1], [0], [0], [1], [0, 0, 1, 1], [], []>, transpose_lhs_hint = false} : vector<128x256xf32>, vector<256x256xf32>, vector<128x256xf32> -> vector<128x256xf32>
    %get3A_399 = arith.constant 0 : index
    %get3A_400 = arith.constant 0 : index
    %get3A_401 = vector.load %arg10[%get3A_399, %get3A_400] : memref<1x256xf32, #tpu.memory_space<vmem>>, vector<1x256xf32>
    %add3A_402 = vector.broadcast %get3A_401 : vector<1x256xf32> to vector<128x256xf32>
    %add3A_403 = arith.addf %dot_general3A_398, %add3A_402 : vector<128x256xf32>
    %max3A_404 = arith.constant 0.000000e+00 : f32
    %max3A_405 = vector.broadcast %max3A_404 : f32 to vector<128x256xf32>
    %max3A_406 = arith.maximumf %add3A_403, %max3A_405 : vector<128x256xf32>
    %get3A_407 = arith.constant 0 : index
    %get3A_408 = arith.constant 0 : index
    %get3A_409 = vector.load %arg11[%get3A_407, %get3A_408] : memref<256x2048xf32, #tpu.memory_space<vmem>>, vector<256x2048xf32>
    %dot_general3A_410 = arith.constant dense<0.000000e+00> : vector<128x2048xf32>
    %dot_general3A_411 = tpu.matmul %max3A_406, %get3A_409, %dot_general3A_410 {dimension_numbers = #tpu.dot_dimension_numbers<[1], [0], [0], [1], [0, 0, 1, 1], [], []>, transpose_lhs_hint = false} : vector<128x256xf32>, vector<256x2048xf32>, vector<128x2048xf32> -> vector<128x2048xf32>
    %get3A_412 = arith.constant 0 : index
    %get3A_413 = arith.constant 0 : index
    %get3A_414 = vector.load %arg12[%get3A_412, %get3A_413] : memref<1x2048xf32, #tpu.memory_space<vmem>>, vector<1x2048xf32>
    %add3A_415 = vector.broadcast %get3A_414 : vector<1x2048xf32> to vector<128x2048xf32>
    %add3A_416 = arith.addf %dot_general3A_411, %add3A_415 : vector<128x2048xf32>
    %reduce_max3A_417 = arith.constant dense<0xFF800000> : vector<128xf32>
    %reduce_max3A_418 = vector.multi_reduction <maximumf>, %add3A_416, %reduce_max3A_417 [1] : vector<128x2048xf32> to vector<128xf32>
    %broadcast_in_dim3A_419 = vector.shape_cast %reduce_max3A_418 : vector<128xf32> to vector<128x1xf32>
    %sub3A_420 = vector.broadcast %broadcast_in_dim3A_419 : vector<128x1xf32> to vector<128x2048xf32>
    %sub3A_421 = arith.subf %add3A_416, %sub3A_420 : vector<128x2048xf32>
    %exp3A_422 = math.exp %sub3A_421 : vector<128x2048xf32>
    %reduce_sum3A_423 = arith.constant dense<0.000000e+00> : vector<128xf32>
    %reduce_sum3A_424 = vector.multi_reduction <add>, %exp3A_422, %reduce_sum3A_423 [1] : vector<128x2048xf32> to vector<128xf32>
    %broadcast_in_dim3A_425 = vector.shape_cast %reduce_sum3A_424 : vector<128xf32> to vector<128x1xf32>
    %log3A_426 = math.log %broadcast_in_dim3A_425 : vector<128x1xf32>
    %sub3A_427 = vector.broadcast %log3A_426 : vector<128x1xf32> to vector<128x2048xf32>
    %sub3A_428 = arith.subf %sub3A_421, %sub3A_427 : vector<128x2048xf32>
    %get3A_429 = arith.constant 0 : index
    %get3A_430 = arith.constant 0 : index
    %get3A_431 = vector.load %arg28[%get3A_429, %get3A_430] : memref<128x2048xf32, #tpu.memory_space<vmem>>, vector<128x2048xf32>
    %add3A_432 = arith.addf %sub3A_428, %get3A_431 : vector<128x2048xf32>
    %reduce_max3A_433 = arith.constant dense<0xFF800000> : vector<128xf32>
    %reduce_max3A_434 = vector.multi_reduction <maximumf>, %add3A_432, %reduce_max3A_433 [1] : vector<128x2048xf32> to vector<128xf32>
    %broadcast_in_dim3A_435 = vector.shape_cast %reduce_max3A_434 : vector<128xf32> to vector<128x1xf32>
    %iota3A_436 = tpu.iota {dimensions = array<i32: 1>} : vector<128x2048xi32>
    %eq3A_437 = vector.broadcast %broadcast_in_dim3A_435 : vector<128x1xf32> to vector<128x2048xf32>
    %eq3A_438 = arith.cmpf oeq, %add3A_432, %eq3A_437 : vector<128x2048xf32>
    %jit3A_439 = arith.constant 2048 : i32
    %broadcast_in_dim3A_440 = vector.broadcast %jit3A_439 : i32 to vector<128x2048xi32>
    %select_n3A_441 = arith.select %eq3A_438, %iota3A_436, %broadcast_in_dim3A_440 : vector<128x2048xi1>, vector<128x2048xi32>
    %reduce_min3A_442 = arith.constant dense<2147483647> : vector<128xi32>
    %reduce_min3A_443 = vector.multi_reduction <minsi>, %select_n3A_441, %reduce_min3A_442 [1] : vector<128x2048xi32> to vector<128xi32>
    %broadcast_in_dim3A_444 = vector.shape_cast %reduce_min3A_443 : vector<128xi32> to vector<128x1xi32>
    %eq3A_445 = vector.broadcast %broadcast_in_dim3A_444 : vector<128x1xi32> to vector<128x2048xi32>
    %eq3A_446 = arith.cmpi eq, %iota3A, %eq3A_445 : vector<128x2048xi32>
    %convert_element_type3A_447 = arith.extui %eq3A_446 : vector<128x2048xi1> to vector<128x2048xi32>
    %convert_element_type3A_448 = arith.sitofp %convert_element_type3A_447 : vector<128x2048xi32> to vector<128x2048xf32>
    %mul3A_449 = arith.mulf %sub3A_428, %convert_element_type3A_448 : vector<128x2048xf32>
    %reduce_sum3A_450 = arith.constant dense<0.000000e+00> : vector<128xf32>
    %reduce_sum3A_451 = vector.multi_reduction <add>, %mul3A_449, %reduce_sum3A_450 [1] : vector<128x2048xf32> to vector<128xf32>
    %broadcast_in_dim3A_452 = vector.shape_cast %reduce_sum3A_451 : vector<128xf32> to vector<128x1xf32>
    %get3A_453 = arith.constant 0 : index
    %get3A_454 = arith.constant 0 : index
    %get3A_455 = vector.load %arg6[%get3A_453, %get3A_454] : memref<2048x128xf32, #tpu.memory_space<vmem>>, vector<2048x128xf32>
    %dot_general3A_456 = arith.constant dense<0.000000e+00> : vector<128x128xf32>
    %dot_general3A_457 = tpu.matmul %convert_element_type3A_448, %get3A_455, %dot_general3A_456 {dimension_numbers = #tpu.dot_dimension_numbers<[1], [0], [0], [1], [0, 0, 1, 1], [], []>, transpose_lhs_hint = false} : vector<128x2048xf32>, vector<2048x128xf32>, vector<128x128xf32> -> vector<128x128xf32>
    %get3A_458 = arith.constant 0 : index
    %get3A_459 = arith.constant 0 : index
    %get3A_460 = vector.load %arg13[%get3A_458, %get3A_459] : memref<128x256xf32, #tpu.memory_space<vmem>>, vector<128x256xf32>
    %dot_general3A_461 = arith.constant dense<0.000000e+00> : vector<128x256xf32>
    %dot_general3A_462 = tpu.matmul %add3A_292, %get3A_460, %dot_general3A_461 {dimension_numbers = #tpu.dot_dimension_numbers<[1], [0], [0], [1], [0, 0, 1, 1], [], []>, transpose_lhs_hint = false} : vector<128x128xf32>, vector<128x256xf32>, vector<128x256xf32> -> vector<128x256xf32>
    %get3A_463 = arith.constant 0 : index
    %get3A_464 = arith.constant 0 : index
    %get3A_465 = vector.load %arg14[%get3A_463, %get3A_464] : memref<128x256xf32, #tpu.memory_space<vmem>>, vector<128x256xf32>
    %dot_general3A_466 = arith.constant dense<0.000000e+00> : vector<128x256xf32>
    %dot_general3A_467 = tpu.matmul %dot_general3A_457, %get3A_465, %dot_general3A_466 {dimension_numbers = #tpu.dot_dimension_numbers<[1], [0], [0], [1], [0, 0, 1, 1], [], []>, transpose_lhs_hint = false} : vector<128x128xf32>, vector<128x256xf32>, vector<128x256xf32> -> vector<128x256xf32>
    %add3A_468 = arith.addf %dot_general3A_462, %dot_general3A_467 : vector<128x256xf32>
    %get3A_469 = arith.constant 0 : index
    %get3A_470 = arith.constant 0 : index
    %get3A_471 = vector.load %arg15[%get3A_469, %get3A_470] : memref<1x256xf32, #tpu.memory_space<vmem>>, vector<1x256xf32>
    %add3A_472 = vector.broadcast %get3A_471 : vector<1x256xf32> to vector<128x256xf32>
    %add3A_473 = arith.addf %add3A_468, %add3A_472 : vector<128x256xf32>
    %max3A_474 = arith.constant 0.000000e+00 : f32
    %max3A_475 = vector.broadcast %max3A_474 : f32 to vector<128x256xf32>
    %max3A_476 = arith.maximumf %add3A_473, %max3A_475 : vector<128x256xf32>
    %get3A_477 = arith.constant 0 : index
    %get3A_478 = arith.constant 0 : index
    %get3A_479 = vector.load %arg16[%get3A_477, %get3A_478] : memref<256x256xf32, #tpu.memory_space<vmem>>, vector<256x256xf32>
    %dot_general3A_480 = arith.constant dense<0.000000e+00> : vector<128x256xf32>
    %dot_general3A_481 = tpu.matmul %max3A_476, %get3A_479, %dot_general3A_480 {dimension_numbers = #tpu.dot_dimension_numbers<[1], [0], [0], [1], [0, 0, 1, 1], [], []>, transpose_lhs_hint = false} : vector<128x256xf32>, vector<256x256xf32>, vector<128x256xf32> -> vector<128x256xf32>
    %get3A_482 = arith.constant 0 : index
    %get3A_483 = arith.constant 0 : index
    %get3A_484 = vector.load %arg17[%get3A_482, %get3A_483] : memref<1x256xf32, #tpu.memory_space<vmem>>, vector<1x256xf32>
    %add3A_485 = vector.broadcast %get3A_484 : vector<1x256xf32> to vector<128x256xf32>
    %add3A_486 = arith.addf %dot_general3A_481, %add3A_485 : vector<128x256xf32>
    %max3A_487 = arith.constant 0.000000e+00 : f32
    %max3A_488 = vector.broadcast %max3A_487 : f32 to vector<128x256xf32>
    %max3A_489 = arith.maximumf %add3A_486, %max3A_488 : vector<128x256xf32>
    %get3A_490 = arith.constant 0 : index
    %get3A_491 = arith.constant 0 : index
    %get3A_492 = vector.load %arg18[%get3A_490, %get3A_491] : memref<256x256xf32, #tpu.memory_space<vmem>>, vector<256x256xf32>
    %dot_general3A_493 = arith.constant dense<0.000000e+00> : vector<128x256xf32>
    %dot_general3A_494 = tpu.matmul %max3A_489, %get3A_492, %dot_general3A_493 {dimension_numbers = #tpu.dot_dimension_numbers<[1], [0], [0], [1], [0, 0, 1, 1], [], []>, transpose_lhs_hint = false} : vector<128x256xf32>, vector<256x256xf32>, vector<128x256xf32> -> vector<128x256xf32>
    %get3A_495 = arith.constant 0 : index
    %get3A_496 = arith.constant 0 : index
    %get3A_497 = vector.load %arg19[%get3A_495, %get3A_496] : memref<1x256xf32, #tpu.memory_space<vmem>>, vector<1x256xf32>
    %add3A_498 = vector.broadcast %get3A_497 : vector<1x256xf32> to vector<128x256xf32>
    %add3A_499 = arith.addf %dot_general3A_494, %add3A_498 : vector<128x256xf32>
    %jit3A_500 = arith.constant 0 : i32
    %broadcast_in_dim3A_501 = vector.broadcast %jit3A_500 : i32 to vector<128x2048xi32>
    %select_n3A_502 = arith.select %eq3A_446, %select_n3A_257, %broadcast_in_dim3A_501 : vector<128x2048xi1>, vector<128x2048xi32>
    %reduce_sum3A_503 = arith.constant dense<0> : vector<128xi32>
    %reduce_sum3A_504 = vector.multi_reduction <add>, %select_n3A_502, %reduce_sum3A_503 [1] : vector<128x2048xi32> to vector<128xi32>
    %broadcast_in_dim3A_505 = vector.shape_cast %reduce_sum3A_504 : vector<128xi32> to vector<128x1xi32>
    %eq3A_506 = vector.broadcast %broadcast_in_dim3A_505 : vector<128x1xi32> to vector<128x256xi32>
    %eq3A_507 = arith.cmpi eq, %iota3A_16, %eq3A_506 : vector<128x256xi32>
    %jit3A_508 = arith.constant -1.000000e+06 : f32
    %broadcast_in_dim3A_509 = vector.broadcast %jit3A_508 : f32 to vector<128x256xf32>
    %select_n3A_510 = arith.select %eq3A_507, %broadcast_in_dim3A_509, %add3A_499 : vector<128x256xi1>, vector<128x256xf32>
    %reduce_max3A_511 = arith.constant dense<0xFF800000> : vector<128xf32>
    %reduce_max3A_512 = vector.multi_reduction <maximumf>, %select_n3A_510, %reduce_max3A_511 [1] : vector<128x256xf32> to vector<128xf32>
    %broadcast_in_dim3A_513 = vector.shape_cast %reduce_max3A_512 : vector<128xf32> to vector<128x1xf32>
    %sub3A_514 = vector.broadcast %broadcast_in_dim3A_513 : vector<128x1xf32> to vector<128x256xf32>
    %sub3A_515 = arith.subf %select_n3A_510, %sub3A_514 : vector<128x256xf32>
    %exp3A_516 = math.exp %sub3A_515 : vector<128x256xf32>
    %reduce_sum3A_517 = arith.constant dense<0.000000e+00> : vector<128xf32>
    %reduce_sum3A_518 = vector.multi_reduction <add>, %exp3A_516, %reduce_sum3A_517 [1] : vector<128x256xf32> to vector<128xf32>
    %broadcast_in_dim3A_519 = vector.shape_cast %reduce_sum3A_518 : vector<128xf32> to vector<128x1xf32>
    %log3A_520 = math.log %broadcast_in_dim3A_519 : vector<128x1xf32>
    %sub3A_521 = vector.broadcast %log3A_520 : vector<128x1xf32> to vector<128x256xf32>
    %sub3A_522 = arith.subf %sub3A_515, %sub3A_521 : vector<128x256xf32>
    %get3A_523 = arith.constant 0 : index
    %get3A_524 = arith.constant 0 : index
    %get3A_525 = vector.load %arg36[%get3A_523, %get3A_524] : memref<128x256xf32, #tpu.memory_space<vmem>>, vector<128x256xf32>
    %add3A_526 = arith.addf %sub3A_522, %get3A_525 : vector<128x256xf32>
    %reduce_max3A_527 = arith.constant dense<0xFF800000> : vector<128xf32>
    %reduce_max3A_528 = vector.multi_reduction <maximumf>, %add3A_526, %reduce_max3A_527 [1] : vector<128x256xf32> to vector<128xf32>
    %broadcast_in_dim3A_529 = vector.shape_cast %reduce_max3A_528 : vector<128xf32> to vector<128x1xf32>
    %iota3A_530 = tpu.iota {dimensions = array<i32: 1>} : vector<128x256xi32>
    %eq3A_531 = vector.broadcast %broadcast_in_dim3A_529 : vector<128x1xf32> to vector<128x256xf32>
    %eq3A_532 = arith.cmpf oeq, %add3A_526, %eq3A_531 : vector<128x256xf32>
    %jit3A_533 = arith.constant 256 : i32
    %broadcast_in_dim3A_534 = vector.broadcast %jit3A_533 : i32 to vector<128x256xi32>
    %select_n3A_535 = arith.select %eq3A_532, %iota3A_530, %broadcast_in_dim3A_534 : vector<128x256xi1>, vector<128x256xi32>
    %reduce_min3A_536 = arith.constant dense<2147483647> : vector<128xi32>
    %reduce_min3A_537 = vector.multi_reduction <minsi>, %select_n3A_535, %reduce_min3A_536 [1] : vector<128x256xi32> to vector<128xi32>
    %broadcast_in_dim3A_538 = vector.shape_cast %reduce_min3A_537 : vector<128xi32> to vector<128x1xi32>
    %eq3A_539 = vector.broadcast %broadcast_in_dim3A_538 : vector<128x1xi32> to vector<128x256xi32>
    %eq3A_540 = arith.cmpi eq, %iota3A_16, %eq3A_539 : vector<128x256xi32>
    %convert_element_type3A_541 = arith.extui %eq3A_540 : vector<128x256xi1> to vector<128x256xi32>
    %convert_element_type3A_542 = arith.sitofp %convert_element_type3A_541 : vector<128x256xi32> to vector<128x256xf32>
    %mul3A_543 = arith.mulf %sub3A_522, %convert_element_type3A_542 : vector<128x256xf32>
    %reduce_sum3A_544 = arith.constant dense<0.000000e+00> : vector<128xf32>
    %reduce_sum3A_545 = vector.multi_reduction <add>, %mul3A_543, %reduce_sum3A_544 [1] : vector<128x256xf32> to vector<128xf32>
    %broadcast_in_dim3A_546 = vector.shape_cast %reduce_sum3A_545 : vector<128xf32> to vector<128x1xf32>
    %add3A_547 = arith.addf %broadcast_in_dim3A_452, %broadcast_in_dim3A_546 : vector<128x1xf32>
    %mul3A_548 = arith.mulf %convert_element_type3A_378, %add3A_547 : vector<128x1xf32>
    %add3A_549 = arith.addf %add3A_373, %mul3A_548 : vector<128x1xf32>
    %select_n3A_550 = arith.select %and3A_376, %broadcast_in_dim3A_538, %broadcast_in_dim3A_505 : vector<128x1xi1>, vector<128x1xi32>
    %broadcast_in_dim3A_551 = vector.shape_cast %select_n3A_550 : vector<128x1xi32> to vector<128x1xi32>
    %broadcast_in_dim3A_552 = vector.broadcast %broadcast_in_dim3A_551 : vector<128x1xi32> to vector<128x2048xi32>
    %select_n3A_553 = arith.select %eq3A_446, %broadcast_in_dim3A_552, %select_n3A_257 : vector<128x2048xi1>, vector<128x2048xi32>
    %get3A_554 = arith.constant 0 : index
    %get3A_555 = arith.constant 0 : index
    %get3A_556 = vector.load %arg3[%get3A_554, %get3A_555] : memref<128x2048xi32, #tpu.memory_space<vmem>>, vector<128x2048xi32>
    %jit3A_557 = arith.constant 0 : i32
    %broadcast_in_dim3A_558 = vector.broadcast %jit3A_557 : i32 to vector<128x2048xi32>
    %select_n3A_559 = arith.select %eq3A_446, %get3A_556, %broadcast_in_dim3A_558 : vector<128x2048xi1>, vector<128x2048xi32>
    %reduce_sum3A_560 = arith.constant dense<0> : vector<128xi32>
    %reduce_sum3A_561 = vector.multi_reduction <add>, %select_n3A_559, %reduce_sum3A_560 [1] : vector<128x2048xi32> to vector<128xi32>
    %broadcast_in_dim3A_562 = vector.shape_cast %reduce_sum3A_561 : vector<128xi32> to vector<128x1xi32>
    %eq3A_563 = vector.broadcast %broadcast_in_dim3A_562 : vector<128x1xi32> to vector<128x2048xi32>
    %eq3A_564 = arith.cmpi eq, %iota3A, %eq3A_563 : vector<128x2048xi32>
    %convert_element_type3A_565 = arith.extui %eq3A_564 : vector<128x2048xi1> to vector<128x2048xi32>
    %convert_element_type3A_566 = arith.sitofp %convert_element_type3A_565 : vector<128x2048xi32> to vector<128x2048xf32>
    %get3A_567 = arith.constant 0 : index
    %get3A_568 = arith.constant 0 : index
    %get3A_569 = vector.load %arg4[%get3A_567, %get3A_568] : memref<2048x128xf32, #tpu.memory_space<vmem>>, vector<2048x128xf32>
    %dot_general3A_570 = arith.constant dense<0.000000e+00> : vector<128x128xf32>
    %dot_general3A_571 = tpu.matmul %convert_element_type3A_566, %get3A_569, %dot_general3A_570 {dimension_numbers = #tpu.dot_dimension_numbers<[1], [0], [0], [1], [0, 0, 1, 1], [], []>, transpose_lhs_hint = false} : vector<128x2048xf32>, vector<2048x128xf32>, vector<128x128xf32> -> vector<128x128xf32>
    %eq3A_572 = vector.broadcast %select_n3A_550 : vector<128x1xi32> to vector<128x256xi32>
    %eq3A_573 = arith.cmpi eq, %iota3A_16, %eq3A_572 : vector<128x256xi32>
    %convert_element_type3A_574 = arith.extui %eq3A_573 : vector<128x256xi1> to vector<128x256xi32>
    %convert_element_type3A_575 = arith.sitofp %convert_element_type3A_574 : vector<128x256xi32> to vector<128x256xf32>
    %convert_element_type3A_576 = arith.extui %eq3A_507 : vector<128x256xi1> to vector<128x256xi32>
    %convert_element_type3A_577 = arith.sitofp %convert_element_type3A_576 : vector<128x256xi32> to vector<128x256xf32>
    %sub3A_578 = arith.subf %convert_element_type3A_575, %convert_element_type3A_577 : vector<128x256xf32>
    %get3A_579 = arith.constant 0 : index
    %get3A_580 = arith.constant 0 : index
    %get3A_581 = vector.load %arg5[%get3A_579, %get3A_580] : memref<256x128xf32, #tpu.memory_space<vmem>>, vector<256x128xf32>
    %dot_general3A_582 = arith.constant dense<0.000000e+00> : vector<128x128xf32>
    %dot_general3A_583 = tpu.matmul %sub3A_578, %get3A_581, %dot_general3A_582 {dimension_numbers = #tpu.dot_dimension_numbers<[1], [0], [0], [1], [0, 0, 1, 1], [], []>, transpose_lhs_hint = false} : vector<128x256xf32>, vector<256x128xf32>, vector<128x128xf32> -> vector<128x128xf32>
    %mul3A_584 = arith.mulf %dot_general3A_571, %dot_general3A_583 : vector<128x128xf32>
    %mul3A_585 = arith.constant 4.8828125E-4 : f32
    %mul3A_586 = vector.broadcast %mul3A_585 : f32 to vector<128x128xf32>
    %mul3A_587 = arith.mulf %mul3A_584, %mul3A_586 : vector<128x128xf32>
    %add3A_588 = arith.addf %add3A_292, %mul3A_587 : vector<128x128xf32>
    %gt3A_589 = arith.constant 2 : i32
    %gt3A_590 = arith.cmpi sgt, %get3A_2, %gt3A_589 : i32
    %and3A_591 = vector.broadcast %gt3A_590 : i1 to vector<128x1xi1>
    %and3A_592 = arith.andi %and3A_376, %and3A_591 : vector<128x1xi1>
    %convert_element_type3A_593 = arith.extui %and3A_592 : vector<128x1xi1> to vector<128x1xi32>
    %convert_element_type3A_594 = arith.sitofp %convert_element_type3A_593 : vector<128x1xi32> to vector<128x1xf32>
    %get3A_595 = arith.constant 0 : index
    %get3A_596 = arith.constant 0 : index
    %get3A_597 = vector.load %arg20[%get3A_595, %get3A_596] : memref<128x256xf32, #tpu.memory_space<vmem>>, vector<128x256xf32>
    %dot_general3A_598 = arith.constant dense<0.000000e+00> : vector<128x256xf32>
    %dot_general3A_599 = tpu.matmul %add3A_588, %get3A_597, %dot_general3A_598 {dimension_numbers = #tpu.dot_dimension_numbers<[1], [0], [0], [1], [0, 0, 1, 1], [], []>, transpose_lhs_hint = false} : vector<128x128xf32>, vector<128x256xf32>, vector<128x256xf32> -> vector<128x256xf32>
    %get3A_600 = arith.constant 0 : index
    %get3A_601 = arith.constant 0 : index
    %get3A_602 = vector.load %arg21[%get3A_600, %get3A_601] : memref<1x256xf32, #tpu.memory_space<vmem>>, vector<1x256xf32>
    %add3A_603 = vector.broadcast %get3A_602 : vector<1x256xf32> to vector<128x256xf32>
    %add3A_604 = arith.addf %dot_general3A_599, %add3A_603 : vector<128x256xf32>
    %max3A_605 = arith.constant 0.000000e+00 : f32
    %max3A_606 = vector.broadcast %max3A_605 : f32 to vector<128x256xf32>
    %max3A_607 = arith.maximumf %add3A_604, %max3A_606 : vector<128x256xf32>
    %get3A_608 = arith.constant 0 : index
    %get3A_609 = arith.constant 0 : index
    %get3A_610 = vector.load %arg22[%get3A_608, %get3A_609] : memref<256x256xf32, #tpu.memory_space<vmem>>, vector<256x256xf32>
    %dot_general3A_611 = arith.constant dense<0.000000e+00> : vector<128x256xf32>
    %dot_general3A_612 = tpu.matmul %max3A_607, %get3A_610, %dot_general3A_611 {dimension_numbers = #tpu.dot_dimension_numbers<[1], [0], [0], [1], [0, 0, 1, 1], [], []>, transpose_lhs_hint = false} : vector<128x256xf32>, vector<256x256xf32>, vector<128x256xf32> -> vector<128x256xf32>
    %get3A_613 = arith.constant 0 : index
    %get3A_614 = arith.constant 0 : index
    %get3A_615 = vector.load %arg23[%get3A_613, %get3A_614] : memref<1x256xf32, #tpu.memory_space<vmem>>, vector<1x256xf32>
    %add3A_616 = vector.broadcast %get3A_615 : vector<1x256xf32> to vector<128x256xf32>
    %add3A_617 = arith.addf %dot_general3A_612, %add3A_616 : vector<128x256xf32>
    %max3A_618 = arith.constant 0.000000e+00 : f32
    %max3A_619 = vector.broadcast %max3A_618 : f32 to vector<128x256xf32>
    %max3A_620 = arith.maximumf %add3A_617, %max3A_619 : vector<128x256xf32>
    %get3A_621 = arith.constant 0 : index
    %get3A_622 = arith.constant 0 : index
    %get3A_623 = vector.load %arg24[%get3A_621, %get3A_622] : memref<256x1xf32, #tpu.memory_space<vmem>>, vector<256x1xf32>
    %transpose3A_624 = tpu.transpose %get3A_623, [1, 0] : vector<256x1xf32> -> vector<1x256xf32>
    %mul3A_625 = vector.broadcast %transpose3A_624 : vector<1x256xf32> to vector<128x256xf32>
    %mul3A_626 = arith.mulf %max3A_620, %mul3A_625 : vector<128x256xf32>
    %reduce_sum3A_627 = arith.constant dense<0.000000e+00> : vector<128xf32>
    %reduce_sum3A_628 = vector.multi_reduction <add>, %mul3A_626, %reduce_sum3A_627 [1] : vector<128x256xf32> to vector<128xf32>
    %broadcast_in_dim3A_629 = vector.shape_cast %reduce_sum3A_628 : vector<128xf32> to vector<128x1xf32>
    %get3A_630 = arith.constant 0 : index
    %get3A_631 = arith.constant 0 : index
    %get3A_632 = vector.load %arg25[%get3A_630, %get3A_631] : memref<1x1xf32, #tpu.memory_space<vmem>>, vector<1x1xf32>
    %add3A_633 = vector.broadcast %get3A_632 : vector<1x1xf32> to vector<128x1xf32>
    %add3A_634 = arith.addf %broadcast_in_dim3A_629, %add3A_633 : vector<128x1xf32>
    %neg3A_635 = arith.constant 0.000000e+00 : f32
    %neg3A_636 = vector.broadcast %neg3A_635 : f32 to vector<128x1xf32>
    %neg3A_637 = arith.subf %neg3A_636, %add3A_634 : vector<128x1xf32>
    %exp3A_638 = math.exp %neg3A_637 : vector<128x1xf32>
    %add3A_639 = arith.constant 1.000000e+00 : f32
    %add3A_640 = vector.broadcast %add3A_639 : f32 to vector<128x1xf32>
    %add3A_641 = arith.addf %add3A_640, %exp3A_638 : vector<128x1xf32>
    %div3A_642 = arith.constant 1.000000e+00 : f32
    %div3A_643 = vector.broadcast %div3A_642 : f32 to vector<128x1xf32>
    %div3A_644 = arith.divf %div3A_643, %add3A_641 : vector<128x1xf32>
    %get3A_645 = arith.constant 0 : index
    %get3A_646 = arith.constant 2 : index
    %get3A_647 = vector.load %arg26[%get3A_645, %get3A_646] : memref<128x8xf32, #tpu.memory_space<vmem>>, vector<128x1xf32>
    %lt3A_648 = arith.cmpf olt, %get3A_647, %div3A_644 : vector<128x1xf32>
    %convert_element_type3A_649 = arith.extui %lt3A_648 : vector<128x1xi1> to vector<128x1xi32>
    %convert_element_type3A_650 = arith.sitofp %convert_element_type3A_649 : vector<128x1xi32> to vector<128x1xf32>
    %add3A_651 = arith.constant 1.000000e-18 : f32
    %add3A_652 = vector.broadcast %add3A_651 : f32 to vector<128x1xf32>
    %add3A_653 = arith.addf %div3A_644, %add3A_652 : vector<128x1xf32>
    %log3A_654 = math.log %add3A_653 : vector<128x1xf32>
    %mul3A_655 = arith.mulf %convert_element_type3A_650, %log3A_654 : vector<128x1xf32>
    %sub3A_656 = arith.constant 1.000000e+00 : f32
    %sub3A_657 = vector.broadcast %sub3A_656 : f32 to vector<128x1xf32>
    %sub3A_658 = arith.subf %sub3A_657, %convert_element_type3A_650 : vector<128x1xf32>
    %sub3A_659 = arith.constant 1.000000e+00 : f32
    %sub3A_660 = vector.broadcast %sub3A_659 : f32 to vector<128x1xf32>
    %sub3A_661 = arith.subf %sub3A_660, %div3A_644 : vector<128x1xf32>
    %add3A_662 = arith.constant 1.000000e-18 : f32
    %add3A_663 = vector.broadcast %add3A_662 : f32 to vector<128x1xf32>
    %add3A_664 = arith.addf %sub3A_661, %add3A_663 : vector<128x1xf32>
    %log3A_665 = math.log %add3A_664 : vector<128x1xf32>
    %mul3A_666 = arith.mulf %sub3A_658, %log3A_665 : vector<128x1xf32>
    %add3A_667 = arith.addf %mul3A_655, %mul3A_666 : vector<128x1xf32>
    %mul3A_668 = arith.mulf %convert_element_type3A_594, %add3A_667 : vector<128x1xf32>
    %add3A_669 = arith.addf %add3A_549, %mul3A_668 : vector<128x1xf32>
    %not3A_670 = arith.constant dense<true> : vector<128x1xi1>
    %not3A_671 = arith.xori %lt3A_648, %not3A_670 : vector<128x1xi1>
    %and3A_672 = arith.andi %and3A_592, %not3A_671 : vector<128x1xi1>
    %convert_element_type3A_673 = arith.extui %and3A_672 : vector<128x1xi1> to vector<128x1xi32>
    %convert_element_type3A_674 = arith.sitofp %convert_element_type3A_673 : vector<128x1xi32> to vector<128x1xf32>
    %convert_element_type3A_675 = arith.extui %and3A_672 : vector<128x1xi1> to vector<128x1xi32>
    %add3A_676 = arith.addi %add3A_380, %convert_element_type3A_675 : vector<128x1xi32>
    %get3A_677 = arith.constant 0 : index
    %get3A_678 = arith.constant 0 : index
    %get3A_679 = vector.load %arg7[%get3A_677, %get3A_678] : memref<128x256xf32, #tpu.memory_space<vmem>>, vector<128x256xf32>
    %dot_general3A_680 = arith.constant dense<0.000000e+00> : vector<128x256xf32>
    %dot_general3A_681 = tpu.matmul %add3A_588, %get3A_679, %dot_general3A_680 {dimension_numbers = #tpu.dot_dimension_numbers<[1], [0], [0], [1], [0, 0, 1, 1], [], []>, transpose_lhs_hint = false} : vector<128x128xf32>, vector<128x256xf32>, vector<128x256xf32> -> vector<128x256xf32>
    %get3A_682 = arith.constant 0 : index
    %get3A_683 = arith.constant 0 : index
    %get3A_684 = vector.load %arg8[%get3A_682, %get3A_683] : memref<1x256xf32, #tpu.memory_space<vmem>>, vector<1x256xf32>
    %add3A_685 = vector.broadcast %get3A_684 : vector<1x256xf32> to vector<128x256xf32>
    %add3A_686 = arith.addf %dot_general3A_681, %add3A_685 : vector<128x256xf32>
    %max3A_687 = arith.constant 0.000000e+00 : f32
    %max3A_688 = vector.broadcast %max3A_687 : f32 to vector<128x256xf32>
    %max3A_689 = arith.maximumf %add3A_686, %max3A_688 : vector<128x256xf32>
    %get3A_690 = arith.constant 0 : index
    %get3A_691 = arith.constant 0 : index
    %get3A_692 = vector.load %arg9[%get3A_690, %get3A_691] : memref<256x256xf32, #tpu.memory_space<vmem>>, vector<256x256xf32>
    %dot_general3A_693 = arith.constant dense<0.000000e+00> : vector<128x256xf32>
    %dot_general3A_694 = tpu.matmul %max3A_689, %get3A_692, %dot_general3A_693 {dimension_numbers = #tpu.dot_dimension_numbers<[1], [0], [0], [1], [0, 0, 1, 1], [], []>, transpose_lhs_hint = false} : vector<128x256xf32>, vector<256x256xf32>, vector<128x256xf32> -> vector<128x256xf32>
    %get3A_695 = arith.constant 0 : index
    %get3A_696 = arith.constant 0 : index
    %get3A_697 = vector.load %arg10[%get3A_695, %get3A_696] : memref<1x256xf32, #tpu.memory_space<vmem>>, vector<1x256xf32>
    %add3A_698 = vector.broadcast %get3A_697 : vector<1x256xf32> to vector<128x256xf32>
    %add3A_699 = arith.addf %dot_general3A_694, %add3A_698 : vector<128x256xf32>
    %max3A_700 = arith.constant 0.000000e+00 : f32
    %max3A_701 = vector.broadcast %max3A_700 : f32 to vector<128x256xf32>
    %max3A_702 = arith.maximumf %add3A_699, %max3A_701 : vector<128x256xf32>
    %get3A_703 = arith.constant 0 : index
    %get3A_704 = arith.constant 0 : index
    %get3A_705 = vector.load %arg11[%get3A_703, %get3A_704] : memref<256x2048xf32, #tpu.memory_space<vmem>>, vector<256x2048xf32>
    %dot_general3A_706 = arith.constant dense<0.000000e+00> : vector<128x2048xf32>
    %dot_general3A_707 = tpu.matmul %max3A_702, %get3A_705, %dot_general3A_706 {dimension_numbers = #tpu.dot_dimension_numbers<[1], [0], [0], [1], [0, 0, 1, 1], [], []>, transpose_lhs_hint = false} : vector<128x256xf32>, vector<256x2048xf32>, vector<128x2048xf32> -> vector<128x2048xf32>
    %get3A_708 = arith.constant 0 : index
    %get3A_709 = arith.constant 0 : index
    %get3A_710 = vector.load %arg12[%get3A_708, %get3A_709] : memref<1x2048xf32, #tpu.memory_space<vmem>>, vector<1x2048xf32>
    %add3A_711 = vector.broadcast %get3A_710 : vector<1x2048xf32> to vector<128x2048xf32>
    %add3A_712 = arith.addf %dot_general3A_707, %add3A_711 : vector<128x2048xf32>
    %reduce_max3A_713 = arith.constant dense<0xFF800000> : vector<128xf32>
    %reduce_max3A_714 = vector.multi_reduction <maximumf>, %add3A_712, %reduce_max3A_713 [1] : vector<128x2048xf32> to vector<128xf32>
    %broadcast_in_dim3A_715 = vector.shape_cast %reduce_max3A_714 : vector<128xf32> to vector<128x1xf32>
    %sub3A_716 = vector.broadcast %broadcast_in_dim3A_715 : vector<128x1xf32> to vector<128x2048xf32>
    %sub3A_717 = arith.subf %add3A_712, %sub3A_716 : vector<128x2048xf32>
    %exp3A_718 = math.exp %sub3A_717 : vector<128x2048xf32>
    %reduce_sum3A_719 = arith.constant dense<0.000000e+00> : vector<128xf32>
    %reduce_sum3A_720 = vector.multi_reduction <add>, %exp3A_718, %reduce_sum3A_719 [1] : vector<128x2048xf32> to vector<128xf32>
    %broadcast_in_dim3A_721 = vector.shape_cast %reduce_sum3A_720 : vector<128xf32> to vector<128x1xf32>
    %log3A_722 = math.log %broadcast_in_dim3A_721 : vector<128x1xf32>
    %sub3A_723 = vector.broadcast %log3A_722 : vector<128x1xf32> to vector<128x2048xf32>
    %sub3A_724 = arith.subf %sub3A_717, %sub3A_723 : vector<128x2048xf32>
    %get3A_725 = arith.constant 0 : index
    %get3A_726 = arith.constant 0 : index
    %get3A_727 = vector.load %arg29[%get3A_725, %get3A_726] : memref<128x2048xf32, #tpu.memory_space<vmem>>, vector<128x2048xf32>
    %add3A_728 = arith.addf %sub3A_724, %get3A_727 : vector<128x2048xf32>
    %reduce_max3A_729 = arith.constant dense<0xFF800000> : vector<128xf32>
    %reduce_max3A_730 = vector.multi_reduction <maximumf>, %add3A_728, %reduce_max3A_729 [1] : vector<128x2048xf32> to vector<128xf32>
    %broadcast_in_dim3A_731 = vector.shape_cast %reduce_max3A_730 : vector<128xf32> to vector<128x1xf32>
    %iota3A_732 = tpu.iota {dimensions = array<i32: 1>} : vector<128x2048xi32>
    %eq3A_733 = vector.broadcast %broadcast_in_dim3A_731 : vector<128x1xf32> to vector<128x2048xf32>
    %eq3A_734 = arith.cmpf oeq, %add3A_728, %eq3A_733 : vector<128x2048xf32>
    %jit3A_735 = arith.constant 2048 : i32
    %broadcast_in_dim3A_736 = vector.broadcast %jit3A_735 : i32 to vector<128x2048xi32>
    %select_n3A_737 = arith.select %eq3A_734, %iota3A_732, %broadcast_in_dim3A_736 : vector<128x2048xi1>, vector<128x2048xi32>
    %reduce_min3A_738 = arith.constant dense<2147483647> : vector<128xi32>
    %reduce_min3A_739 = vector.multi_reduction <minsi>, %select_n3A_737, %reduce_min3A_738 [1] : vector<128x2048xi32> to vector<128xi32>
    %broadcast_in_dim3A_740 = vector.shape_cast %reduce_min3A_739 : vector<128xi32> to vector<128x1xi32>
    %eq3A_741 = vector.broadcast %broadcast_in_dim3A_740 : vector<128x1xi32> to vector<128x2048xi32>
    %eq3A_742 = arith.cmpi eq, %iota3A, %eq3A_741 : vector<128x2048xi32>
    %convert_element_type3A_743 = arith.extui %eq3A_742 : vector<128x2048xi1> to vector<128x2048xi32>
    %convert_element_type3A_744 = arith.sitofp %convert_element_type3A_743 : vector<128x2048xi32> to vector<128x2048xf32>
    %mul3A_745 = arith.mulf %sub3A_724, %convert_element_type3A_744 : vector<128x2048xf32>
    %reduce_sum3A_746 = arith.constant dense<0.000000e+00> : vector<128xf32>
    %reduce_sum3A_747 = vector.multi_reduction <add>, %mul3A_745, %reduce_sum3A_746 [1] : vector<128x2048xf32> to vector<128xf32>
    %broadcast_in_dim3A_748 = vector.shape_cast %reduce_sum3A_747 : vector<128xf32> to vector<128x1xf32>
    %get3A_749 = arith.constant 0 : index
    %get3A_750 = arith.constant 0 : index
    %get3A_751 = vector.load %arg6[%get3A_749, %get3A_750] : memref<2048x128xf32, #tpu.memory_space<vmem>>, vector<2048x128xf32>
    %dot_general3A_752 = arith.constant dense<0.000000e+00> : vector<128x128xf32>
    %dot_general3A_753 = tpu.matmul %convert_element_type3A_744, %get3A_751, %dot_general3A_752 {dimension_numbers = #tpu.dot_dimension_numbers<[1], [0], [0], [1], [0, 0, 1, 1], [], []>, transpose_lhs_hint = false} : vector<128x2048xf32>, vector<2048x128xf32>, vector<128x128xf32> -> vector<128x128xf32>
    %get3A_754 = arith.constant 0 : index
    %get3A_755 = arith.constant 0 : index
    %get3A_756 = vector.load %arg13[%get3A_754, %get3A_755] : memref<128x256xf32, #tpu.memory_space<vmem>>, vector<128x256xf32>
    %dot_general3A_757 = arith.constant dense<0.000000e+00> : vector<128x256xf32>
    %dot_general3A_758 = tpu.matmul %add3A_588, %get3A_756, %dot_general3A_757 {dimension_numbers = #tpu.dot_dimension_numbers<[1], [0], [0], [1], [0, 0, 1, 1], [], []>, transpose_lhs_hint = false} : vector<128x128xf32>, vector<128x256xf32>, vector<128x256xf32> -> vector<128x256xf32>
    %get3A_759 = arith.constant 0 : index
    %get3A_760 = arith.constant 0 : index
    %get3A_761 = vector.load %arg14[%get3A_759, %get3A_760] : memref<128x256xf32, #tpu.memory_space<vmem>>, vector<128x256xf32>
    %dot_general3A_762 = arith.constant dense<0.000000e+00> : vector<128x256xf32>
    %dot_general3A_763 = tpu.matmul %dot_general3A_753, %get3A_761, %dot_general3A_762 {dimension_numbers = #tpu.dot_dimension_numbers<[1], [0], [0], [1], [0, 0, 1, 1], [], []>, transpose_lhs_hint = false} : vector<128x128xf32>, vector<128x256xf32>, vector<128x256xf32> -> vector<128x256xf32>
    %add3A_764 = arith.addf %dot_general3A_758, %dot_general3A_763 : vector<128x256xf32>
    %get3A_765 = arith.constant 0 : index
    %get3A_766 = arith.constant 0 : index
    %get3A_767 = vector.load %arg15[%get3A_765, %get3A_766] : memref<1x256xf32, #tpu.memory_space<vmem>>, vector<1x256xf32>
    %add3A_768 = vector.broadcast %get3A_767 : vector<1x256xf32> to vector<128x256xf32>
    %add3A_769 = arith.addf %add3A_764, %add3A_768 : vector<128x256xf32>
    %max3A_770 = arith.constant 0.000000e+00 : f32
    %max3A_771 = vector.broadcast %max3A_770 : f32 to vector<128x256xf32>
    %max3A_772 = arith.maximumf %add3A_769, %max3A_771 : vector<128x256xf32>
    %get3A_773 = arith.constant 0 : index
    %get3A_774 = arith.constant 0 : index
    %get3A_775 = vector.load %arg16[%get3A_773, %get3A_774] : memref<256x256xf32, #tpu.memory_space<vmem>>, vector<256x256xf32>
    %dot_general3A_776 = arith.constant dense<0.000000e+00> : vector<128x256xf32>
    %dot_general3A_777 = tpu.matmul %max3A_772, %get3A_775, %dot_general3A_776 {dimension_numbers = #tpu.dot_dimension_numbers<[1], [0], [0], [1], [0, 0, 1, 1], [], []>, transpose_lhs_hint = false} : vector<128x256xf32>, vector<256x256xf32>, vector<128x256xf32> -> vector<128x256xf32>
    %get3A_778 = arith.constant 0 : index
    %get3A_779 = arith.constant 0 : index
    %get3A_780 = vector.load %arg17[%get3A_778, %get3A_779] : memref<1x256xf32, #tpu.memory_space<vmem>>, vector<1x256xf32>
    %add3A_781 = vector.broadcast %get3A_780 : vector<1x256xf32> to vector<128x256xf32>
    %add3A_782 = arith.addf %dot_general3A_777, %add3A_781 : vector<128x256xf32>
    %max3A_783 = arith.constant 0.000000e+00 : f32
    %max3A_784 = vector.broadcast %max3A_783 : f32 to vector<128x256xf32>
    %max3A_785 = arith.maximumf %add3A_782, %max3A_784 : vector<128x256xf32>
    %get3A_786 = arith.constant 0 : index
    %get3A_787 = arith.constant 0 : index
    %get3A_788 = vector.load %arg18[%get3A_786, %get3A_787] : memref<256x256xf32, #tpu.memory_space<vmem>>, vector<256x256xf32>
    %dot_general3A_789 = arith.constant dense<0.000000e+00> : vector<128x256xf32>
    %dot_general3A_790 = tpu.matmul %max3A_785, %get3A_788, %dot_general3A_789 {dimension_numbers = #tpu.dot_dimension_numbers<[1], [0], [0], [1], [0, 0, 1, 1], [], []>, transpose_lhs_hint = false} : vector<128x256xf32>, vector<256x256xf32>, vector<128x256xf32> -> vector<128x256xf32>
    %get3A_791 = arith.constant 0 : index
    %get3A_792 = arith.constant 0 : index
    %get3A_793 = vector.load %arg19[%get3A_791, %get3A_792] : memref<1x256xf32, #tpu.memory_space<vmem>>, vector<1x256xf32>
    %add3A_794 = vector.broadcast %get3A_793 : vector<1x256xf32> to vector<128x256xf32>
    %add3A_795 = arith.addf %dot_general3A_790, %add3A_794 : vector<128x256xf32>
    %jit3A_796 = arith.constant 0 : i32
    %broadcast_in_dim3A_797 = vector.broadcast %jit3A_796 : i32 to vector<128x2048xi32>
    %select_n3A_798 = arith.select %eq3A_742, %select_n3A_553, %broadcast_in_dim3A_797 : vector<128x2048xi1>, vector<128x2048xi32>
    %reduce_sum3A_799 = arith.constant dense<0> : vector<128xi32>
    %reduce_sum3A_800 = vector.multi_reduction <add>, %select_n3A_798, %reduce_sum3A_799 [1] : vector<128x2048xi32> to vector<128xi32>
    %broadcast_in_dim3A_801 = vector.shape_cast %reduce_sum3A_800 : vector<128xi32> to vector<128x1xi32>
    %eq3A_802 = vector.broadcast %broadcast_in_dim3A_801 : vector<128x1xi32> to vector<128x256xi32>
    %eq3A_803 = arith.cmpi eq, %iota3A_16, %eq3A_802 : vector<128x256xi32>
    %jit3A_804 = arith.constant -1.000000e+06 : f32
    %broadcast_in_dim3A_805 = vector.broadcast %jit3A_804 : f32 to vector<128x256xf32>
    %select_n3A_806 = arith.select %eq3A_803, %broadcast_in_dim3A_805, %add3A_795 : vector<128x256xi1>, vector<128x256xf32>
    %reduce_max3A_807 = arith.constant dense<0xFF800000> : vector<128xf32>
    %reduce_max3A_808 = vector.multi_reduction <maximumf>, %select_n3A_806, %reduce_max3A_807 [1] : vector<128x256xf32> to vector<128xf32>
    %broadcast_in_dim3A_809 = vector.shape_cast %reduce_max3A_808 : vector<128xf32> to vector<128x1xf32>
    %sub3A_810 = vector.broadcast %broadcast_in_dim3A_809 : vector<128x1xf32> to vector<128x256xf32>
    %sub3A_811 = arith.subf %select_n3A_806, %sub3A_810 : vector<128x256xf32>
    %exp3A_812 = math.exp %sub3A_811 : vector<128x256xf32>
    %reduce_sum3A_813 = arith.constant dense<0.000000e+00> : vector<128xf32>
    %reduce_sum3A_814 = vector.multi_reduction <add>, %exp3A_812, %reduce_sum3A_813 [1] : vector<128x256xf32> to vector<128xf32>
    %broadcast_in_dim3A_815 = vector.shape_cast %reduce_sum3A_814 : vector<128xf32> to vector<128x1xf32>
    %log3A_816 = math.log %broadcast_in_dim3A_815 : vector<128x1xf32>
    %sub3A_817 = vector.broadcast %log3A_816 : vector<128x1xf32> to vector<128x256xf32>
    %sub3A_818 = arith.subf %sub3A_811, %sub3A_817 : vector<128x256xf32>
    %get3A_819 = arith.constant 0 : index
    %get3A_820 = arith.constant 0 : index
    %get3A_821 = vector.load %arg37[%get3A_819, %get3A_820] : memref<128x256xf32, #tpu.memory_space<vmem>>, vector<128x256xf32>
    %add3A_822 = arith.addf %sub3A_818, %get3A_821 : vector<128x256xf32>
    %reduce_max3A_823 = arith.constant dense<0xFF800000> : vector<128xf32>
    %reduce_max3A_824 = vector.multi_reduction <maximumf>, %add3A_822, %reduce_max3A_823 [1] : vector<128x256xf32> to vector<128xf32>
    %broadcast_in_dim3A_825 = vector.shape_cast %reduce_max3A_824 : vector<128xf32> to vector<128x1xf32>
    %iota3A_826 = tpu.iota {dimensions = array<i32: 1>} : vector<128x256xi32>
    %eq3A_827 = vector.broadcast %broadcast_in_dim3A_825 : vector<128x1xf32> to vector<128x256xf32>
    %eq3A_828 = arith.cmpf oeq, %add3A_822, %eq3A_827 : vector<128x256xf32>
    %jit3A_829 = arith.constant 256 : i32
    %broadcast_in_dim3A_830 = vector.broadcast %jit3A_829 : i32 to vector<128x256xi32>
    %select_n3A_831 = arith.select %eq3A_828, %iota3A_826, %broadcast_in_dim3A_830 : vector<128x256xi1>, vector<128x256xi32>
    %reduce_min3A_832 = arith.constant dense<2147483647> : vector<128xi32>
    %reduce_min3A_833 = vector.multi_reduction <minsi>, %select_n3A_831, %reduce_min3A_832 [1] : vector<128x256xi32> to vector<128xi32>
    %broadcast_in_dim3A_834 = vector.shape_cast %reduce_min3A_833 : vector<128xi32> to vector<128x1xi32>
    %eq3A_835 = vector.broadcast %broadcast_in_dim3A_834 : vector<128x1xi32> to vector<128x256xi32>
    %eq3A_836 = arith.cmpi eq, %iota3A_16, %eq3A_835 : vector<128x256xi32>
    %convert_element_type3A_837 = arith.extui %eq3A_836 : vector<128x256xi1> to vector<128x256xi32>
    %convert_element_type3A_838 = arith.sitofp %convert_element_type3A_837 : vector<128x256xi32> to vector<128x256xf32>
    %mul3A_839 = arith.mulf %sub3A_818, %convert_element_type3A_838 : vector<128x256xf32>
    %reduce_sum3A_840 = arith.constant dense<0.000000e+00> : vector<128xf32>
    %reduce_sum3A_841 = vector.multi_reduction <add>, %mul3A_839, %reduce_sum3A_840 [1] : vector<128x256xf32> to vector<128xf32>
    %broadcast_in_dim3A_842 = vector.shape_cast %reduce_sum3A_841 : vector<128xf32> to vector<128x1xf32>
    %add3A_843 = arith.addf %broadcast_in_dim3A_748, %broadcast_in_dim3A_842 : vector<128x1xf32>
    %mul3A_844 = arith.mulf %convert_element_type3A_674, %add3A_843 : vector<128x1xf32>
    %add3A_845 = arith.addf %add3A_669, %mul3A_844 : vector<128x1xf32>
    %select_n3A_846 = arith.select %and3A_672, %broadcast_in_dim3A_834, %broadcast_in_dim3A_801 : vector<128x1xi1>, vector<128x1xi32>
    %broadcast_in_dim3A_847 = vector.shape_cast %select_n3A_846 : vector<128x1xi32> to vector<128x1xi32>
    %broadcast_in_dim3A_848 = vector.broadcast %broadcast_in_dim3A_847 : vector<128x1xi32> to vector<128x2048xi32>
    %select_n3A_849 = arith.select %eq3A_742, %broadcast_in_dim3A_848, %select_n3A_553 : vector<128x2048xi1>, vector<128x2048xi32>
    %get3A_850 = arith.constant 0 : index
    %get3A_851 = arith.constant 0 : index
    %get3A_852 = vector.load %arg3[%get3A_850, %get3A_851] : memref<128x2048xi32, #tpu.memory_space<vmem>>, vector<128x2048xi32>
    %jit3A_853 = arith.constant 0 : i32
    %broadcast_in_dim3A_854 = vector.broadcast %jit3A_853 : i32 to vector<128x2048xi32>
    %select_n3A_855 = arith.select %eq3A_742, %get3A_852, %broadcast_in_dim3A_854 : vector<128x2048xi1>, vector<128x2048xi32>
    %reduce_sum3A_856 = arith.constant dense<0> : vector<128xi32>
    %reduce_sum3A_857 = vector.multi_reduction <add>, %select_n3A_855, %reduce_sum3A_856 [1] : vector<128x2048xi32> to vector<128xi32>
    %broadcast_in_dim3A_858 = vector.shape_cast %reduce_sum3A_857 : vector<128xi32> to vector<128x1xi32>
    %eq3A_859 = vector.broadcast %broadcast_in_dim3A_858 : vector<128x1xi32> to vector<128x2048xi32>
    %eq3A_860 = arith.cmpi eq, %iota3A, %eq3A_859 : vector<128x2048xi32>
    %convert_element_type3A_861 = arith.extui %eq3A_860 : vector<128x2048xi1> to vector<128x2048xi32>
    %convert_element_type3A_862 = arith.sitofp %convert_element_type3A_861 : vector<128x2048xi32> to vector<128x2048xf32>
    %get3A_863 = arith.constant 0 : index
    %get3A_864 = arith.constant 0 : index
    %get3A_865 = vector.load %arg4[%get3A_863, %get3A_864] : memref<2048x128xf32, #tpu.memory_space<vmem>>, vector<2048x128xf32>
    %dot_general3A_866 = arith.constant dense<0.000000e+00> : vector<128x128xf32>
    %dot_general3A_867 = tpu.matmul %convert_element_type3A_862, %get3A_865, %dot_general3A_866 {dimension_numbers = #tpu.dot_dimension_numbers<[1], [0], [0], [1], [0, 0, 1, 1], [], []>, transpose_lhs_hint = false} : vector<128x2048xf32>, vector<2048x128xf32>, vector<128x128xf32> -> vector<128x128xf32>
    %eq3A_868 = vector.broadcast %select_n3A_846 : vector<128x1xi32> to vector<128x256xi32>
    %eq3A_869 = arith.cmpi eq, %iota3A_16, %eq3A_868 : vector<128x256xi32>
    %convert_element_type3A_870 = arith.extui %eq3A_869 : vector<128x256xi1> to vector<128x256xi32>
    %convert_element_type3A_871 = arith.sitofp %convert_element_type3A_870 : vector<128x256xi32> to vector<128x256xf32>
    %convert_element_type3A_872 = arith.extui %eq3A_803 : vector<128x256xi1> to vector<128x256xi32>
    %convert_element_type3A_873 = arith.sitofp %convert_element_type3A_872 : vector<128x256xi32> to vector<128x256xf32>
    %sub3A_874 = arith.subf %convert_element_type3A_871, %convert_element_type3A_873 : vector<128x256xf32>
    %get3A_875 = arith.constant 0 : index
    %get3A_876 = arith.constant 0 : index
    %get3A_877 = vector.load %arg5[%get3A_875, %get3A_876] : memref<256x128xf32, #tpu.memory_space<vmem>>, vector<256x128xf32>
    %dot_general3A_878 = arith.constant dense<0.000000e+00> : vector<128x128xf32>
    %dot_general3A_879 = tpu.matmul %sub3A_874, %get3A_877, %dot_general3A_878 {dimension_numbers = #tpu.dot_dimension_numbers<[1], [0], [0], [1], [0, 0, 1, 1], [], []>, transpose_lhs_hint = false} : vector<128x256xf32>, vector<256x128xf32>, vector<128x128xf32> -> vector<128x128xf32>
    %mul3A_880 = arith.mulf %dot_general3A_867, %dot_general3A_879 : vector<128x128xf32>
    %mul3A_881 = arith.constant 4.8828125E-4 : f32
    %mul3A_882 = vector.broadcast %mul3A_881 : f32 to vector<128x128xf32>
    %mul3A_883 = arith.mulf %mul3A_880, %mul3A_882 : vector<128x128xf32>
    %add3A_884 = arith.addf %add3A_588, %mul3A_883 : vector<128x128xf32>
    %gt3A_885 = arith.constant 3 : i32
    %gt3A_886 = arith.cmpi sgt, %get3A_2, %gt3A_885 : i32
    %and3A_887 = vector.broadcast %gt3A_886 : i1 to vector<128x1xi1>
    %and3A_888 = arith.andi %and3A_672, %and3A_887 : vector<128x1xi1>
    %convert_element_type3A_889 = arith.extui %and3A_888 : vector<128x1xi1> to vector<128x1xi32>
    %convert_element_type3A_890 = arith.sitofp %convert_element_type3A_889 : vector<128x1xi32> to vector<128x1xf32>
    %get3A_891 = arith.constant 0 : index
    %get3A_892 = arith.constant 0 : index
    %get3A_893 = vector.load %arg20[%get3A_891, %get3A_892] : memref<128x256xf32, #tpu.memory_space<vmem>>, vector<128x256xf32>
    %dot_general3A_894 = arith.constant dense<0.000000e+00> : vector<128x256xf32>
    %dot_general3A_895 = tpu.matmul %add3A_884, %get3A_893, %dot_general3A_894 {dimension_numbers = #tpu.dot_dimension_numbers<[1], [0], [0], [1], [0, 0, 1, 1], [], []>, transpose_lhs_hint = false} : vector<128x128xf32>, vector<128x256xf32>, vector<128x256xf32> -> vector<128x256xf32>
    %get3A_896 = arith.constant 0 : index
    %get3A_897 = arith.constant 0 : index
    %get3A_898 = vector.load %arg21[%get3A_896, %get3A_897] : memref<1x256xf32, #tpu.memory_space<vmem>>, vector<1x256xf32>
    %add3A_899 = vector.broadcast %get3A_898 : vector<1x256xf32> to vector<128x256xf32>
    %add3A_900 = arith.addf %dot_general3A_895, %add3A_899 : vector<128x256xf32>
    %max3A_901 = arith.constant 0.000000e+00 : f32
    %max3A_902 = vector.broadcast %max3A_901 : f32 to vector<128x256xf32>
    %max3A_903 = arith.maximumf %add3A_900, %max3A_902 : vector<128x256xf32>
    %get3A_904 = arith.constant 0 : index
    %get3A_905 = arith.constant 0 : index
    %get3A_906 = vector.load %arg22[%get3A_904, %get3A_905] : memref<256x256xf32, #tpu.memory_space<vmem>>, vector<256x256xf32>
    %dot_general3A_907 = arith.constant dense<0.000000e+00> : vector<128x256xf32>
    %dot_general3A_908 = tpu.matmul %max3A_903, %get3A_906, %dot_general3A_907 {dimension_numbers = #tpu.dot_dimension_numbers<[1], [0], [0], [1], [0, 0, 1, 1], [], []>, transpose_lhs_hint = false} : vector<128x256xf32>, vector<256x256xf32>, vector<128x256xf32> -> vector<128x256xf32>
    %get3A_909 = arith.constant 0 : index
    %get3A_910 = arith.constant 0 : index
    %get3A_911 = vector.load %arg23[%get3A_909, %get3A_910] : memref<1x256xf32, #tpu.memory_space<vmem>>, vector<1x256xf32>
    %add3A_912 = vector.broadcast %get3A_911 : vector<1x256xf32> to vector<128x256xf32>
    %add3A_913 = arith.addf %dot_general3A_908, %add3A_912 : vector<128x256xf32>
    %max3A_914 = arith.constant 0.000000e+00 : f32
    %max3A_915 = vector.broadcast %max3A_914 : f32 to vector<128x256xf32>
    %max3A_916 = arith.maximumf %add3A_913, %max3A_915 : vector<128x256xf32>
    %get3A_917 = arith.constant 0 : index
    %get3A_918 = arith.constant 0 : index
    %get3A_919 = vector.load %arg24[%get3A_917, %get3A_918] : memref<256x1xf32, #tpu.memory_space<vmem>>, vector<256x1xf32>
    %transpose3A_920 = tpu.transpose %get3A_919, [1, 0] : vector<256x1xf32> -> vector<1x256xf32>
    %mul3A_921 = vector.broadcast %transpose3A_920 : vector<1x256xf32> to vector<128x256xf32>
    %mul3A_922 = arith.mulf %max3A_916, %mul3A_921 : vector<128x256xf32>
    %reduce_sum3A_923 = arith.constant dense<0.000000e+00> : vector<128xf32>
    %reduce_sum3A_924 = vector.multi_reduction <add>, %mul3A_922, %reduce_sum3A_923 [1] : vector<128x256xf32> to vector<128xf32>
    %broadcast_in_dim3A_925 = vector.shape_cast %reduce_sum3A_924 : vector<128xf32> to vector<128x1xf32>
    %get3A_926 = arith.constant 0 : index
    %get3A_927 = arith.constant 0 : index
    %get3A_928 = vector.load %arg25[%get3A_926, %get3A_927] : memref<1x1xf32, #tpu.memory_space<vmem>>, vector<1x1xf32>
    %add3A_929 = vector.broadcast %get3A_928 : vector<1x1xf32> to vector<128x1xf32>
    %add3A_930 = arith.addf %broadcast_in_dim3A_925, %add3A_929 : vector<128x1xf32>
    %neg3A_931 = arith.constant 0.000000e+00 : f32
    %neg3A_932 = vector.broadcast %neg3A_931 : f32 to vector<128x1xf32>
    %neg3A_933 = arith.subf %neg3A_932, %add3A_930 : vector<128x1xf32>
    %exp3A_934 = math.exp %neg3A_933 : vector<128x1xf32>
    %add3A_935 = arith.constant 1.000000e+00 : f32
    %add3A_936 = vector.broadcast %add3A_935 : f32 to vector<128x1xf32>
    %add3A_937 = arith.addf %add3A_936, %exp3A_934 : vector<128x1xf32>
    %div3A_938 = arith.constant 1.000000e+00 : f32
    %div3A_939 = vector.broadcast %div3A_938 : f32 to vector<128x1xf32>
    %div3A_940 = arith.divf %div3A_939, %add3A_937 : vector<128x1xf32>
    %get3A_941 = arith.constant 0 : index
    %get3A_942 = arith.constant 3 : index
    %get3A_943 = vector.load %arg26[%get3A_941, %get3A_942] : memref<128x8xf32, #tpu.memory_space<vmem>>, vector<128x1xf32>
    %lt3A_944 = arith.cmpf olt, %get3A_943, %div3A_940 : vector<128x1xf32>
    %convert_element_type3A_945 = arith.extui %lt3A_944 : vector<128x1xi1> to vector<128x1xi32>
    %convert_element_type3A_946 = arith.sitofp %convert_element_type3A_945 : vector<128x1xi32> to vector<128x1xf32>
    %add3A_947 = arith.constant 1.000000e-18 : f32
    %add3A_948 = vector.broadcast %add3A_947 : f32 to vector<128x1xf32>
    %add3A_949 = arith.addf %div3A_940, %add3A_948 : vector<128x1xf32>
    %log3A_950 = math.log %add3A_949 : vector<128x1xf32>
    %mul3A_951 = arith.mulf %convert_element_type3A_946, %log3A_950 : vector<128x1xf32>
    %sub3A_952 = arith.constant 1.000000e+00 : f32
    %sub3A_953 = vector.broadcast %sub3A_952 : f32 to vector<128x1xf32>
    %sub3A_954 = arith.subf %sub3A_953, %convert_element_type3A_946 : vector<128x1xf32>
    %sub3A_955 = arith.constant 1.000000e+00 : f32
    %sub3A_956 = vector.broadcast %sub3A_955 : f32 to vector<128x1xf32>
    %sub3A_957 = arith.subf %sub3A_956, %div3A_940 : vector<128x1xf32>
    %add3A_958 = arith.constant 1.000000e-18 : f32
    %add3A_959 = vector.broadcast %add3A_958 : f32 to vector<128x1xf32>
    %add3A_960 = arith.addf %sub3A_957, %add3A_959 : vector<128x1xf32>
    %log3A_961 = math.log %add3A_960 : vector<128x1xf32>
    %mul3A_962 = arith.mulf %sub3A_954, %log3A_961 : vector<128x1xf32>
    %add3A_963 = arith.addf %mul3A_951, %mul3A_962 : vector<128x1xf32>
    %mul3A_964 = arith.mulf %convert_element_type3A_890, %add3A_963 : vector<128x1xf32>
    %add3A_965 = arith.addf %add3A_845, %mul3A_964 : vector<128x1xf32>
    %not3A_966 = arith.constant dense<true> : vector<128x1xi1>
    %not3A_967 = arith.xori %lt3A_944, %not3A_966 : vector<128x1xi1>
    %and3A_968 = arith.andi %and3A_888, %not3A_967 : vector<128x1xi1>
    %convert_element_type3A_969 = arith.extui %and3A_968 : vector<128x1xi1> to vector<128x1xi32>
    %convert_element_type3A_970 = arith.sitofp %convert_element_type3A_969 : vector<128x1xi32> to vector<128x1xf32>
    %convert_element_type3A_971 = arith.extui %and3A_968 : vector<128x1xi1> to vector<128x1xi32>
    %add3A_972 = arith.addi %add3A_676, %convert_element_type3A_971 : vector<128x1xi32>
    %get3A_973 = arith.constant 0 : index
    %get3A_974 = arith.constant 0 : index
    %get3A_975 = vector.load %arg7[%get3A_973, %get3A_974] : memref<128x256xf32, #tpu.memory_space<vmem>>, vector<128x256xf32>
    %dot_general3A_976 = arith.constant dense<0.000000e+00> : vector<128x256xf32>
    %dot_general3A_977 = tpu.matmul %add3A_884, %get3A_975, %dot_general3A_976 {dimension_numbers = #tpu.dot_dimension_numbers<[1], [0], [0], [1], [0, 0, 1, 1], [], []>, transpose_lhs_hint = false} : vector<128x128xf32>, vector<128x256xf32>, vector<128x256xf32> -> vector<128x256xf32>
    %get3A_978 = arith.constant 0 : index
    %get3A_979 = arith.constant 0 : index
    %get3A_980 = vector.load %arg8[%get3A_978, %get3A_979] : memref<1x256xf32, #tpu.memory_space<vmem>>, vector<1x256xf32>
    %add3A_981 = vector.broadcast %get3A_980 : vector<1x256xf32> to vector<128x256xf32>
    %add3A_982 = arith.addf %dot_general3A_977, %add3A_981 : vector<128x256xf32>
    %max3A_983 = arith.constant 0.000000e+00 : f32
    %max3A_984 = vector.broadcast %max3A_983 : f32 to vector<128x256xf32>
    %max3A_985 = arith.maximumf %add3A_982, %max3A_984 : vector<128x256xf32>
    %get3A_986 = arith.constant 0 : index
    %get3A_987 = arith.constant 0 : index
    %get3A_988 = vector.load %arg9[%get3A_986, %get3A_987] : memref<256x256xf32, #tpu.memory_space<vmem>>, vector<256x256xf32>
    %dot_general3A_989 = arith.constant dense<0.000000e+00> : vector<128x256xf32>
    %dot_general3A_990 = tpu.matmul %max3A_985, %get3A_988, %dot_general3A_989 {dimension_numbers = #tpu.dot_dimension_numbers<[1], [0], [0], [1], [0, 0, 1, 1], [], []>, transpose_lhs_hint = false} : vector<128x256xf32>, vector<256x256xf32>, vector<128x256xf32> -> vector<128x256xf32>
    %get3A_991 = arith.constant 0 : index
    %get3A_992 = arith.constant 0 : index
    %get3A_993 = vector.load %arg10[%get3A_991, %get3A_992] : memref<1x256xf32, #tpu.memory_space<vmem>>, vector<1x256xf32>
    %add3A_994 = vector.broadcast %get3A_993 : vector<1x256xf32> to vector<128x256xf32>
    %add3A_995 = arith.addf %dot_general3A_990, %add3A_994 : vector<128x256xf32>
    %max3A_996 = arith.constant 0.000000e+00 : f32
    %max3A_997 = vector.broadcast %max3A_996 : f32 to vector<128x256xf32>
    %max3A_998 = arith.maximumf %add3A_995, %max3A_997 : vector<128x256xf32>
    %get3A_999 = arith.constant 0 : index
    %get3A_1000 = arith.constant 0 : index
    %get3A_1001 = vector.load %arg11[%get3A_999, %get3A_1000] : memref<256x2048xf32, #tpu.memory_space<vmem>>, vector<256x2048xf32>
    %dot_general3A_1002 = arith.constant dense<0.000000e+00> : vector<128x2048xf32>
    %dot_general3A_1003 = tpu.matmul %max3A_998, %get3A_1001, %dot_general3A_1002 {dimension_numbers = #tpu.dot_dimension_numbers<[1], [0], [0], [1], [0, 0, 1, 1], [], []>, transpose_lhs_hint = false} : vector<128x256xf32>, vector<256x2048xf32>, vector<128x2048xf32> -> vector<128x2048xf32>
    %get3A_1004 = arith.constant 0 : index
    %get3A_1005 = arith.constant 0 : index
    %get3A_1006 = vector.load %arg12[%get3A_1004, %get3A_1005] : memref<1x2048xf32, #tpu.memory_space<vmem>>, vector<1x2048xf32>
    %add3A_1007 = vector.broadcast %get3A_1006 : vector<1x2048xf32> to vector<128x2048xf32>
    %add3A_1008 = arith.addf %dot_general3A_1003, %add3A_1007 : vector<128x2048xf32>
    %reduce_max3A_1009 = arith.constant dense<0xFF800000> : vector<128xf32>
    %reduce_max3A_1010 = vector.multi_reduction <maximumf>, %add3A_1008, %reduce_max3A_1009 [1] : vector<128x2048xf32> to vector<128xf32>
    %broadcast_in_dim3A_1011 = vector.shape_cast %reduce_max3A_1010 : vector<128xf32> to vector<128x1xf32>
    %sub3A_1012 = vector.broadcast %broadcast_in_dim3A_1011 : vector<128x1xf32> to vector<128x2048xf32>
    %sub3A_1013 = arith.subf %add3A_1008, %sub3A_1012 : vector<128x2048xf32>
    %exp3A_1014 = math.exp %sub3A_1013 : vector<128x2048xf32>
    %reduce_sum3A_1015 = arith.constant dense<0.000000e+00> : vector<128xf32>
    %reduce_sum3A_1016 = vector.multi_reduction <add>, %exp3A_1014, %reduce_sum3A_1015 [1] : vector<128x2048xf32> to vector<128xf32>
    %broadcast_in_dim3A_1017 = vector.shape_cast %reduce_sum3A_1016 : vector<128xf32> to vector<128x1xf32>
    %log3A_1018 = math.log %broadcast_in_dim3A_1017 : vector<128x1xf32>
    %sub3A_1019 = vector.broadcast %log3A_1018 : vector<128x1xf32> to vector<128x2048xf32>
    %sub3A_1020 = arith.subf %sub3A_1013, %sub3A_1019 : vector<128x2048xf32>
    %get3A_1021 = arith.constant 0 : index
    %get3A_1022 = arith.constant 0 : index
    %get3A_1023 = vector.load %arg30[%get3A_1021, %get3A_1022] : memref<128x2048xf32, #tpu.memory_space<vmem>>, vector<128x2048xf32>
    %add3A_1024 = arith.addf %sub3A_1020, %get3A_1023 : vector<128x2048xf32>
    %reduce_max3A_1025 = arith.constant dense<0xFF800000> : vector<128xf32>
    %reduce_max3A_1026 = vector.multi_reduction <maximumf>, %add3A_1024, %reduce_max3A_1025 [1] : vector<128x2048xf32> to vector<128xf32>
    %broadcast_in_dim3A_1027 = vector.shape_cast %reduce_max3A_1026 : vector<128xf32> to vector<128x1xf32>
    %iota3A_1028 = tpu.iota {dimensions = array<i32: 1>} : vector<128x2048xi32>
    %eq3A_1029 = vector.broadcast %broadcast_in_dim3A_1027 : vector<128x1xf32> to vector<128x2048xf32>
    %eq3A_1030 = arith.cmpf oeq, %add3A_1024, %eq3A_1029 : vector<128x2048xf32>
    %jit3A_1031 = arith.constant 2048 : i32
    %broadcast_in_dim3A_1032 = vector.broadcast %jit3A_1031 : i32 to vector<128x2048xi32>
    %select_n3A_1033 = arith.select %eq3A_1030, %iota3A_1028, %broadcast_in_dim3A_1032 : vector<128x2048xi1>, vector<128x2048xi32>
    %reduce_min3A_1034 = arith.constant dense<2147483647> : vector<128xi32>
    %reduce_min3A_1035 = vector.multi_reduction <minsi>, %select_n3A_1033, %reduce_min3A_1034 [1] : vector<128x2048xi32> to vector<128xi32>
    %broadcast_in_dim3A_1036 = vector.shape_cast %reduce_min3A_1035 : vector<128xi32> to vector<128x1xi32>
    %eq3A_1037 = vector.broadcast %broadcast_in_dim3A_1036 : vector<128x1xi32> to vector<128x2048xi32>
    %eq3A_1038 = arith.cmpi eq, %iota3A, %eq3A_1037 : vector<128x2048xi32>
    %convert_element_type3A_1039 = arith.extui %eq3A_1038 : vector<128x2048xi1> to vector<128x2048xi32>
    %convert_element_type3A_1040 = arith.sitofp %convert_element_type3A_1039 : vector<128x2048xi32> to vector<128x2048xf32>
    %mul3A_1041 = arith.mulf %sub3A_1020, %convert_element_type3A_1040 : vector<128x2048xf32>
    %reduce_sum3A_1042 = arith.constant dense<0.000000e+00> : vector<128xf32>
    %reduce_sum3A_1043 = vector.multi_reduction <add>, %mul3A_1041, %reduce_sum3A_1042 [1] : vector<128x2048xf32> to vector<128xf32>
    %broadcast_in_dim3A_1044 = vector.shape_cast %reduce_sum3A_1043 : vector<128xf32> to vector<128x1xf32>
    %get3A_1045 = arith.constant 0 : index
    %get3A_1046 = arith.constant 0 : index
    %get3A_1047 = vector.load %arg6[%get3A_1045, %get3A_1046] : memref<2048x128xf32, #tpu.memory_space<vmem>>, vector<2048x128xf32>
    %dot_general3A_1048 = arith.constant dense<0.000000e+00> : vector<128x128xf32>
    %dot_general3A_1049 = tpu.matmul %convert_element_type3A_1040, %get3A_1047, %dot_general3A_1048 {dimension_numbers = #tpu.dot_dimension_numbers<[1], [0], [0], [1], [0, 0, 1, 1], [], []>, transpose_lhs_hint = false} : vector<128x2048xf32>, vector<2048x128xf32>, vector<128x128xf32> -> vector<128x128xf32>
    %get3A_1050 = arith.constant 0 : index
    %get3A_1051 = arith.constant 0 : index
    %get3A_1052 = vector.load %arg13[%get3A_1050, %get3A_1051] : memref<128x256xf32, #tpu.memory_space<vmem>>, vector<128x256xf32>
    %dot_general3A_1053 = arith.constant dense<0.000000e+00> : vector<128x256xf32>
    %dot_general3A_1054 = tpu.matmul %add3A_884, %get3A_1052, %dot_general3A_1053 {dimension_numbers = #tpu.dot_dimension_numbers<[1], [0], [0], [1], [0, 0, 1, 1], [], []>, transpose_lhs_hint = false} : vector<128x128xf32>, vector<128x256xf32>, vector<128x256xf32> -> vector<128x256xf32>
    %get3A_1055 = arith.constant 0 : index
    %get3A_1056 = arith.constant 0 : index
    %get3A_1057 = vector.load %arg14[%get3A_1055, %get3A_1056] : memref<128x256xf32, #tpu.memory_space<vmem>>, vector<128x256xf32>
    %dot_general3A_1058 = arith.constant dense<0.000000e+00> : vector<128x256xf32>
    %dot_general3A_1059 = tpu.matmul %dot_general3A_1049, %get3A_1057, %dot_general3A_1058 {dimension_numbers = #tpu.dot_dimension_numbers<[1], [0], [0], [1], [0, 0, 1, 1], [], []>, transpose_lhs_hint = false} : vector<128x128xf32>, vector<128x256xf32>, vector<128x256xf32> -> vector<128x256xf32>
    %add3A_1060 = arith.addf %dot_general3A_1054, %dot_general3A_1059 : vector<128x256xf32>
    %get3A_1061 = arith.constant 0 : index
    %get3A_1062 = arith.constant 0 : index
    %get3A_1063 = vector.load %arg15[%get3A_1061, %get3A_1062] : memref<1x256xf32, #tpu.memory_space<vmem>>, vector<1x256xf32>
    %add3A_1064 = vector.broadcast %get3A_1063 : vector<1x256xf32> to vector<128x256xf32>
    %add3A_1065 = arith.addf %add3A_1060, %add3A_1064 : vector<128x256xf32>
    %max3A_1066 = arith.constant 0.000000e+00 : f32
    %max3A_1067 = vector.broadcast %max3A_1066 : f32 to vector<128x256xf32>
    %max3A_1068 = arith.maximumf %add3A_1065, %max3A_1067 : vector<128x256xf32>
    %get3A_1069 = arith.constant 0 : index
    %get3A_1070 = arith.constant 0 : index
    %get3A_1071 = vector.load %arg16[%get3A_1069, %get3A_1070] : memref<256x256xf32, #tpu.memory_space<vmem>>, vector<256x256xf32>
    %dot_general3A_1072 = arith.constant dense<0.000000e+00> : vector<128x256xf32>
    %dot_general3A_1073 = tpu.matmul %max3A_1068, %get3A_1071, %dot_general3A_1072 {dimension_numbers = #tpu.dot_dimension_numbers<[1], [0], [0], [1], [0, 0, 1, 1], [], []>, transpose_lhs_hint = false} : vector<128x256xf32>, vector<256x256xf32>, vector<128x256xf32> -> vector<128x256xf32>
    %get3A_1074 = arith.constant 0 : index
    %get3A_1075 = arith.constant 0 : index
    %get3A_1076 = vector.load %arg17[%get3A_1074, %get3A_1075] : memref<1x256xf32, #tpu.memory_space<vmem>>, vector<1x256xf32>
    %add3A_1077 = vector.broadcast %get3A_1076 : vector<1x256xf32> to vector<128x256xf32>
    %add3A_1078 = arith.addf %dot_general3A_1073, %add3A_1077 : vector<128x256xf32>
    %max3A_1079 = arith.constant 0.000000e+00 : f32
    %max3A_1080 = vector.broadcast %max3A_1079 : f32 to vector<128x256xf32>
    %max3A_1081 = arith.maximumf %add3A_1078, %max3A_1080 : vector<128x256xf32>
    %get3A_1082 = arith.constant 0 : index
    %get3A_1083 = arith.constant 0 : index
    %get3A_1084 = vector.load %arg18[%get3A_1082, %get3A_1083] : memref<256x256xf32, #tpu.memory_space<vmem>>, vector<256x256xf32>
    %dot_general3A_1085 = arith.constant dense<0.000000e+00> : vector<128x256xf32>
    %dot_general3A_1086 = tpu.matmul %max3A_1081, %get3A_1084, %dot_general3A_1085 {dimension_numbers = #tpu.dot_dimension_numbers<[1], [0], [0], [1], [0, 0, 1, 1], [], []>, transpose_lhs_hint = false} : vector<128x256xf32>, vector<256x256xf32>, vector<128x256xf32> -> vector<128x256xf32>
    %get3A_1087 = arith.constant 0 : index
    %get3A_1088 = arith.constant 0 : index
    %get3A_1089 = vector.load %arg19[%get3A_1087, %get3A_1088] : memref<1x256xf32, #tpu.memory_space<vmem>>, vector<1x256xf32>
    %add3A_1090 = vector.broadcast %get3A_1089 : vector<1x256xf32> to vector<128x256xf32>
    %add3A_1091 = arith.addf %dot_general3A_1086, %add3A_1090 : vector<128x256xf32>
    %jit3A_1092 = arith.constant 0 : i32
    %broadcast_in_dim3A_1093 = vector.broadcast %jit3A_1092 : i32 to vector<128x2048xi32>
    %select_n3A_1094 = arith.select %eq3A_1038, %select_n3A_849, %broadcast_in_dim3A_1093 : vector<128x2048xi1>, vector<128x2048xi32>
    %reduce_sum3A_1095 = arith.constant dense<0> : vector<128xi32>
    %reduce_sum3A_1096 = vector.multi_reduction <add>, %select_n3A_1094, %reduce_sum3A_1095 [1] : vector<128x2048xi32> to vector<128xi32>
    %broadcast_in_dim3A_1097 = vector.shape_cast %reduce_sum3A_1096 : vector<128xi32> to vector<128x1xi32>
    %eq3A_1098 = vector.broadcast %broadcast_in_dim3A_1097 : vector<128x1xi32> to vector<128x256xi32>
    %eq3A_1099 = arith.cmpi eq, %iota3A_16, %eq3A_1098 : vector<128x256xi32>
    %jit3A_1100 = arith.constant -1.000000e+06 : f32
    %broadcast_in_dim3A_1101 = vector.broadcast %jit3A_1100 : f32 to vector<128x256xf32>
    %select_n3A_1102 = arith.select %eq3A_1099, %broadcast_in_dim3A_1101, %add3A_1091 : vector<128x256xi1>, vector<128x256xf32>
    %reduce_max3A_1103 = arith.constant dense<0xFF800000> : vector<128xf32>
    %reduce_max3A_1104 = vector.multi_reduction <maximumf>, %select_n3A_1102, %reduce_max3A_1103 [1] : vector<128x256xf32> to vector<128xf32>
    %broadcast_in_dim3A_1105 = vector.shape_cast %reduce_max3A_1104 : vector<128xf32> to vector<128x1xf32>
    %sub3A_1106 = vector.broadcast %broadcast_in_dim3A_1105 : vector<128x1xf32> to vector<128x256xf32>
    %sub3A_1107 = arith.subf %select_n3A_1102, %sub3A_1106 : vector<128x256xf32>
    %exp3A_1108 = math.exp %sub3A_1107 : vector<128x256xf32>
    %reduce_sum3A_1109 = arith.constant dense<0.000000e+00> : vector<128xf32>
    %reduce_sum3A_1110 = vector.multi_reduction <add>, %exp3A_1108, %reduce_sum3A_1109 [1] : vector<128x256xf32> to vector<128xf32>
    %broadcast_in_dim3A_1111 = vector.shape_cast %reduce_sum3A_1110 : vector<128xf32> to vector<128x1xf32>
    %log3A_1112 = math.log %broadcast_in_dim3A_1111 : vector<128x1xf32>
    %sub3A_1113 = vector.broadcast %log3A_1112 : vector<128x1xf32> to vector<128x256xf32>
    %sub3A_1114 = arith.subf %sub3A_1107, %sub3A_1113 : vector<128x256xf32>
    %get3A_1115 = arith.constant 0 : index
    %get3A_1116 = arith.constant 0 : index
    %get3A_1117 = vector.load %arg38[%get3A_1115, %get3A_1116] : memref<128x256xf32, #tpu.memory_space<vmem>>, vector<128x256xf32>
    %add3A_1118 = arith.addf %sub3A_1114, %get3A_1117 : vector<128x256xf32>
    %reduce_max3A_1119 = arith.constant dense<0xFF800000> : vector<128xf32>
    %reduce_max3A_1120 = vector.multi_reduction <maximumf>, %add3A_1118, %reduce_max3A_1119 [1] : vector<128x256xf32> to vector<128xf32>
    %broadcast_in_dim3A_1121 = vector.shape_cast %reduce_max3A_1120 : vector<128xf32> to vector<128x1xf32>
    %iota3A_1122 = tpu.iota {dimensions = array<i32: 1>} : vector<128x256xi32>
    %eq3A_1123 = vector.broadcast %broadcast_in_dim3A_1121 : vector<128x1xf32> to vector<128x256xf32>
    %eq3A_1124 = arith.cmpf oeq, %add3A_1118, %eq3A_1123 : vector<128x256xf32>
    %jit3A_1125 = arith.constant 256 : i32
    %broadcast_in_dim3A_1126 = vector.broadcast %jit3A_1125 : i32 to vector<128x256xi32>
    %select_n3A_1127 = arith.select %eq3A_1124, %iota3A_1122, %broadcast_in_dim3A_1126 : vector<128x256xi1>, vector<128x256xi32>
    %reduce_min3A_1128 = arith.constant dense<2147483647> : vector<128xi32>
    %reduce_min3A_1129 = vector.multi_reduction <minsi>, %select_n3A_1127, %reduce_min3A_1128 [1] : vector<128x256xi32> to vector<128xi32>
    %broadcast_in_dim3A_1130 = vector.shape_cast %reduce_min3A_1129 : vector<128xi32> to vector<128x1xi32>
    %eq3A_1131 = vector.broadcast %broadcast_in_dim3A_1130 : vector<128x1xi32> to vector<128x256xi32>
    %eq3A_1132 = arith.cmpi eq, %iota3A_16, %eq3A_1131 : vector<128x256xi32>
    %convert_element_type3A_1133 = arith.extui %eq3A_1132 : vector<128x256xi1> to vector<128x256xi32>
    %convert_element_type3A_1134 = arith.sitofp %convert_element_type3A_1133 : vector<128x256xi32> to vector<128x256xf32>
    %mul3A_1135 = arith.mulf %sub3A_1114, %convert_element_type3A_1134 : vector<128x256xf32>
    %reduce_sum3A_1136 = arith.constant dense<0.000000e+00> : vector<128xf32>
    %reduce_sum3A_1137 = vector.multi_reduction <add>, %mul3A_1135, %reduce_sum3A_1136 [1] : vector<128x256xf32> to vector<128xf32>
    %broadcast_in_dim3A_1138 = vector.shape_cast %reduce_sum3A_1137 : vector<128xf32> to vector<128x1xf32>
    %add3A_1139 = arith.addf %broadcast_in_dim3A_1044, %broadcast_in_dim3A_1138 : vector<128x1xf32>
    %mul3A_1140 = arith.mulf %convert_element_type3A_970, %add3A_1139 : vector<128x1xf32>
    %add3A_1141 = arith.addf %add3A_965, %mul3A_1140 : vector<128x1xf32>
    %select_n3A_1142 = arith.select %and3A_968, %broadcast_in_dim3A_1130, %broadcast_in_dim3A_1097 : vector<128x1xi1>, vector<128x1xi32>
    %broadcast_in_dim3A_1143 = vector.shape_cast %select_n3A_1142 : vector<128x1xi32> to vector<128x1xi32>
    %broadcast_in_dim3A_1144 = vector.broadcast %broadcast_in_dim3A_1143 : vector<128x1xi32> to vector<128x2048xi32>
    %select_n3A_1145 = arith.select %eq3A_1038, %broadcast_in_dim3A_1144, %select_n3A_849 : vector<128x2048xi1>, vector<128x2048xi32>
    %get3A_1146 = arith.constant 0 : index
    %get3A_1147 = arith.constant 0 : index
    %get3A_1148 = vector.load %arg3[%get3A_1146, %get3A_1147] : memref<128x2048xi32, #tpu.memory_space<vmem>>, vector<128x2048xi32>
    %jit3A_1149 = arith.constant 0 : i32
    %broadcast_in_dim3A_1150 = vector.broadcast %jit3A_1149 : i32 to vector<128x2048xi32>
    %select_n3A_1151 = arith.select %eq3A_1038, %get3A_1148, %broadcast_in_dim3A_1150 : vector<128x2048xi1>, vector<128x2048xi32>
    %reduce_sum3A_1152 = arith.constant dense<0> : vector<128xi32>
    %reduce_sum3A_1153 = vector.multi_reduction <add>, %select_n3A_1151, %reduce_sum3A_1152 [1] : vector<128x2048xi32> to vector<128xi32>
    %broadcast_in_dim3A_1154 = vector.shape_cast %reduce_sum3A_1153 : vector<128xi32> to vector<128x1xi32>
    %eq3A_1155 = vector.broadcast %broadcast_in_dim3A_1154 : vector<128x1xi32> to vector<128x2048xi32>
    %eq3A_1156 = arith.cmpi eq, %iota3A, %eq3A_1155 : vector<128x2048xi32>
    %convert_element_type3A_1157 = arith.extui %eq3A_1156 : vector<128x2048xi1> to vector<128x2048xi32>
    %convert_element_type3A_1158 = arith.sitofp %convert_element_type3A_1157 : vector<128x2048xi32> to vector<128x2048xf32>
    %get3A_1159 = arith.constant 0 : index
    %get3A_1160 = arith.constant 0 : index
    %get3A_1161 = vector.load %arg4[%get3A_1159, %get3A_1160] : memref<2048x128xf32, #tpu.memory_space<vmem>>, vector<2048x128xf32>
    %dot_general3A_1162 = arith.constant dense<0.000000e+00> : vector<128x128xf32>
    %dot_general3A_1163 = tpu.matmul %convert_element_type3A_1158, %get3A_1161, %dot_general3A_1162 {dimension_numbers = #tpu.dot_dimension_numbers<[1], [0], [0], [1], [0, 0, 1, 1], [], []>, transpose_lhs_hint = false} : vector<128x2048xf32>, vector<2048x128xf32>, vector<128x128xf32> -> vector<128x128xf32>
    %eq3A_1164 = vector.broadcast %select_n3A_1142 : vector<128x1xi32> to vector<128x256xi32>
    %eq3A_1165 = arith.cmpi eq, %iota3A_16, %eq3A_1164 : vector<128x256xi32>
    %convert_element_type3A_1166 = arith.extui %eq3A_1165 : vector<128x256xi1> to vector<128x256xi32>
    %convert_element_type3A_1167 = arith.sitofp %convert_element_type3A_1166 : vector<128x256xi32> to vector<128x256xf32>
    %convert_element_type3A_1168 = arith.extui %eq3A_1099 : vector<128x256xi1> to vector<128x256xi32>
    %convert_element_type3A_1169 = arith.sitofp %convert_element_type3A_1168 : vector<128x256xi32> to vector<128x256xf32>
    %sub3A_1170 = arith.subf %convert_element_type3A_1167, %convert_element_type3A_1169 : vector<128x256xf32>
    %get3A_1171 = arith.constant 0 : index
    %get3A_1172 = arith.constant 0 : index
    %get3A_1173 = vector.load %arg5[%get3A_1171, %get3A_1172] : memref<256x128xf32, #tpu.memory_space<vmem>>, vector<256x128xf32>
    %dot_general3A_1174 = arith.constant dense<0.000000e+00> : vector<128x128xf32>
    %dot_general3A_1175 = tpu.matmul %sub3A_1170, %get3A_1173, %dot_general3A_1174 {dimension_numbers = #tpu.dot_dimension_numbers<[1], [0], [0], [1], [0, 0, 1, 1], [], []>, transpose_lhs_hint = false} : vector<128x256xf32>, vector<256x128xf32>, vector<128x128xf32> -> vector<128x128xf32>
    %mul3A_1176 = arith.mulf %dot_general3A_1163, %dot_general3A_1175 : vector<128x128xf32>
    %mul3A_1177 = arith.constant 4.8828125E-4 : f32
    %mul3A_1178 = vector.broadcast %mul3A_1177 : f32 to vector<128x128xf32>
    %mul3A_1179 = arith.mulf %mul3A_1176, %mul3A_1178 : vector<128x128xf32>
    %add3A_1180 = arith.addf %add3A_884, %mul3A_1179 : vector<128x128xf32>
    %gt3A_1181 = arith.constant 4 : i32
    %gt3A_1182 = arith.cmpi sgt, %get3A_2, %gt3A_1181 : i32
    %and3A_1183 = vector.broadcast %gt3A_1182 : i1 to vector<128x1xi1>
    %and3A_1184 = arith.andi %and3A_968, %and3A_1183 : vector<128x1xi1>
    %convert_element_type3A_1185 = arith.extui %and3A_1184 : vector<128x1xi1> to vector<128x1xi32>
    %convert_element_type3A_1186 = arith.sitofp %convert_element_type3A_1185 : vector<128x1xi32> to vector<128x1xf32>
    %get3A_1187 = arith.constant 0 : index
    %get3A_1188 = arith.constant 0 : index
    %get3A_1189 = vector.load %arg20[%get3A_1187, %get3A_1188] : memref<128x256xf32, #tpu.memory_space<vmem>>, vector<128x256xf32>
    %dot_general3A_1190 = arith.constant dense<0.000000e+00> : vector<128x256xf32>
    %dot_general3A_1191 = tpu.matmul %add3A_1180, %get3A_1189, %dot_general3A_1190 {dimension_numbers = #tpu.dot_dimension_numbers<[1], [0], [0], [1], [0, 0, 1, 1], [], []>, transpose_lhs_hint = false} : vector<128x128xf32>, vector<128x256xf32>, vector<128x256xf32> -> vector<128x256xf32>
    %get3A_1192 = arith.constant 0 : index
    %get3A_1193 = arith.constant 0 : index
    %get3A_1194 = vector.load %arg21[%get3A_1192, %get3A_1193] : memref<1x256xf32, #tpu.memory_space<vmem>>, vector<1x256xf32>
    %add3A_1195 = vector.broadcast %get3A_1194 : vector<1x256xf32> to vector<128x256xf32>
    %add3A_1196 = arith.addf %dot_general3A_1191, %add3A_1195 : vector<128x256xf32>
    %max3A_1197 = arith.constant 0.000000e+00 : f32
    %max3A_1198 = vector.broadcast %max3A_1197 : f32 to vector<128x256xf32>
    %max3A_1199 = arith.maximumf %add3A_1196, %max3A_1198 : vector<128x256xf32>
    %get3A_1200 = arith.constant 0 : index
    %get3A_1201 = arith.constant 0 : index
    %get3A_1202 = vector.load %arg22[%get3A_1200, %get3A_1201] : memref<256x256xf32, #tpu.memory_space<vmem>>, vector<256x256xf32>
    %dot_general3A_1203 = arith.constant dense<0.000000e+00> : vector<128x256xf32>
    %dot_general3A_1204 = tpu.matmul %max3A_1199, %get3A_1202, %dot_general3A_1203 {dimension_numbers = #tpu.dot_dimension_numbers<[1], [0], [0], [1], [0, 0, 1, 1], [], []>, transpose_lhs_hint = false} : vector<128x256xf32>, vector<256x256xf32>, vector<128x256xf32> -> vector<128x256xf32>
    %get3A_1205 = arith.constant 0 : index
    %get3A_1206 = arith.constant 0 : index
    %get3A_1207 = vector.load %arg23[%get3A_1205, %get3A_1206] : memref<1x256xf32, #tpu.memory_space<vmem>>, vector<1x256xf32>
    %add3A_1208 = vector.broadcast %get3A_1207 : vector<1x256xf32> to vector<128x256xf32>
    %add3A_1209 = arith.addf %dot_general3A_1204, %add3A_1208 : vector<128x256xf32>
    %max3A_1210 = arith.constant 0.000000e+00 : f32
    %max3A_1211 = vector.broadcast %max3A_1210 : f32 to vector<128x256xf32>
    %max3A_1212 = arith.maximumf %add3A_1209, %max3A_1211 : vector<128x256xf32>
    %get3A_1213 = arith.constant 0 : index
    %get3A_1214 = arith.constant 0 : index
    %get3A_1215 = vector.load %arg24[%get3A_1213, %get3A_1214] : memref<256x1xf32, #tpu.memory_space<vmem>>, vector<256x1xf32>
    %transpose3A_1216 = tpu.transpose %get3A_1215, [1, 0] : vector<256x1xf32> -> vector<1x256xf32>
    %mul3A_1217 = vector.broadcast %transpose3A_1216 : vector<1x256xf32> to vector<128x256xf32>
    %mul3A_1218 = arith.mulf %max3A_1212, %mul3A_1217 : vector<128x256xf32>
    %reduce_sum3A_1219 = arith.constant dense<0.000000e+00> : vector<128xf32>
    %reduce_sum3A_1220 = vector.multi_reduction <add>, %mul3A_1218, %reduce_sum3A_1219 [1] : vector<128x256xf32> to vector<128xf32>
    %broadcast_in_dim3A_1221 = vector.shape_cast %reduce_sum3A_1220 : vector<128xf32> to vector<128x1xf32>
    %get3A_1222 = arith.constant 0 : index
    %get3A_1223 = arith.constant 0 : index
    %get3A_1224 = vector.load %arg25[%get3A_1222, %get3A_1223] : memref<1x1xf32, #tpu.memory_space<vmem>>, vector<1x1xf32>
    %add3A_1225 = vector.broadcast %get3A_1224 : vector<1x1xf32> to vector<128x1xf32>
    %add3A_1226 = arith.addf %broadcast_in_dim3A_1221, %add3A_1225 : vector<128x1xf32>
    %neg3A_1227 = arith.constant 0.000000e+00 : f32
    %neg3A_1228 = vector.broadcast %neg3A_1227 : f32 to vector<128x1xf32>
    %neg3A_1229 = arith.subf %neg3A_1228, %add3A_1226 : vector<128x1xf32>
    %exp3A_1230 = math.exp %neg3A_1229 : vector<128x1xf32>
    %add3A_1231 = arith.constant 1.000000e+00 : f32
    %add3A_1232 = vector.broadcast %add3A_1231 : f32 to vector<128x1xf32>
    %add3A_1233 = arith.addf %add3A_1232, %exp3A_1230 : vector<128x1xf32>
    %div3A_1234 = arith.constant 1.000000e+00 : f32
    %div3A_1235 = vector.broadcast %div3A_1234 : f32 to vector<128x1xf32>
    %div3A_1236 = arith.divf %div3A_1235, %add3A_1233 : vector<128x1xf32>
    %get3A_1237 = arith.constant 0 : index
    %get3A_1238 = arith.constant 4 : index
    %get3A_1239 = vector.load %arg26[%get3A_1237, %get3A_1238] : memref<128x8xf32, #tpu.memory_space<vmem>>, vector<128x1xf32>
    %lt3A_1240 = arith.cmpf olt, %get3A_1239, %div3A_1236 : vector<128x1xf32>
    %convert_element_type3A_1241 = arith.extui %lt3A_1240 : vector<128x1xi1> to vector<128x1xi32>
    %convert_element_type3A_1242 = arith.sitofp %convert_element_type3A_1241 : vector<128x1xi32> to vector<128x1xf32>
    %add3A_1243 = arith.constant 1.000000e-18 : f32
    %add3A_1244 = vector.broadcast %add3A_1243 : f32 to vector<128x1xf32>
    %add3A_1245 = arith.addf %div3A_1236, %add3A_1244 : vector<128x1xf32>
    %log3A_1246 = math.log %add3A_1245 : vector<128x1xf32>
    %mul3A_1247 = arith.mulf %convert_element_type3A_1242, %log3A_1246 : vector<128x1xf32>
    %sub3A_1248 = arith.constant 1.000000e+00 : f32
    %sub3A_1249 = vector.broadcast %sub3A_1248 : f32 to vector<128x1xf32>
    %sub3A_1250 = arith.subf %sub3A_1249, %convert_element_type3A_1242 : vector<128x1xf32>
    %sub3A_1251 = arith.constant 1.000000e+00 : f32
    %sub3A_1252 = vector.broadcast %sub3A_1251 : f32 to vector<128x1xf32>
    %sub3A_1253 = arith.subf %sub3A_1252, %div3A_1236 : vector<128x1xf32>
    %add3A_1254 = arith.constant 1.000000e-18 : f32
    %add3A_1255 = vector.broadcast %add3A_1254 : f32 to vector<128x1xf32>
    %add3A_1256 = arith.addf %sub3A_1253, %add3A_1255 : vector<128x1xf32>
    %log3A_1257 = math.log %add3A_1256 : vector<128x1xf32>
    %mul3A_1258 = arith.mulf %sub3A_1250, %log3A_1257 : vector<128x1xf32>
    %add3A_1259 = arith.addf %mul3A_1247, %mul3A_1258 : vector<128x1xf32>
    %mul3A_1260 = arith.mulf %convert_element_type3A_1186, %add3A_1259 : vector<128x1xf32>
    %add3A_1261 = arith.addf %add3A_1141, %mul3A_1260 : vector<128x1xf32>
    %not3A_1262 = arith.constant dense<true> : vector<128x1xi1>
    %not3A_1263 = arith.xori %lt3A_1240, %not3A_1262 : vector<128x1xi1>
    %and3A_1264 = arith.andi %and3A_1184, %not3A_1263 : vector<128x1xi1>
    %convert_element_type3A_1265 = arith.extui %and3A_1264 : vector<128x1xi1> to vector<128x1xi32>
    %convert_element_type3A_1266 = arith.sitofp %convert_element_type3A_1265 : vector<128x1xi32> to vector<128x1xf32>
    %convert_element_type3A_1267 = arith.extui %and3A_1264 : vector<128x1xi1> to vector<128x1xi32>
    %add3A_1268 = arith.addi %add3A_972, %convert_element_type3A_1267 : vector<128x1xi32>
    %get3A_1269 = arith.constant 0 : index
    %get3A_1270 = arith.constant 0 : index
    %get3A_1271 = vector.load %arg7[%get3A_1269, %get3A_1270] : memref<128x256xf32, #tpu.memory_space<vmem>>, vector<128x256xf32>
    %dot_general3A_1272 = arith.constant dense<0.000000e+00> : vector<128x256xf32>
    %dot_general3A_1273 = tpu.matmul %add3A_1180, %get3A_1271, %dot_general3A_1272 {dimension_numbers = #tpu.dot_dimension_numbers<[1], [0], [0], [1], [0, 0, 1, 1], [], []>, transpose_lhs_hint = false} : vector<128x128xf32>, vector<128x256xf32>, vector<128x256xf32> -> vector<128x256xf32>
    %get3A_1274 = arith.constant 0 : index
    %get3A_1275 = arith.constant 0 : index
    %get3A_1276 = vector.load %arg8[%get3A_1274, %get3A_1275] : memref<1x256xf32, #tpu.memory_space<vmem>>, vector<1x256xf32>
    %add3A_1277 = vector.broadcast %get3A_1276 : vector<1x256xf32> to vector<128x256xf32>
    %add3A_1278 = arith.addf %dot_general3A_1273, %add3A_1277 : vector<128x256xf32>
    %max3A_1279 = arith.constant 0.000000e+00 : f32
    %max3A_1280 = vector.broadcast %max3A_1279 : f32 to vector<128x256xf32>
    %max3A_1281 = arith.maximumf %add3A_1278, %max3A_1280 : vector<128x256xf32>
    %get3A_1282 = arith.constant 0 : index
    %get3A_1283 = arith.constant 0 : index
    %get3A_1284 = vector.load %arg9[%get3A_1282, %get3A_1283] : memref<256x256xf32, #tpu.memory_space<vmem>>, vector<256x256xf32>
    %dot_general3A_1285 = arith.constant dense<0.000000e+00> : vector<128x256xf32>
    %dot_general3A_1286 = tpu.matmul %max3A_1281, %get3A_1284, %dot_general3A_1285 {dimension_numbers = #tpu.dot_dimension_numbers<[1], [0], [0], [1], [0, 0, 1, 1], [], []>, transpose_lhs_hint = false} : vector<128x256xf32>, vector<256x256xf32>, vector<128x256xf32> -> vector<128x256xf32>
    %get3A_1287 = arith.constant 0 : index
    %get3A_1288 = arith.constant 0 : index
    %get3A_1289 = vector.load %arg10[%get3A_1287, %get3A_1288] : memref<1x256xf32, #tpu.memory_space<vmem>>, vector<1x256xf32>
    %add3A_1290 = vector.broadcast %get3A_1289 : vector<1x256xf32> to vector<128x256xf32>
    %add3A_1291 = arith.addf %dot_general3A_1286, %add3A_1290 : vector<128x256xf32>
    %max3A_1292 = arith.constant 0.000000e+00 : f32
    %max3A_1293 = vector.broadcast %max3A_1292 : f32 to vector<128x256xf32>
    %max3A_1294 = arith.maximumf %add3A_1291, %max3A_1293 : vector<128x256xf32>
    %get3A_1295 = arith.constant 0 : index
    %get3A_1296 = arith.constant 0 : index
    %get3A_1297 = vector.load %arg11[%get3A_1295, %get3A_1296] : memref<256x2048xf32, #tpu.memory_space<vmem>>, vector<256x2048xf32>
    %dot_general3A_1298 = arith.constant dense<0.000000e+00> : vector<128x2048xf32>
    %dot_general3A_1299 = tpu.matmul %max3A_1294, %get3A_1297, %dot_general3A_1298 {dimension_numbers = #tpu.dot_dimension_numbers<[1], [0], [0], [1], [0, 0, 1, 1], [], []>, transpose_lhs_hint = false} : vector<128x256xf32>, vector<256x2048xf32>, vector<128x2048xf32> -> vector<128x2048xf32>
    %get3A_1300 = arith.constant 0 : index
    %get3A_1301 = arith.constant 0 : index
    %get3A_1302 = vector.load %arg12[%get3A_1300, %get3A_1301] : memref<1x2048xf32, #tpu.memory_space<vmem>>, vector<1x2048xf32>
    %add3A_1303 = vector.broadcast %get3A_1302 : vector<1x2048xf32> to vector<128x2048xf32>
    %add3A_1304 = arith.addf %dot_general3A_1299, %add3A_1303 : vector<128x2048xf32>
    %reduce_max3A_1305 = arith.constant dense<0xFF800000> : vector<128xf32>
    %reduce_max3A_1306 = vector.multi_reduction <maximumf>, %add3A_1304, %reduce_max3A_1305 [1] : vector<128x2048xf32> to vector<128xf32>
    %broadcast_in_dim3A_1307 = vector.shape_cast %reduce_max3A_1306 : vector<128xf32> to vector<128x1xf32>
    %sub3A_1308 = vector.broadcast %broadcast_in_dim3A_1307 : vector<128x1xf32> to vector<128x2048xf32>
    %sub3A_1309 = arith.subf %add3A_1304, %sub3A_1308 : vector<128x2048xf32>
    %exp3A_1310 = math.exp %sub3A_1309 : vector<128x2048xf32>
    %reduce_sum3A_1311 = arith.constant dense<0.000000e+00> : vector<128xf32>
    %reduce_sum3A_1312 = vector.multi_reduction <add>, %exp3A_1310, %reduce_sum3A_1311 [1] : vector<128x2048xf32> to vector<128xf32>
    %broadcast_in_dim3A_1313 = vector.shape_cast %reduce_sum3A_1312 : vector<128xf32> to vector<128x1xf32>
    %log3A_1314 = math.log %broadcast_in_dim3A_1313 : vector<128x1xf32>
    %sub3A_1315 = vector.broadcast %log3A_1314 : vector<128x1xf32> to vector<128x2048xf32>
    %sub3A_1316 = arith.subf %sub3A_1309, %sub3A_1315 : vector<128x2048xf32>
    %get3A_1317 = arith.constant 0 : index
    %get3A_1318 = arith.constant 0 : index
    %get3A_1319 = vector.load %arg31[%get3A_1317, %get3A_1318] : memref<128x2048xf32, #tpu.memory_space<vmem>>, vector<128x2048xf32>
    %add3A_1320 = arith.addf %sub3A_1316, %get3A_1319 : vector<128x2048xf32>
    %reduce_max3A_1321 = arith.constant dense<0xFF800000> : vector<128xf32>
    %reduce_max3A_1322 = vector.multi_reduction <maximumf>, %add3A_1320, %reduce_max3A_1321 [1] : vector<128x2048xf32> to vector<128xf32>
    %broadcast_in_dim3A_1323 = vector.shape_cast %reduce_max3A_1322 : vector<128xf32> to vector<128x1xf32>
    %iota3A_1324 = tpu.iota {dimensions = array<i32: 1>} : vector<128x2048xi32>
    %eq3A_1325 = vector.broadcast %broadcast_in_dim3A_1323 : vector<128x1xf32> to vector<128x2048xf32>
    %eq3A_1326 = arith.cmpf oeq, %add3A_1320, %eq3A_1325 : vector<128x2048xf32>
    %jit3A_1327 = arith.constant 2048 : i32
    %broadcast_in_dim3A_1328 = vector.broadcast %jit3A_1327 : i32 to vector<128x2048xi32>
    %select_n3A_1329 = arith.select %eq3A_1326, %iota3A_1324, %broadcast_in_dim3A_1328 : vector<128x2048xi1>, vector<128x2048xi32>
    %reduce_min3A_1330 = arith.constant dense<2147483647> : vector<128xi32>
    %reduce_min3A_1331 = vector.multi_reduction <minsi>, %select_n3A_1329, %reduce_min3A_1330 [1] : vector<128x2048xi32> to vector<128xi32>
    %broadcast_in_dim3A_1332 = vector.shape_cast %reduce_min3A_1331 : vector<128xi32> to vector<128x1xi32>
    %eq3A_1333 = vector.broadcast %broadcast_in_dim3A_1332 : vector<128x1xi32> to vector<128x2048xi32>
    %eq3A_1334 = arith.cmpi eq, %iota3A, %eq3A_1333 : vector<128x2048xi32>
    %convert_element_type3A_1335 = arith.extui %eq3A_1334 : vector<128x2048xi1> to vector<128x2048xi32>
    %convert_element_type3A_1336 = arith.sitofp %convert_element_type3A_1335 : vector<128x2048xi32> to vector<128x2048xf32>
    %mul3A_1337 = arith.mulf %sub3A_1316, %convert_element_type3A_1336 : vector<128x2048xf32>
    %reduce_sum3A_1338 = arith.constant dense<0.000000e+00> : vector<128xf32>
    %reduce_sum3A_1339 = vector.multi_reduction <add>, %mul3A_1337, %reduce_sum3A_1338 [1] : vector<128x2048xf32> to vector<128xf32>
    %broadcast_in_dim3A_1340 = vector.shape_cast %reduce_sum3A_1339 : vector<128xf32> to vector<128x1xf32>
    %get3A_1341 = arith.constant 0 : index
    %get3A_1342 = arith.constant 0 : index
    %get3A_1343 = vector.load %arg6[%get3A_1341, %get3A_1342] : memref<2048x128xf32, #tpu.memory_space<vmem>>, vector<2048x128xf32>
    %dot_general3A_1344 = arith.constant dense<0.000000e+00> : vector<128x128xf32>
    %dot_general3A_1345 = tpu.matmul %convert_element_type3A_1336, %get3A_1343, %dot_general3A_1344 {dimension_numbers = #tpu.dot_dimension_numbers<[1], [0], [0], [1], [0, 0, 1, 1], [], []>, transpose_lhs_hint = false} : vector<128x2048xf32>, vector<2048x128xf32>, vector<128x128xf32> -> vector<128x128xf32>
    %get3A_1346 = arith.constant 0 : index
    %get3A_1347 = arith.constant 0 : index
    %get3A_1348 = vector.load %arg13[%get3A_1346, %get3A_1347] : memref<128x256xf32, #tpu.memory_space<vmem>>, vector<128x256xf32>
    %dot_general3A_1349 = arith.constant dense<0.000000e+00> : vector<128x256xf32>
    %dot_general3A_1350 = tpu.matmul %add3A_1180, %get3A_1348, %dot_general3A_1349 {dimension_numbers = #tpu.dot_dimension_numbers<[1], [0], [0], [1], [0, 0, 1, 1], [], []>, transpose_lhs_hint = false} : vector<128x128xf32>, vector<128x256xf32>, vector<128x256xf32> -> vector<128x256xf32>
    %get3A_1351 = arith.constant 0 : index
    %get3A_1352 = arith.constant 0 : index
    %get3A_1353 = vector.load %arg14[%get3A_1351, %get3A_1352] : memref<128x256xf32, #tpu.memory_space<vmem>>, vector<128x256xf32>
    %dot_general3A_1354 = arith.constant dense<0.000000e+00> : vector<128x256xf32>
    %dot_general3A_1355 = tpu.matmul %dot_general3A_1345, %get3A_1353, %dot_general3A_1354 {dimension_numbers = #tpu.dot_dimension_numbers<[1], [0], [0], [1], [0, 0, 1, 1], [], []>, transpose_lhs_hint = false} : vector<128x128xf32>, vector<128x256xf32>, vector<128x256xf32> -> vector<128x256xf32>
    %add3A_1356 = arith.addf %dot_general3A_1350, %dot_general3A_1355 : vector<128x256xf32>
    %get3A_1357 = arith.constant 0 : index
    %get3A_1358 = arith.constant 0 : index
    %get3A_1359 = vector.load %arg15[%get3A_1357, %get3A_1358] : memref<1x256xf32, #tpu.memory_space<vmem>>, vector<1x256xf32>
    %add3A_1360 = vector.broadcast %get3A_1359 : vector<1x256xf32> to vector<128x256xf32>
    %add3A_1361 = arith.addf %add3A_1356, %add3A_1360 : vector<128x256xf32>
    %max3A_1362 = arith.constant 0.000000e+00 : f32
    %max3A_1363 = vector.broadcast %max3A_1362 : f32 to vector<128x256xf32>
    %max3A_1364 = arith.maximumf %add3A_1361, %max3A_1363 : vector<128x256xf32>
    %get3A_1365 = arith.constant 0 : index
    %get3A_1366 = arith.constant 0 : index
    %get3A_1367 = vector.load %arg16[%get3A_1365, %get3A_1366] : memref<256x256xf32, #tpu.memory_space<vmem>>, vector<256x256xf32>
    %dot_general3A_1368 = arith.constant dense<0.000000e+00> : vector<128x256xf32>
    %dot_general3A_1369 = tpu.matmul %max3A_1364, %get3A_1367, %dot_general3A_1368 {dimension_numbers = #tpu.dot_dimension_numbers<[1], [0], [0], [1], [0, 0, 1, 1], [], []>, transpose_lhs_hint = false} : vector<128x256xf32>, vector<256x256xf32>, vector<128x256xf32> -> vector<128x256xf32>
    %get3A_1370 = arith.constant 0 : index
    %get3A_1371 = arith.constant 0 : index
    %get3A_1372 = vector.load %arg17[%get3A_1370, %get3A_1371] : memref<1x256xf32, #tpu.memory_space<vmem>>, vector<1x256xf32>
    %add3A_1373 = vector.broadcast %get3A_1372 : vector<1x256xf32> to vector<128x256xf32>
    %add3A_1374 = arith.addf %dot_general3A_1369, %add3A_1373 : vector<128x256xf32>
    %max3A_1375 = arith.constant 0.000000e+00 : f32
    %max3A_1376 = vector.broadcast %max3A_1375 : f32 to vector<128x256xf32>
    %max3A_1377 = arith.maximumf %add3A_1374, %max3A_1376 : vector<128x256xf32>
    %get3A_1378 = arith.constant 0 : index
    %get3A_1379 = arith.constant 0 : index
    %get3A_1380 = vector.load %arg18[%get3A_1378, %get3A_1379] : memref<256x256xf32, #tpu.memory_space<vmem>>, vector<256x256xf32>
    %dot_general3A_1381 = arith.constant dense<0.000000e+00> : vector<128x256xf32>
    %dot_general3A_1382 = tpu.matmul %max3A_1377, %get3A_1380, %dot_general3A_1381 {dimension_numbers = #tpu.dot_dimension_numbers<[1], [0], [0], [1], [0, 0, 1, 1], [], []>, transpose_lhs_hint = false} : vector<128x256xf32>, vector<256x256xf32>, vector<128x256xf32> -> vector<128x256xf32>
    %get3A_1383 = arith.constant 0 : index
    %get3A_1384 = arith.constant 0 : index
    %get3A_1385 = vector.load %arg19[%get3A_1383, %get3A_1384] : memref<1x256xf32, #tpu.memory_space<vmem>>, vector<1x256xf32>
    %add3A_1386 = vector.broadcast %get3A_1385 : vector<1x256xf32> to vector<128x256xf32>
    %add3A_1387 = arith.addf %dot_general3A_1382, %add3A_1386 : vector<128x256xf32>
    %jit3A_1388 = arith.constant 0 : i32
    %broadcast_in_dim3A_1389 = vector.broadcast %jit3A_1388 : i32 to vector<128x2048xi32>
    %select_n3A_1390 = arith.select %eq3A_1334, %select_n3A_1145, %broadcast_in_dim3A_1389 : vector<128x2048xi1>, vector<128x2048xi32>
    %reduce_sum3A_1391 = arith.constant dense<0> : vector<128xi32>
    %reduce_sum3A_1392 = vector.multi_reduction <add>, %select_n3A_1390, %reduce_sum3A_1391 [1] : vector<128x2048xi32> to vector<128xi32>
    %broadcast_in_dim3A_1393 = vector.shape_cast %reduce_sum3A_1392 : vector<128xi32> to vector<128x1xi32>
    %eq3A_1394 = vector.broadcast %broadcast_in_dim3A_1393 : vector<128x1xi32> to vector<128x256xi32>
    %eq3A_1395 = arith.cmpi eq, %iota3A_16, %eq3A_1394 : vector<128x256xi32>
    %jit3A_1396 = arith.constant -1.000000e+06 : f32
    %broadcast_in_dim3A_1397 = vector.broadcast %jit3A_1396 : f32 to vector<128x256xf32>
    %select_n3A_1398 = arith.select %eq3A_1395, %broadcast_in_dim3A_1397, %add3A_1387 : vector<128x256xi1>, vector<128x256xf32>
    %reduce_max3A_1399 = arith.constant dense<0xFF800000> : vector<128xf32>
    %reduce_max3A_1400 = vector.multi_reduction <maximumf>, %select_n3A_1398, %reduce_max3A_1399 [1] : vector<128x256xf32> to vector<128xf32>
    %broadcast_in_dim3A_1401 = vector.shape_cast %reduce_max3A_1400 : vector<128xf32> to vector<128x1xf32>
    %sub3A_1402 = vector.broadcast %broadcast_in_dim3A_1401 : vector<128x1xf32> to vector<128x256xf32>
    %sub3A_1403 = arith.subf %select_n3A_1398, %sub3A_1402 : vector<128x256xf32>
    %exp3A_1404 = math.exp %sub3A_1403 : vector<128x256xf32>
    %reduce_sum3A_1405 = arith.constant dense<0.000000e+00> : vector<128xf32>
    %reduce_sum3A_1406 = vector.multi_reduction <add>, %exp3A_1404, %reduce_sum3A_1405 [1] : vector<128x256xf32> to vector<128xf32>
    %broadcast_in_dim3A_1407 = vector.shape_cast %reduce_sum3A_1406 : vector<128xf32> to vector<128x1xf32>
    %log3A_1408 = math.log %broadcast_in_dim3A_1407 : vector<128x1xf32>
    %sub3A_1409 = vector.broadcast %log3A_1408 : vector<128x1xf32> to vector<128x256xf32>
    %sub3A_1410 = arith.subf %sub3A_1403, %sub3A_1409 : vector<128x256xf32>
    %get3A_1411 = arith.constant 0 : index
    %get3A_1412 = arith.constant 0 : index
    %get3A_1413 = vector.load %arg39[%get3A_1411, %get3A_1412] : memref<128x256xf32, #tpu.memory_space<vmem>>, vector<128x256xf32>
    %add3A_1414 = arith.addf %sub3A_1410, %get3A_1413 : vector<128x256xf32>
    %reduce_max3A_1415 = arith.constant dense<0xFF800000> : vector<128xf32>
    %reduce_max3A_1416 = vector.multi_reduction <maximumf>, %add3A_1414, %reduce_max3A_1415 [1] : vector<128x256xf32> to vector<128xf32>
    %broadcast_in_dim3A_1417 = vector.shape_cast %reduce_max3A_1416 : vector<128xf32> to vector<128x1xf32>
    %iota3A_1418 = tpu.iota {dimensions = array<i32: 1>} : vector<128x256xi32>
    %eq3A_1419 = vector.broadcast %broadcast_in_dim3A_1417 : vector<128x1xf32> to vector<128x256xf32>
    %eq3A_1420 = arith.cmpf oeq, %add3A_1414, %eq3A_1419 : vector<128x256xf32>
    %jit3A_1421 = arith.constant 256 : i32
    %broadcast_in_dim3A_1422 = vector.broadcast %jit3A_1421 : i32 to vector<128x256xi32>
    %select_n3A_1423 = arith.select %eq3A_1420, %iota3A_1418, %broadcast_in_dim3A_1422 : vector<128x256xi1>, vector<128x256xi32>
    %reduce_min3A_1424 = arith.constant dense<2147483647> : vector<128xi32>
    %reduce_min3A_1425 = vector.multi_reduction <minsi>, %select_n3A_1423, %reduce_min3A_1424 [1] : vector<128x256xi32> to vector<128xi32>
    %broadcast_in_dim3A_1426 = vector.shape_cast %reduce_min3A_1425 : vector<128xi32> to vector<128x1xi32>
    %eq3A_1427 = vector.broadcast %broadcast_in_dim3A_1426 : vector<128x1xi32> to vector<128x256xi32>
    %eq3A_1428 = arith.cmpi eq, %iota3A_16, %eq3A_1427 : vector<128x256xi32>
    %convert_element_type3A_1429 = arith.extui %eq3A_1428 : vector<128x256xi1> to vector<128x256xi32>
    %convert_element_type3A_1430 = arith.sitofp %convert_element_type3A_1429 : vector<128x256xi32> to vector<128x256xf32>
    %mul3A_1431 = arith.mulf %sub3A_1410, %convert_element_type3A_1430 : vector<128x256xf32>
    %reduce_sum3A_1432 = arith.constant dense<0.000000e+00> : vector<128xf32>
    %reduce_sum3A_1433 = vector.multi_reduction <add>, %mul3A_1431, %reduce_sum3A_1432 [1] : vector<128x256xf32> to vector<128xf32>
    %broadcast_in_dim3A_1434 = vector.shape_cast %reduce_sum3A_1433 : vector<128xf32> to vector<128x1xf32>
    %add3A_1435 = arith.addf %broadcast_in_dim3A_1340, %broadcast_in_dim3A_1434 : vector<128x1xf32>
    %mul3A_1436 = arith.mulf %convert_element_type3A_1266, %add3A_1435 : vector<128x1xf32>
    %add3A_1437 = arith.addf %add3A_1261, %mul3A_1436 : vector<128x1xf32>
    %select_n3A_1438 = arith.select %and3A_1264, %broadcast_in_dim3A_1426, %broadcast_in_dim3A_1393 : vector<128x1xi1>, vector<128x1xi32>
    %broadcast_in_dim3A_1439 = vector.shape_cast %select_n3A_1438 : vector<128x1xi32> to vector<128x1xi32>
    %broadcast_in_dim3A_1440 = vector.broadcast %broadcast_in_dim3A_1439 : vector<128x1xi32> to vector<128x2048xi32>
    %select_n3A_1441 = arith.select %eq3A_1334, %broadcast_in_dim3A_1440, %select_n3A_1145 : vector<128x2048xi1>, vector<128x2048xi32>
    %get3A_1442 = arith.constant 0 : index
    %get3A_1443 = arith.constant 0 : index
    %get3A_1444 = vector.load %arg3[%get3A_1442, %get3A_1443] : memref<128x2048xi32, #tpu.memory_space<vmem>>, vector<128x2048xi32>
    %jit3A_1445 = arith.constant 0 : i32
    %broadcast_in_dim3A_1446 = vector.broadcast %jit3A_1445 : i32 to vector<128x2048xi32>
    %select_n3A_1447 = arith.select %eq3A_1334, %get3A_1444, %broadcast_in_dim3A_1446 : vector<128x2048xi1>, vector<128x2048xi32>
    %reduce_sum3A_1448 = arith.constant dense<0> : vector<128xi32>
    %reduce_sum3A_1449 = vector.multi_reduction <add>, %select_n3A_1447, %reduce_sum3A_1448 [1] : vector<128x2048xi32> to vector<128xi32>
    %broadcast_in_dim3A_1450 = vector.shape_cast %reduce_sum3A_1449 : vector<128xi32> to vector<128x1xi32>
    %eq3A_1451 = vector.broadcast %broadcast_in_dim3A_1450 : vector<128x1xi32> to vector<128x2048xi32>
    %eq3A_1452 = arith.cmpi eq, %iota3A, %eq3A_1451 : vector<128x2048xi32>
    %convert_element_type3A_1453 = arith.extui %eq3A_1452 : vector<128x2048xi1> to vector<128x2048xi32>
    %convert_element_type3A_1454 = arith.sitofp %convert_element_type3A_1453 : vector<128x2048xi32> to vector<128x2048xf32>
    %get3A_1455 = arith.constant 0 : index
    %get3A_1456 = arith.constant 0 : index
    %get3A_1457 = vector.load %arg4[%get3A_1455, %get3A_1456] : memref<2048x128xf32, #tpu.memory_space<vmem>>, vector<2048x128xf32>
    %dot_general3A_1458 = arith.constant dense<0.000000e+00> : vector<128x128xf32>
    %dot_general3A_1459 = tpu.matmul %convert_element_type3A_1454, %get3A_1457, %dot_general3A_1458 {dimension_numbers = #tpu.dot_dimension_numbers<[1], [0], [0], [1], [0, 0, 1, 1], [], []>, transpose_lhs_hint = false} : vector<128x2048xf32>, vector<2048x128xf32>, vector<128x128xf32> -> vector<128x128xf32>
    %eq3A_1460 = vector.broadcast %select_n3A_1438 : vector<128x1xi32> to vector<128x256xi32>
    %eq3A_1461 = arith.cmpi eq, %iota3A_16, %eq3A_1460 : vector<128x256xi32>
    %convert_element_type3A_1462 = arith.extui %eq3A_1461 : vector<128x256xi1> to vector<128x256xi32>
    %convert_element_type3A_1463 = arith.sitofp %convert_element_type3A_1462 : vector<128x256xi32> to vector<128x256xf32>
    %convert_element_type3A_1464 = arith.extui %eq3A_1395 : vector<128x256xi1> to vector<128x256xi32>
    %convert_element_type3A_1465 = arith.sitofp %convert_element_type3A_1464 : vector<128x256xi32> to vector<128x256xf32>
    %sub3A_1466 = arith.subf %convert_element_type3A_1463, %convert_element_type3A_1465 : vector<128x256xf32>
    %get3A_1467 = arith.constant 0 : index
    %get3A_1468 = arith.constant 0 : index
    %get3A_1469 = vector.load %arg5[%get3A_1467, %get3A_1468] : memref<256x128xf32, #tpu.memory_space<vmem>>, vector<256x128xf32>
    %dot_general3A_1470 = arith.constant dense<0.000000e+00> : vector<128x128xf32>
    %dot_general3A_1471 = tpu.matmul %sub3A_1466, %get3A_1469, %dot_general3A_1470 {dimension_numbers = #tpu.dot_dimension_numbers<[1], [0], [0], [1], [0, 0, 1, 1], [], []>, transpose_lhs_hint = false} : vector<128x256xf32>, vector<256x128xf32>, vector<128x128xf32> -> vector<128x128xf32>
    %mul3A_1472 = arith.mulf %dot_general3A_1459, %dot_general3A_1471 : vector<128x128xf32>
    %mul3A_1473 = arith.constant 4.8828125E-4 : f32
    %mul3A_1474 = vector.broadcast %mul3A_1473 : f32 to vector<128x128xf32>
    %mul3A_1475 = arith.mulf %mul3A_1472, %mul3A_1474 : vector<128x128xf32>
    %add3A_1476 = arith.addf %add3A_1180, %mul3A_1475 : vector<128x128xf32>
    %gt3A_1477 = arith.constant 5 : i32
    %gt3A_1478 = arith.cmpi sgt, %get3A_2, %gt3A_1477 : i32
    %and3A_1479 = vector.broadcast %gt3A_1478 : i1 to vector<128x1xi1>
    %and3A_1480 = arith.andi %and3A_1264, %and3A_1479 : vector<128x1xi1>
    %convert_element_type3A_1481 = arith.extui %and3A_1480 : vector<128x1xi1> to vector<128x1xi32>
    %convert_element_type3A_1482 = arith.sitofp %convert_element_type3A_1481 : vector<128x1xi32> to vector<128x1xf32>
    %get3A_1483 = arith.constant 0 : index
    %get3A_1484 = arith.constant 0 : index
    %get3A_1485 = vector.load %arg20[%get3A_1483, %get3A_1484] : memref<128x256xf32, #tpu.memory_space<vmem>>, vector<128x256xf32>
    %dot_general3A_1486 = arith.constant dense<0.000000e+00> : vector<128x256xf32>
    %dot_general3A_1487 = tpu.matmul %add3A_1476, %get3A_1485, %dot_general3A_1486 {dimension_numbers = #tpu.dot_dimension_numbers<[1], [0], [0], [1], [0, 0, 1, 1], [], []>, transpose_lhs_hint = false} : vector<128x128xf32>, vector<128x256xf32>, vector<128x256xf32> -> vector<128x256xf32>
    %get3A_1488 = arith.constant 0 : index
    %get3A_1489 = arith.constant 0 : index
    %get3A_1490 = vector.load %arg21[%get3A_1488, %get3A_1489] : memref<1x256xf32, #tpu.memory_space<vmem>>, vector<1x256xf32>
    %add3A_1491 = vector.broadcast %get3A_1490 : vector<1x256xf32> to vector<128x256xf32>
    %add3A_1492 = arith.addf %dot_general3A_1487, %add3A_1491 : vector<128x256xf32>
    %max3A_1493 = arith.constant 0.000000e+00 : f32
    %max3A_1494 = vector.broadcast %max3A_1493 : f32 to vector<128x256xf32>
    %max3A_1495 = arith.maximumf %add3A_1492, %max3A_1494 : vector<128x256xf32>
    %get3A_1496 = arith.constant 0 : index
    %get3A_1497 = arith.constant 0 : index
    %get3A_1498 = vector.load %arg22[%get3A_1496, %get3A_1497] : memref<256x256xf32, #tpu.memory_space<vmem>>, vector<256x256xf32>
    %dot_general3A_1499 = arith.constant dense<0.000000e+00> : vector<128x256xf32>
    %dot_general3A_1500 = tpu.matmul %max3A_1495, %get3A_1498, %dot_general3A_1499 {dimension_numbers = #tpu.dot_dimension_numbers<[1], [0], [0], [1], [0, 0, 1, 1], [], []>, transpose_lhs_hint = false} : vector<128x256xf32>, vector<256x256xf32>, vector<128x256xf32> -> vector<128x256xf32>
    %get3A_1501 = arith.constant 0 : index
    %get3A_1502 = arith.constant 0 : index
    %get3A_1503 = vector.load %arg23[%get3A_1501, %get3A_1502] : memref<1x256xf32, #tpu.memory_space<vmem>>, vector<1x256xf32>
    %add3A_1504 = vector.broadcast %get3A_1503 : vector<1x256xf32> to vector<128x256xf32>
    %add3A_1505 = arith.addf %dot_general3A_1500, %add3A_1504 : vector<128x256xf32>
    %max3A_1506 = arith.constant 0.000000e+00 : f32
    %max3A_1507 = vector.broadcast %max3A_1506 : f32 to vector<128x256xf32>
    %max3A_1508 = arith.maximumf %add3A_1505, %max3A_1507 : vector<128x256xf32>
    %get3A_1509 = arith.constant 0 : index
    %get3A_1510 = arith.constant 0 : index
    %get3A_1511 = vector.load %arg24[%get3A_1509, %get3A_1510] : memref<256x1xf32, #tpu.memory_space<vmem>>, vector<256x1xf32>
    %transpose3A_1512 = tpu.transpose %get3A_1511, [1, 0] : vector<256x1xf32> -> vector<1x256xf32>
    %mul3A_1513 = vector.broadcast %transpose3A_1512 : vector<1x256xf32> to vector<128x256xf32>
    %mul3A_1514 = arith.mulf %max3A_1508, %mul3A_1513 : vector<128x256xf32>
    %reduce_sum3A_1515 = arith.constant dense<0.000000e+00> : vector<128xf32>
    %reduce_sum3A_1516 = vector.multi_reduction <add>, %mul3A_1514, %reduce_sum3A_1515 [1] : vector<128x256xf32> to vector<128xf32>
    %broadcast_in_dim3A_1517 = vector.shape_cast %reduce_sum3A_1516 : vector<128xf32> to vector<128x1xf32>
    %get3A_1518 = arith.constant 0 : index
    %get3A_1519 = arith.constant 0 : index
    %get3A_1520 = vector.load %arg25[%get3A_1518, %get3A_1519] : memref<1x1xf32, #tpu.memory_space<vmem>>, vector<1x1xf32>
    %add3A_1521 = vector.broadcast %get3A_1520 : vector<1x1xf32> to vector<128x1xf32>
    %add3A_1522 = arith.addf %broadcast_in_dim3A_1517, %add3A_1521 : vector<128x1xf32>
    %neg3A_1523 = arith.constant 0.000000e+00 : f32
    %neg3A_1524 = vector.broadcast %neg3A_1523 : f32 to vector<128x1xf32>
    %neg3A_1525 = arith.subf %neg3A_1524, %add3A_1522 : vector<128x1xf32>
    %exp3A_1526 = math.exp %neg3A_1525 : vector<128x1xf32>
    %add3A_1527 = arith.constant 1.000000e+00 : f32
    %add3A_1528 = vector.broadcast %add3A_1527 : f32 to vector<128x1xf32>
    %add3A_1529 = arith.addf %add3A_1528, %exp3A_1526 : vector<128x1xf32>
    %div3A_1530 = arith.constant 1.000000e+00 : f32
    %div3A_1531 = vector.broadcast %div3A_1530 : f32 to vector<128x1xf32>
    %div3A_1532 = arith.divf %div3A_1531, %add3A_1529 : vector<128x1xf32>
    %get3A_1533 = arith.constant 0 : index
    %get3A_1534 = arith.constant 5 : index
    %get3A_1535 = vector.load %arg26[%get3A_1533, %get3A_1534] : memref<128x8xf32, #tpu.memory_space<vmem>>, vector<128x1xf32>
    %lt3A_1536 = arith.cmpf olt, %get3A_1535, %div3A_1532 : vector<128x1xf32>
    %convert_element_type3A_1537 = arith.extui %lt3A_1536 : vector<128x1xi1> to vector<128x1xi32>
    %convert_element_type3A_1538 = arith.sitofp %convert_element_type3A_1537 : vector<128x1xi32> to vector<128x1xf32>
    %add3A_1539 = arith.constant 1.000000e-18 : f32
    %add3A_1540 = vector.broadcast %add3A_1539 : f32 to vector<128x1xf32>
    %add3A_1541 = arith.addf %div3A_1532, %add3A_1540 : vector<128x1xf32>
    %log3A_1542 = math.log %add3A_1541 : vector<128x1xf32>
    %mul3A_1543 = arith.mulf %convert_element_type3A_1538, %log3A_1542 : vector<128x1xf32>
    %sub3A_1544 = arith.constant 1.000000e+00 : f32
    %sub3A_1545 = vector.broadcast %sub3A_1544 : f32 to vector<128x1xf32>
    %sub3A_1546 = arith.subf %sub3A_1545, %convert_element_type3A_1538 : vector<128x1xf32>
    %sub3A_1547 = arith.constant 1.000000e+00 : f32
    %sub3A_1548 = vector.broadcast %sub3A_1547 : f32 to vector<128x1xf32>
    %sub3A_1549 = arith.subf %sub3A_1548, %div3A_1532 : vector<128x1xf32>
    %add3A_1550 = arith.constant 1.000000e-18 : f32
    %add3A_1551 = vector.broadcast %add3A_1550 : f32 to vector<128x1xf32>
    %add3A_1552 = arith.addf %sub3A_1549, %add3A_1551 : vector<128x1xf32>
    %log3A_1553 = math.log %add3A_1552 : vector<128x1xf32>
    %mul3A_1554 = arith.mulf %sub3A_1546, %log3A_1553 : vector<128x1xf32>
    %add3A_1555 = arith.addf %mul3A_1543, %mul3A_1554 : vector<128x1xf32>
    %mul3A_1556 = arith.mulf %convert_element_type3A_1482, %add3A_1555 : vector<128x1xf32>
    %add3A_1557 = arith.addf %add3A_1437, %mul3A_1556 : vector<128x1xf32>
    %not3A_1558 = arith.constant dense<true> : vector<128x1xi1>
    %not3A_1559 = arith.xori %lt3A_1536, %not3A_1558 : vector<128x1xi1>
    %and3A_1560 = arith.andi %and3A_1480, %not3A_1559 : vector<128x1xi1>
    %convert_element_type3A_1561 = arith.extui %and3A_1560 : vector<128x1xi1> to vector<128x1xi32>
    %convert_element_type3A_1562 = arith.sitofp %convert_element_type3A_1561 : vector<128x1xi32> to vector<128x1xf32>
    %convert_element_type3A_1563 = arith.extui %and3A_1560 : vector<128x1xi1> to vector<128x1xi32>
    %add3A_1564 = arith.addi %add3A_1268, %convert_element_type3A_1563 : vector<128x1xi32>
    %get3A_1565 = arith.constant 0 : index
    %get3A_1566 = arith.constant 0 : index
    %get3A_1567 = vector.load %arg7[%get3A_1565, %get3A_1566] : memref<128x256xf32, #tpu.memory_space<vmem>>, vector<128x256xf32>
    %dot_general3A_1568 = arith.constant dense<0.000000e+00> : vector<128x256xf32>
    %dot_general3A_1569 = tpu.matmul %add3A_1476, %get3A_1567, %dot_general3A_1568 {dimension_numbers = #tpu.dot_dimension_numbers<[1], [0], [0], [1], [0, 0, 1, 1], [], []>, transpose_lhs_hint = false} : vector<128x128xf32>, vector<128x256xf32>, vector<128x256xf32> -> vector<128x256xf32>
    %get3A_1570 = arith.constant 0 : index
    %get3A_1571 = arith.constant 0 : index
    %get3A_1572 = vector.load %arg8[%get3A_1570, %get3A_1571] : memref<1x256xf32, #tpu.memory_space<vmem>>, vector<1x256xf32>
    %add3A_1573 = vector.broadcast %get3A_1572 : vector<1x256xf32> to vector<128x256xf32>
    %add3A_1574 = arith.addf %dot_general3A_1569, %add3A_1573 : vector<128x256xf32>
    %max3A_1575 = arith.constant 0.000000e+00 : f32
    %max3A_1576 = vector.broadcast %max3A_1575 : f32 to vector<128x256xf32>
    %max3A_1577 = arith.maximumf %add3A_1574, %max3A_1576 : vector<128x256xf32>
    %get3A_1578 = arith.constant 0 : index
    %get3A_1579 = arith.constant 0 : index
    %get3A_1580 = vector.load %arg9[%get3A_1578, %get3A_1579] : memref<256x256xf32, #tpu.memory_space<vmem>>, vector<256x256xf32>
    %dot_general3A_1581 = arith.constant dense<0.000000e+00> : vector<128x256xf32>
    %dot_general3A_1582 = tpu.matmul %max3A_1577, %get3A_1580, %dot_general3A_1581 {dimension_numbers = #tpu.dot_dimension_numbers<[1], [0], [0], [1], [0, 0, 1, 1], [], []>, transpose_lhs_hint = false} : vector<128x256xf32>, vector<256x256xf32>, vector<128x256xf32> -> vector<128x256xf32>
    %get3A_1583 = arith.constant 0 : index
    %get3A_1584 = arith.constant 0 : index
    %get3A_1585 = vector.load %arg10[%get3A_1583, %get3A_1584] : memref<1x256xf32, #tpu.memory_space<vmem>>, vector<1x256xf32>
    %add3A_1586 = vector.broadcast %get3A_1585 : vector<1x256xf32> to vector<128x256xf32>
    %add3A_1587 = arith.addf %dot_general3A_1582, %add3A_1586 : vector<128x256xf32>
    %max3A_1588 = arith.constant 0.000000e+00 : f32
    %max3A_1589 = vector.broadcast %max3A_1588 : f32 to vector<128x256xf32>
    %max3A_1590 = arith.maximumf %add3A_1587, %max3A_1589 : vector<128x256xf32>
    %get3A_1591 = arith.constant 0 : index
    %get3A_1592 = arith.constant 0 : index
    %get3A_1593 = vector.load %arg11[%get3A_1591, %get3A_1592] : memref<256x2048xf32, #tpu.memory_space<vmem>>, vector<256x2048xf32>
    %dot_general3A_1594 = arith.constant dense<0.000000e+00> : vector<128x2048xf32>
    %dot_general3A_1595 = tpu.matmul %max3A_1590, %get3A_1593, %dot_general3A_1594 {dimension_numbers = #tpu.dot_dimension_numbers<[1], [0], [0], [1], [0, 0, 1, 1], [], []>, transpose_lhs_hint = false} : vector<128x256xf32>, vector<256x2048xf32>, vector<128x2048xf32> -> vector<128x2048xf32>
    %get3A_1596 = arith.constant 0 : index
    %get3A_1597 = arith.constant 0 : index
    %get3A_1598 = vector.load %arg12[%get3A_1596, %get3A_1597] : memref<1x2048xf32, #tpu.memory_space<vmem>>, vector<1x2048xf32>
    %add3A_1599 = vector.broadcast %get3A_1598 : vector<1x2048xf32> to vector<128x2048xf32>
    %add3A_1600 = arith.addf %dot_general3A_1595, %add3A_1599 : vector<128x2048xf32>
    %reduce_max3A_1601 = arith.constant dense<0xFF800000> : vector<128xf32>
    %reduce_max3A_1602 = vector.multi_reduction <maximumf>, %add3A_1600, %reduce_max3A_1601 [1] : vector<128x2048xf32> to vector<128xf32>
    %broadcast_in_dim3A_1603 = vector.shape_cast %reduce_max3A_1602 : vector<128xf32> to vector<128x1xf32>
    %sub3A_1604 = vector.broadcast %broadcast_in_dim3A_1603 : vector<128x1xf32> to vector<128x2048xf32>
    %sub3A_1605 = arith.subf %add3A_1600, %sub3A_1604 : vector<128x2048xf32>
    %exp3A_1606 = math.exp %sub3A_1605 : vector<128x2048xf32>
    %reduce_sum3A_1607 = arith.constant dense<0.000000e+00> : vector<128xf32>
    %reduce_sum3A_1608 = vector.multi_reduction <add>, %exp3A_1606, %reduce_sum3A_1607 [1] : vector<128x2048xf32> to vector<128xf32>
    %broadcast_in_dim3A_1609 = vector.shape_cast %reduce_sum3A_1608 : vector<128xf32> to vector<128x1xf32>
    %log3A_1610 = math.log %broadcast_in_dim3A_1609 : vector<128x1xf32>
    %sub3A_1611 = vector.broadcast %log3A_1610 : vector<128x1xf32> to vector<128x2048xf32>
    %sub3A_1612 = arith.subf %sub3A_1605, %sub3A_1611 : vector<128x2048xf32>
    %get3A_1613 = arith.constant 0 : index
    %get3A_1614 = arith.constant 0 : index
    %get3A_1615 = vector.load %arg32[%get3A_1613, %get3A_1614] : memref<128x2048xf32, #tpu.memory_space<vmem>>, vector<128x2048xf32>
    %add3A_1616 = arith.addf %sub3A_1612, %get3A_1615 : vector<128x2048xf32>
    %reduce_max3A_1617 = arith.constant dense<0xFF800000> : vector<128xf32>
    %reduce_max3A_1618 = vector.multi_reduction <maximumf>, %add3A_1616, %reduce_max3A_1617 [1] : vector<128x2048xf32> to vector<128xf32>
    %broadcast_in_dim3A_1619 = vector.shape_cast %reduce_max3A_1618 : vector<128xf32> to vector<128x1xf32>
    %iota3A_1620 = tpu.iota {dimensions = array<i32: 1>} : vector<128x2048xi32>
    %eq3A_1621 = vector.broadcast %broadcast_in_dim3A_1619 : vector<128x1xf32> to vector<128x2048xf32>
    %eq3A_1622 = arith.cmpf oeq, %add3A_1616, %eq3A_1621 : vector<128x2048xf32>
    %jit3A_1623 = arith.constant 2048 : i32
    %broadcast_in_dim3A_1624 = vector.broadcast %jit3A_1623 : i32 to vector<128x2048xi32>
    %select_n3A_1625 = arith.select %eq3A_1622, %iota3A_1620, %broadcast_in_dim3A_1624 : vector<128x2048xi1>, vector<128x2048xi32>
    %reduce_min3A_1626 = arith.constant dense<2147483647> : vector<128xi32>
    %reduce_min3A_1627 = vector.multi_reduction <minsi>, %select_n3A_1625, %reduce_min3A_1626 [1] : vector<128x2048xi32> to vector<128xi32>
    %broadcast_in_dim3A_1628 = vector.shape_cast %reduce_min3A_1627 : vector<128xi32> to vector<128x1xi32>
    %eq3A_1629 = vector.broadcast %broadcast_in_dim3A_1628 : vector<128x1xi32> to vector<128x2048xi32>
    %eq3A_1630 = arith.cmpi eq, %iota3A, %eq3A_1629 : vector<128x2048xi32>
    %convert_element_type3A_1631 = arith.extui %eq3A_1630 : vector<128x2048xi1> to vector<128x2048xi32>
    %convert_element_type3A_1632 = arith.sitofp %convert_element_type3A_1631 : vector<128x2048xi32> to vector<128x2048xf32>
    %mul3A_1633 = arith.mulf %sub3A_1612, %convert_element_type3A_1632 : vector<128x2048xf32>
    %reduce_sum3A_1634 = arith.constant dense<0.000000e+00> : vector<128xf32>
    %reduce_sum3A_1635 = vector.multi_reduction <add>, %mul3A_1633, %reduce_sum3A_1634 [1] : vector<128x2048xf32> to vector<128xf32>
    %broadcast_in_dim3A_1636 = vector.shape_cast %reduce_sum3A_1635 : vector<128xf32> to vector<128x1xf32>
    %get3A_1637 = arith.constant 0 : index
    %get3A_1638 = arith.constant 0 : index
    %get3A_1639 = vector.load %arg6[%get3A_1637, %get3A_1638] : memref<2048x128xf32, #tpu.memory_space<vmem>>, vector<2048x128xf32>
    %dot_general3A_1640 = arith.constant dense<0.000000e+00> : vector<128x128xf32>
    %dot_general3A_1641 = tpu.matmul %convert_element_type3A_1632, %get3A_1639, %dot_general3A_1640 {dimension_numbers = #tpu.dot_dimension_numbers<[1], [0], [0], [1], [0, 0, 1, 1], [], []>, transpose_lhs_hint = false} : vector<128x2048xf32>, vector<2048x128xf32>, vector<128x128xf32> -> vector<128x128xf32>
    %get3A_1642 = arith.constant 0 : index
    %get3A_1643 = arith.constant 0 : index
    %get3A_1644 = vector.load %arg13[%get3A_1642, %get3A_1643] : memref<128x256xf32, #tpu.memory_space<vmem>>, vector<128x256xf32>
    %dot_general3A_1645 = arith.constant dense<0.000000e+00> : vector<128x256xf32>
    %dot_general3A_1646 = tpu.matmul %add3A_1476, %get3A_1644, %dot_general3A_1645 {dimension_numbers = #tpu.dot_dimension_numbers<[1], [0], [0], [1], [0, 0, 1, 1], [], []>, transpose_lhs_hint = false} : vector<128x128xf32>, vector<128x256xf32>, vector<128x256xf32> -> vector<128x256xf32>
    %get3A_1647 = arith.constant 0 : index
    %get3A_1648 = arith.constant 0 : index
    %get3A_1649 = vector.load %arg14[%get3A_1647, %get3A_1648] : memref<128x256xf32, #tpu.memory_space<vmem>>, vector<128x256xf32>
    %dot_general3A_1650 = arith.constant dense<0.000000e+00> : vector<128x256xf32>
    %dot_general3A_1651 = tpu.matmul %dot_general3A_1641, %get3A_1649, %dot_general3A_1650 {dimension_numbers = #tpu.dot_dimension_numbers<[1], [0], [0], [1], [0, 0, 1, 1], [], []>, transpose_lhs_hint = false} : vector<128x128xf32>, vector<128x256xf32>, vector<128x256xf32> -> vector<128x256xf32>
    %add3A_1652 = arith.addf %dot_general3A_1646, %dot_general3A_1651 : vector<128x256xf32>
    %get3A_1653 = arith.constant 0 : index
    %get3A_1654 = arith.constant 0 : index
    %get3A_1655 = vector.load %arg15[%get3A_1653, %get3A_1654] : memref<1x256xf32, #tpu.memory_space<vmem>>, vector<1x256xf32>
    %add3A_1656 = vector.broadcast %get3A_1655 : vector<1x256xf32> to vector<128x256xf32>
    %add3A_1657 = arith.addf %add3A_1652, %add3A_1656 : vector<128x256xf32>
    %max3A_1658 = arith.constant 0.000000e+00 : f32
    %max3A_1659 = vector.broadcast %max3A_1658 : f32 to vector<128x256xf32>
    %max3A_1660 = arith.maximumf %add3A_1657, %max3A_1659 : vector<128x256xf32>
    %get3A_1661 = arith.constant 0 : index
    %get3A_1662 = arith.constant 0 : index
    %get3A_1663 = vector.load %arg16[%get3A_1661, %get3A_1662] : memref<256x256xf32, #tpu.memory_space<vmem>>, vector<256x256xf32>
    %dot_general3A_1664 = arith.constant dense<0.000000e+00> : vector<128x256xf32>
    %dot_general3A_1665 = tpu.matmul %max3A_1660, %get3A_1663, %dot_general3A_1664 {dimension_numbers = #tpu.dot_dimension_numbers<[1], [0], [0], [1], [0, 0, 1, 1], [], []>, transpose_lhs_hint = false} : vector<128x256xf32>, vector<256x256xf32>, vector<128x256xf32> -> vector<128x256xf32>
    %get3A_1666 = arith.constant 0 : index
    %get3A_1667 = arith.constant 0 : index
    %get3A_1668 = vector.load %arg17[%get3A_1666, %get3A_1667] : memref<1x256xf32, #tpu.memory_space<vmem>>, vector<1x256xf32>
    %add3A_1669 = vector.broadcast %get3A_1668 : vector<1x256xf32> to vector<128x256xf32>
    %add3A_1670 = arith.addf %dot_general3A_1665, %add3A_1669 : vector<128x256xf32>
    %max3A_1671 = arith.constant 0.000000e+00 : f32
    %max3A_1672 = vector.broadcast %max3A_1671 : f32 to vector<128x256xf32>
    %max3A_1673 = arith.maximumf %add3A_1670, %max3A_1672 : vector<128x256xf32>
    %get3A_1674 = arith.constant 0 : index
    %get3A_1675 = arith.constant 0 : index
    %get3A_1676 = vector.load %arg18[%get3A_1674, %get3A_1675] : memref<256x256xf32, #tpu.memory_space<vmem>>, vector<256x256xf32>
    %dot_general3A_1677 = arith.constant dense<0.000000e+00> : vector<128x256xf32>
    %dot_general3A_1678 = tpu.matmul %max3A_1673, %get3A_1676, %dot_general3A_1677 {dimension_numbers = #tpu.dot_dimension_numbers<[1], [0], [0], [1], [0, 0, 1, 1], [], []>, transpose_lhs_hint = false} : vector<128x256xf32>, vector<256x256xf32>, vector<128x256xf32> -> vector<128x256xf32>
    %get3A_1679 = arith.constant 0 : index
    %get3A_1680 = arith.constant 0 : index
    %get3A_1681 = vector.load %arg19[%get3A_1679, %get3A_1680] : memref<1x256xf32, #tpu.memory_space<vmem>>, vector<1x256xf32>
    %add3A_1682 = vector.broadcast %get3A_1681 : vector<1x256xf32> to vector<128x256xf32>
    %add3A_1683 = arith.addf %dot_general3A_1678, %add3A_1682 : vector<128x256xf32>
    %jit3A_1684 = arith.constant 0 : i32
    %broadcast_in_dim3A_1685 = vector.broadcast %jit3A_1684 : i32 to vector<128x2048xi32>
    %select_n3A_1686 = arith.select %eq3A_1630, %select_n3A_1441, %broadcast_in_dim3A_1685 : vector<128x2048xi1>, vector<128x2048xi32>
    %reduce_sum3A_1687 = arith.constant dense<0> : vector<128xi32>
    %reduce_sum3A_1688 = vector.multi_reduction <add>, %select_n3A_1686, %reduce_sum3A_1687 [1] : vector<128x2048xi32> to vector<128xi32>
    %broadcast_in_dim3A_1689 = vector.shape_cast %reduce_sum3A_1688 : vector<128xi32> to vector<128x1xi32>
    %eq3A_1690 = vector.broadcast %broadcast_in_dim3A_1689 : vector<128x1xi32> to vector<128x256xi32>
    %eq3A_1691 = arith.cmpi eq, %iota3A_16, %eq3A_1690 : vector<128x256xi32>
    %jit3A_1692 = arith.constant -1.000000e+06 : f32
    %broadcast_in_dim3A_1693 = vector.broadcast %jit3A_1692 : f32 to vector<128x256xf32>
    %select_n3A_1694 = arith.select %eq3A_1691, %broadcast_in_dim3A_1693, %add3A_1683 : vector<128x256xi1>, vector<128x256xf32>
    %reduce_max3A_1695 = arith.constant dense<0xFF800000> : vector<128xf32>
    %reduce_max3A_1696 = vector.multi_reduction <maximumf>, %select_n3A_1694, %reduce_max3A_1695 [1] : vector<128x256xf32> to vector<128xf32>
    %broadcast_in_dim3A_1697 = vector.shape_cast %reduce_max3A_1696 : vector<128xf32> to vector<128x1xf32>
    %sub3A_1698 = vector.broadcast %broadcast_in_dim3A_1697 : vector<128x1xf32> to vector<128x256xf32>
    %sub3A_1699 = arith.subf %select_n3A_1694, %sub3A_1698 : vector<128x256xf32>
    %exp3A_1700 = math.exp %sub3A_1699 : vector<128x256xf32>
    %reduce_sum3A_1701 = arith.constant dense<0.000000e+00> : vector<128xf32>
    %reduce_sum3A_1702 = vector.multi_reduction <add>, %exp3A_1700, %reduce_sum3A_1701 [1] : vector<128x256xf32> to vector<128xf32>
    %broadcast_in_dim3A_1703 = vector.shape_cast %reduce_sum3A_1702 : vector<128xf32> to vector<128x1xf32>
    %log3A_1704 = math.log %broadcast_in_dim3A_1703 : vector<128x1xf32>
    %sub3A_1705 = vector.broadcast %log3A_1704 : vector<128x1xf32> to vector<128x256xf32>
    %sub3A_1706 = arith.subf %sub3A_1699, %sub3A_1705 : vector<128x256xf32>
    %get3A_1707 = arith.constant 0 : index
    %get3A_1708 = arith.constant 0 : index
    %get3A_1709 = vector.load %arg40[%get3A_1707, %get3A_1708] : memref<128x256xf32, #tpu.memory_space<vmem>>, vector<128x256xf32>
    %add3A_1710 = arith.addf %sub3A_1706, %get3A_1709 : vector<128x256xf32>
    %reduce_max3A_1711 = arith.constant dense<0xFF800000> : vector<128xf32>
    %reduce_max3A_1712 = vector.multi_reduction <maximumf>, %add3A_1710, %reduce_max3A_1711 [1] : vector<128x256xf32> to vector<128xf32>
    %broadcast_in_dim3A_1713 = vector.shape_cast %reduce_max3A_1712 : vector<128xf32> to vector<128x1xf32>
    %iota3A_1714 = tpu.iota {dimensions = array<i32: 1>} : vector<128x256xi32>
    %eq3A_1715 = vector.broadcast %broadcast_in_dim3A_1713 : vector<128x1xf32> to vector<128x256xf32>
    %eq3A_1716 = arith.cmpf oeq, %add3A_1710, %eq3A_1715 : vector<128x256xf32>
    %jit3A_1717 = arith.constant 256 : i32
    %broadcast_in_dim3A_1718 = vector.broadcast %jit3A_1717 : i32 to vector<128x256xi32>
    %select_n3A_1719 = arith.select %eq3A_1716, %iota3A_1714, %broadcast_in_dim3A_1718 : vector<128x256xi1>, vector<128x256xi32>
    %reduce_min3A_1720 = arith.constant dense<2147483647> : vector<128xi32>
    %reduce_min3A_1721 = vector.multi_reduction <minsi>, %select_n3A_1719, %reduce_min3A_1720 [1] : vector<128x256xi32> to vector<128xi32>
    %broadcast_in_dim3A_1722 = vector.shape_cast %reduce_min3A_1721 : vector<128xi32> to vector<128x1xi32>
    %eq3A_1723 = vector.broadcast %broadcast_in_dim3A_1722 : vector<128x1xi32> to vector<128x256xi32>
    %eq3A_1724 = arith.cmpi eq, %iota3A_16, %eq3A_1723 : vector<128x256xi32>
    %convert_element_type3A_1725 = arith.extui %eq3A_1724 : vector<128x256xi1> to vector<128x256xi32>
    %convert_element_type3A_1726 = arith.sitofp %convert_element_type3A_1725 : vector<128x256xi32> to vector<128x256xf32>
    %mul3A_1727 = arith.mulf %sub3A_1706, %convert_element_type3A_1726 : vector<128x256xf32>
    %reduce_sum3A_1728 = arith.constant dense<0.000000e+00> : vector<128xf32>
    %reduce_sum3A_1729 = vector.multi_reduction <add>, %mul3A_1727, %reduce_sum3A_1728 [1] : vector<128x256xf32> to vector<128xf32>
    %broadcast_in_dim3A_1730 = vector.shape_cast %reduce_sum3A_1729 : vector<128xf32> to vector<128x1xf32>
    %add3A_1731 = arith.addf %broadcast_in_dim3A_1636, %broadcast_in_dim3A_1730 : vector<128x1xf32>
    %mul3A_1732 = arith.mulf %convert_element_type3A_1562, %add3A_1731 : vector<128x1xf32>
    %add3A_1733 = arith.addf %add3A_1557, %mul3A_1732 : vector<128x1xf32>
    %select_n3A_1734 = arith.select %and3A_1560, %broadcast_in_dim3A_1722, %broadcast_in_dim3A_1689 : vector<128x1xi1>, vector<128x1xi32>
    %broadcast_in_dim3A_1735 = vector.shape_cast %select_n3A_1734 : vector<128x1xi32> to vector<128x1xi32>
    %broadcast_in_dim3A_1736 = vector.broadcast %broadcast_in_dim3A_1735 : vector<128x1xi32> to vector<128x2048xi32>
    %select_n3A_1737 = arith.select %eq3A_1630, %broadcast_in_dim3A_1736, %select_n3A_1441 : vector<128x2048xi1>, vector<128x2048xi32>
    %get3A_1738 = arith.constant 0 : index
    %get3A_1739 = arith.constant 0 : index
    %get3A_1740 = vector.load %arg3[%get3A_1738, %get3A_1739] : memref<128x2048xi32, #tpu.memory_space<vmem>>, vector<128x2048xi32>
    %jit3A_1741 = arith.constant 0 : i32
    %broadcast_in_dim3A_1742 = vector.broadcast %jit3A_1741 : i32 to vector<128x2048xi32>
    %select_n3A_1743 = arith.select %eq3A_1630, %get3A_1740, %broadcast_in_dim3A_1742 : vector<128x2048xi1>, vector<128x2048xi32>
    %reduce_sum3A_1744 = arith.constant dense<0> : vector<128xi32>
    %reduce_sum3A_1745 = vector.multi_reduction <add>, %select_n3A_1743, %reduce_sum3A_1744 [1] : vector<128x2048xi32> to vector<128xi32>
    %broadcast_in_dim3A_1746 = vector.shape_cast %reduce_sum3A_1745 : vector<128xi32> to vector<128x1xi32>
    %eq3A_1747 = vector.broadcast %broadcast_in_dim3A_1746 : vector<128x1xi32> to vector<128x2048xi32>
    %eq3A_1748 = arith.cmpi eq, %iota3A, %eq3A_1747 : vector<128x2048xi32>
    %convert_element_type3A_1749 = arith.extui %eq3A_1748 : vector<128x2048xi1> to vector<128x2048xi32>
    %convert_element_type3A_1750 = arith.sitofp %convert_element_type3A_1749 : vector<128x2048xi32> to vector<128x2048xf32>
    %get3A_1751 = arith.constant 0 : index
    %get3A_1752 = arith.constant 0 : index
    %get3A_1753 = vector.load %arg4[%get3A_1751, %get3A_1752] : memref<2048x128xf32, #tpu.memory_space<vmem>>, vector<2048x128xf32>
    %dot_general3A_1754 = arith.constant dense<0.000000e+00> : vector<128x128xf32>
    %dot_general3A_1755 = tpu.matmul %convert_element_type3A_1750, %get3A_1753, %dot_general3A_1754 {dimension_numbers = #tpu.dot_dimension_numbers<[1], [0], [0], [1], [0, 0, 1, 1], [], []>, transpose_lhs_hint = false} : vector<128x2048xf32>, vector<2048x128xf32>, vector<128x128xf32> -> vector<128x128xf32>
    %eq3A_1756 = vector.broadcast %select_n3A_1734 : vector<128x1xi32> to vector<128x256xi32>
    %eq3A_1757 = arith.cmpi eq, %iota3A_16, %eq3A_1756 : vector<128x256xi32>
    %convert_element_type3A_1758 = arith.extui %eq3A_1757 : vector<128x256xi1> to vector<128x256xi32>
    %convert_element_type3A_1759 = arith.sitofp %convert_element_type3A_1758 : vector<128x256xi32> to vector<128x256xf32>
    %convert_element_type3A_1760 = arith.extui %eq3A_1691 : vector<128x256xi1> to vector<128x256xi32>
    %convert_element_type3A_1761 = arith.sitofp %convert_element_type3A_1760 : vector<128x256xi32> to vector<128x256xf32>
    %sub3A_1762 = arith.subf %convert_element_type3A_1759, %convert_element_type3A_1761 : vector<128x256xf32>
    %get3A_1763 = arith.constant 0 : index
    %get3A_1764 = arith.constant 0 : index
    %get3A_1765 = vector.load %arg5[%get3A_1763, %get3A_1764] : memref<256x128xf32, #tpu.memory_space<vmem>>, vector<256x128xf32>
    %dot_general3A_1766 = arith.constant dense<0.000000e+00> : vector<128x128xf32>
    %dot_general3A_1767 = tpu.matmul %sub3A_1762, %get3A_1765, %dot_general3A_1766 {dimension_numbers = #tpu.dot_dimension_numbers<[1], [0], [0], [1], [0, 0, 1, 1], [], []>, transpose_lhs_hint = false} : vector<128x256xf32>, vector<256x128xf32>, vector<128x128xf32> -> vector<128x128xf32>
    %mul3A_1768 = arith.mulf %dot_general3A_1755, %dot_general3A_1767 : vector<128x128xf32>
    %mul3A_1769 = arith.constant 4.8828125E-4 : f32
    %mul3A_1770 = vector.broadcast %mul3A_1769 : f32 to vector<128x128xf32>
    %mul3A_1771 = arith.mulf %mul3A_1768, %mul3A_1770 : vector<128x128xf32>
    %add3A_1772 = arith.addf %add3A_1476, %mul3A_1771 : vector<128x128xf32>
    %gt3A_1773 = arith.constant 6 : i32
    %gt3A_1774 = arith.cmpi sgt, %get3A_2, %gt3A_1773 : i32
    %and3A_1775 = vector.broadcast %gt3A_1774 : i1 to vector<128x1xi1>
    %and3A_1776 = arith.andi %and3A_1560, %and3A_1775 : vector<128x1xi1>
    %convert_element_type3A_1777 = arith.extui %and3A_1776 : vector<128x1xi1> to vector<128x1xi32>
    %convert_element_type3A_1778 = arith.sitofp %convert_element_type3A_1777 : vector<128x1xi32> to vector<128x1xf32>
    %get3A_1779 = arith.constant 0 : index
    %get3A_1780 = arith.constant 0 : index
    %get3A_1781 = vector.load %arg20[%get3A_1779, %get3A_1780] : memref<128x256xf32, #tpu.memory_space<vmem>>, vector<128x256xf32>
    %dot_general3A_1782 = arith.constant dense<0.000000e+00> : vector<128x256xf32>
    %dot_general3A_1783 = tpu.matmul %add3A_1772, %get3A_1781, %dot_general3A_1782 {dimension_numbers = #tpu.dot_dimension_numbers<[1], [0], [0], [1], [0, 0, 1, 1], [], []>, transpose_lhs_hint = false} : vector<128x128xf32>, vector<128x256xf32>, vector<128x256xf32> -> vector<128x256xf32>
    %get3A_1784 = arith.constant 0 : index
    %get3A_1785 = arith.constant 0 : index
    %get3A_1786 = vector.load %arg21[%get3A_1784, %get3A_1785] : memref<1x256xf32, #tpu.memory_space<vmem>>, vector<1x256xf32>
    %add3A_1787 = vector.broadcast %get3A_1786 : vector<1x256xf32> to vector<128x256xf32>
    %add3A_1788 = arith.addf %dot_general3A_1783, %add3A_1787 : vector<128x256xf32>
    %max3A_1789 = arith.constant 0.000000e+00 : f32
    %max3A_1790 = vector.broadcast %max3A_1789 : f32 to vector<128x256xf32>
    %max3A_1791 = arith.maximumf %add3A_1788, %max3A_1790 : vector<128x256xf32>
    %get3A_1792 = arith.constant 0 : index
    %get3A_1793 = arith.constant 0 : index
    %get3A_1794 = vector.load %arg22[%get3A_1792, %get3A_1793] : memref<256x256xf32, #tpu.memory_space<vmem>>, vector<256x256xf32>
    %dot_general3A_1795 = arith.constant dense<0.000000e+00> : vector<128x256xf32>
    %dot_general3A_1796 = tpu.matmul %max3A_1791, %get3A_1794, %dot_general3A_1795 {dimension_numbers = #tpu.dot_dimension_numbers<[1], [0], [0], [1], [0, 0, 1, 1], [], []>, transpose_lhs_hint = false} : vector<128x256xf32>, vector<256x256xf32>, vector<128x256xf32> -> vector<128x256xf32>
    %get3A_1797 = arith.constant 0 : index
    %get3A_1798 = arith.constant 0 : index
    %get3A_1799 = vector.load %arg23[%get3A_1797, %get3A_1798] : memref<1x256xf32, #tpu.memory_space<vmem>>, vector<1x256xf32>
    %add3A_1800 = vector.broadcast %get3A_1799 : vector<1x256xf32> to vector<128x256xf32>
    %add3A_1801 = arith.addf %dot_general3A_1796, %add3A_1800 : vector<128x256xf32>
    %max3A_1802 = arith.constant 0.000000e+00 : f32
    %max3A_1803 = vector.broadcast %max3A_1802 : f32 to vector<128x256xf32>
    %max3A_1804 = arith.maximumf %add3A_1801, %max3A_1803 : vector<128x256xf32>
    %get3A_1805 = arith.constant 0 : index
    %get3A_1806 = arith.constant 0 : index
    %get3A_1807 = vector.load %arg24[%get3A_1805, %get3A_1806] : memref<256x1xf32, #tpu.memory_space<vmem>>, vector<256x1xf32>
    %transpose3A_1808 = tpu.transpose %get3A_1807, [1, 0] : vector<256x1xf32> -> vector<1x256xf32>
    %mul3A_1809 = vector.broadcast %transpose3A_1808 : vector<1x256xf32> to vector<128x256xf32>
    %mul3A_1810 = arith.mulf %max3A_1804, %mul3A_1809 : vector<128x256xf32>
    %reduce_sum3A_1811 = arith.constant dense<0.000000e+00> : vector<128xf32>
    %reduce_sum3A_1812 = vector.multi_reduction <add>, %mul3A_1810, %reduce_sum3A_1811 [1] : vector<128x256xf32> to vector<128xf32>
    %broadcast_in_dim3A_1813 = vector.shape_cast %reduce_sum3A_1812 : vector<128xf32> to vector<128x1xf32>
    %get3A_1814 = arith.constant 0 : index
    %get3A_1815 = arith.constant 0 : index
    %get3A_1816 = vector.load %arg25[%get3A_1814, %get3A_1815] : memref<1x1xf32, #tpu.memory_space<vmem>>, vector<1x1xf32>
    %add3A_1817 = vector.broadcast %get3A_1816 : vector<1x1xf32> to vector<128x1xf32>
    %add3A_1818 = arith.addf %broadcast_in_dim3A_1813, %add3A_1817 : vector<128x1xf32>
    %neg3A_1819 = arith.constant 0.000000e+00 : f32
    %neg3A_1820 = vector.broadcast %neg3A_1819 : f32 to vector<128x1xf32>
    %neg3A_1821 = arith.subf %neg3A_1820, %add3A_1818 : vector<128x1xf32>
    %exp3A_1822 = math.exp %neg3A_1821 : vector<128x1xf32>
    %add3A_1823 = arith.constant 1.000000e+00 : f32
    %add3A_1824 = vector.broadcast %add3A_1823 : f32 to vector<128x1xf32>
    %add3A_1825 = arith.addf %add3A_1824, %exp3A_1822 : vector<128x1xf32>
    %div3A_1826 = arith.constant 1.000000e+00 : f32
    %div3A_1827 = vector.broadcast %div3A_1826 : f32 to vector<128x1xf32>
    %div3A_1828 = arith.divf %div3A_1827, %add3A_1825 : vector<128x1xf32>
    %get3A_1829 = arith.constant 0 : index
    %get3A_1830 = arith.constant 6 : index
    %get3A_1831 = vector.load %arg26[%get3A_1829, %get3A_1830] : memref<128x8xf32, #tpu.memory_space<vmem>>, vector<128x1xf32>
    %lt3A_1832 = arith.cmpf olt, %get3A_1831, %div3A_1828 : vector<128x1xf32>
    %convert_element_type3A_1833 = arith.extui %lt3A_1832 : vector<128x1xi1> to vector<128x1xi32>
    %convert_element_type3A_1834 = arith.sitofp %convert_element_type3A_1833 : vector<128x1xi32> to vector<128x1xf32>
    %add3A_1835 = arith.constant 1.000000e-18 : f32
    %add3A_1836 = vector.broadcast %add3A_1835 : f32 to vector<128x1xf32>
    %add3A_1837 = arith.addf %div3A_1828, %add3A_1836 : vector<128x1xf32>
    %log3A_1838 = math.log %add3A_1837 : vector<128x1xf32>
    %mul3A_1839 = arith.mulf %convert_element_type3A_1834, %log3A_1838 : vector<128x1xf32>
    %sub3A_1840 = arith.constant 1.000000e+00 : f32
    %sub3A_1841 = vector.broadcast %sub3A_1840 : f32 to vector<128x1xf32>
    %sub3A_1842 = arith.subf %sub3A_1841, %convert_element_type3A_1834 : vector<128x1xf32>
    %sub3A_1843 = arith.constant 1.000000e+00 : f32
    %sub3A_1844 = vector.broadcast %sub3A_1843 : f32 to vector<128x1xf32>
    %sub3A_1845 = arith.subf %sub3A_1844, %div3A_1828 : vector<128x1xf32>
    %add3A_1846 = arith.constant 1.000000e-18 : f32
    %add3A_1847 = vector.broadcast %add3A_1846 : f32 to vector<128x1xf32>
    %add3A_1848 = arith.addf %sub3A_1845, %add3A_1847 : vector<128x1xf32>
    %log3A_1849 = math.log %add3A_1848 : vector<128x1xf32>
    %mul3A_1850 = arith.mulf %sub3A_1842, %log3A_1849 : vector<128x1xf32>
    %add3A_1851 = arith.addf %mul3A_1839, %mul3A_1850 : vector<128x1xf32>
    %mul3A_1852 = arith.mulf %convert_element_type3A_1778, %add3A_1851 : vector<128x1xf32>
    %add3A_1853 = arith.addf %add3A_1733, %mul3A_1852 : vector<128x1xf32>
    %not3A_1854 = arith.constant dense<true> : vector<128x1xi1>
    %not3A_1855 = arith.xori %lt3A_1832, %not3A_1854 : vector<128x1xi1>
    %and3A_1856 = arith.andi %and3A_1776, %not3A_1855 : vector<128x1xi1>
    %convert_element_type3A_1857 = arith.extui %and3A_1856 : vector<128x1xi1> to vector<128x1xi32>
    %convert_element_type3A_1858 = arith.sitofp %convert_element_type3A_1857 : vector<128x1xi32> to vector<128x1xf32>
    %convert_element_type3A_1859 = arith.extui %and3A_1856 : vector<128x1xi1> to vector<128x1xi32>
    %add3A_1860 = arith.addi %add3A_1564, %convert_element_type3A_1859 : vector<128x1xi32>
    %get3A_1861 = arith.constant 0 : index
    %get3A_1862 = arith.constant 0 : index
    %get3A_1863 = vector.load %arg7[%get3A_1861, %get3A_1862] : memref<128x256xf32, #tpu.memory_space<vmem>>, vector<128x256xf32>
    %dot_general3A_1864 = arith.constant dense<0.000000e+00> : vector<128x256xf32>
    %dot_general3A_1865 = tpu.matmul %add3A_1772, %get3A_1863, %dot_general3A_1864 {dimension_numbers = #tpu.dot_dimension_numbers<[1], [0], [0], [1], [0, 0, 1, 1], [], []>, transpose_lhs_hint = false} : vector<128x128xf32>, vector<128x256xf32>, vector<128x256xf32> -> vector<128x256xf32>
    %get3A_1866 = arith.constant 0 : index
    %get3A_1867 = arith.constant 0 : index
    %get3A_1868 = vector.load %arg8[%get3A_1866, %get3A_1867] : memref<1x256xf32, #tpu.memory_space<vmem>>, vector<1x256xf32>
    %add3A_1869 = vector.broadcast %get3A_1868 : vector<1x256xf32> to vector<128x256xf32>
    %add3A_1870 = arith.addf %dot_general3A_1865, %add3A_1869 : vector<128x256xf32>
    %max3A_1871 = arith.constant 0.000000e+00 : f32
    %max3A_1872 = vector.broadcast %max3A_1871 : f32 to vector<128x256xf32>
    %max3A_1873 = arith.maximumf %add3A_1870, %max3A_1872 : vector<128x256xf32>
    %get3A_1874 = arith.constant 0 : index
    %get3A_1875 = arith.constant 0 : index
    %get3A_1876 = vector.load %arg9[%get3A_1874, %get3A_1875] : memref<256x256xf32, #tpu.memory_space<vmem>>, vector<256x256xf32>
    %dot_general3A_1877 = arith.constant dense<0.000000e+00> : vector<128x256xf32>
    %dot_general3A_1878 = tpu.matmul %max3A_1873, %get3A_1876, %dot_general3A_1877 {dimension_numbers = #tpu.dot_dimension_numbers<[1], [0], [0], [1], [0, 0, 1, 1], [], []>, transpose_lhs_hint = false} : vector<128x256xf32>, vector<256x256xf32>, vector<128x256xf32> -> vector<128x256xf32>
    %get3A_1879 = arith.constant 0 : index
    %get3A_1880 = arith.constant 0 : index
    %get3A_1881 = vector.load %arg10[%get3A_1879, %get3A_1880] : memref<1x256xf32, #tpu.memory_space<vmem>>, vector<1x256xf32>
    %add3A_1882 = vector.broadcast %get3A_1881 : vector<1x256xf32> to vector<128x256xf32>
    %add3A_1883 = arith.addf %dot_general3A_1878, %add3A_1882 : vector<128x256xf32>
    %max3A_1884 = arith.constant 0.000000e+00 : f32
    %max3A_1885 = vector.broadcast %max3A_1884 : f32 to vector<128x256xf32>
    %max3A_1886 = arith.maximumf %add3A_1883, %max3A_1885 : vector<128x256xf32>
    %get3A_1887 = arith.constant 0 : index
    %get3A_1888 = arith.constant 0 : index
    %get3A_1889 = vector.load %arg11[%get3A_1887, %get3A_1888] : memref<256x2048xf32, #tpu.memory_space<vmem>>, vector<256x2048xf32>
    %dot_general3A_1890 = arith.constant dense<0.000000e+00> : vector<128x2048xf32>
    %dot_general3A_1891 = tpu.matmul %max3A_1886, %get3A_1889, %dot_general3A_1890 {dimension_numbers = #tpu.dot_dimension_numbers<[1], [0], [0], [1], [0, 0, 1, 1], [], []>, transpose_lhs_hint = false} : vector<128x256xf32>, vector<256x2048xf32>, vector<128x2048xf32> -> vector<128x2048xf32>
    %get3A_1892 = arith.constant 0 : index
    %get3A_1893 = arith.constant 0 : index
    %get3A_1894 = vector.load %arg12[%get3A_1892, %get3A_1893] : memref<1x2048xf32, #tpu.memory_space<vmem>>, vector<1x2048xf32>
    %add3A_1895 = vector.broadcast %get3A_1894 : vector<1x2048xf32> to vector<128x2048xf32>
    %add3A_1896 = arith.addf %dot_general3A_1891, %add3A_1895 : vector<128x2048xf32>
    %reduce_max3A_1897 = arith.constant dense<0xFF800000> : vector<128xf32>
    %reduce_max3A_1898 = vector.multi_reduction <maximumf>, %add3A_1896, %reduce_max3A_1897 [1] : vector<128x2048xf32> to vector<128xf32>
    %broadcast_in_dim3A_1899 = vector.shape_cast %reduce_max3A_1898 : vector<128xf32> to vector<128x1xf32>
    %sub3A_1900 = vector.broadcast %broadcast_in_dim3A_1899 : vector<128x1xf32> to vector<128x2048xf32>
    %sub3A_1901 = arith.subf %add3A_1896, %sub3A_1900 : vector<128x2048xf32>
    %exp3A_1902 = math.exp %sub3A_1901 : vector<128x2048xf32>
    %reduce_sum3A_1903 = arith.constant dense<0.000000e+00> : vector<128xf32>
    %reduce_sum3A_1904 = vector.multi_reduction <add>, %exp3A_1902, %reduce_sum3A_1903 [1] : vector<128x2048xf32> to vector<128xf32>
    %broadcast_in_dim3A_1905 = vector.shape_cast %reduce_sum3A_1904 : vector<128xf32> to vector<128x1xf32>
    %log3A_1906 = math.log %broadcast_in_dim3A_1905 : vector<128x1xf32>
    %sub3A_1907 = vector.broadcast %log3A_1906 : vector<128x1xf32> to vector<128x2048xf32>
    %sub3A_1908 = arith.subf %sub3A_1901, %sub3A_1907 : vector<128x2048xf32>
    %get3A_1909 = arith.constant 0 : index
    %get3A_1910 = arith.constant 0 : index
    %get3A_1911 = vector.load %arg33[%get3A_1909, %get3A_1910] : memref<128x2048xf32, #tpu.memory_space<vmem>>, vector<128x2048xf32>
    %add3A_1912 = arith.addf %sub3A_1908, %get3A_1911 : vector<128x2048xf32>
    %reduce_max3A_1913 = arith.constant dense<0xFF800000> : vector<128xf32>
    %reduce_max3A_1914 = vector.multi_reduction <maximumf>, %add3A_1912, %reduce_max3A_1913 [1] : vector<128x2048xf32> to vector<128xf32>
    %broadcast_in_dim3A_1915 = vector.shape_cast %reduce_max3A_1914 : vector<128xf32> to vector<128x1xf32>
    %iota3A_1916 = tpu.iota {dimensions = array<i32: 1>} : vector<128x2048xi32>
    %eq3A_1917 = vector.broadcast %broadcast_in_dim3A_1915 : vector<128x1xf32> to vector<128x2048xf32>
    %eq3A_1918 = arith.cmpf oeq, %add3A_1912, %eq3A_1917 : vector<128x2048xf32>
    %jit3A_1919 = arith.constant 2048 : i32
    %broadcast_in_dim3A_1920 = vector.broadcast %jit3A_1919 : i32 to vector<128x2048xi32>
    %select_n3A_1921 = arith.select %eq3A_1918, %iota3A_1916, %broadcast_in_dim3A_1920 : vector<128x2048xi1>, vector<128x2048xi32>
    %reduce_min3A_1922 = arith.constant dense<2147483647> : vector<128xi32>
    %reduce_min3A_1923 = vector.multi_reduction <minsi>, %select_n3A_1921, %reduce_min3A_1922 [1] : vector<128x2048xi32> to vector<128xi32>
    %broadcast_in_dim3A_1924 = vector.shape_cast %reduce_min3A_1923 : vector<128xi32> to vector<128x1xi32>
    %eq3A_1925 = vector.broadcast %broadcast_in_dim3A_1924 : vector<128x1xi32> to vector<128x2048xi32>
    %eq3A_1926 = arith.cmpi eq, %iota3A, %eq3A_1925 : vector<128x2048xi32>
    %convert_element_type3A_1927 = arith.extui %eq3A_1926 : vector<128x2048xi1> to vector<128x2048xi32>
    %convert_element_type3A_1928 = arith.sitofp %convert_element_type3A_1927 : vector<128x2048xi32> to vector<128x2048xf32>
    %mul3A_1929 = arith.mulf %sub3A_1908, %convert_element_type3A_1928 : vector<128x2048xf32>
    %reduce_sum3A_1930 = arith.constant dense<0.000000e+00> : vector<128xf32>
    %reduce_sum3A_1931 = vector.multi_reduction <add>, %mul3A_1929, %reduce_sum3A_1930 [1] : vector<128x2048xf32> to vector<128xf32>
    %broadcast_in_dim3A_1932 = vector.shape_cast %reduce_sum3A_1931 : vector<128xf32> to vector<128x1xf32>
    %get3A_1933 = arith.constant 0 : index
    %get3A_1934 = arith.constant 0 : index
    %get3A_1935 = vector.load %arg6[%get3A_1933, %get3A_1934] : memref<2048x128xf32, #tpu.memory_space<vmem>>, vector<2048x128xf32>
    %dot_general3A_1936 = arith.constant dense<0.000000e+00> : vector<128x128xf32>
    %dot_general3A_1937 = tpu.matmul %convert_element_type3A_1928, %get3A_1935, %dot_general3A_1936 {dimension_numbers = #tpu.dot_dimension_numbers<[1], [0], [0], [1], [0, 0, 1, 1], [], []>, transpose_lhs_hint = false} : vector<128x2048xf32>, vector<2048x128xf32>, vector<128x128xf32> -> vector<128x128xf32>
    %get3A_1938 = arith.constant 0 : index
    %get3A_1939 = arith.constant 0 : index
    %get3A_1940 = vector.load %arg13[%get3A_1938, %get3A_1939] : memref<128x256xf32, #tpu.memory_space<vmem>>, vector<128x256xf32>
    %dot_general3A_1941 = arith.constant dense<0.000000e+00> : vector<128x256xf32>
    %dot_general3A_1942 = tpu.matmul %add3A_1772, %get3A_1940, %dot_general3A_1941 {dimension_numbers = #tpu.dot_dimension_numbers<[1], [0], [0], [1], [0, 0, 1, 1], [], []>, transpose_lhs_hint = false} : vector<128x128xf32>, vector<128x256xf32>, vector<128x256xf32> -> vector<128x256xf32>
    %get3A_1943 = arith.constant 0 : index
    %get3A_1944 = arith.constant 0 : index
    %get3A_1945 = vector.load %arg14[%get3A_1943, %get3A_1944] : memref<128x256xf32, #tpu.memory_space<vmem>>, vector<128x256xf32>
    %dot_general3A_1946 = arith.constant dense<0.000000e+00> : vector<128x256xf32>
    %dot_general3A_1947 = tpu.matmul %dot_general3A_1937, %get3A_1945, %dot_general3A_1946 {dimension_numbers = #tpu.dot_dimension_numbers<[1], [0], [0], [1], [0, 0, 1, 1], [], []>, transpose_lhs_hint = false} : vector<128x128xf32>, vector<128x256xf32>, vector<128x256xf32> -> vector<128x256xf32>
    %add3A_1948 = arith.addf %dot_general3A_1942, %dot_general3A_1947 : vector<128x256xf32>
    %get3A_1949 = arith.constant 0 : index
    %get3A_1950 = arith.constant 0 : index
    %get3A_1951 = vector.load %arg15[%get3A_1949, %get3A_1950] : memref<1x256xf32, #tpu.memory_space<vmem>>, vector<1x256xf32>
    %add3A_1952 = vector.broadcast %get3A_1951 : vector<1x256xf32> to vector<128x256xf32>
    %add3A_1953 = arith.addf %add3A_1948, %add3A_1952 : vector<128x256xf32>
    %max3A_1954 = arith.constant 0.000000e+00 : f32
    %max3A_1955 = vector.broadcast %max3A_1954 : f32 to vector<128x256xf32>
    %max3A_1956 = arith.maximumf %add3A_1953, %max3A_1955 : vector<128x256xf32>
    %get3A_1957 = arith.constant 0 : index
    %get3A_1958 = arith.constant 0 : index
    %get3A_1959 = vector.load %arg16[%get3A_1957, %get3A_1958] : memref<256x256xf32, #tpu.memory_space<vmem>>, vector<256x256xf32>
    %dot_general3A_1960 = arith.constant dense<0.000000e+00> : vector<128x256xf32>
    %dot_general3A_1961 = tpu.matmul %max3A_1956, %get3A_1959, %dot_general3A_1960 {dimension_numbers = #tpu.dot_dimension_numbers<[1], [0], [0], [1], [0, 0, 1, 1], [], []>, transpose_lhs_hint = false} : vector<128x256xf32>, vector<256x256xf32>, vector<128x256xf32> -> vector<128x256xf32>
    %get3A_1962 = arith.constant 0 : index
    %get3A_1963 = arith.constant 0 : index
    %get3A_1964 = vector.load %arg17[%get3A_1962, %get3A_1963] : memref<1x256xf32, #tpu.memory_space<vmem>>, vector<1x256xf32>
    %add3A_1965 = vector.broadcast %get3A_1964 : vector<1x256xf32> to vector<128x256xf32>
    %add3A_1966 = arith.addf %dot_general3A_1961, %add3A_1965 : vector<128x256xf32>
    %max3A_1967 = arith.constant 0.000000e+00 : f32
    %max3A_1968 = vector.broadcast %max3A_1967 : f32 to vector<128x256xf32>
    %max3A_1969 = arith.maximumf %add3A_1966, %max3A_1968 : vector<128x256xf32>
    %get3A_1970 = arith.constant 0 : index
    %get3A_1971 = arith.constant 0 : index
    %get3A_1972 = vector.load %arg18[%get3A_1970, %get3A_1971] : memref<256x256xf32, #tpu.memory_space<vmem>>, vector<256x256xf32>
    %dot_general3A_1973 = arith.constant dense<0.000000e+00> : vector<128x256xf32>
    %dot_general3A_1974 = tpu.matmul %max3A_1969, %get3A_1972, %dot_general3A_1973 {dimension_numbers = #tpu.dot_dimension_numbers<[1], [0], [0], [1], [0, 0, 1, 1], [], []>, transpose_lhs_hint = false} : vector<128x256xf32>, vector<256x256xf32>, vector<128x256xf32> -> vector<128x256xf32>
    %get3A_1975 = arith.constant 0 : index
    %get3A_1976 = arith.constant 0 : index
    %get3A_1977 = vector.load %arg19[%get3A_1975, %get3A_1976] : memref<1x256xf32, #tpu.memory_space<vmem>>, vector<1x256xf32>
    %add3A_1978 = vector.broadcast %get3A_1977 : vector<1x256xf32> to vector<128x256xf32>
    %add3A_1979 = arith.addf %dot_general3A_1974, %add3A_1978 : vector<128x256xf32>
    %jit3A_1980 = arith.constant 0 : i32
    %broadcast_in_dim3A_1981 = vector.broadcast %jit3A_1980 : i32 to vector<128x2048xi32>
    %select_n3A_1982 = arith.select %eq3A_1926, %select_n3A_1737, %broadcast_in_dim3A_1981 : vector<128x2048xi1>, vector<128x2048xi32>
    %reduce_sum3A_1983 = arith.constant dense<0> : vector<128xi32>
    %reduce_sum3A_1984 = vector.multi_reduction <add>, %select_n3A_1982, %reduce_sum3A_1983 [1] : vector<128x2048xi32> to vector<128xi32>
    %broadcast_in_dim3A_1985 = vector.shape_cast %reduce_sum3A_1984 : vector<128xi32> to vector<128x1xi32>
    %eq3A_1986 = vector.broadcast %broadcast_in_dim3A_1985 : vector<128x1xi32> to vector<128x256xi32>
    %eq3A_1987 = arith.cmpi eq, %iota3A_16, %eq3A_1986 : vector<128x256xi32>
    %jit3A_1988 = arith.constant -1.000000e+06 : f32
    %broadcast_in_dim3A_1989 = vector.broadcast %jit3A_1988 : f32 to vector<128x256xf32>
    %select_n3A_1990 = arith.select %eq3A_1987, %broadcast_in_dim3A_1989, %add3A_1979 : vector<128x256xi1>, vector<128x256xf32>
    %reduce_max3A_1991 = arith.constant dense<0xFF800000> : vector<128xf32>
    %reduce_max3A_1992 = vector.multi_reduction <maximumf>, %select_n3A_1990, %reduce_max3A_1991 [1] : vector<128x256xf32> to vector<128xf32>
    %broadcast_in_dim3A_1993 = vector.shape_cast %reduce_max3A_1992 : vector<128xf32> to vector<128x1xf32>
    %sub3A_1994 = vector.broadcast %broadcast_in_dim3A_1993 : vector<128x1xf32> to vector<128x256xf32>
    %sub3A_1995 = arith.subf %select_n3A_1990, %sub3A_1994 : vector<128x256xf32>
    %exp3A_1996 = math.exp %sub3A_1995 : vector<128x256xf32>
    %reduce_sum3A_1997 = arith.constant dense<0.000000e+00> : vector<128xf32>
    %reduce_sum3A_1998 = vector.multi_reduction <add>, %exp3A_1996, %reduce_sum3A_1997 [1] : vector<128x256xf32> to vector<128xf32>
    %broadcast_in_dim3A_1999 = vector.shape_cast %reduce_sum3A_1998 : vector<128xf32> to vector<128x1xf32>
    %log3A_2000 = math.log %broadcast_in_dim3A_1999 : vector<128x1xf32>
    %sub3A_2001 = vector.broadcast %log3A_2000 : vector<128x1xf32> to vector<128x256xf32>
    %sub3A_2002 = arith.subf %sub3A_1995, %sub3A_2001 : vector<128x256xf32>
    %get3A_2003 = arith.constant 0 : index
    %get3A_2004 = arith.constant 0 : index
    %get3A_2005 = vector.load %arg41[%get3A_2003, %get3A_2004] : memref<128x256xf32, #tpu.memory_space<vmem>>, vector<128x256xf32>
    %add3A_2006 = arith.addf %sub3A_2002, %get3A_2005 : vector<128x256xf32>
    %reduce_max3A_2007 = arith.constant dense<0xFF800000> : vector<128xf32>
    %reduce_max3A_2008 = vector.multi_reduction <maximumf>, %add3A_2006, %reduce_max3A_2007 [1] : vector<128x256xf32> to vector<128xf32>
    %broadcast_in_dim3A_2009 = vector.shape_cast %reduce_max3A_2008 : vector<128xf32> to vector<128x1xf32>
    %iota3A_2010 = tpu.iota {dimensions = array<i32: 1>} : vector<128x256xi32>
    %eq3A_2011 = vector.broadcast %broadcast_in_dim3A_2009 : vector<128x1xf32> to vector<128x256xf32>
    %eq3A_2012 = arith.cmpf oeq, %add3A_2006, %eq3A_2011 : vector<128x256xf32>
    %jit3A_2013 = arith.constant 256 : i32
    %broadcast_in_dim3A_2014 = vector.broadcast %jit3A_2013 : i32 to vector<128x256xi32>
    %select_n3A_2015 = arith.select %eq3A_2012, %iota3A_2010, %broadcast_in_dim3A_2014 : vector<128x256xi1>, vector<128x256xi32>
    %reduce_min3A_2016 = arith.constant dense<2147483647> : vector<128xi32>
    %reduce_min3A_2017 = vector.multi_reduction <minsi>, %select_n3A_2015, %reduce_min3A_2016 [1] : vector<128x256xi32> to vector<128xi32>
    %broadcast_in_dim3A_2018 = vector.shape_cast %reduce_min3A_2017 : vector<128xi32> to vector<128x1xi32>
    %eq3A_2019 = vector.broadcast %broadcast_in_dim3A_2018 : vector<128x1xi32> to vector<128x256xi32>
    %eq3A_2020 = arith.cmpi eq, %iota3A_16, %eq3A_2019 : vector<128x256xi32>
    %convert_element_type3A_2021 = arith.extui %eq3A_2020 : vector<128x256xi1> to vector<128x256xi32>
    %convert_element_type3A_2022 = arith.sitofp %convert_element_type3A_2021 : vector<128x256xi32> to vector<128x256xf32>
    %mul3A_2023 = arith.mulf %sub3A_2002, %convert_element_type3A_2022 : vector<128x256xf32>
    %reduce_sum3A_2024 = arith.constant dense<0.000000e+00> : vector<128xf32>
    %reduce_sum3A_2025 = vector.multi_reduction <add>, %mul3A_2023, %reduce_sum3A_2024 [1] : vector<128x256xf32> to vector<128xf32>
    %broadcast_in_dim3A_2026 = vector.shape_cast %reduce_sum3A_2025 : vector<128xf32> to vector<128x1xf32>
    %add3A_2027 = arith.addf %broadcast_in_dim3A_1932, %broadcast_in_dim3A_2026 : vector<128x1xf32>
    %mul3A_2028 = arith.mulf %convert_element_type3A_1858, %add3A_2027 : vector<128x1xf32>
    %add3A_2029 = arith.addf %add3A_1853, %mul3A_2028 : vector<128x1xf32>
    %select_n3A_2030 = arith.select %and3A_1856, %broadcast_in_dim3A_2018, %broadcast_in_dim3A_1985 : vector<128x1xi1>, vector<128x1xi32>
    %broadcast_in_dim3A_2031 = vector.shape_cast %select_n3A_2030 : vector<128x1xi32> to vector<128x1xi32>
    %broadcast_in_dim3A_2032 = vector.broadcast %broadcast_in_dim3A_2031 : vector<128x1xi32> to vector<128x2048xi32>
    %select_n3A_2033 = arith.select %eq3A_1926, %broadcast_in_dim3A_2032, %select_n3A_1737 : vector<128x2048xi1>, vector<128x2048xi32>
    %get3A_2034 = arith.constant 0 : index
    %get3A_2035 = arith.constant 0 : index
    %get3A_2036 = vector.load %arg3[%get3A_2034, %get3A_2035] : memref<128x2048xi32, #tpu.memory_space<vmem>>, vector<128x2048xi32>
    %jit3A_2037 = arith.constant 0 : i32
    %broadcast_in_dim3A_2038 = vector.broadcast %jit3A_2037 : i32 to vector<128x2048xi32>
    %select_n3A_2039 = arith.select %eq3A_1926, %get3A_2036, %broadcast_in_dim3A_2038 : vector<128x2048xi1>, vector<128x2048xi32>
    %reduce_sum3A_2040 = arith.constant dense<0> : vector<128xi32>
    %reduce_sum3A_2041 = vector.multi_reduction <add>, %select_n3A_2039, %reduce_sum3A_2040 [1] : vector<128x2048xi32> to vector<128xi32>
    %broadcast_in_dim3A_2042 = vector.shape_cast %reduce_sum3A_2041 : vector<128xi32> to vector<128x1xi32>
    %eq3A_2043 = vector.broadcast %broadcast_in_dim3A_2042 : vector<128x1xi32> to vector<128x2048xi32>
    %eq3A_2044 = arith.cmpi eq, %iota3A, %eq3A_2043 : vector<128x2048xi32>
    %convert_element_type3A_2045 = arith.extui %eq3A_2044 : vector<128x2048xi1> to vector<128x2048xi32>
    %convert_element_type3A_2046 = arith.sitofp %convert_element_type3A_2045 : vector<128x2048xi32> to vector<128x2048xf32>
    %get3A_2047 = arith.constant 0 : index
    %get3A_2048 = arith.constant 0 : index
    %get3A_2049 = vector.load %arg4[%get3A_2047, %get3A_2048] : memref<2048x128xf32, #tpu.memory_space<vmem>>, vector<2048x128xf32>
    %dot_general3A_2050 = arith.constant dense<0.000000e+00> : vector<128x128xf32>
    %dot_general3A_2051 = tpu.matmul %convert_element_type3A_2046, %get3A_2049, %dot_general3A_2050 {dimension_numbers = #tpu.dot_dimension_numbers<[1], [0], [0], [1], [0, 0, 1, 1], [], []>, transpose_lhs_hint = false} : vector<128x2048xf32>, vector<2048x128xf32>, vector<128x128xf32> -> vector<128x128xf32>
    %eq3A_2052 = vector.broadcast %select_n3A_2030 : vector<128x1xi32> to vector<128x256xi32>
    %eq3A_2053 = arith.cmpi eq, %iota3A_16, %eq3A_2052 : vector<128x256xi32>
    %convert_element_type3A_2054 = arith.extui %eq3A_2053 : vector<128x256xi1> to vector<128x256xi32>
    %convert_element_type3A_2055 = arith.sitofp %convert_element_type3A_2054 : vector<128x256xi32> to vector<128x256xf32>
    %convert_element_type3A_2056 = arith.extui %eq3A_1987 : vector<128x256xi1> to vector<128x256xi32>
    %convert_element_type3A_2057 = arith.sitofp %convert_element_type3A_2056 : vector<128x256xi32> to vector<128x256xf32>
    %sub3A_2058 = arith.subf %convert_element_type3A_2055, %convert_element_type3A_2057 : vector<128x256xf32>
    %get3A_2059 = arith.constant 0 : index
    %get3A_2060 = arith.constant 0 : index
    %get3A_2061 = vector.load %arg5[%get3A_2059, %get3A_2060] : memref<256x128xf32, #tpu.memory_space<vmem>>, vector<256x128xf32>
    %dot_general3A_2062 = arith.constant dense<0.000000e+00> : vector<128x128xf32>
    %dot_general3A_2063 = tpu.matmul %sub3A_2058, %get3A_2061, %dot_general3A_2062 {dimension_numbers = #tpu.dot_dimension_numbers<[1], [0], [0], [1], [0, 0, 1, 1], [], []>, transpose_lhs_hint = false} : vector<128x256xf32>, vector<256x128xf32>, vector<128x128xf32> -> vector<128x128xf32>
    %mul3A_2064 = arith.mulf %dot_general3A_2051, %dot_general3A_2063 : vector<128x128xf32>
    %mul3A_2065 = arith.constant 4.8828125E-4 : f32
    %mul3A_2066 = vector.broadcast %mul3A_2065 : f32 to vector<128x128xf32>
    %mul3A_2067 = arith.mulf %mul3A_2064, %mul3A_2066 : vector<128x128xf32>
    %add3A_2068 = arith.addf %add3A_1772, %mul3A_2067 : vector<128x128xf32>
    %gt3A_2069 = arith.constant 7 : i32
    %gt3A_2070 = arith.cmpi sgt, %get3A_2, %gt3A_2069 : i32
    %and3A_2071 = vector.broadcast %gt3A_2070 : i1 to vector<128x1xi1>
    %and3A_2072 = arith.andi %and3A_1856, %and3A_2071 : vector<128x1xi1>
    %convert_element_type3A_2073 = arith.extui %and3A_2072 : vector<128x1xi1> to vector<128x1xi32>
    %convert_element_type3A_2074 = arith.sitofp %convert_element_type3A_2073 : vector<128x1xi32> to vector<128x1xf32>
    %get3A_2075 = arith.constant 0 : index
    %get3A_2076 = arith.constant 0 : index
    %get3A_2077 = vector.load %arg20[%get3A_2075, %get3A_2076] : memref<128x256xf32, #tpu.memory_space<vmem>>, vector<128x256xf32>
    %dot_general3A_2078 = arith.constant dense<0.000000e+00> : vector<128x256xf32>
    %dot_general3A_2079 = tpu.matmul %add3A_2068, %get3A_2077, %dot_general3A_2078 {dimension_numbers = #tpu.dot_dimension_numbers<[1], [0], [0], [1], [0, 0, 1, 1], [], []>, transpose_lhs_hint = false} : vector<128x128xf32>, vector<128x256xf32>, vector<128x256xf32> -> vector<128x256xf32>
    %get3A_2080 = arith.constant 0 : index
    %get3A_2081 = arith.constant 0 : index
    %get3A_2082 = vector.load %arg21[%get3A_2080, %get3A_2081] : memref<1x256xf32, #tpu.memory_space<vmem>>, vector<1x256xf32>
    %add3A_2083 = vector.broadcast %get3A_2082 : vector<1x256xf32> to vector<128x256xf32>
    %add3A_2084 = arith.addf %dot_general3A_2079, %add3A_2083 : vector<128x256xf32>
    %max3A_2085 = arith.constant 0.000000e+00 : f32
    %max3A_2086 = vector.broadcast %max3A_2085 : f32 to vector<128x256xf32>
    %max3A_2087 = arith.maximumf %add3A_2084, %max3A_2086 : vector<128x256xf32>
    %get3A_2088 = arith.constant 0 : index
    %get3A_2089 = arith.constant 0 : index
    %get3A_2090 = vector.load %arg22[%get3A_2088, %get3A_2089] : memref<256x256xf32, #tpu.memory_space<vmem>>, vector<256x256xf32>
    %dot_general3A_2091 = arith.constant dense<0.000000e+00> : vector<128x256xf32>
    %dot_general3A_2092 = tpu.matmul %max3A_2087, %get3A_2090, %dot_general3A_2091 {dimension_numbers = #tpu.dot_dimension_numbers<[1], [0], [0], [1], [0, 0, 1, 1], [], []>, transpose_lhs_hint = false} : vector<128x256xf32>, vector<256x256xf32>, vector<128x256xf32> -> vector<128x256xf32>
    %get3A_2093 = arith.constant 0 : index
    %get3A_2094 = arith.constant 0 : index
    %get3A_2095 = vector.load %arg23[%get3A_2093, %get3A_2094] : memref<1x256xf32, #tpu.memory_space<vmem>>, vector<1x256xf32>
    %add3A_2096 = vector.broadcast %get3A_2095 : vector<1x256xf32> to vector<128x256xf32>
    %add3A_2097 = arith.addf %dot_general3A_2092, %add3A_2096 : vector<128x256xf32>
    %max3A_2098 = arith.constant 0.000000e+00 : f32
    %max3A_2099 = vector.broadcast %max3A_2098 : f32 to vector<128x256xf32>
    %max3A_2100 = arith.maximumf %add3A_2097, %max3A_2099 : vector<128x256xf32>
    %get3A_2101 = arith.constant 0 : index
    %get3A_2102 = arith.constant 0 : index
    %get3A_2103 = vector.load %arg24[%get3A_2101, %get3A_2102] : memref<256x1xf32, #tpu.memory_space<vmem>>, vector<256x1xf32>
    %transpose3A_2104 = tpu.transpose %get3A_2103, [1, 0] : vector<256x1xf32> -> vector<1x256xf32>
    %mul3A_2105 = vector.broadcast %transpose3A_2104 : vector<1x256xf32> to vector<128x256xf32>
    %mul3A_2106 = arith.mulf %max3A_2100, %mul3A_2105 : vector<128x256xf32>
    %reduce_sum3A_2107 = arith.constant dense<0.000000e+00> : vector<128xf32>
    %reduce_sum3A_2108 = vector.multi_reduction <add>, %mul3A_2106, %reduce_sum3A_2107 [1] : vector<128x256xf32> to vector<128xf32>
    %broadcast_in_dim3A_2109 = vector.shape_cast %reduce_sum3A_2108 : vector<128xf32> to vector<128x1xf32>
    %get3A_2110 = arith.constant 0 : index
    %get3A_2111 = arith.constant 0 : index
    %get3A_2112 = vector.load %arg25[%get3A_2110, %get3A_2111] : memref<1x1xf32, #tpu.memory_space<vmem>>, vector<1x1xf32>
    %add3A_2113 = vector.broadcast %get3A_2112 : vector<1x1xf32> to vector<128x1xf32>
    %add3A_2114 = arith.addf %broadcast_in_dim3A_2109, %add3A_2113 : vector<128x1xf32>
    %neg3A_2115 = arith.constant 0.000000e+00 : f32
    %neg3A_2116 = vector.broadcast %neg3A_2115 : f32 to vector<128x1xf32>
    %neg3A_2117 = arith.subf %neg3A_2116, %add3A_2114 : vector<128x1xf32>
    %exp3A_2118 = math.exp %neg3A_2117 : vector<128x1xf32>
    %add3A_2119 = arith.constant 1.000000e+00 : f32
    %add3A_2120 = vector.broadcast %add3A_2119 : f32 to vector<128x1xf32>
    %add3A_2121 = arith.addf %add3A_2120, %exp3A_2118 : vector<128x1xf32>
    %div3A_2122 = arith.constant 1.000000e+00 : f32
    %div3A_2123 = vector.broadcast %div3A_2122 : f32 to vector<128x1xf32>
    %div3A_2124 = arith.divf %div3A_2123, %add3A_2121 : vector<128x1xf32>
    %get3A_2125 = arith.constant 0 : index
    %get3A_2126 = arith.constant 7 : index
    %get3A_2127 = vector.load %arg26[%get3A_2125, %get3A_2126] : memref<128x8xf32, #tpu.memory_space<vmem>>, vector<128x1xf32>
    %lt3A_2128 = arith.cmpf olt, %get3A_2127, %div3A_2124 : vector<128x1xf32>
    %convert_element_type3A_2129 = arith.extui %lt3A_2128 : vector<128x1xi1> to vector<128x1xi32>
    %convert_element_type3A_2130 = arith.sitofp %convert_element_type3A_2129 : vector<128x1xi32> to vector<128x1xf32>
    %add3A_2131 = arith.constant 1.000000e-18 : f32
    %add3A_2132 = vector.broadcast %add3A_2131 : f32 to vector<128x1xf32>
    %add3A_2133 = arith.addf %div3A_2124, %add3A_2132 : vector<128x1xf32>
    %log3A_2134 = math.log %add3A_2133 : vector<128x1xf32>
    %mul3A_2135 = arith.mulf %convert_element_type3A_2130, %log3A_2134 : vector<128x1xf32>
    %sub3A_2136 = arith.constant 1.000000e+00 : f32
    %sub3A_2137 = vector.broadcast %sub3A_2136 : f32 to vector<128x1xf32>
    %sub3A_2138 = arith.subf %sub3A_2137, %convert_element_type3A_2130 : vector<128x1xf32>
    %sub3A_2139 = arith.constant 1.000000e+00 : f32
    %sub3A_2140 = vector.broadcast %sub3A_2139 : f32 to vector<128x1xf32>
    %sub3A_2141 = arith.subf %sub3A_2140, %div3A_2124 : vector<128x1xf32>
    %add3A_2142 = arith.constant 1.000000e-18 : f32
    %add3A_2143 = vector.broadcast %add3A_2142 : f32 to vector<128x1xf32>
    %add3A_2144 = arith.addf %sub3A_2141, %add3A_2143 : vector<128x1xf32>
    %log3A_2145 = math.log %add3A_2144 : vector<128x1xf32>
    %mul3A_2146 = arith.mulf %sub3A_2138, %log3A_2145 : vector<128x1xf32>
    %add3A_2147 = arith.addf %mul3A_2135, %mul3A_2146 : vector<128x1xf32>
    %mul3A_2148 = arith.mulf %convert_element_type3A_2074, %add3A_2147 : vector<128x1xf32>
    %add3A_2149 = arith.addf %add3A_2029, %mul3A_2148 : vector<128x1xf32>
    %not3A_2150 = arith.constant dense<true> : vector<128x1xi1>
    %not3A_2151 = arith.xori %lt3A_2128, %not3A_2150 : vector<128x1xi1>
    %and3A_2152 = arith.andi %and3A_2072, %not3A_2151 : vector<128x1xi1>
    %convert_element_type3A_2153 = arith.extui %and3A_2152 : vector<128x1xi1> to vector<128x1xi32>
    %convert_element_type3A_2154 = arith.sitofp %convert_element_type3A_2153 : vector<128x1xi32> to vector<128x1xf32>
    %convert_element_type3A_2155 = arith.extui %and3A_2152 : vector<128x1xi1> to vector<128x1xi32>
    %add3A_2156 = arith.addi %add3A_1860, %convert_element_type3A_2155 : vector<128x1xi32>
    %get3A_2157 = arith.constant 0 : index
    %get3A_2158 = arith.constant 0 : index
    %get3A_2159 = vector.load %arg7[%get3A_2157, %get3A_2158] : memref<128x256xf32, #tpu.memory_space<vmem>>, vector<128x256xf32>
    %dot_general3A_2160 = arith.constant dense<0.000000e+00> : vector<128x256xf32>
    %dot_general3A_2161 = tpu.matmul %add3A_2068, %get3A_2159, %dot_general3A_2160 {dimension_numbers = #tpu.dot_dimension_numbers<[1], [0], [0], [1], [0, 0, 1, 1], [], []>, transpose_lhs_hint = false} : vector<128x128xf32>, vector<128x256xf32>, vector<128x256xf32> -> vector<128x256xf32>
    %get3A_2162 = arith.constant 0 : index
    %get3A_2163 = arith.constant 0 : index
    %get3A_2164 = vector.load %arg8[%get3A_2162, %get3A_2163] : memref<1x256xf32, #tpu.memory_space<vmem>>, vector<1x256xf32>
    %add3A_2165 = vector.broadcast %get3A_2164 : vector<1x256xf32> to vector<128x256xf32>
    %add3A_2166 = arith.addf %dot_general3A_2161, %add3A_2165 : vector<128x256xf32>
    %max3A_2167 = arith.constant 0.000000e+00 : f32
    %max3A_2168 = vector.broadcast %max3A_2167 : f32 to vector<128x256xf32>
    %max3A_2169 = arith.maximumf %add3A_2166, %max3A_2168 : vector<128x256xf32>
    %get3A_2170 = arith.constant 0 : index
    %get3A_2171 = arith.constant 0 : index
    %get3A_2172 = vector.load %arg9[%get3A_2170, %get3A_2171] : memref<256x256xf32, #tpu.memory_space<vmem>>, vector<256x256xf32>
    %dot_general3A_2173 = arith.constant dense<0.000000e+00> : vector<128x256xf32>
    %dot_general3A_2174 = tpu.matmul %max3A_2169, %get3A_2172, %dot_general3A_2173 {dimension_numbers = #tpu.dot_dimension_numbers<[1], [0], [0], [1], [0, 0, 1, 1], [], []>, transpose_lhs_hint = false} : vector<128x256xf32>, vector<256x256xf32>, vector<128x256xf32> -> vector<128x256xf32>
    %get3A_2175 = arith.constant 0 : index
    %get3A_2176 = arith.constant 0 : index
    %get3A_2177 = vector.load %arg10[%get3A_2175, %get3A_2176] : memref<1x256xf32, #tpu.memory_space<vmem>>, vector<1x256xf32>
    %add3A_2178 = vector.broadcast %get3A_2177 : vector<1x256xf32> to vector<128x256xf32>
    %add3A_2179 = arith.addf %dot_general3A_2174, %add3A_2178 : vector<128x256xf32>
    %max3A_2180 = arith.constant 0.000000e+00 : f32
    %max3A_2181 = vector.broadcast %max3A_2180 : f32 to vector<128x256xf32>
    %max3A_2182 = arith.maximumf %add3A_2179, %max3A_2181 : vector<128x256xf32>
    %get3A_2183 = arith.constant 0 : index
    %get3A_2184 = arith.constant 0 : index
    %get3A_2185 = vector.load %arg11[%get3A_2183, %get3A_2184] : memref<256x2048xf32, #tpu.memory_space<vmem>>, vector<256x2048xf32>
    %dot_general3A_2186 = arith.constant dense<0.000000e+00> : vector<128x2048xf32>
    %dot_general3A_2187 = tpu.matmul %max3A_2182, %get3A_2185, %dot_general3A_2186 {dimension_numbers = #tpu.dot_dimension_numbers<[1], [0], [0], [1], [0, 0, 1, 1], [], []>, transpose_lhs_hint = false} : vector<128x256xf32>, vector<256x2048xf32>, vector<128x2048xf32> -> vector<128x2048xf32>
    %get3A_2188 = arith.constant 0 : index
    %get3A_2189 = arith.constant 0 : index
    %get3A_2190 = vector.load %arg12[%get3A_2188, %get3A_2189] : memref<1x2048xf32, #tpu.memory_space<vmem>>, vector<1x2048xf32>
    %add3A_2191 = vector.broadcast %get3A_2190 : vector<1x2048xf32> to vector<128x2048xf32>
    %add3A_2192 = arith.addf %dot_general3A_2187, %add3A_2191 : vector<128x2048xf32>
    %reduce_max3A_2193 = arith.constant dense<0xFF800000> : vector<128xf32>
    %reduce_max3A_2194 = vector.multi_reduction <maximumf>, %add3A_2192, %reduce_max3A_2193 [1] : vector<128x2048xf32> to vector<128xf32>
    %broadcast_in_dim3A_2195 = vector.shape_cast %reduce_max3A_2194 : vector<128xf32> to vector<128x1xf32>
    %sub3A_2196 = vector.broadcast %broadcast_in_dim3A_2195 : vector<128x1xf32> to vector<128x2048xf32>
    %sub3A_2197 = arith.subf %add3A_2192, %sub3A_2196 : vector<128x2048xf32>
    %exp3A_2198 = math.exp %sub3A_2197 : vector<128x2048xf32>
    %reduce_sum3A_2199 = arith.constant dense<0.000000e+00> : vector<128xf32>
    %reduce_sum3A_2200 = vector.multi_reduction <add>, %exp3A_2198, %reduce_sum3A_2199 [1] : vector<128x2048xf32> to vector<128xf32>
    %broadcast_in_dim3A_2201 = vector.shape_cast %reduce_sum3A_2200 : vector<128xf32> to vector<128x1xf32>
    %log3A_2202 = math.log %broadcast_in_dim3A_2201 : vector<128x1xf32>
    %sub3A_2203 = vector.broadcast %log3A_2202 : vector<128x1xf32> to vector<128x2048xf32>
    %sub3A_2204 = arith.subf %sub3A_2197, %sub3A_2203 : vector<128x2048xf32>
    %get3A_2205 = arith.constant 0 : index
    %get3A_2206 = arith.constant 0 : index
    %get3A_2207 = vector.load %arg34[%get3A_2205, %get3A_2206] : memref<128x2048xf32, #tpu.memory_space<vmem>>, vector<128x2048xf32>
    %add3A_2208 = arith.addf %sub3A_2204, %get3A_2207 : vector<128x2048xf32>
    %reduce_max3A_2209 = arith.constant dense<0xFF800000> : vector<128xf32>
    %reduce_max3A_2210 = vector.multi_reduction <maximumf>, %add3A_2208, %reduce_max3A_2209 [1] : vector<128x2048xf32> to vector<128xf32>
    %broadcast_in_dim3A_2211 = vector.shape_cast %reduce_max3A_2210 : vector<128xf32> to vector<128x1xf32>
    %iota3A_2212 = tpu.iota {dimensions = array<i32: 1>} : vector<128x2048xi32>
    %eq3A_2213 = vector.broadcast %broadcast_in_dim3A_2211 : vector<128x1xf32> to vector<128x2048xf32>
    %eq3A_2214 = arith.cmpf oeq, %add3A_2208, %eq3A_2213 : vector<128x2048xf32>
    %jit3A_2215 = arith.constant 2048 : i32
    %broadcast_in_dim3A_2216 = vector.broadcast %jit3A_2215 : i32 to vector<128x2048xi32>
    %select_n3A_2217 = arith.select %eq3A_2214, %iota3A_2212, %broadcast_in_dim3A_2216 : vector<128x2048xi1>, vector<128x2048xi32>
    %reduce_min3A_2218 = arith.constant dense<2147483647> : vector<128xi32>
    %reduce_min3A_2219 = vector.multi_reduction <minsi>, %select_n3A_2217, %reduce_min3A_2218 [1] : vector<128x2048xi32> to vector<128xi32>
    %broadcast_in_dim3A_2220 = vector.shape_cast %reduce_min3A_2219 : vector<128xi32> to vector<128x1xi32>
    %eq3A_2221 = vector.broadcast %broadcast_in_dim3A_2220 : vector<128x1xi32> to vector<128x2048xi32>
    %eq3A_2222 = arith.cmpi eq, %iota3A, %eq3A_2221 : vector<128x2048xi32>
    %convert_element_type3A_2223 = arith.extui %eq3A_2222 : vector<128x2048xi1> to vector<128x2048xi32>
    %convert_element_type3A_2224 = arith.sitofp %convert_element_type3A_2223 : vector<128x2048xi32> to vector<128x2048xf32>
    %mul3A_2225 = arith.mulf %sub3A_2204, %convert_element_type3A_2224 : vector<128x2048xf32>
    %reduce_sum3A_2226 = arith.constant dense<0.000000e+00> : vector<128xf32>
    %reduce_sum3A_2227 = vector.multi_reduction <add>, %mul3A_2225, %reduce_sum3A_2226 [1] : vector<128x2048xf32> to vector<128xf32>
    %broadcast_in_dim3A_2228 = vector.shape_cast %reduce_sum3A_2227 : vector<128xf32> to vector<128x1xf32>
    %get3A_2229 = arith.constant 0 : index
    %get3A_2230 = arith.constant 0 : index
    %get3A_2231 = vector.load %arg6[%get3A_2229, %get3A_2230] : memref<2048x128xf32, #tpu.memory_space<vmem>>, vector<2048x128xf32>
    %dot_general3A_2232 = arith.constant dense<0.000000e+00> : vector<128x128xf32>
    %dot_general3A_2233 = tpu.matmul %convert_element_type3A_2224, %get3A_2231, %dot_general3A_2232 {dimension_numbers = #tpu.dot_dimension_numbers<[1], [0], [0], [1], [0, 0, 1, 1], [], []>, transpose_lhs_hint = false} : vector<128x2048xf32>, vector<2048x128xf32>, vector<128x128xf32> -> vector<128x128xf32>
    %get3A_2234 = arith.constant 0 : index
    %get3A_2235 = arith.constant 0 : index
    %get3A_2236 = vector.load %arg13[%get3A_2234, %get3A_2235] : memref<128x256xf32, #tpu.memory_space<vmem>>, vector<128x256xf32>
    %dot_general3A_2237 = arith.constant dense<0.000000e+00> : vector<128x256xf32>
    %dot_general3A_2238 = tpu.matmul %add3A_2068, %get3A_2236, %dot_general3A_2237 {dimension_numbers = #tpu.dot_dimension_numbers<[1], [0], [0], [1], [0, 0, 1, 1], [], []>, transpose_lhs_hint = false} : vector<128x128xf32>, vector<128x256xf32>, vector<128x256xf32> -> vector<128x256xf32>
    %get3A_2239 = arith.constant 0 : index
    %get3A_2240 = arith.constant 0 : index
    %get3A_2241 = vector.load %arg14[%get3A_2239, %get3A_2240] : memref<128x256xf32, #tpu.memory_space<vmem>>, vector<128x256xf32>
    %dot_general3A_2242 = arith.constant dense<0.000000e+00> : vector<128x256xf32>
    %dot_general3A_2243 = tpu.matmul %dot_general3A_2233, %get3A_2241, %dot_general3A_2242 {dimension_numbers = #tpu.dot_dimension_numbers<[1], [0], [0], [1], [0, 0, 1, 1], [], []>, transpose_lhs_hint = false} : vector<128x128xf32>, vector<128x256xf32>, vector<128x256xf32> -> vector<128x256xf32>
    %add3A_2244 = arith.addf %dot_general3A_2238, %dot_general3A_2243 : vector<128x256xf32>
    %get3A_2245 = arith.constant 0 : index
    %get3A_2246 = arith.constant 0 : index
    %get3A_2247 = vector.load %arg15[%get3A_2245, %get3A_2246] : memref<1x256xf32, #tpu.memory_space<vmem>>, vector<1x256xf32>
    %add3A_2248 = vector.broadcast %get3A_2247 : vector<1x256xf32> to vector<128x256xf32>
    %add3A_2249 = arith.addf %add3A_2244, %add3A_2248 : vector<128x256xf32>
    %max3A_2250 = arith.constant 0.000000e+00 : f32
    %max3A_2251 = vector.broadcast %max3A_2250 : f32 to vector<128x256xf32>
    %max3A_2252 = arith.maximumf %add3A_2249, %max3A_2251 : vector<128x256xf32>
    %get3A_2253 = arith.constant 0 : index
    %get3A_2254 = arith.constant 0 : index
    %get3A_2255 = vector.load %arg16[%get3A_2253, %get3A_2254] : memref<256x256xf32, #tpu.memory_space<vmem>>, vector<256x256xf32>
    %dot_general3A_2256 = arith.constant dense<0.000000e+00> : vector<128x256xf32>
    %dot_general3A_2257 = tpu.matmul %max3A_2252, %get3A_2255, %dot_general3A_2256 {dimension_numbers = #tpu.dot_dimension_numbers<[1], [0], [0], [1], [0, 0, 1, 1], [], []>, transpose_lhs_hint = false} : vector<128x256xf32>, vector<256x256xf32>, vector<128x256xf32> -> vector<128x256xf32>
    %get3A_2258 = arith.constant 0 : index
    %get3A_2259 = arith.constant 0 : index
    %get3A_2260 = vector.load %arg17[%get3A_2258, %get3A_2259] : memref<1x256xf32, #tpu.memory_space<vmem>>, vector<1x256xf32>
    %add3A_2261 = vector.broadcast %get3A_2260 : vector<1x256xf32> to vector<128x256xf32>
    %add3A_2262 = arith.addf %dot_general3A_2257, %add3A_2261 : vector<128x256xf32>
    %max3A_2263 = arith.constant 0.000000e+00 : f32
    %max3A_2264 = vector.broadcast %max3A_2263 : f32 to vector<128x256xf32>
    %max3A_2265 = arith.maximumf %add3A_2262, %max3A_2264 : vector<128x256xf32>
    %get3A_2266 = arith.constant 0 : index
    %get3A_2267 = arith.constant 0 : index
    %get3A_2268 = vector.load %arg18[%get3A_2266, %get3A_2267] : memref<256x256xf32, #tpu.memory_space<vmem>>, vector<256x256xf32>
    %dot_general3A_2269 = arith.constant dense<0.000000e+00> : vector<128x256xf32>
    %dot_general3A_2270 = tpu.matmul %max3A_2265, %get3A_2268, %dot_general3A_2269 {dimension_numbers = #tpu.dot_dimension_numbers<[1], [0], [0], [1], [0, 0, 1, 1], [], []>, transpose_lhs_hint = false} : vector<128x256xf32>, vector<256x256xf32>, vector<128x256xf32> -> vector<128x256xf32>
    %get3A_2271 = arith.constant 0 : index
    %get3A_2272 = arith.constant 0 : index
    %get3A_2273 = vector.load %arg19[%get3A_2271, %get3A_2272] : memref<1x256xf32, #tpu.memory_space<vmem>>, vector<1x256xf32>
    %add3A_2274 = vector.broadcast %get3A_2273 : vector<1x256xf32> to vector<128x256xf32>
    %add3A_2275 = arith.addf %dot_general3A_2270, %add3A_2274 : vector<128x256xf32>
    %jit3A_2276 = arith.constant 0 : i32
    %broadcast_in_dim3A_2277 = vector.broadcast %jit3A_2276 : i32 to vector<128x2048xi32>
    %select_n3A_2278 = arith.select %eq3A_2222, %select_n3A_2033, %broadcast_in_dim3A_2277 : vector<128x2048xi1>, vector<128x2048xi32>
    %reduce_sum3A_2279 = arith.constant dense<0> : vector<128xi32>
    %reduce_sum3A_2280 = vector.multi_reduction <add>, %select_n3A_2278, %reduce_sum3A_2279 [1] : vector<128x2048xi32> to vector<128xi32>
    %broadcast_in_dim3A_2281 = vector.shape_cast %reduce_sum3A_2280 : vector<128xi32> to vector<128x1xi32>
    %eq3A_2282 = vector.broadcast %broadcast_in_dim3A_2281 : vector<128x1xi32> to vector<128x256xi32>
    %eq3A_2283 = arith.cmpi eq, %iota3A_16, %eq3A_2282 : vector<128x256xi32>
    %jit3A_2284 = arith.constant -1.000000e+06 : f32
    %broadcast_in_dim3A_2285 = vector.broadcast %jit3A_2284 : f32 to vector<128x256xf32>
    %select_n3A_2286 = arith.select %eq3A_2283, %broadcast_in_dim3A_2285, %add3A_2275 : vector<128x256xi1>, vector<128x256xf32>
    %reduce_max3A_2287 = arith.constant dense<0xFF800000> : vector<128xf32>
    %reduce_max3A_2288 = vector.multi_reduction <maximumf>, %select_n3A_2286, %reduce_max3A_2287 [1] : vector<128x256xf32> to vector<128xf32>
    %broadcast_in_dim3A_2289 = vector.shape_cast %reduce_max3A_2288 : vector<128xf32> to vector<128x1xf32>
    %sub3A_2290 = vector.broadcast %broadcast_in_dim3A_2289 : vector<128x1xf32> to vector<128x256xf32>
    %sub3A_2291 = arith.subf %select_n3A_2286, %sub3A_2290 : vector<128x256xf32>
    %exp3A_2292 = math.exp %sub3A_2291 : vector<128x256xf32>
    %reduce_sum3A_2293 = arith.constant dense<0.000000e+00> : vector<128xf32>
    %reduce_sum3A_2294 = vector.multi_reduction <add>, %exp3A_2292, %reduce_sum3A_2293 [1] : vector<128x256xf32> to vector<128xf32>
    %broadcast_in_dim3A_2295 = vector.shape_cast %reduce_sum3A_2294 : vector<128xf32> to vector<128x1xf32>
    %log3A_2296 = math.log %broadcast_in_dim3A_2295 : vector<128x1xf32>
    %sub3A_2297 = vector.broadcast %log3A_2296 : vector<128x1xf32> to vector<128x256xf32>
    %sub3A_2298 = arith.subf %sub3A_2291, %sub3A_2297 : vector<128x256xf32>
    %get3A_2299 = arith.constant 0 : index
    %get3A_2300 = arith.constant 0 : index
    %get3A_2301 = vector.load %arg42[%get3A_2299, %get3A_2300] : memref<128x256xf32, #tpu.memory_space<vmem>>, vector<128x256xf32>
    %add3A_2302 = arith.addf %sub3A_2298, %get3A_2301 : vector<128x256xf32>
    %reduce_max3A_2303 = arith.constant dense<0xFF800000> : vector<128xf32>
    %reduce_max3A_2304 = vector.multi_reduction <maximumf>, %add3A_2302, %reduce_max3A_2303 [1] : vector<128x256xf32> to vector<128xf32>
    %broadcast_in_dim3A_2305 = vector.shape_cast %reduce_max3A_2304 : vector<128xf32> to vector<128x1xf32>
    %iota3A_2306 = tpu.iota {dimensions = array<i32: 1>} : vector<128x256xi32>
    %eq3A_2307 = vector.broadcast %broadcast_in_dim3A_2305 : vector<128x1xf32> to vector<128x256xf32>
    %eq3A_2308 = arith.cmpf oeq, %add3A_2302, %eq3A_2307 : vector<128x256xf32>
    %jit3A_2309 = arith.constant 256 : i32
    %broadcast_in_dim3A_2310 = vector.broadcast %jit3A_2309 : i32 to vector<128x256xi32>
    %select_n3A_2311 = arith.select %eq3A_2308, %iota3A_2306, %broadcast_in_dim3A_2310 : vector<128x256xi1>, vector<128x256xi32>
    %reduce_min3A_2312 = arith.constant dense<2147483647> : vector<128xi32>
    %reduce_min3A_2313 = vector.multi_reduction <minsi>, %select_n3A_2311, %reduce_min3A_2312 [1] : vector<128x256xi32> to vector<128xi32>
    %broadcast_in_dim3A_2314 = vector.shape_cast %reduce_min3A_2313 : vector<128xi32> to vector<128x1xi32>
    %eq3A_2315 = vector.broadcast %broadcast_in_dim3A_2314 : vector<128x1xi32> to vector<128x256xi32>
    %eq3A_2316 = arith.cmpi eq, %iota3A_16, %eq3A_2315 : vector<128x256xi32>
    %convert_element_type3A_2317 = arith.extui %eq3A_2316 : vector<128x256xi1> to vector<128x256xi32>
    %convert_element_type3A_2318 = arith.sitofp %convert_element_type3A_2317 : vector<128x256xi32> to vector<128x256xf32>
    %mul3A_2319 = arith.mulf %sub3A_2298, %convert_element_type3A_2318 : vector<128x256xf32>
    %reduce_sum3A_2320 = arith.constant dense<0.000000e+00> : vector<128xf32>
    %reduce_sum3A_2321 = vector.multi_reduction <add>, %mul3A_2319, %reduce_sum3A_2320 [1] : vector<128x256xf32> to vector<128xf32>
    %broadcast_in_dim3A_2322 = vector.shape_cast %reduce_sum3A_2321 : vector<128xf32> to vector<128x1xf32>
    %add3A_2323 = arith.addf %broadcast_in_dim3A_2228, %broadcast_in_dim3A_2322 : vector<128x1xf32>
    %mul3A_2324 = arith.mulf %convert_element_type3A_2154, %add3A_2323 : vector<128x1xf32>
    %add3A_2325 = arith.addf %add3A_2149, %mul3A_2324 : vector<128x1xf32>
    %select_n3A_2326 = arith.select %and3A_2152, %broadcast_in_dim3A_2314, %broadcast_in_dim3A_2281 : vector<128x1xi1>, vector<128x1xi32>
    %broadcast_in_dim3A_2327 = vector.shape_cast %select_n3A_2326 : vector<128x1xi32> to vector<128x1xi32>
    %broadcast_in_dim3A_2328 = vector.broadcast %broadcast_in_dim3A_2327 : vector<128x1xi32> to vector<128x2048xi32>
    %select_n3A_2329 = arith.select %eq3A_2222, %broadcast_in_dim3A_2328, %select_n3A_2033 : vector<128x2048xi1>, vector<128x2048xi32>
    %swap3A = arith.constant 0 : index
    %swap3A_2330 = arith.constant 0 : index
    %swap3A_2331 = vector.load %arg43[%swap3A, %swap3A_2330] : memref<128x2048xi32, #tpu.memory_space<vmem>>, vector<128x2048xi32>
    tpu.vector_store %arg43[%swap3A, %swap3A_2330], %select_n3A_2329 {strides = array<i32>} : memref<128x2048xi32, #tpu.memory_space<vmem>>, vector<128x2048xi32>,
    %swap3A_2332 = arith.constant 0 : index
    %swap3A_2333 = arith.constant 0 : index
    %swap3A_2334 = vector.load %arg44[%swap3A_2332, %swap3A_2333] : memref<128x1xi32, #tpu.memory_space<vmem>>, vector<128x1xi32>
    tpu.vector_store %arg44[%swap3A_2332, %swap3A_2333], %add3A_2156 {strides = array<i32>} : memref<128x1xi32, #tpu.memory_space<vmem>>, vector<128x1xi32>,
    %swap3A_2335 = arith.constant 0 : index
    %swap3A_2336 = arith.constant 0 : index
    %swap3A_2337 = vector.load %arg45[%swap3A_2335, %swap3A_2336] : memref<128x1xf32, #tpu.memory_space<vmem>>, vector<128x1xf32>
    tpu.vector_store %arg45[%swap3A_2335, %swap3A_2336], %add3A_2325 {strides = array<i32>} : memref<128x1xf32, #tpu.memory_space<vmem>>, vector<128x1xf32>,
    return
  }
}

</mosaic_0001>

<sc_bundles>
// kernel: kernel.4.cloned.1.call-start
scs
__scs_entry_jumppad:
0x0: {  	(pc) =	sbr.rel $0x88, $3  }
0x1: {  	(tag) =	ssettag $0x0;
	lr =	simm.s32 $0x1  }
0x2: {  	[smem:$0x3F89] =	sst lr;
	_ =	strace $0xD0000000  }
0x3: {  	_ = 	snop  }
0x4: {  	_ = 	snop  }
0x5: {  	_ = 	snop  }
0x6: {  	_ = 	snop  }
0x7: {  	_ = 	snop  }
__scs_overlays_trampoline_lowered:
0x8: {  	[smem:$0x3F98] =	sst s0  }
0x9: {  	[smem:$0x3F99] =	sst s1  }
0xa: {  	[smem:$0x3F9A] =	sst s2  }
0xb: {  	[smem:$0x3F9B] =	sst s3  }
0xc: {  	[smem:$0x3F9C] =	sst s4  }
0xd: {  	[smem:$0x3F9D] =	sst s5  }
0xe: {  	[smem:$0x3F9E] =	sst s6  }
0xf: {  	[smem:$0x3F9F] =	sst s7  }
0x10: {  	[smem:$0x3FA0] =	sst s8  }
0x11: {  	[smem:$0x3FA1] =	sst s9;
	s0 =	simm.s32 @!p0 $0x0  }
0x12: {  	s1 =	sld [smem:$0x3F87];
	s0 =	simm.s32 @p0 $0x1  }
0x13: {  	[smem:$0x3FA2] =	sst s0;
	s0 =	simm.s32 @!p1 $0x0  }
0x14: {  	s2 =	sld [smem:$0x3F86];
	s0 =	simm.s32 @p1 $0x1  }
0x15: {  	[smem:$0x3FA3] =	sst s0;
	s0 =	simm.s32 @!p2 $0x0  }
0x16: {  	s3 =	sld [smem:$0x3FDB];
	s0 =	simm.s32 @p2 $0x1  }
0x17: {  	s4 =	simm.s32 $0x1BF5;
	[smem:$0x3FA5] =	sst s0  }
0x18: {  	s0 =	sld [smem:$0x3F88];
	_ =	swait.ge [sflag:s4], $0x0  }
0x19: {  	s7 =	sld [smem:$0x3F89]  }
0x1a: {  	s8 =	sadd.s32 $0xFFFFE003, lr  }
0x1b: {  	s9 =	sadd.s32 $0xFFFFFEF7, lr;
	s5 =	simm.s32 $0xFFFFFFFF;
	p2 =	slt.u32 s8, $0xFFFFF086  }
0x1c: {  	p1 =	slt.u32 s9, $0xF7A;
	s5 =	simm.s32 @!p2 $0x0  }
0x1d: {  	s5 =	simm.s32 @p1 $0x1;
	p0 =	seq.s32 s7, s2  }
0x1e: {  	s7 =	smul.u32 @!p0 $0xF7A, s2;
	p2 =	seq.s32 @!p0 s5, $0x0  }
0x1f: {  	s9 =	smul.u32 $0xF7A, s1;
	s8 =	simm.s32 @!p0 $0x1BF5;
	p2 =	por !p2, p0  }
0x20: {  	[sflag:s8] =	ssyncset.s32 @!p0 $0xFFFFF086;
	s6 =	sadd.s32 @!p0 s3, s7;
	s7 =	simm.s32 @!p0 $0x108  }
0x21: {  	s3 =	sadd.s32 s3, s9;
	s6 =	sadd.s32 @!p0 $0x88, s6;
	s7 =	simm.s32 @p2 $0x1082  }
0x22: {  	[simem:s7], [sflag:s8] =	dma.local @!p0 [hbm:s6], $0xF7A  }
0x23: {  	s9 =	sor.u32 $0xD0000000, s2;
	s6 =	simm.s32 $0x108;
	_ =	swait.ge @!p0 [sflag:s8], $0x0  }
0x24: {  	s3 =	sadd.s32 $0x88, s3;
	s6 =	simm.s32 @!p1 $0x1082;
	[sflag:s4] =	ssyncset.s32 $0xFFFFF086  }
0x25: {  	[simem:s6], [sflag:s4] =	dma.local [hbm:s3], $0xF7A  }
0x26: {  	[smem:$0x3F89] =	sst s1;
	(tag) =	ssettag s2;
	_ =	strace s9  }
0x27: {  	s1 =	sld [smem:$0x3F99]  }
0x28: {  	s2 =	sld [smem:$0x3F9A]  }
0x29: {  	s4 =	sld [smem:$0x3F9C]  }
0x2a: {  	p0 =	seq.s32 s5, $0x0;
	s5 =	sld [smem:$0x3F9D]  }
0x2b: {  	s6 =	sld [smem:$0x3F9E]  }
0x2c: {  	s7 =	sld [smem:$0x3F9F]  }
0x2d: {  	s3 =	simm.s32 $0x108;
	s8 =	sld [smem:$0x3FA0]  }
0x2e: {  	s3 =	simm.s32 @!p0 $0x1082;
	s9 =	sld [smem:$0x3FA1]  }
0x2f: {  	lr =	sadd.s32 s0, s3;
	s0 =	sld [smem:$0x3F98]  }
0x30: {  	s3 =	sld [smem:$0x3F9B]  }
0x31: {  	[smem:$0x3FA4] =	sst s10  }
0x32: {  	s10 =	sld [smem:$0x3FA2];
	_ =	sdelay $0x3  }
0x33: {  	p0 =	seq.s32 s10, $0x1;
	s10 =	sld [smem:$0x3FA4];
	_ =	sdelay $0x3  }
0x34: {  	[smem:$0x3FA4] =	sst s10  }
0x35: {  	s10 =	sld [smem:$0x3FA3];
	_ =	sdelay $0x3  }
0x36: {  	p1 =	seq.s32 s10, $0x1;
	s10 =	sld [smem:$0x3FA4];
	_ =	sdelay $0x3  }
0x37: {  	[smem:$0x3FA4] =	sst s10  }
0x38: {  	s10 =	sld [smem:$0x3FA5]  }
0x39: {  	_ = 	snop;
	(pc) =	sbr.ind lr, $3  }
0x3a: {  	_ = 	snop  }
0x3b: {  	_ = 	snop  }
0x3c: {  	p2 =	seq.s32 s10, $0x1;
	s10 =	sld [smem:$0x3FA4]  }
0x3d: {  	_ =	shalt  }
0x3e: {  	_ =	shalt  }
0x3f: {  	_ =	shalt  }
0x40: {  	_ =	shalt  }
0x41: {  	_ =	shalt  }
0x42: {  	_ =	shalt  }
0x43: {  	_ =	shalt  }
0x44: {  	_ =	shalt  }
0x45: {  	_ =	shalt  }
0x46: {  	_ =	shalt  }
0x47: {  	_ =	shalt  }
0x48: {  	_ =	shalt  }
0x49: {  	_ =	shalt  }
0x4a: {  	_ =	shalt  }
0x4b: {  	_ =	shalt  }
0x4c: {  	_ =	shalt  }
0x4d: {  	_ =	shalt  }
0x4e: {  	_ =	shalt  }
0x4f: {  	_ =	shalt  }
0x50: {  	_ =	shalt  }
0x51: {  	_ =	shalt  }
0x52: {  	_ =	shalt  }
0x53: {  	_ =	shalt  }
0x54: {  	_ =	shalt  }
0x55: {  	_ =	shalt  }
0x56: {  	_ =	shalt  }
0x57: {  	_ =	shalt  }
0x58: {  	_ =	shalt  }
0x59: {  	_ =	shalt  }
0x5a: {  	_ =	shalt  }
0x5b: {  	_ =	shalt  }
0x5c: {  	_ =	shalt  }
0x5d: {  	_ =	shalt  }
0x5e: {  	_ =	shalt  }
0x5f: {  	_ =	shalt  }
0x60: {  	_ =	shalt  }
0x61: {  	_ =	shalt  }
0x62: {  	_ =	shalt  }
0x63: {  	_ =	shalt  }
0x64: {  	_ =	shalt  }
0x65: {  	_ =	shalt  }
0x66: {  	_ =	shalt  }
0x67: {  	_ =	shalt  }
0x68: {  	_ =	shalt  }
0x69: {  	_ =	shalt  }
0x6a: {  	_ =	shalt  }
0x6b: {  	_ =	shalt  }
0x6c: {  	_ =	shalt  }
0x6d: {  	_ =	shalt  }
0x6e: {  	_ =	shalt  }
0x6f: {  	_ =	shalt  }
0x70: {  	_ =	shalt  }
0x71: {  	_ =	shalt  }
0x72: {  	_ =	shalt  }
0x73: {  	_ =	shalt  }
0x74: {  	_ =	shalt  }
0x75: {  	_ =	shalt  }
0x76: {  	_ =	shalt  }
0x77: {  	_ =	shalt  }
0x78: {  	_ =	shalt  }
0x79: {  	_ =	shalt  }
0x7a: {  	_ =	shalt  }
0x7b: {  	_ =	shalt  }
0x7c: {  	_ =	shalt  }
0x7d: {  	_ =	shalt  }
0x7e: {  	_ =	shalt  }
0x7f: {  	_ =	shalt  }
0x80: {  	_ =	shalt  }
0x81: {  	_ =	shalt  }
0x82: {  	_ =	shalt  }
0x83: {  	_ =	shalt  }
0x84: {  	_ =	shalt  }
0x85: {  	_ =	shalt  }
0x86: {  	_ =	shalt  }
0x87: {  	_ =	shalt  }
.Lfunc_end0:
.L_simem_size_0:
called_computation_lowered:
.L_overlay_start_0:
0x88: {  	s2 =	sld [smem:$0x3FD9]  }
0x89: {  	s3 =	sld [smem:$0x3FFE];
	_ =	sdelay $0x1  }
0x8a: {  	s1 =	srdreg.scid  }
0x8b: {  	s0 =	sand.u32 $0x1, s1  }
0x8c: {  	s14 =	sshll.u32 s0, $0xA;
	s2 =	sadd.s32 s3, s2  }
0x8d: {  	s2 =	sadd.s32 s2, s14  }
0x8e: {  	[smem:$0x3FB0] =	sst s2  }
0x8f: {  	_ = 	snop  }
0x90: {  	s2 =	sld [smem:$0x3FD0];
	_ =	sdelay $0x2  }
0x91: {  	s15 =	simm.s32 $0xA;
	s4 =	simm.s32 $0x10  }
0x92: {  	[smem:s4], [sflag:s15] =	dma.local [hbm:s2], $0x1  }
0x93: {  	_ =	swait.eq [sflag:s15], $0x1  }
0x94: {  	[sflag:s15] =	ssyncset.done $0x0  }
0x95: {  	s16 =	sld [smem:$0x10];
	[sflag:s15] =	ssyncadd.s32 $0xFFFFFFFF  }
0x96: {  	s17 =	sld [smem:$0x13];
	(tm) =	ssettm $0x1  }
0x97: {  	s18 =	sld [smem:$0x3FFB];
	_ =	sdelay $0x3  }
0x98: {  	_ =	strace s18  }
0x99: {  	s4 =	sld [smem:$0x3FFC];
	_ =	sdelay $0x3  }
0x9a: {  	_ =	strace s4  }
0x9b: {  	s4 =	sld [smem:$0x3FFD];
	_ =	sdelay $0x3  }
0x9c: {  	_ =	strace s4  }
0x9d: {  	_ =	strace $0x8FFFFFFF  }
0x9e: {  	s19 =	sld [smem:$0x3FDB];
	_ =	sdelay $0x1  }
0x9f: {  	s5 =	simm.s32 $_scs_section_size  }
0xa0: {  	s6 =	simm.s32 $_size__tile_overlayer_lowered;
	s7 =	simm.s32 $_tile_overlayer_lowered  }
0xa1: {  	s22 =	simm.s32 $0x1BFF;
	s21 =	sshll.u32 s7, $0x1;
	s4 =	sadd.s32 s5, s19  }
0xa2: {  	s8 =	simm.s32 $0x0;
	s20 =	sshll.u32 s6, $0x1;
	s6 =	sadd.s32 s21, s4  }
0xa3: {  	[timem:s8], [sflag:s22] =	dma.local [hbm:s6], s20  }
0xa4: {  	_ =	swait.ge [sflag:s22], s20  }
0xa5: {  	s5 =	ssub.s32 $0x0, s20;
	[sflag:s22] =	ssyncset.done $0x0  }
0xa6: {  	[sflag:s22] =	ssyncadd.s32 s5;
	_ =	sdelay $0x1  }
0xa7: {  	s23 =	simm.s32 $0x1B8B  }
0xa8: {  	_ =	swait.ge [sflag:s23], $0x1  }
0xa9: {  	[sflag:s23] =	ssyncset.done $0x0  }
0xaa: {  	s25 =	simm.s32 $0x1B8E;
	s24 =	sld [smem:$0x3FFE];
	[sflag:s23] =	ssyncadd.s32 $0xFFFFFFFF  }
0xab: {  	s26 =	simm.s32 $execute0_lowered;
	[smem:$0x3FD2] =	sst s25  }
0xac: {  	s6 =	sshll.u32 s26, $0x1;
	_ =	strace $0x80000046;
	[dreg:$0x1] =	wrdreg $0xFFFFFFFF  }
0xad: {  	s28 =	simm.s32 $_size_execute0_lowered;
	s4 =	sadd.s32 s4, s6;
	[dreg:$0x0] =	wrdreg $0x0  }
0xae: {  	s6 =	sshll.u32 s28, $0x1;
	[dreg:$0x2] =	wrdreg s4  }
0xaf: {  	[dreg:$0x3] =	wrdreg s6  }
0xb0: {  	[dreg:$0x4] =	wrdreg $0xC0  }
0xb1: {  	_ =	task [dreg:s8], $0x5FFFF  }
0xb2: {  	[dreg:$0x1] =	wrdreg $0xFFFFFFFF  }
0xb3: {  	[dreg:$0x0] =	wrdreg $0x60  }
0xb4: {  	[dreg:$0x2] =	wrdreg s17  }
0xb5: {  	[dreg:$0x3] =	wrdreg s16  }
0xb6: {  	[dreg:$0x4] =	wrdreg s24  }
0xb7: {  	[dreg:$0x5] =	wrdreg $0x9  }
0xb8: {  	_ =	task.clear_ibuf [dreg:s8], $0x6FFFF;
	_ =	strace $0x90000046  }
0xb9: {  	s29 =	simm.s32 $0x9;
	_ =	strace $0x80000048  }
0xba: {  	_ =	swait.ge [sflag:s29], $0x1  }
0xbb: {  	[sflag:s29] =	ssyncadd.s32 $0xFFFFFFFF  }
0xbc: {  	_ =	strace $0x90000048  }
0xbd: {  	_ =	sfence  }
0xbe: {  	s30 =	sld [smem:$0x0];
	_ =	sdelay $0x2  }
0xbf: {  	s31 =	sshll.u32 s1, $0xD;
	s1 =	sshrl.u32 s1, $0x2  }
0xc0: {  	s3 =	sand.u32 $0x4000, s31;
	s1 =	sadd.s32 s1, s30  }
0xc1: {  	s0 =	sor.u32 s3, s0;
	s1 =	sshll.u32 s1, $0x11  }
0xc2: {  	s0 =	sor.u32 s1, s0  }
0xc3: {  	s0 =	sadd.s32 $0x8F2B, s0  }
0xc4: {  	[sflag:s0] =	ssyncadd.remote.s32 $0x1  }
0xc5: {  	_ =	sfence.sel $0xFFFF  }
0xc6: {  	[dreg:$0x0] =	wrdreg $0xFFFFFFFF;
	(pc) =	sbr.abs _section_cstart, $3  }
0xc7: {  	[dreg:$0x1] =	wrdreg $0xFFFFFFFF  }
0xc8: {  	_ =	task.clear_ibuf [dreg:s8], $0x2FFFF;
	_ =	strace $0x9FFFFFFF  }
0xc9: {  	(tm) =	ssettm $0x7FFFFFFF  }
tec
execute0_lowered:
.L_overlay_start_1:
0x0: {  	(tag) =	ssettag $0x1  }
0x1: {  	s0 =	rddreg [dreg:$0x0]  }
0x2: {  	s1 =	rddreg [dreg:$0x1]  }
0x3: {  	s4 =	rddreg [dreg:$0x2];
	s2 =	simm.s32 $0x0  }
0x4: {  	s3 =	srdreg.scid;
	s6 =	stileid.u32;
	s10 =	simm.s32 $0x5  }
0x5: {  	s11 =	simm.s32 $0x2000;
	s12 =	simm.s32 $0xC000;
	s18 =	simm.s32 $0x1  }
0x6: {  	s19 =	simm.s32 $0x10000;
	s20 =	simm.s32 $0x10010;
	s21 =	simm.s32 $0x10020  }
0x7: {  	s22 =	simm.s32 $0x10030;
	s28 =	simm.s32 $0x2;
	s29 =	simm.s32 $0x3  }
0x8: {  	s30 =	simm.s32 $0x4;
	s31 =	simm.s32 $0x0;
	[smem:$0x7FF] =	sst s2  }
0x9: {  	s5 =	sand.u32 $0x1, s3;
	s6 =	sshll.u32 s6, $0x1;
	s3 =	sadd.s32 $0x4400, s4  }
0xa: {  	s23 =	sadd.s32 $0x8400, s4;
	_ =	strace $0x80000047;
	s7 =	ssub.s32 $0x2, s5  }
0xb: {  	s6 =	sor.u32 s5, s6;
	[dreg:$0x4] =	wrdreg s23;
	s5 =	sadd.s32 $0x8C00, s4  }
.Ltmp0:
0xc: {  	v62 =	vlaneseq.u32;
	s8 =	sshrl.u32 s7, $0x1;
	s9 =	sshll.u32 s6, $0xA;
	(pc) =	sbr.rel .LBB2_1-.Ltmp0, $4  }
0xd: {  	v37 =	vor.u32 $0x30, v62;
	s23 =	simm.s32 $0x10040;
	s24 =	ssub.s32 s7, s8;
	s0 =	sadd.s32 s0, s9  }
0xe: {  	v3 =	vor.u32 $0x10, v62;
	[tilespmem:$0x1FFD0] =	vst v37;
	s25 =	sadd.s32 s1, s9;
	s9 =	sshll.u32 s6, $0x6;
	[dreg:$0x5] =	wrdreg s0  }
0xf: {  	v4 =	vor.u32 $0x20, v62;
	[tilespmem:$0x1FFE0] =	vst v3;
	[dreg:$0x6] =	wrdreg s25;
	s26 =	smax.u32 s24, $0x1;
	s24 =	simm.s32 $0x10050  }
0x10: {  	[tilespmem:$0x1FFF0] =	vst v4;
	s25 =	simm.s32 $0x10060;
	[dreg:$0x7] =	wrdreg s26;
	s26 =	simm.s32 $0x10070  }
.LBB2_19:
0x11: {  	s31 =	sadd.s32 $0x1, s31;
	s0 =	rddreg [dreg:$0x7]  }
0x12: {  	p0 =	sne.s32 s31, s0  }
.Ltmp1:
0x13: {  	_ = 	snop;
	(pc) =	sbr.rel @!p0 .LBB2_20-.Ltmp1, $1  }
0x14: {  	_ =	sdelay $0x3  }
.LBB2_1:
0x15: {  	s0 =	rddreg [dreg:$0x5]  }
0x16: {  	[tilespmem:s2], [sflag:$0x5] =	stream.linear.gather [hbm4b:s0+s2], $0x2000, $0x38;
	[tilespmem:$0x10080] =	vst v63  }
0x17: {  	_ =	swait.ge [sflag:s10], $0x2000  }
0x18: {  	[sflag:s10] =	ssyncset.done $0x0  }
0x19: {  	s13 =	rddreg [dreg:$0x6];
	[sflag:s10] =	ssyncadd.s32 $0xFFFFE000  }
0x1a: {  	[tilespmem:s11], [sflag:$0x5] =	stream.linear.gather [hbm4b:s13+s2], $0x2000, $0x38;
	[tilespmem:$0x10080] =	vst v63  }
0x1b: {  	_ =	swait.ge [sflag:s10], $0x2000  }
0x1c: {  	[sflag:s10] =	ssyncset.done $0x0  }
0x1d: {  	s14 =	rddreg [dreg:$0x4];
	[sflag:s10] =	ssyncadd.s32 $0xFFFFE000  }
0x1e: {  	[tilespmem:s12], [sflag:$0x5] =	stream.linear.gather [hbm4b:s14+s2], $0x4000, $0x38;
	[tilespmem:$0x10080] =	vst v63  }
0x1f: {  	_ =	swait.ge [sflag:s10], $0x4000  }
0x20: {  	[sflag:s10] =	ssyncset.done $0x0  }
0x21: {  	v0 =	vimm.f32 $0.0e+00;
	[sflag:s10] =	ssyncadd.s32 $0xFFFFC000  }
0x22: {  	[tilespmem:$0x10000] =	vst v0  }
0x23: {  	[tilespmem:$0x10010] =	vst v0  }
0x24: {  	[tilespmem:$0x10020] =	vst v0  }
0x25: {  	[tilespmem:$0x10030] =	vst v0  }
0x26: {  	[tilespmem:$0x10040] =	vst v0  }
0x27: {  	[tilespmem:$0x10050] =	vst v0  }
0x28: {  	[tilespmem:$0x10060] =	vst v0  }
0x29: {  	s15 =	simm.s32 $0x80;
	s1 =	simm.s32 $0x4000;
	[tilespmem:$0x10070] =	vst v0  }
0x2a: {  	[tilespmem:s1], [sflag:$0x1] =	stream.indirect.gather [hbm4b:s3+s15], $0x40, s2, s15, $0xb8;
	[tilespmem:$0x10080] =	vst v63  }
.Ltmp2:
0x2b: {  	_ = 	snop;
	(pc) =	sbr.rel .LBB2_2-.Ltmp2, $4  }
0x2c: {  	s16 =	simm.s32 $0x6000;
	s17 =	simm.s32 $0x100  }
0x2d: {  	[tilespmem:s16], [sflag:$0x2] =	stream.indirect.gather [hbm4b:s3+s15], $0x40, s15, s15, $0xb8;
	[tilespmem:$0x10080] =	vst v63  }
0x2e: {  	s4 =	simm.s32 $0x8000;
	s0 =	simm.s32 $0x0;
	s1 =	simm.s32 $0x0  }
0x2f: {  	[tilespmem:s4], [sflag:$0x3] =	stream.indirect.gather [hbm4b:s3+s15], $0x40, s17, s15, $0xb8;
	[tilespmem:$0x10080] =	vst v63  }
.LBB2_17:
0x30: {  	s4 =	sshll.u32 s14, $0x4  }
0x31: {  	s4 =	sadd.s32 s4, s9  }
0x32: {  	s4 =	sand.u32 $0x1FFFFFF0, s4  }
0x33: {  	s4 =	sadd.s32 s5, s4  }
0x34: {  	[hbm4b:s4+s2] =	stream.linear.scatter [tilespmem:s19], [sflag:$0x5], $0x80, $0x38;
	[tilespmem:$0x10080] =	vst v63  }
0x35: {  	_ =	swait.ge [sflag:s10], $0x80  }
0x36: {  	[sflag:s10] =	ssyncset.done $0x0  }
0x37: {  	v0 =	vimm.f32 $0.0e+00;
	[sflag:s10] =	ssyncadd.s32 $0xFFFFFF80  }
0x38: {  	[tilespmem:$0x10000] =	vst v0  }
0x39: {  	[tilespmem:$0x10010] =	vst v0  }
0x3a: {  	[tilespmem:$0x10020] =	vst v0  }
0x3b: {  	[tilespmem:$0x10030] =	vst v0  }
0x3c: {  	[tilespmem:$0x10040] =	vst v0  }
0x3d: {  	[tilespmem:$0x10050] =	vst v0  }
0x3e: {  	[tilespmem:$0x10060] =	vst v0  }
0x3f: {  	[tilespmem:$0x10070] =	vst v0  }
.LBB2_18:
0x40: {  	s1 =	sadd.s32 $0x1, s1  }
0x41: {  	p0 =	sne.s32 s1, $0x40  }
.Ltmp3:
0x42: {  	_ = 	snop;
	(pc) =	sbr.rel @!p0 .LBB2_19-.Ltmp3, $2  }
0x43: {  	_ =	sdelay $0x2  }
0x44: {  	s0 =	sadd.s32 $0x1, s0;
	v37 =	vld [tilespmem:$0x1FFD0]  }
.LBB2_2:
0x45: {  	s4 =	sand.u32 $0x3, s1  }
0x46: {  	p0 =	sgt.s32 s4, $0x1  }
.Ltmp4:
0x47: {  	_ = 	snop;
	(pc) =	sbr.rel @p0 .LBB2_13-.Ltmp4, $4  }
0x48: {  	_ = 	snop  }
0x49: {  	s6 =	sshll.u32 s1, $0x7;
	s14 =	sand.u32 $0xF, s0  }
0x4a: {  	s6 =	sand.u32 $0xFFFFF800, s6;
	s14 =	sshll.u32 s14, $0x7  }
0x4b: {  	s15 =	sor.u32 s14, s6  }
0x4c: {  	p0 =	seq.s32 s4, $0x0  }
.Ltmp5:
0x4d: {  	_ = 	snop;
	(pc) =	sbr.rel @!p0 .LBB2_7-.Ltmp5, $1  }
0x4e: {  	_ =	sdelay $0x3  }
0x4f: {  	p0 =	sgt.u32 s1, $0x3C  }
0x50: {  	s4 =	sshll.u32 @!p0 s1, $0x9  }
0x51: {  	_ =	swait.ge [sflag:s18], $0x2000;
	s16 =	simm.s32 $0x4080;
	s4 =	sadd.s32 @!p0 $0x600, s4  }
0x52: {  	[sflag:s18] =	ssyncset.done $0x0;
	s6 =	simm.s32 @!p0 $0x80;
	s4 =	sand.u32 @!p0 $0xFE00, s4  }
0x53: {  	s14 =	simm.s32 @!p0 $0xA000;
	[sflag:s18] =	ssyncadd.s32 $0xFFFFE000;
	s4 =	sshrl.u32 @!p0 s4, $0x2  }
0x54: {  	[tilespmem:s14], [sflag:$0x4] =	stream.indirect.gather @!p0 [hbm4b:s3+s6], $0x40, s4, s6, $0xb8;
	[tilespmem:$0x10080] =	vst v63  }
0x55: {  	s13 =	sadd.s32 $0x0, s15;
	v13 =	vld [tilespmem:s16+$0x70]  }
0x56: {  	v5 =	vmov s13;
	v16 =	vld [tilespmem:s16+$0x60]  }
0x57: {  	v5 =	vand.u32 $0xFFFFFFFC, v5;
	v19 =	vld [tilespmem:s16+$0xFFFFFF90]  }
0x58: {  	v7 =	vbroadcast v5, $0x0;
	v27 =	vld [tilespmem:s16+$0xFFFFFFA0]  }
0x59: {  	s14 =	sadd.s32 $0x1, s13;
	v8 =	vld [tilespmem:s16+$0xFFFFFFF0]  }
0x5a: {  	s17 =	sadd.s32 $0x2, s13;
	v6 =	vmov s14;
	v11 =	vld [tilespmem:s16+$0x40]  }
0x5b: {  	s4 =	sadd.s32 $0x3, s13;
	v29 =	vld [tilespmem:s16+$0xFFFFFF80];
	v5 =	vand.u32 $0xFFFFFFFD, v6;
	v6 =	vmov s17  }
0x5c: {  	v12 =	vmov s4;
	v21 =	vld [tilespmem:s16+$0x10];
	v9 =	vbroadcast v5, $0x0;
	v6 =	vand.u32 $0xFFFFFFFE, v6  }
0x5d: {  	v28 =	vld [tilespmem:s16+$0xFFFFFFD0];
	v10 =	vbroadcast v6, $0x0  }
0x5e: {  	v7 =	vld.idx.msk [tilespmem:v7+s11+$0x0], $0xffff  }
0x5f: {  	v26 =	vld [tilespmem:s16+$0xFFFFFFB0]  }
0x60: {  	v5 =	vld [tilespmem:s16+$0x50]  }
0x61: {  	v14 =	vld.idx.msk [tilespmem:v12+s11+$0x0], $0xffff  }
0x62: {  	v9 =	vld.idx.msk [tilespmem:v9+s11+$0x0], $0xffff  }
0x63: {  	v15 =	vshll.u32 v7, $0x6;
	v10 =	vld.idx.msk [tilespmem:v10+s11+$0x0], $0xffff  }
0x64: {  	v6 =	vld [tilespmem:s16+$0x20];
	v17 =	vor.u32 v37, v15  }
0x65: {  	v12 =	vld [tilespmem:s16+$0xFFFFFFE0];
	v22 =	vor.u32 v3, v15  }
0x66: {  	v7 =	vld [tilespmem:s16+$0xFFFFFFC0];
	v25 =	vor.u32 v62, v15  }
0x67: {  	v15 =	vor.u32 v4, v15;
	v14 =	vshll.u32 v14, $0x6;
	v18 =	vshll.u32 v9, $0x6;
	v9 =	vld [tilespmem:s16+$0x0]  }
0x68: {  	v33 =	vor.u32 v37, v14;
	v23 =	vshll.u32 v10, $0x6;
	v10 =	vld [tilespmem:s16+$0x30]  }
0x69: {  	v32 =	vimm.f32 $0.0e+00;
	v35 =	vor.u32 v62, v14;
	v34 =	vld.idx.msk [tilespmem:v17+s12+$0x0], $0xffff  }
0x6a: {  	v43 =	vshll.u32 v8, $0x10;
	v20 =	vor.u32 v3, v18;
	v30 =	vor.u32 v62, v18;
	v40 =	vld.idx.msk [tilespmem:v22+s12+$0x0], $0xffff  }
0x6b: {  	v31 =	vor.u32 v37, v18;
	v36 =	vor.u32 v4, v18;
	v18 =	vor.u32 v3, v14;
	v46 =	vld.idx.msk [tilespmem:v25+s12+$0x0], $0xffff  }
0x6c: {  	v55 =	vshll.u32 v29, $0x10;
	v48 =	vshll.u32 v27, $0x10;
	v59 =	vshll.u32 v19, $0x10;
	v57 =	vld.idx.msk [tilespmem:v15+s12+$0x0], $0xffff  }
0x6d: {  	v53 =	vshll.u32 v16, $0x10;
	v58 =	vshll.u32 v5, $0x10;
	v42 =	vor.u32 v4, v14;
	v49 =	vld.idx.msk [tilespmem:v33+s12+$0x0], $0xffff  }
0x6e: {  	v39 =	vshll.u32 v12, $0x10;
	v14 =	vshll.u32 v11, $0x10;
	v17 =	vshll.u32 v6, $0x10;
	v54 =	vld.idx.msk [tilespmem:v35+s12+$0x0], $0xffff  }
0x6f: {  	v25 =	vshll.u32 v26, $0x10;
	v22 =	vshll.u32 v21, $0x10;
	v24 =	vor.u32 v3, v23;
	v38 =	vld.idx.msk [tilespmem:v20+s12+$0x0], $0xffff  }
0x70: {  	v2 =	vmovc v37;
	v15 =	vshll.u32 v13, $0x10;
	v37 =	vor.u32 v37, v23;
	v41 =	vor.u32 v62, v23;
	v18 =	vld.idx.msk [tilespmem:v18+s12+$0x0], $0xffff  }
0x71: {  	v47 =	vor.u32 v4, v23;
	v33 =	vshll.u32 v9, $0x10;
	v20 =	vshll.u32 v7, $0x10;
	v44 =	vld.idx.msk [tilespmem:v31+s12+$0x0], $0xffff  }
0x72: {  	v60 =	vshll.u32 v34, $0x10;
	v50 =	vmul.f32 v34, v26;
	v23 =	vshll.u32 v10, $0x10;
	v31 =	vld.idx.msk [tilespmem:v42+s12+$0x0], $0xffff  }
0x73: {  	v42 =	vld.idx.msk [tilespmem:v30+s12+$0x0], $0xffff;
	v30 =	vshll.u32 v40, $0x10;
	v35 =	vmul.f32 v46, v29;
	v56 =	vmul.f32 v57, v27  }
0x74: {  	v29 =	vshll.u32 v57, $0x10;
	v27 =	vimm.f32 $0.0e+00;
	v45 =	vld.idx.msk [tilespmem:v24+s12+$0x0], $0xffff;
	v24 =	vshll.u32 v28, $0x10  }
0x75: {  	v51 =	vmul.f32 v60, v25;
	v34 =	vld.idx.msk [tilespmem:v41+s12+$0x0], $0xffff;
	v41 =	vimm.f32 $0.0e+00;
	v61 =	vshll.u32 v49, $0x10  }
0x76: {  	v13 =	vmul.f32 v49, v13;
	v52 =	vadd.f32 v50, v32;
	v15 =	vmul.f32 v61, v15  }
0x77: {  	v49 =	vadd.f32 v51, v32;
	v51 =	vmul.f32 v30, v59;
	v26 =	vshll.u32 v38, $0x10  }
0x78: {  	v28 =	vmul.f32 v38, v28;
	v63 =	vshll.u32 v18, $0x10;
	v16 =	vmul.f32 v31, v16  }
0x79: {  	v50 =	vshll.u32 v42, $0x10;
	v57 =	vshll.u32 v44, $0x10;
	v38 =	vimm.f32 $0.0e+00  }
0x7a: {  	v36 =	vld.idx.msk [tilespmem:v36+s12+$0x0], $0xffff;
	v25 =	vshll.u32 v45, $0x10;
	v21 =	vmul.f32 v45, v21;
	v45 =	vmul.f32 v40, v19  }
0x7b: {  	v19 =	vshll.u32 v31, $0x10;
	v31 =	vshll.u32 v46, $0x10;
	v46 =	vshll.u32 v54, $0x10;
	v40 =	vld.idx.msk [tilespmem:v47+s12+$0x0], $0xffff  }
0x7c: {  	v30 =	vmul.f32 v63, v58;
	v47 =	vimm.f32 $0.0e+00;
	v19 =	vmul.f32 v19, v53  }
0x7d: {  	s14 =	sshrl.u32 s1, $0x4;
	s4 =	simm.s32 $0x4;
	s17 =	sand.u32 $0xF, s1;
	v37 =	vld.idx.msk [tilespmem:v37+s12+$0x0], $0xffff;
	v53 =	vshll.u32 v34, $0x10;
	v55 =	vmul.f32 v31, v55;
	v31 =	vimm.f32 $0.0e+00  }
.LBB2_5:
0x7e: {  	v58 =	vadd.f32 v35, v32;
	s6 =	smov.u32 s4  }
0x7f: {  	s7 =	sadd.s32 s4, s15;
	v59 =	vshll.u32 v36, $0x10;
	v32 =	vmul.f32 v54, v11;
	s16 =	sadd.s32 $0x100, s16;
	v8 =	vmul.f32 v44, v8;
	s6 =	sadd.s32 $0x4, s4  }
0x80: {  	p0 =	sne.s32 s4, $0x7C;
	v44 =	vshll.u32 v40, $0x10;
	v48 =	vmul.f32 v29, v48;
	v11 =	vmov s7;
	s8 =	sadd.s32 $0x1, s7;
	s13 =	sadd.s32 $0x2, s7  }
0x81: {  	v12 =	vmul.f32 v36, v12;
	v11 =	vand.u32 $0xFFFFFFFC, v11;
	v54 =	vmov s8;
	v35 =	vld [tilespmem:s16+$0x70]  }
0x82: {  	v47 =	vadd.f32 v56, v47;
	v11 =	vbroadcast v11, $0x0;
	v54 =	vand.u32 $0xFFFFFFFD, v54;
	v29 =	vld [tilespmem:s16+$0x60]  }
0x83: {  	v43 =	vmul.f32 v57, v43;
	v60 =	vmov s13;
	v54 =	vbroadcast v54, $0x0;
	v36 =	vld [tilespmem:s16+$0xFFFFFF90]  }
0x84: {  	v33 =	vmul.f32 v53, v33;
	v10 =	vmul.f32 v37, v10;
	v56 =	vand.u32 $0xFFFFFFFE, v60;
	v60 =	vld [tilespmem:s16+$0x50]  }
0x85: {  	v52 =	vadd.f32 v8, v52;
	v61 =	vshll.u32 v37, $0x10;
	v56 =	vbroadcast v56, $0x0;
	v57 =	vld [tilespmem:s16+$0x20]  }
0x86: {  	v27 =	vadd.f32 v51, v27;
	s4 =	sadd.s32 $0x3, s7;
	v39 =	vmul.f32 v59, v39;
	v43 =	vadd.f32 v43, v49;
	v37 =	vld [tilespmem:s16+$0xFFFFFFA0]  }
0x87: {  	v41 =	vadd.f32 v55, v41;
	v49 =	vmov s4;
	v23 =	vmul.f32 v61, v23;
	v8 =	vld [tilespmem:s16+$0xFFFFFFF0]  }
0x88: {  	v7 =	vmul.f32 v42, v7;
	v24 =	vmul.f32 v26, v24;
	v26 =	vadd.f32 v45, v31;
	v53 =	vld.idx.msk [tilespmem:v11+s11+$0x0], $0xffff  }
0x89: {  	v9 =	vmul.f32 v34, v9;
	v22 =	vmul.f32 v25, v22;
	v23 =	vadd.f32 v23, v43;
	v11 =	vld [tilespmem:s16+$0x40]  }
0x8a: {  	v20 =	vmul.f32 v50, v20;
	v34 =	vadd.f32 v48, v38;
	v24 =	vadd.f32 v24, v27;
	v31 =	vld.idx.msk [tilespmem:v54+s11+$0x0], $0xffff  }
0x8b: {  	v0 =	vmul.f32 v40, v6;
	v17 =	vmul.f32 v44, v17;
	v27 =	vadd.f32 v12, v47;
	v25 =	vld.idx.msk [tilespmem:v56+s11+$0x0], $0xffff  }
0x8c: {  	v14 =	vmul.f32 v46, v14;
	v20 =	vadd.f32 v20, v41;
	v22 =	vadd.f32 v22, v24;
	v38 =	vld.idx.msk [tilespmem:v49+s11+$0x0], $0xffff  }
0x8d: {  	v18 =	vmul.f32 v18, v5;
	v24 =	vadd.f32 v28, v26;
	v26 =	vadd.f32 v39, v34;
	v5 =	vmovc v60;
	v46 =	vld [tilespmem:s16+$0xFFFFFF80]  }
0x8e: {  	v34 =	vadd.f32 v7, v58;
	v39 =	vadd.f32 v0, v27;
	v6 =	vmovc v57;
	v28 =	vshll.u32 v53, $0x6;
	v12 =	vld [tilespmem:s16+$0xFFFFFFE0]  }
0x8f: {  	v43 =	vadd.f32 v10, v52;
	v40 =	vor.u32 v62, v28;
	v42 =	vor.u32 v3, v28;
	v7 =	vld [tilespmem:s16+$0xFFFFFFC0]  }
0x90: {  	v34 =	vadd.f32 v9, v34;
	v44 =	vor.u32 v2, v28;
	v31 =	vshll.u32 v31, $0x6;
	v45 =	vld [tilespmem:s16+$0x10]  }
0x91: {  	v21 =	vadd.f32 v21, v24;
	v49 =	vor.u32 v62, v31;
	v47 =	vor.u32 v3, v31;
	v9 =	vld [tilespmem:s16+$0x0]  }
0x92: {  	v17 =	vadd.f32 v17, v26;
	v24 =	vor.u32 v2, v31;
	v25 =	vshll.u32 v25, $0x6;
	v10 =	vld [tilespmem:s16+$0x30]  }
0x93: {  	v27 =	vadd.f32 v30, v22;
	v26 =	vor.u32 v3, v25;
	v38 =	vshll.u32 v38, $0x6;
	v50 =	vld [tilespmem:s16+$0xFFFFFFD0]  }
0x94: {  	v20 =	vadd.f32 v33, v20;
	v51 =	vor.u32 v62, v38;
	v48 =	vor.u32 v2, v38;
	v30 =	vld [tilespmem:s16+$0xFFFFFFB0]  }
0x95: {  	v56 =	vadd.f32 v15, v23;
	v53 =	vor.u32 v4, v31;
	v55 =	vor.u32 v2, v25;
	v52 =	vld.idx.msk [tilespmem:v42+s12+$0x0], $0xffff  }
0x96: {  	v58 =	vadd.f32 v13, v43;
	v15 =	vor.u32 v4, v28;
	v28 =	vor.u32 v62, v25;
	v23 =	vld.idx.msk [tilespmem:v44+s12+$0x0], $0xffff  }
0x97: {  	v41 =	vadd.f32 v14, v20;
	v31 =	vadd.f32 v18, v21;
	v33 =	vor.u32 v3, v38;
	v57 =	vld.idx.msk [tilespmem:v47+s12+$0x0], $0xffff  }
0x98: {  	v32 =	vadd.f32 v32, v34;
	v21 =	vor.u32 v4, v38;
	v47 =	vadd.f32 v16, v39;
	v13 =	vld.idx.msk [tilespmem:v26+s12+$0x0], $0xffff  }
0x99: {  	v0 =	vshll.u32 v29, $0x10;
	v14 =	vshll.u32 v11, $0x10;
	v38 =	vadd.f32 v19, v17;
	v59 =	vld.idx.msk [tilespmem:v40+s12+$0x0], $0xffff  }
0x9a: {  	v17 =	vshll.u32 v6, $0x10;
	v20 =	vshll.u32 v7, $0x10;
	v16 =	vor.u32 v4, v25;
	v44 =	vld.idx.msk [tilespmem:v24+s12+$0x0], $0xffff  }
0x9b: {  	v22 =	vshll.u32 v45, $0x10;
	v19 =	vshll.u32 v30, $0x10;
	v24 =	vshll.u32 v50, $0x10;
	v40 =	vld.idx.msk [tilespmem:v48+s12+$0x0], $0xffff  }
0x9c: {  	v25 =	vshll.u32 v23, $0x10;
	v30 =	vmul.f32 v23, v30;
	v23 =	vshll.u32 v10, $0x10;
	v18 =	vld.idx.msk [tilespmem:v33+s12+$0x0], $0xffff  }
0x9d: {  	v19 =	vmul.f32 v25, v19;
	v26 =	vshll.u32 v57, $0x10;
	v33 =	vshll.u32 v9, $0x10;
	v60 =	vld.idx.msk [tilespmem:v21+s12+$0x0], $0xffff  }
0x9e: {  	v43 =	vshll.u32 v8, $0x10;
	v39 =	vshll.u32 v12, $0x10;
	v25 =	vshll.u32 v13, $0x10;
	v61 =	vld.idx.msk [tilespmem:v15+s12+$0x0], $0xffff  }
0x9f: {  	v63 =	vshll.u32 v5, $0x10;
	v62 =	vshll.u32 v46, $0x10;
	v48 =	vshll.u32 v37, $0x10;
	v54 =	vld.idx.msk [tilespmem:v51+s12+$0x0], $0xffff  }
0xa0: {  	v21 =	vmul.f32 v13, v45;
	v15 =	vshll.u32 v35, $0x10;
	v51 =	vshll.u32 v36, $0x10;
	v34 =	vld.idx.msk [tilespmem:v28+s12+$0x0], $0xffff  }
0xa1: {  	v45 =	vshll.u32 v40, $0x10;
	v13 =	vmul.f32 v40, v35;
	v28 =	vmul.f32 v57, v50;
	v42 =	vld.idx.msk [tilespmem:v49+s12+$0x0], $0xffff  }
0xa2: {  	v50 =	vshll.u32 v52, $0x10;
	v1 =	vshll.u32 v18, $0x10;
	v15 =	vmul.f32 v45, v15;
	v40 =	vld.idx.msk [tilespmem:v16+s12+$0x0], $0xffff  }
0xa3: {  	v45 =	vmul.f32 v52, v36;
	v49 =	vadd.f32 v19, v56;
	v19 =	vshll.u32 v60, $0x10;
	v36 =	vld.idx.msk [tilespmem:v53+s12+$0x0], $0xffff  }
.Ltmp6:
0xa4: {  	v35 =	vmul.f32 v59, v46;
	v52 =	vadd.f32 v30, v58;
	v16 =	vmul.f32 v60, v29;
	(pc) =	sbr.rel @p0 .LBB2_5-.Ltmp6, $4  }
0xa5: {  	v57 =	vshll.u32 v44, $0x10;
	v30 =	vshll.u32 v59, $0x10;
	v19 =	vmul.f32 v19, v0  }
0xa6: {  	v56 =	vmul.f32 v61, v37;
	v46 =	vshll.u32 v54, $0x10;
	v53 =	vshll.u32 v34, $0x10;
	v37 =	vld.idx.msk [tilespmem:v55+s12+$0x0], $0xffff  }
0xa7: {  	v51 =	vmul.f32 v50, v51;
	v29 =	vshll.u32 v61, $0x10;
	v50 =	vshll.u32 v42, $0x10  }
0xa8: {  	s4 =	smov.u32 s6;
	v55 =	vmul.f32 v30, v62;
	v62 =	vlaneseq.u32;
	v30 =	vmul.f32 v1, v63  }
0xa9: {  	v0 =	vadd.f32 v35, v32;
	v1 =	vshll.u32 v36, $0x10;
	v11 =	vmul.f32 v54, v11  }
0xaa: {  	v8 =	vmul.f32 v44, v8;
	v63 =	vshll.u32 v40, $0x10;
	v29 =	vmul.f32 v29, v48  }
0xab: {  	v12 =	vmul.f32 v36, v12;
	v47 =	vadd.f32 v56, v47;
	v48 =	vmul.f32 v57, v43  }
0xac: {  	v33 =	vmul.f32 v53, v33;
	v27 =	vadd.f32 v51, v27;
	v24 =	vmul.f32 v26, v24  }
0xad: {  	v20 =	vmul.f32 v50, v20;
	v7 =	vmul.f32 v42, v7;
	v57 =	vadd.f32 v45, v31  }
0xae: {  	v22 =	vmul.f32 v25, v22;
	v56 =	vadd.f32 v55, v41;
	v8 =	vadd.f32 v8, v52  }
0xaf: {  	v9 =	vmul.f32 v34, v9;
	v36 =	vadd.f32 v48, v49;
	v29 =	vadd.f32 v29, v38  }
0xb0: {  	v14 =	vmul.f32 v46, v14;
	v24 =	vadd.f32 v24, v27;
	v20 =	vadd.f32 v20, v56  }
0xb1: {  	v6 =	vmul.f32 v40, v6;
	v12 =	vadd.f32 v12, v47;
	v0 =	vadd.f32 v7, v0  }
0xb2: {  	v1 =	vmul.f32 v1, v39;
	v58 =	vadd.f32 v28, v57;
	v20 =	vadd.f32 v33, v20  }
0xb3: {  	v5 =	vmul.f32 v18, v5;
	v7 =	vadd.f32 v22, v24;
	v0 =	vadd.f32 v9, v0  }
0xb4: {  	v17 =	vmul.f32 v63, v17;
	v1 =	vadd.f32 v1, v29;
	v59 =	vadd.f32 v14, v20  }
0xb5: {  	v54 =	vshll.u32 v37, $0x10;
	v60 =	vadd.f32 v21, v58;
	v0 =	vadd.f32 v11, v0  }
0xb6: {  	v61 =	vmul.f32 v54, v23;
	v1 =	vadd.f32 v17, v1;
	v7 =	vadd.f32 v30, v7;
	[tilespmem:s19+$0x0] =	vst.add.f32.msk $0xffff, v59  }
0xb7: {  	v63 =	vmul.f32 v37, v10;
	v6 =	vadd.f32 v6, v12;
	v5 =	vadd.f32 v5, v60;
	[tilespmem:s20+$0x0] =	vst.add.f32.msk $0xffff, v0  }
0xb8: {  	p0 =	seq.s32 s17, $0xF;
	v1 =	vadd.f32 v19, v1;
	v0 =	vadd.f32 v61, v36;
	[tilespmem:s21+$0x0] =	vst.add.f32.msk $0xffff, v7  }
.Ltmp7:
0xb9: {  	v6 =	vadd.f32 v16, v6;
	v7 =	vadd.f32 v63, v8;
	[tilespmem:s22+$0x0] =	vst.add.f32.msk $0xffff, v5;
	(pc) =	sbr.rel @p0 .LBB2_17-.Ltmp7, $4  }
.Ltmp8:
0xba: {  	v0 =	vadd.f32 v15, v0;
	[tilespmem:s23+$0x0] =	vst.add.f32.msk $0xffff, v1;
	(pc) =	sbr.rel @!p0 .LBB2_18-.Ltmp8, $4  }
0xbb: {  	v1 =	vadd.f32 v13, v7;
	[tilespmem:s24+$0x0] =	vst.add.f32.msk $0xffff, v6  }
0xbc: {  	[tilespmem:s25+$0x0] =	vst.add.f32.msk $0xffff, v0  }
0xbd: {  	[tilespmem:s26+$0x0] =	vst.add.f32.msk $0xffff, v1  }
0xbe: {  	_ = 	snop  }
.LBB2_13:
0xbf: {  	p1 =	seq.s32 s4, $0x2  }
.Ltmp9:
0xc0: {  	_ = 	snop;
	(pc) =	sbr.rel @!p1 .LBB2_14-.Ltmp9, $4  }
0xc1: {  	_ = 	snop  }
0xc2: {  	s6 =	sadd.s32 $0x1, s15  }
0xc3: {  	p0 =	sgt.u32 s1, $0x3C;
	s17 =	sadd.s32 $0x2, s15;
	v0 =	vmov s6  }
0xc4: {  	s7 =	sadd.s32 $0x3, s15;
	s4 =	sshll.u32 @!p0 s1, $0x9;
	v1 =	vmov s17;
	v0 =	vand.u32 $0xFFFFFFFD, v0  }
0xc5: {  	_ =	swait.ge [sflag:s29], $0x2000;
	s4 =	sadd.s32 @!p0 $0x600, s4;
	s6 =	simm.s32 @!p0 $0x80  }
0xc6: {  	v5 =	vmov s7;
	s7 =	simm.s32 @!p0 $0x6000;
	[sflag:s29] =	ssyncset.done $0x0;
	s4 =	sand.u32 @!p0 $0xFE00, s4  }
0xc7: {  	s17 =	simm.s32 $0x0;
	[sflag:s29] =	ssyncadd.s32 $0xFFFFE000;
	s4 =	sshrl.u32 @!p0 s4, $0x2  }
0xc8: {  	[tilespmem:s7], [sflag:$0x2] =	stream.indirect.gather @!p0 [hbm4b:s3+s6], $0x40, s4, s6, $0xb8;
	[tilespmem:$0x10080] =	vst v63  }
0xc9: {  	v10 =	vld [tilespmem:s17+$0x8010]  }
0xca: {  	v2 =	vld [tilespmem:s17+$0x80A0]  }
0xcb: {  	v12 =	vld [tilespmem:s17+$0x8080]  }
0xcc: {  	v14 =	vld [tilespmem:s17+$0x80E0]  }
0xcd: {  	v59 =	vld [tilespmem:s17+$0x80C0]  }
0xce: {  	v0 =	vbroadcast v0, $0x0;
	v1 =	vand.u32 $0xFFFFFFFE, v1;
	v8 =	vld [tilespmem:s17+$0x8000]  }
0xcf: {  	v1 =	vbroadcast v1, $0x0;
	v5 =	vld.idx.msk [tilespmem:v5+s11+$0x0], $0xffff  }
0xd0: {  	v57 =	vld [tilespmem:s17+$0x80B0]  }
0xd1: {  	v15 =	vmov s15;
	v13 =	vld [tilespmem:s17+$0x8020]  }
0xd2: {  	v15 =	vand.u32 $0xFFFFFFFC, v15;
	v34 =	vld [tilespmem:s17+$0x8090]  }
0xd3: {  	v15 =	vbroadcast v15, $0x0;
	v21 =	vld [tilespmem:s17+$0x8050]  }
0xd4: {  	v0 =	vld.idx.msk [tilespmem:v0+s11+$0x0], $0xffff;
	v11 =	vshll.u32 v5, $0x6;
	v5 =	vlaneseq.u32  }
0xd5: {  	v1 =	vld.idx.msk [tilespmem:v1+s11+$0x0], $0xffff;
	v9 =	vor.u32 v5, v11  }
0xd6: {  	v16 =	vld [tilespmem:s17+$0x8060];
	v17 =	vor.u32 v4, v11  }
0xd7: {  	v29 =	vld [tilespmem:s17+$0x8040]  }
0xd8: {  	v35 =	vimm.f32 $0.0e+00;
	v43 =	vld [tilespmem:s17+$0x80D0];
	v18 =	vor.u32 v37, v11  }
0xd9: {  	v41 =	vimm.f32 $0.0e+00;
	v15 =	vld.idx.msk [tilespmem:v15+s11+$0x0], $0xffff;
	v0 =	vshll.u32 v0, $0x6;
	v23 =	vor.u32 v3, v11  }
0xda: {  	v31 =	vimm.f32 $0.0e+00;
	v19 =	vor.u32 v3, v0;
	v1 =	vshll.u32 v1, $0x6;
	v22 =	vld.idx.msk [tilespmem:v9+s12+$0x0], $0xffff  }
0xdb: {  	v28 =	vimm.f32 $0.0e+00;
	v63 =	vimm.f32 $0.0e+00;
	v20 =	vor.u32 v3, v1;
	v17 =	vld.idx.msk [tilespmem:v17+s12+$0x0], $0xffff  }
0xdc: {  	v46 =	vshll.u32 v57, $0x10;
	v49 =	vshll.u32 v16, $0x10;
	v33 =	vshll.u32 v13, $0x10;
	v9 =	vld [tilespmem:s17+$0x8070]  }
0xdd: {  	v40 =	vshll.u32 v8, $0x10;
	v50 =	vshll.u32 v2, $0x10;
	v24 =	vor.u32 v5, v0;
	v25 =	vld.idx.msk [tilespmem:v18+s12+$0x0], $0xffff  }
0xde: {  	v42 =	vshll.u32 v34, $0x10;
	v32 =	vor.u32 v37, v0;
	v0 =	vor.u32 v4, v0;
	v45 =	vld.idx.msk [tilespmem:v23+s12+$0x0], $0xffff  }
0xdf: {  	v52 =	vshll.u32 v10, $0x10;
	v26 =	vor.u32 v37, v1;
	v47 =	vshll.u32 v15, $0x6;
	v53 =	vld.idx.msk [tilespmem:v19+s12+$0x0], $0xffff  }
0xe0: {  	v30 =	vor.u32 v5, v1;
	v1 =	vor.u32 v4, v1;
	v44 =	vor.u32 v37, v47;
	v51 =	vld.idx.msk [tilespmem:v20+s12+$0x0], $0xffff  }
0xe1: {  	v54 =	vor.u32 v3, v47;
	v18 =	vshll.u32 v14, $0x10;
	v23 =	vld [tilespmem:s17+$0x8030];
	v19 =	vmovc v37;
	v37 =	vshll.u32 v29, $0x10  }
0xe2: {  	v39 =	vld.idx.msk [tilespmem:v24+s12+$0x0], $0xffff;
	v24 =	vimm.f32 $0.0e+00;
	v20 =	vshll.u32 v12, $0x10;
	v58 =	vshll.u32 v22, $0x10  }
0xe3: {  	v38 =	vld.idx.msk [tilespmem:v0+s12+$0x0], $0xffff;
	v27 =	vshll.u32 v17, $0x10;
	v62 =	vshll.u32 v9, $0x10;
	v60 =	vmul.f32 v17, v14  }
0xe4: {  	s14 =	sshrl.u32 s1, $0x4;
	v17 =	vld.idx.msk [tilespmem:v26+s12+$0x0], $0xffff;
	v22 =	vmul.f32 v22, v59;
	v26 =	vimm.f32 $0.0e+00;
	v61 =	vmul.f32 v27, v18  }
0xe5: {  	s16 =	sand.u32 $0xF, s1;
	s15 =	sadd.s32 $0x4, s15;
	s4 =	simm.s32 $0x400;
	v36 =	vld.idx.msk [tilespmem:v1+s12+$0x0], $0xffff;
	v18 =	vmovc v2;
	v48 =	vshll.u32 v53, $0x10;
	v27 =	vimm.f32 $0.0e+00;
	v55 =	vshll.u32 v51, $0x10  }
.LBB2_11:
0xe6: {  	_ = 	snop  }
0xe7: {  	[tilespmem:$0x1FF50] =	vst v57  }
0xe8: {  	[tilespmem:$0x1FF60] =	vst v59;
	s6 =	sadd.s32 $0x1, s15;
	s7 =	sadd.s32 $0x3, s15;
	v1 =	vmul.f32 v55, v42;
	v59 =	vld.idx.msk [tilespmem:v32+s12+$0x0], $0xffff  }
0xe9: {  	v5 =	vlaneseq.u32;
	[tilespmem:$0x1FF70] =	vst v60;
	v56 =	vmov s6;
	v57 =	vmov s7;
	v60 =	vld.idx.msk [tilespmem:v44+s12+$0x0], $0xffff  }
0xea: {  	v32 =	vshll.u32 v25, $0x10;
	v44 =	vmovc v20;
	v20 =	vmovc v61;
	v61 =	vor.u32 v5, v47;
	v56 =	vand.u32 $0xFFFFFFFD, v56  }
0xeb: {  	[tilespmem:$0x1FF80] =	vst v58;
	s8 =	smov.u32 s4;
	v56 =	vbroadcast v56, $0x0;
	v2 =	vmul.f32 v53, v21;
	v53 =	vld [tilespmem:s17+$0x80F0];
	v58 =	vshll.u32 v38, $0x10  }
0xec: {  	[tilespmem:$0x1FF90] =	vst v22;
	v0 =	vshll.u32 v23, $0x10;
	v55 =	vshll.u32 v17, $0x10;
	s17 =	sshra.s32 s8, $0x2;
	v49 =	vmul.f32 v58, v49;
	v58 =	vld.idx.msk [tilespmem:v30+s12+$0x0], $0xffff  }
0xed: {  	s13 =	sadd.s32 $0x2, s15;
	v55 =	vmul.f32 v55, v46;
	v22 =	vshll.u32 v59, $0x10;
	v6 =	vld [tilespmem:s17+$0x80C0];
	[tilespmem:$0x1FFA0] =	vst v2;
	v2 =	vmul.f32 v51, v34  }
0xee: {  	v34 =	vshll.u32 v43, $0x10;
	v51 =	vmov s13;
	v46 =	vld.idx.msk [tilespmem:v57+s11+$0x0], $0xffff;
	v57 =	vshll.u32 v60, $0x10  }
0xef: {  	v54 =	vld.idx.msk [tilespmem:v54+s12+$0x0], $0xffff;
	v51 =	vand.u32 $0xFFFFFFFE, v51;
	v0 =	vmul.f32 v57, v0;
	[tilespmem:$0x1FFB0] =	vst v2;
	v2 =	vmul.f32 v45, v43  }
0xf0: {  	v30 =	vbroadcast v51, $0x0;
	v51 =	vor.u32 v4, v47;
	v43 =	vshll.u32 v36, $0x10  }
0xf1: {  	v45 =	vshll.u32 v45, $0x10;
	v47 =	vmul.f32 v25, v53;
	v25 =	vmov s15  }
0xf2: {  	v50 =	vmul.f32 v43, v50;
	v43 =	vmul.f32 v45, v34;
	v0 =	vadd.f32 v0, v24  }
0xf3: {  	v56 =	vld.idx.msk [tilespmem:v56+s11+$0x0], $0xffff;
	v24 =	vmul.f32 v59, v9;
	v25 =	vand.u32 $0xFFFFFFFC, v25;
	v59 =	vmovc v6;
	v6 =	vshll.u32 v58, $0x10  }
0xf4: {  	v42 =	vbroadcast v25, $0x0;
	v25 =	vld.idx.msk [tilespmem:v61+s12+$0x0], $0xffff;
	v61 =	vshll.u32 v54, $0x10;
	v46 =	vshll.u32 v46, $0x6  }
0xf5: {  	v54 =	vmul.f32 v54, v10;
	v10 =	vshll.u32 v21, $0x10;
	v6 =	vmul.f32 v6, v44;
	v45 =	vld.idx.msk [tilespmem:v51+s12+$0x0], $0xffff  }
0xf6: {  	v11 =	vld [tilespmem:s17+$0x80A0];
	[tilespmem:$0x1FFC0] =	vst v2;
	v34 =	vmul.f32 v61, v52;
	v61 =	vshll.u32 v53, $0x10;
	v52 =	vmul.f32 v58, v12  }
0xf7: {  	v9 =	vld [tilespmem:$0x1FF60];
	v53 =	vor.u32 v5, v46;
	v2 =	vmovc v3;
	v3 =	vor.u32 v3, v46;
	v51 =	vmul.f32 v32, v61  }
0xf8: {  	v12 =	vld [tilespmem:s17+$0x8080];
	v61 =	vor.u32 v19, v46;
	v46 =	vor.u32 v4, v46;
	v21 =	vshll.u32 v56, $0x6  }
0xf9: {  	v30 =	vld.idx.msk [tilespmem:v30+s11+$0x0], $0xffff;
	v34 =	vadd.f32 v34, v35;
	v35 =	vmul.f32 v48, v10;
	v48 =	vor.u32 v5, v21  }
0xfa: {  	v7 =	vmovc v4;
	v10 =	vld [tilespmem:s17+$0x8010];
	v32 =	vor.u32 v19, v21;
	v4 =	vor.u32 v2, v21;
	v14 =	vshll.u32 v45, $0x10  }
0xfb: {  	v56 =	vshll.u32 v25, $0x10;
	v44 =	vld.idx.msk [tilespmem:v42+s11+$0x0], $0xffff;
	v45 =	vmul.f32 v45, v13;
	v13 =	vmul.f32 v14, v33  }
0xfc: {  	v33 =	vmul.f32 v56, v40;
	v56 =	vor.u32 v7, v21;
	v21 =	vmul.f32 v25, v8;
	v8 =	vld [tilespmem:s17+$0x8000]  }
0xfd: {  	v25 =	vadd.f32 v35, v34;
	v35 =	vld [tilespmem:s17+$0x80B0]  }
0xfe: {  	v15 =	vshll.u32 v30, $0x6;
	v34 =	vld [tilespmem:s17+$0x8090]  }
0xff: {  	v14 =	vshll.u32 v39, $0x10;
	v30 =	vor.u32 v5, v15;
	v5 =	vld [tilespmem:s17+$0x80E0];
	v13 =	vadd.f32 v13, v27  }
0x100: {  	v14 =	vmul.f32 v14, v37;
	v37 =	vld.idx.msk [tilespmem:v46+s12+$0x0], $0xffff  }
0x101: {  	v26 =	vadd.f32 v45, v26;
	v45 =	vld.idx.msk [tilespmem:v3+s12+$0x0], $0xffff;
	v27 =	vadd.f32 v49, v13  }
0x102: {  	v16 =	vmul.f32 v38, v16;
	v31 =	vadd.f32 v21, v31;
	v21 =	vld [tilespmem:s17+$0x8050]  }
0x103: {  	v1 =	vadd.f32 v1, v25;
	v25 =	vadd.f32 v50, v27;
	v50 =	vmov v11;
	v11 =	vld [tilespmem:$0x1FF50]  }
0x104: {  	v29 =	vmul.f32 v39, v29;
	v16 =	vadd.f32 v16, v26;
	v26 =	vmul.f32 v36, v18;
	v36 =	vld.idx.msk [tilespmem:v53+s12+$0x0], $0xffff  }
0x105: {  	v18 =	vmul.f32 v22, v62;
	v53 =	vld.idx.msk [tilespmem:v4+s12+$0x0], $0xffff  }
0x106: {  	v4 =	vld [tilespmem:$0x1FF90];
	v31 =	vadd.f32 v29, v31  }
0x107: {  	v13 =	vld [tilespmem:s17+$0x8020];
	v57 =	vmov v35;
	v0 =	vadd.f32 v18, v0;
	v35 =	vadd.f32 v43, v1  }
0x108: {  	v29 =	vld [tilespmem:s17+$0x8040];
	v11 =	vmul.f32 v17, v11;
	v17 =	vmul.f32 v60, v23;
	v23 =	vadd.f32 v33, v28  }
0x109: {  	v43 =	vld [tilespmem:s17+$0x80D0];
	v27 =	vadd.f32 v20, v25;
	v20 =	vadd.f32 v26, v16  }
0x10a: {  	v39 =	vor.u32 v19, v15;
	v16 =	vld [tilespmem:s17+$0x8060];
	v17 =	vadd.f32 v17, v63;
	v14 =	vadd.f32 v14, v23  }
0x10b: {  	v40 =	vor.u32 v2, v15;
	v18 =	vadd.f32 v52, v31;
	v0 =	vadd.f32 v55, v0;
	v25 =	vld.idx.msk [tilespmem:v61+s12+$0x0], $0xffff  }
0x10c: {  	v15 =	vor.u32 v7, v15;
	v17 =	vadd.f32 v24, v17;
	v6 =	vadd.f32 v6, v14;
	v14 =	vld [tilespmem:$0x1FF80]  }
0x10d: {  	v3 =	vshll.u32 v5, $0x10;
	v31 =	vadd.f32 v4, v18;
	v28 =	vshll.u32 v9, $0x10;
	v9 =	vld [tilespmem:$0x1FF70]  }
0x10e: {  	v1 =	vshll.u32 v37, $0x10;
	v4 =	vld [tilespmem:$0x1FFA0];
	v24 =	vadd.f32 v51, v0;
	v0 =	vadd.f32 v11, v17  }
0x10f: {  	v38 =	vadd.f32 v54, v41;
	v42 =	vshll.u32 v34, $0x10;
	v61 =	vmul.f32 v1, v3;
	v1 =	vld [tilespmem:$0x1FFC0]  }
0x110: {  	v46 =	vshll.u32 v57, $0x10;
	v52 =	vshll.u32 v10, $0x10;
	v63 =	vadd.f32 v47, v0;
	v0 =	vld [tilespmem:$0x1FFB0]  }
0x111: {  	v58 =	vshll.u32 v36, $0x10;
	v22 =	vmul.f32 v36, v59;
	v51 =	vld.idx.msk [tilespmem:v40+s12+$0x0], $0xffff;
	v14 =	vmul.f32 v14, v28  }
0x112: {  	p0 =	sne.s32 s4, $0x7C00;
	v18 =	vmovc v50;
	v50 =	vshll.u32 v50, $0x10;
	v33 =	vshll.u32 v13, $0x10;
	v26 =	vadd.f32 v9, v20;
	v9 =	vld [tilespmem:s17+$0x8070]  }
.Ltmp10:
0x113: {  	v36 =	vld.idx.msk [tilespmem:v15+s12+$0x0], $0xffff;
	v60 =	vmul.f32 v37, v5;
	v28 =	vadd.f32 v14, v6;
	v6 =	vadd.f32 v4, v38;
	(pc) =	sbr.rel @p0 .LBB2_11-.Ltmp10, $4  }
0x114: {  	v37 =	vshll.u32 v29, $0x10;
	v49 =	vshll.u32 v16, $0x10;
	v23 =	vld [tilespmem:s17+$0x8030];
	v40 =	vshll.u32 v8, $0x10  }
0x115: {  	v20 =	vshll.u32 v12, $0x10;
	v17 =	vld.idx.msk [tilespmem:v39+s12+$0x0], $0xffff;
	v47 =	vshll.u32 v44, $0x6;
	v0 =	vadd.f32 v0, v6  }
0x116: {  	v39 =	vld.idx.msk [tilespmem:v48+s12+$0x0], $0xffff;
	v48 =	vshll.u32 v53, $0x10;
	v44 =	vor.u32 v19, v47;
	v54 =	vor.u32 v2, v47  }
0x117: {  	s4 =	sadd.s32 $0x400, s4;
	s15 =	sadd.s32 $0x4, s15;
	v3 =	vmovc v2;
	v55 =	vshll.u32 v51, $0x10;
	v62 =	vshll.u32 v9, $0x10;
	v4 =	vmovc v7;
	v38 =	vld.idx.msk [tilespmem:v56+s12+$0x0], $0xffff;
	v41 =	vadd.f32 v1, v0  }
0x118: {  	_ =	sdelay $0x3  }
0x119: {  	v0 =	vor.u32 v4, v47;
	v1 =	vld.idx.msk [tilespmem:v32+s12+$0x0], $0xffff  }
0x11a: {  	v3 =	vld.idx.msk [tilespmem:v44+s12+$0x0], $0xffff;
	v4 =	vlaneseq.u32;
	v11 =	vmul.f32 v55, v42;
	v15 =	vmul.f32 v53, v21  }
0x11b: {  	v6 =	vld.idx.msk [tilespmem:v54+s12+$0x0], $0xffff;
	v34 =	vmul.f32 v51, v34;
	v44 =	vshll.u32 v43, $0x10;
	v4 =	vor.u32 v4, v47  }
0x11c: {  	v30 =	vld.idx.msk [tilespmem:v30+s12+$0x0], $0xffff;
	v43 =	vmul.f32 v45, v43;
	v51 =	vshll.u32 v36, $0x10;
	v56 =	vshll.u32 v21, $0x10  }
0x11d: {  	v45 =	vshll.u32 v45, $0x10;
	v21 =	vmul.f32 v48, v56;
	v14 =	vshll.u32 v17, $0x10  }
0x11e: {  	v5 =	vshll.u32 v23, $0x10;
	v14 =	vmul.f32 v14, v46;
	v46 =	vmul.f32 v51, v50  }
0x11f: {  	v29 =	vmul.f32 v39, v29;
	v39 =	vshll.u32 v39, $0x10;
	v19 =	vshll.u32 v38, $0x10  }
0x120: {  	v16 =	vmul.f32 v38, v16;
	v32 =	vmul.f32 v19, v49;
	v47 =	vshll.u32 v1, $0x10;
	v4 =	vld.idx.msk [tilespmem:v4+s12+$0x0], $0xffff  }
0x121: {  	v0 =	vld.idx.msk [tilespmem:v0+s12+$0x0], $0xffff;
	v54 =	vshll.u32 v6, $0x10;
	v12 =	vmul.f32 v30, v12;
	v6 =	vmul.f32 v6, v10  }
0x122: {  	v53 =	vshll.u32 v3, $0x10;
	v3 =	vmul.f32 v3, v23;
	v50 =	vmul.f32 v54, v52  }
0x123: {  	v1 =	vmul.f32 v1, v9;
	v5 =	vmul.f32 v53, v5;
	v6 =	vadd.f32 v6, v41  }
0x124: {  	v3 =	vadd.f32 v3, v63;
	v35 =	vadd.f32 v50, v35;
	v50 =	vshll.u32 v30, $0x10  }
0x125: {  	v5 =	vadd.f32 v5, v24;
	v6 =	vadd.f32 v15, v6;
	v19 =	vshll.u32 v4, $0x10  }
0x126: {  	v1 =	vadd.f32 v1, v3;
	v55 =	vshll.u32 v0, $0x10;
	v48 =	vmul.f32 v19, v40  }
0x127: {  	v0 =	vmul.f32 v0, v13;
	v21 =	vadd.f32 v21, v35;
	v4 =	vmul.f32 v4, v8  }
0x128: {  	v13 =	vmul.f32 v39, v37;
	v6 =	vadd.f32 v34, v6;
	v8 =	vadd.f32 v48, v28  }
0x129: {  	v10 =	vmul.f32 v55, v33;
	v0 =	vadd.f32 v0, v26;
	v4 =	vadd.f32 v4, v31  }
0x12a: {  	v52 =	vmul.f32 v50, v20;
	v11 =	vadd.f32 v11, v21;
	v8 =	vadd.f32 v13, v8  }
0x12b: {  	v19 =	vshll.u32 v59, $0x10;
	v10 =	vadd.f32 v10, v27;
	v4 =	vadd.f32 v29, v4  }
0x12c: {  	v53 =	vld [tilespmem:s17+$0x80F0];
	v55 =	vmul.f32 v58, v19;
	v3 =	vadd.f32 v43, v6;
	v54 =	vadd.f32 v52, v8  }
0x12d: {  	v58 =	vmul.f32 v47, v62;
	v0 =	vadd.f32 v16, v0;
	v4 =	vadd.f32 v12, v4  }
0x12e: {  	v56 =	vmul.f32 v45, v44;
	v10 =	vadd.f32 v32, v10;
	v13 =	vadd.f32 v55, v54  }
0x12f: {  	v51 =	vmul.f32 v36, v18;
	v5 =	vadd.f32 v58, v5;
	v4 =	vadd.f32 v22, v4  }
0x130: {  	v42 =	vshll.u32 v25, $0x10;
	v10 =	vadd.f32 v46, v10;
	v8 =	vadd.f32 v56, v11;
	[tilespmem:s19+$0x0] =	vst.add.f32.msk $0xffff, v13  }
0x131: {  	v59 =	vshll.u32 v53, $0x10;
	v62 =	vmul.f32 v17, v57;
	v0 =	vadd.f32 v51, v0;
	[tilespmem:s20+$0x0] =	vst.add.f32.msk $0xffff, v4  }
0x132: {  	p0 =	seq.s32 s16, $0xF;
	v5 =	vadd.f32 v14, v5;
	v6 =	vadd.f32 v61, v10;
	v4 =	vmul.f32 v42, v59;
	[tilespmem:s21+$0x0] =	vst.add.f32.msk $0xffff, v8  }
.Ltmp11:
0x133: {  	v63 =	vmul.f32 v25, v53;
	v1 =	vadd.f32 v62, v1;
	v0 =	vadd.f32 v60, v0;
	[tilespmem:s22+$0x0] =	vst.add.f32.msk $0xffff, v3;
	(pc) =	sbr.rel @p0 .LBB2_17-.Ltmp11, $4  }
.Ltmp12:
0x134: {  	v3 =	vmov v2;
	v2 =	vadd.f32 v4, v5;
	[tilespmem:s23+$0x0] =	vst.add.f32.msk $0xffff, v6;
	(pc) =	sbr.rel @!p0 .LBB2_18-.Ltmp12, $4  }
0x135: {  	v1 =	vadd.f32 v63, v1;
	[tilespmem:s24+$0x0] =	vst.add.f32.msk $0xffff, v0  }
0x136: {  	[tilespmem:s25+$0x0] =	vst.add.f32.msk $0xffff, v2  }
0x137: {  	v62 =	vlaneseq.u32;
	v4 =	vmov v7;
	[tilespmem:s26+$0x0] =	vst.add.f32.msk $0xffff, v1  }
0x138: {  	_ = 	snop  }
.LBB2_7:
0x139: {  	p0 =	sgt.u32 s1, $0x3C  }
0x13a: {  	_ =	swait.ge [sflag:s28], $0x2000;
	s4 =	sshll.u32 @!p0 s1, $0x9  }
0x13b: {  	s13 =	sadd.s32 $0x0, s15;
	s16 =	simm.s32 $0x60F0;
	s4 =	sadd.s32 @!p0 $0x600, s4  }
0x13c: {  	[sflag:s28] =	ssyncset.done $0x0;
	s6 =	simm.s32 @!p0 $0x80;
	s4 =	sand.u32 @!p0 $0xFE00, s4  }
0x13d: {  	s7 =	simm.s32 @!p0 $0x4000;
	[sflag:s28] =	ssyncadd.s32 $0xFFFFE000;
	s4 =	sshrl.u32 @!p0 s4, $0x2  }
0x13e: {  	[tilespmem:s7], [sflag:$0x1] =	stream.indirect.gather @!p0 [hbm4b:s3+s6], $0x40, s4, s6, $0xb8;
	[tilespmem:$0x10080] =	vst v63  }
0x13f: {  	s14 =	sadd.s32 $0x1, s13;
	v1 =	vld [tilespmem:s16+$0x0]  }
0x140: {  	v0 =	vmov s13;
	s17 =	sadd.s32 $0x2, s13;
	v5 =	vmov s14;
	v16 =	vld [tilespmem:s16+$0xFFFFFFF0]  }
0x141: {  	v0 =	vand.u32 $0xFFFFFFFC, v0;
	v6 =	vmov s17;
	v5 =	vand.u32 $0xFFFFFFFD, v5;
	v19 =	vld [tilespmem:s16+$0xFFFFFF20]  }
0x142: {  	v0 =	vbroadcast v0, $0x0;
	v6 =	vand.u32 $0xFFFFFFFE, v6;
	v7 =	vbroadcast v5, $0x0;
	v5 =	vld [tilespmem:s16+$0xFFFFFFE0]  }
0x143: {  	v9 =	vbroadcast v6, $0x0;
	v6 =	vld [tilespmem:s16+$0xFFFFFFB0]  }
0x144: {  	v27 =	vld [tilespmem:s16+$0xFFFFFF30]  }
0x145: {  	v8 =	vld [tilespmem:s16+$0xFFFFFF80]  }
0x146: {  	v11 =	vld [tilespmem:s16+$0xFFFFFFD0]  }
0x147: {  	v29 =	vld [tilespmem:s16+$0xFFFFFF10]  }
0x148: {  	v0 =	vld.idx.msk [tilespmem:v0+s11+$0x0], $0xffff  }
0x149: {  	s4 =	sadd.s32 $0x3, s13;
	v12 =	vld [tilespmem:s16+$0xFFFFFF70]  }
0x14a: {  	v10 =	vmov s4;
	v21 =	vld [tilespmem:s16+$0xFFFFFFA0]  }
0x14b: {  	v28 =	vld [tilespmem:s16+$0xFFFFFF60]  }
0x14c: {  	v13 =	vld.idx.msk [tilespmem:v7+s11+$0x0], $0xffff  }
0x14d: {  	v14 =	vld.idx.msk [tilespmem:v9+s11+$0x0], $0xffff;
	v0 =	vshll.u32 v0, $0x6  }
0x14e: {  	v25 =	vld [tilespmem:s16+$0xFFFFFF40];
	v17 =	vor.u32 v37, v0  }
0x14f: {  	v15 =	vld.idx.msk [tilespmem:v10+s11+$0x0], $0xffff;
	v20 =	vor.u32 v3, v0  }
0x150: {  	v7 =	vld [tilespmem:s16+$0xFFFFFF50];
	v23 =	vor.u32 v62, v0  }
0x151: {  	v9 =	vld [tilespmem:s16+$0xFFFFFF90];
	v13 =	vshll.u32 v13, $0x6;
	v0 =	vor.u32 v4, v0  }
0x152: {  	v10 =	vld [tilespmem:s16+$0xFFFFFFC0];
	v22 =	vshll.u32 v14, $0x6;
	v18 =	vor.u32 v3, v13  }
0x153: {  	v32 =	vimm.f32 $0.0e+00;
	v39 =	vshll.u32 v25, $0x10;
	v14 =	vor.u32 v3, v22;
	v33 =	vld.idx.msk [tilespmem:v17+s12+$0x0], $0xffff  }
0x154: {  	v24 =	vshll.u32 v28, $0x10;
	v15 =	vshll.u32 v15, $0x6;
	v31 =	vor.u32 v37, v13;
	v40 =	vld.idx.msk [tilespmem:v20+s12+$0x0], $0xffff  }
0x155: {  	v30 =	vor.u32 v62, v13;
	v36 =	vor.u32 v4, v13;
	v26 =	vor.u32 v37, v15;
	v46 =	vld.idx.msk [tilespmem:v23+s12+$0x0], $0xffff  }
0x156: {  	v35 =	vor.u32 v62, v15;
	v13 =	vor.u32 v3, v15;
	v15 =	vor.u32 v4, v15;
	v0 =	vld.idx.msk [tilespmem:v0+s12+$0x0], $0xffff  }
0x157: {  	v43 =	vshll.u32 v8, $0x10;
	v55 =	vshll.u32 v29, $0x10;
	v48 =	vshll.u32 v27, $0x10;
	v38 =	vld.idx.msk [tilespmem:v18+s12+$0x0], $0xffff  }
0x158: {  	v58 =	vshll.u32 v5, $0x10;
	v51 =	vshll.u32 v19, $0x10;
	v53 =	vshll.u32 v16, $0x10;
	v41 =	vld.idx.msk [tilespmem:v14+s12+$0x0], $0xffff  }
0x159: {  	v61 =	vor.u32 v37, v22;
	v34 =	vor.u32 v62, v22;
	v47 =	vor.u32 v4, v22;
	v44 =	vld.idx.msk [tilespmem:v31+s12+$0x0], $0xffff  }
0x15a: {  	v22 =	vshll.u32 v21, $0x10;
	v20 =	vshll.u32 v7, $0x10;
	v17 =	vshll.u32 v6, $0x10;
	v42 =	vld.idx.msk [tilespmem:v26+s12+$0x0], $0xffff  }
0x15b: {  	v23 =	vshll.u32 v10, $0x10;
	v14 =	vshll.u32 v11, $0x10;
	v31 =	vld.idx.msk [tilespmem:v15+s12+$0x0], $0xffff;
	v15 =	vshll.u32 v1, $0x10  }
0x15c: {  	v18 =	vld.idx.msk [tilespmem:v13+s12+$0x0], $0xffff;
	v26 =	vshll.u32 v33, $0x10;
	v50 =	vmul.f32 v33, v25;
	v45 =	vmul.f32 v40, v19  }
0x15d: {  	v54 =	vld.idx.msk [tilespmem:v35+s12+$0x0], $0xffff;
	v33 =	vshll.u32 v9, $0x10;
	v35 =	vmul.f32 v46, v29;
	v56 =	vmul.f32 v0, v27  }
0x15e: {  	v29 =	vshll.u32 v0, $0x10;
	v27 =	vimm.f32 $0.0e+00;
	v49 =	vmul.f32 v26, v39  }
0x15f: {  	v26 =	vshll.u32 v38, $0x10;
	v39 =	vshll.u32 v12, $0x10;
	v25 =	vshll.u32 v41, $0x10  }
0x160: {  	v21 =	vmul.f32 v41, v21;
	v28 =	vmul.f32 v38, v28;
	v57 =	vshll.u32 v44, $0x10  }
0x161: {  	v34 =	vld.idx.msk [tilespmem:v34+s12+$0x0], $0xffff;
	v41 =	vimm.f32 $0.0e+00;
	v38 =	vimm.f32 $0.0e+00;
	v63 =	vshll.u32 v42, $0x10  }
0x162: {  	v13 =	vmul.f32 v42, v1;
	v1 =	vshll.u32 v18, $0x10;
	v42 =	vld.idx.msk [tilespmem:v30+s12+$0x0], $0xffff;
	v19 =	vshll.u32 v31, $0x10  }
0x163: {  	v36 =	vld.idx.msk [tilespmem:v36+s12+$0x0], $0xffff;
	v30 =	vshll.u32 v40, $0x10;
	v52 =	vadd.f32 v50, v32;
	v16 =	vmul.f32 v31, v16  }
0x164: {  	v31 =	vshll.u32 v46, $0x10;
	v46 =	vshll.u32 v54, $0x10;
	v40 =	vld.idx.msk [tilespmem:v47+s12+$0x0], $0xffff;
	v47 =	vimm.f32 $0.0e+00  }
0x165: {  	v15 =	vmul.f32 v63, v15;
	v49 =	vadd.f32 v49, v32;
	v19 =	vmul.f32 v19, v53  }
0x166: {  	v53 =	vshll.u32 v34, $0x10;
	v51 =	vmul.f32 v30, v51;
	v55 =	vmul.f32 v31, v55  }
0x167: {  	v2 =	vmovc v37;
	s14 =	sshrl.u32 s1, $0x4;
	s17 =	sand.u32 $0xF, s1;
	s6 =	simm.s32 $0x4;
	v37 =	vld.idx.msk [tilespmem:v61+s12+$0x0], $0xffff;
	v30 =	vmul.f32 v1, v58;
	v31 =	vimm.f32 $0.0e+00;
	v50 =	vshll.u32 v42, $0x10  }
.LBB2_8:
0x168: {  	v0 =	vadd.f32 v35, v32;
	s4 =	smov.u32 s6  }
0x169: {  	s7 =	sadd.s32 s6, s15;
	v1 =	vshll.u32 v36, $0x10;
	v32 =	vmul.f32 v54, v11;
	s16 =	sadd.s32 $0x100, s16;
	v8 =	vmul.f32 v44, v8;
	s4 =	sadd.s32 $0x4, s6  }
0x16a: {  	p0 =	sne.s32 s6, $0x7C;
	v44 =	vshll.u32 v40, $0x10;
	v48 =	vmul.f32 v29, v48;
	v11 =	vmov s7;
	s8 =	sadd.s32 $0x1, s7;
	s13 =	sadd.s32 $0x2, s7  }
0x16b: {  	v12 =	vmul.f32 v36, v12;
	v11 =	vand.u32 $0xFFFFFFFC, v11;
	v54 =	vmov s8;
	v35 =	vld [tilespmem:s16+$0x0]  }
0x16c: {  	v47 =	vadd.f32 v56, v47;
	v11 =	vbroadcast v11, $0x0;
	v54 =	vand.u32 $0xFFFFFFFD, v54;
	v29 =	vld [tilespmem:s16+$0xFFFFFFF0]  }
0x16d: {  	v43 =	vmul.f32 v57, v43;
	v58 =	vmov s13;
	v54 =	vbroadcast v54, $0x0;
	v36 =	vld [tilespmem:s16+$0xFFFFFF20]  }
0x16e: {  	v33 =	vmul.f32 v53, v33;
	v10 =	vmul.f32 v37, v10;
	v56 =	vand.u32 $0xFFFFFFFE, v58;
	v58 =	vld [tilespmem:s16+$0xFFFFFFE0]  }
0x16f: {  	v52 =	vadd.f32 v8, v52;
	v59 =	vshll.u32 v37, $0x10;
	v56 =	vbroadcast v56, $0x0;
	v57 =	vld [tilespmem:s16+$0xFFFFFFB0]  }
0x170: {  	v27 =	vadd.f32 v51, v27;
	s6 =	sadd.s32 $0x3, s7;
	v1 =	vmul.f32 v1, v39;
	v39 =	vadd.f32 v43, v49;
	v37 =	vld [tilespmem:s16+$0xFFFFFF30]  }
0x171: {  	v41 =	vadd.f32 v55, v41;
	v43 =	vmov s6;
	v23 =	vmul.f32 v59, v23;
	v8 =	vld [tilespmem:s16+$0xFFFFFF80]  }
0x172: {  	v7 =	vmul.f32 v42, v7;
	v24 =	vmul.f32 v26, v24;
	v26 =	vadd.f32 v45, v31;
	v49 =	vld.idx.msk [tilespmem:v11+s11+$0x0], $0xffff  }
0x173: {  	v9 =	vmul.f32 v34, v9;
	v22 =	vmul.f32 v25, v22;
	v23 =	vadd.f32 v23, v39;
	v11 =	vld [tilespmem:s16+$0xFFFFFFD0]  }
0x174: {  	v20 =	vmul.f32 v50, v20;
	v34 =	vadd.f32 v48, v38;
	v24 =	vadd.f32 v24, v27;
	v31 =	vld.idx.msk [tilespmem:v54+s11+$0x0], $0xffff  }
0x175: {  	v14 =	vmul.f32 v46, v14;
	v17 =	vmul.f32 v44, v17;
	v27 =	vadd.f32 v12, v47;
	v25 =	vld.idx.msk [tilespmem:v56+s11+$0x0], $0xffff  }
0x176: {  	v0 =	vadd.f32 v7, v0;
	v22 =	vadd.f32 v22, v24;
	v39 =	vmul.f32 v40, v6;
	v38 =	vld.idx.msk [tilespmem:v43+s11+$0x0], $0xffff  }
0x177: {  	v18 =	vmul.f32 v18, v5;
	v24 =	vadd.f32 v28, v26;
	v1 =	vadd.f32 v1, v34;
	v5 =	vmovc v58;
	v46 =	vld [tilespmem:s16+$0xFFFFFF10]  }
0x178: {  	v20 =	vadd.f32 v20, v41;
	v28 =	vadd.f32 v39, v27;
	v6 =	vmovc v57;
	v26 =	vshll.u32 v49, $0x6;
	v12 =	vld [tilespmem:s16+$0xFFFFFF70]  }
0x179: {  	v40 =	vadd.f32 v10, v52;
	v34 =	vor.u32 v62, v26;
	v39 =	vor.u32 v3, v26;
	v7 =	vld [tilespmem:s16+$0xFFFFFF50]  }
0x17a: {  	v0 =	vadd.f32 v9, v0;
	v42 =	vor.u32 v2, v26;
	v31 =	vshll.u32 v31, $0x6;
	v45 =	vld [tilespmem:s16+$0xFFFFFFA0]  }
0x17b: {  	v21 =	vadd.f32 v21, v24;
	v49 =	vor.u32 v62, v31;
	v43 =	vor.u32 v3, v31;
	v9 =	vld [tilespmem:s16+$0xFFFFFF90]  }
0x17c: {  	v1 =	vadd.f32 v17, v1;
	v24 =	vor.u32 v2, v31;
	v25 =	vshll.u32 v25, $0x6;
	v10 =	vld [tilespmem:s16+$0xFFFFFFC0]  }
0x17d: {  	v27 =	vadd.f32 v30, v22;
	v17 =	vor.u32 v3, v25;
	v38 =	vshll.u32 v38, $0x6;
	v50 =	vld [tilespmem:s16+$0xFFFFFF60]  }
0x17e: {  	v20 =	vadd.f32 v33, v20;
	v51 =	vor.u32 v62, v38;
	v48 =	vor.u32 v2, v38;
	v30 =	vld [tilespmem:s16+$0xFFFFFF40]  }
0x17f: {  	v56 =	vadd.f32 v15, v23;
	v53 =	vor.u32 v4, v31;
	v55 =	vor.u32 v2, v25;
	v52 =	vld.idx.msk [tilespmem:v39+s12+$0x0], $0xffff  }
0x180: {  	v32 =	vadd.f32 v32, v0;
	v15 =	vor.u32 v4, v26;
	v23 =	vld.idx.msk [tilespmem:v42+s12+$0x0], $0xffff;
	v42 =	vor.u32 v62, v25  }
0x181: {  	v58 =	vadd.f32 v13, v40;
	v31 =	vadd.f32 v18, v21;
	v26 =	vor.u32 v3, v38;
	v57 =	vld.idx.msk [tilespmem:v43+s12+$0x0], $0xffff  }
0x182: {  	v41 =	vadd.f32 v14, v20;
	v47 =	vadd.f32 v16, v28;
	v21 =	vor.u32 v4, v38;
	v13 =	vld.idx.msk [tilespmem:v17+s12+$0x0], $0xffff  }
0x183: {  	v63 =	vshll.u32 v29, $0x10;
	v14 =	vshll.u32 v11, $0x10;
	v38 =	vadd.f32 v19, v1;
	v59 =	vld.idx.msk [tilespmem:v34+s12+$0x0], $0xffff  }
0x184: {  	v0 =	vor.u32 v4, v25;
	v20 =	vshll.u32 v7, $0x10;
	v17 =	vshll.u32 v6, $0x10;
	v44 =	vld.idx.msk [tilespmem:v24+s12+$0x0], $0xffff  }
0x185: {  	v22 =	vshll.u32 v45, $0x10;
	v1 =	vshll.u32 v30, $0x10;
	v24 =	vshll.u32 v50, $0x10;
	v16 =	vld.idx.msk [tilespmem:v48+s12+$0x0], $0xffff  }
0x186: {  	v19 =	vshll.u32 v23, $0x10;
	v30 =	vmul.f32 v23, v30;
	v23 =	vshll.u32 v10, $0x10;
	v18 =	vld.idx.msk [tilespmem:v26+s12+$0x0], $0xffff  }
0x187: {  	v33 =	vshll.u32 v9, $0x10;
	v1 =	vmul.f32 v19, v1;
	v26 =	vshll.u32 v57, $0x10;
	v19 =	vld.idx.msk [tilespmem:v21+s12+$0x0], $0xffff  }
0x188: {  	v39 =	vshll.u32 v12, $0x10;
	v43 =	vshll.u32 v8, $0x10;
	v25 =	vshll.u32 v13, $0x10;
	v60 =	vld.idx.msk [tilespmem:v15+s12+$0x0], $0xffff  }
0x189: {  	v61 =	vshll.u32 v46, $0x10;
	v62 =	vshll.u32 v5, $0x10;
	v48 =	vshll.u32 v37, $0x10;
	v54 =	vld.idx.msk [tilespmem:v51+s12+$0x0], $0xffff  }
0x18a: {  	v28 =	vmul.f32 v57, v50;
	v15 =	vshll.u32 v35, $0x10;
	v51 =	vshll.u32 v36, $0x10;
	v34 =	vld.idx.msk [tilespmem:v42+s12+$0x0], $0xffff  }
0x18b: {  	v21 =	vmul.f32 v13, v45;
	v45 =	vshll.u32 v16, $0x10;
	v13 =	vmul.f32 v16, v35;
	v42 =	vld.idx.msk [tilespmem:v49+s12+$0x0], $0xffff  }
0x18c: {  	v50 =	vshll.u32 v52, $0x10;
	v15 =	vmul.f32 v45, v15;
	v40 =	vld.idx.msk [tilespmem:v0+s12+$0x0], $0xffff;
	v0 =	vshll.u32 v18, $0x10  }
0x18d: {  	v45 =	vmul.f32 v52, v36;
	v49 =	vadd.f32 v1, v56;
	v1 =	vshll.u32 v19, $0x10;
	v36 =	vld.idx.msk [tilespmem:v53+s12+$0x0], $0xffff  }
.Ltmp13:
0x18e: {  	v57 =	vshll.u32 v44, $0x10;
	v52 =	vadd.f32 v30, v58;
	v16 =	vmul.f32 v19, v29;
	(pc) =	sbr.rel @p0 .LBB2_8-.Ltmp13, $4  }
0x18f: {  	v35 =	vmul.f32 v59, v46;
	v30 =	vshll.u32 v59, $0x10;
	v19 =	vmul.f32 v1, v63  }
0x190: {  	v56 =	vmul.f32 v60, v37;
	v46 =	vshll.u32 v54, $0x10;
	v53 =	vshll.u32 v34, $0x10;
	v37 =	vld.idx.msk [tilespmem:v55+s12+$0x0], $0xffff  }
0x191: {  	v51 =	vmul.f32 v50, v51;
	v29 =	vshll.u32 v60, $0x10;
	v50 =	vshll.u32 v42, $0x10  }
0x192: {  	s6 =	smov.u32 s4;
	v55 =	vmul.f32 v30, v61;
	v30 =	vmul.f32 v0, v62;
	v62 =	vlaneseq.u32  }
0x193: {  	v0 =	vadd.f32 v35, v32;
	v1 =	vshll.u32 v36, $0x10;
	v11 =	vmul.f32 v54, v11  }
0x194: {  	v8 =	vmul.f32 v44, v8;
	v63 =	vshll.u32 v40, $0x10;
	v29 =	vmul.f32 v29, v48  }
0x195: {  	v12 =	vmul.f32 v36, v12;
	v47 =	vadd.f32 v56, v47;
	v48 =	vmul.f32 v57, v43  }
0x196: {  	v33 =	vmul.f32 v53, v33;
	v27 =	vadd.f32 v51, v27;
	v24 =	vmul.f32 v26, v24  }
0x197: {  	v20 =	vmul.f32 v50, v20;
	v7 =	vmul.f32 v42, v7;
	v57 =	vadd.f32 v45, v31  }
0x198: {  	v22 =	vmul.f32 v25, v22;
	v56 =	vadd.f32 v55, v41;
	v8 =	vadd.f32 v8, v52  }
0x199: {  	v9 =	vmul.f32 v34, v9;
	v36 =	vadd.f32 v48, v49;
	v29 =	vadd.f32 v29, v38  }
0x19a: {  	v14 =	vmul.f32 v46, v14;
	v24 =	vadd.f32 v24, v27;
	v20 =	vadd.f32 v20, v56  }
0x19b: {  	v6 =	vmul.f32 v40, v6;
	v12 =	vadd.f32 v12, v47;
	v0 =	vadd.f32 v7, v0  }
0x19c: {  	v1 =	vmul.f32 v1, v39;
	v58 =	vadd.f32 v28, v57;
	v20 =	vadd.f32 v33, v20  }
0x19d: {  	v5 =	vmul.f32 v18, v5;
	v7 =	vadd.f32 v22, v24;
	v0 =	vadd.f32 v9, v0  }
0x19e: {  	v17 =	vmul.f32 v63, v17;
	v1 =	vadd.f32 v1, v29;
	v59 =	vadd.f32 v14, v20  }
0x19f: {  	v54 =	vshll.u32 v37, $0x10;
	v60 =	vadd.f32 v21, v58;
	v0 =	vadd.f32 v11, v0  }
0x1a0: {  	v61 =	vmul.f32 v54, v23;
	v1 =	vadd.f32 v17, v1;
	v7 =	vadd.f32 v30, v7;
	[tilespmem:s19+$0x0] =	vst.add.f32.msk $0xffff, v59  }
0x1a1: {  	v63 =	vmul.f32 v37, v10;
	v6 =	vadd.f32 v6, v12;
	v5 =	vadd.f32 v5, v60;
	[tilespmem:s20+$0x0] =	vst.add.f32.msk $0xffff, v0  }
0x1a2: {  	p0 =	seq.s32 s17, $0xF;
	v1 =	vadd.f32 v19, v1;
	v0 =	vadd.f32 v61, v36;
	[tilespmem:s21+$0x0] =	vst.add.f32.msk $0xffff, v7  }
.Ltmp14:
0x1a3: {  	v6 =	vadd.f32 v16, v6;
	v7 =	vadd.f32 v63, v8;
	[tilespmem:s22+$0x0] =	vst.add.f32.msk $0xffff, v5;
	(pc) =	sbr.rel @p0 .LBB2_17-.Ltmp14, $4  }
.Ltmp15:
0x1a4: {  	v0 =	vadd.f32 v15, v0;
	[tilespmem:s23+$0x0] =	vst.add.f32.msk $0xffff, v1;
	(pc) =	sbr.rel @!p0 .LBB2_18-.Ltmp15, $4  }
0x1a5: {  	v1 =	vadd.f32 v13, v7;
	[tilespmem:s24+$0x0] =	vst.add.f32.msk $0xffff, v6  }
0x1a6: {  	[tilespmem:s25+$0x0] =	vst.add.f32.msk $0xffff, v0  }
0x1a7: {  	[tilespmem:s26+$0x0] =	vst.add.f32.msk $0xffff, v1  }
0x1a8: {  	_ = 	snop  }
.LBB2_14:
0x1a9: {  	_ =	swait.ge [sflag:s30], $0x2000;
	s4 =	sadd.s32 @!p0 $0x600, s4;
	s6 =	simm.s32 @!p0 $0x80  }
0x1aa: {  	v2 =	vmov s7;
	s7 =	simm.s32 @!p0 $0x8000;
	[sflag:s30] =	ssyncset.done $0x0;
	s4 =	sand.u32 @!p0 $0xFE00, s4  }
0x1ab: {  	s17 =	simm.s32 $0x0;
	[sflag:s30] =	ssyncadd.s32 $0xFFFFE000;
	s4 =	sshrl.u32 @!p0 s4, $0x2  }
0x1ac: {  	[tilespmem:s7], [sflag:$0x3] =	stream.indirect.gather @!p0 [hbm4b:s3+s6], $0x40, s4, s6, $0xb8;
	[tilespmem:$0x10080] =	vst v63  }
0x1ad: {  	v10 =	vld [tilespmem:s17+$0xA010]  }
0x1ae: {  	v7 =	vld [tilespmem:s17+$0xA0A0]  }
0x1af: {  	v12 =	vld [tilespmem:s17+$0xA080]  }
0x1b0: {  	v43 =	vld [tilespmem:s17+$0xA0E0]  }
0x1b1: {  	v0 =	vbroadcast v0, $0x0;
	v59 =	vld [tilespmem:s17+$0xA0C0]  }
0x1b2: {  	v1 =	vand.u32 $0xFFFFFFFE, v1;
	v8 =	vld [tilespmem:s17+$0xA000]  }
0x1b3: {  	v1 =	vbroadcast v1, $0x0;
	v2 =	vld.idx.msk [tilespmem:v2+s11+$0x0], $0xffff  }
0x1b4: {  	v57 =	vld [tilespmem:s17+$0xA0B0]  }
0x1b5: {  	v9 =	vmov s15;
	v13 =	vld [tilespmem:s17+$0xA020]  }
0x1b6: {  	v9 =	vand.u32 $0xFFFFFFFC, v9;
	v34 =	vld [tilespmem:s17+$0xA090]  }
0x1b7: {  	v14 =	vbroadcast v9, $0x0;
	v0 =	vld.idx.msk [tilespmem:v0+s11+$0x0], $0xffff  }
0x1b8: {  	v19 =	vlaneseq.u32;
	v21 =	vld [tilespmem:s17+$0xA050];
	v2 =	vshll.u32 v2, $0x6  }
0x1b9: {  	v6 =	vmov v4;
	v1 =	vld.idx.msk [tilespmem:v1+s11+$0x0], $0xffff;
	v55 =	vor.u32 v19, v2  }
0x1ba: {  	v16 =	vld [tilespmem:s17+$0xA060];
	v11 =	vor.u32 v6, v2  }
0x1bb: {  	v5 =	vmov v3;
	v9 =	vld [tilespmem:s17+$0xA070];
	v15 =	vor.u32 v37, v2  }
0x1bc: {  	v29 =	vld [tilespmem:s17+$0xA040];
	v0 =	vshll.u32 v0, $0x6;
	v2 =	vor.u32 v5, v2  }
0x1bd: {  	v35 =	vimm.f32 $0.0e+00;
	v26 =	vld.idx.msk [tilespmem:v14+s11+$0x0], $0xffff;
	v17 =	vor.u32 v5, v0  }
0x1be: {  	v27 =	vimm.f32 $0.0e+00;
	v1 =	vshll.u32 v1, $0x6;
	v23 =	vor.u32 v19, v0;
	v4 =	vld.idx.msk [tilespmem:v55+s12+$0x0], $0xffff  }
0x1bf: {  	v41 =	vimm.f32 $0.0e+00;
	v31 =	vimm.f32 $0.0e+00;
	v18 =	vor.u32 v5, v1;
	v22 =	vld.idx.msk [tilespmem:v11+s12+$0x0], $0xffff  }
0x1c0: {  	v28 =	vimm.f32 $0.0e+00;
	v56 =	vimm.f32 $0.0e+00;
	v46 =	vshll.u32 v57, $0x10;
	v25 =	vld.idx.msk [tilespmem:v15+s12+$0x0], $0xffff  }
0x1c1: {  	v14 =	vshll.u32 v43, $0x10;
	v32 =	vor.u32 v37, v0;
	v0 =	vor.u32 v6, v0;
	v45 =	vld.idx.msk [tilespmem:v2+s12+$0x0], $0xffff  }
0x1c2: {  	v49 =	vshll.u32 v16, $0x10;
	v33 =	vshll.u32 v13, $0x10;
	v24 =	vor.u32 v37, v1;
	v53 =	vld.idx.msk [tilespmem:v17+s12+$0x0], $0xffff  }
0x1c3: {  	v63 =	vshll.u32 v9, $0x10;
	v30 =	vor.u32 v19, v1;
	v1 =	vor.u32 v6, v1;
	v39 =	vld.idx.msk [tilespmem:v23+s12+$0x0], $0xffff  }
0x1c4: {  	v60 =	vshll.u32 v12, $0x10;
	v40 =	vshll.u32 v8, $0x10;
	v50 =	vshll.u32 v7, $0x10;
	v51 =	vld.idx.msk [tilespmem:v18+s12+$0x0], $0xffff  }
0x1c5: {  	v42 =	vshll.u32 v34, $0x10;
	v52 =	vshll.u32 v10, $0x10;
	v47 =	vshll.u32 v26, $0x6;
	v23 =	vld [tilespmem:s17+$0xA030]  }
0x1c6: {  	v61 =	vmovc v37;
	v26 =	vimm.f32 $0.0e+00;
	v44 =	vor.u32 v37, v47;
	v37 =	vshll.u32 v29, $0x10;
	v38 =	vld.idx.msk [tilespmem:v0+s12+$0x0], $0xffff  }
0x1c7: {  	v54 =	vor.u32 v5, v47;
	v17 =	vld.idx.msk [tilespmem:v24+s12+$0x0], $0xffff;
	v24 =	vimm.f32 $0.0e+00;
	v58 =	vshll.u32 v4, $0x10  }
0x1c8: {  	s14 =	sshrl.u32 s1, $0x4;
	v36 =	vld.idx.msk [tilespmem:v1+s12+$0x0], $0xffff;
	v15 =	vshll.u32 v22, $0x10;
	v18 =	vmul.f32 v22, v43;
	v22 =	vmul.f32 v4, v59  }
0x1c9: {  	s16 =	sand.u32 $0xF, s1;
	s15 =	sadd.s32 $0x4, s15;
	[tilespmem:$0x1FF40] =	vst v56;
	s4 =	simm.s32 $0x400;
	v20 =	vmovc v8;
	v19 =	vmovc v7;
	v43 =	vld [tilespmem:s17+$0xA0D0];
	v62 =	vmul.f32 v15, v14;
	v48 =	vshll.u32 v53, $0x10;
	v55 =	vshll.u32 v51, $0x10  }
.LBB2_15:
0x1ca: {  	_ =	sdelay $0x1  }
0x1cb: {  	s6 =	sadd.s32 $0x1, s15;
	v56 =	vld.idx.msk [tilespmem:v32+s12+$0x0], $0xffff  }
0x1cc: {  	[tilespmem:$0x1FED0] =	vst v9;
	v1 =	vmul.f32 v55, v42;
	s13 =	sadd.s32 $0x2, s15;
	v9 =	vmov v57;
	v57 =	vld.idx.msk [tilespmem:v44+s12+$0x0], $0xffff;
	v3 =	vmov s6  }
0x1cd: {  	s7 =	sadd.s32 $0x3, s15;
	v42 =	vmul.f32 v51, v34;
	v54 =	vld.idx.msk [tilespmem:v54+s12+$0x0], $0xffff;
	v44 =	vmov s13;
	v3 =	vand.u32 $0xFFFFFFFD, v3  }
0x1ce: {  	[tilespmem:$0x1FF00] =	vst v22;
	v4 =	vmov s7;
	v22 =	vmovc v18;
	v18 =	vld [tilespmem:$0x1FFF0];
	v51 =	vand.u32 $0xFFFFFFFE, v44;
	v3 =	vbroadcast v3, $0x0  }
0x1cf: {  	s8 =	smov.u32 s4;
	v2 =	vshll.u32 v17, $0x10;
	v5 =	vmul.f32 v53, v21;
	v53 =	vld [tilespmem:s17+$0xA0F0];
	v55 =	vshll.u32 v38, $0x10  }
0x1d0: {  	v34 =	vshll.u32 v43, $0x10;
	v6 =	vmul.f32 v45, v43;
	s17 =	sshra.s32 s8, $0x2;
	v49 =	vmul.f32 v55, v49;
	v55 =	vld.idx.msk [tilespmem:v30+s12+$0x0], $0xffff  }
0x1d1: {  	[tilespmem:$0x1FF20] =	vst v42;
	v43 =	vshll.u32 v36, $0x10;
	v16 =	vmul.f32 v38, v16;
	v42 =	vmul.f32 v2, v46;
	v11 =	vld [tilespmem:s17+$0xA0A0]  }
0x1d2: {  	v0 =	vshll.u32 v23, $0x10;
	v30 =	vbroadcast v51, $0x0;
	v50 =	vmul.f32 v43, v50;
	v38 =	vld [tilespmem:s17+$0xA0B0]  }
0x1d3: {  	v51 =	vshll.u32 v57, $0x10;
	v7 =	vshll.u32 v54, $0x10;
	v54 =	vmul.f32 v54, v10;
	v4 =	vld.idx.msk [tilespmem:v4+s11+$0x0], $0xffff  }
0x1d4: {  	[tilespmem:$0x1FF30] =	vst v6;
	v46 =	vor.u32 v18, v47;
	v6 =	vshll.u32 v45, $0x10;
	v0 =	vmul.f32 v51, v0;
	v51 =	vld [tilespmem:$0x1FF00]  }
0x1d5: {  	v10 =	vshll.u32 v21, $0x10;
	[tilespmem:$0x1FF10] =	vst v5;
	v5 =	vlaneseq.u32;
	v44 =	vmul.f32 v6, v34;
	v6 =	vld [tilespmem:$0x1FFE0]  }
0x1d6: {  	[tilespmem:$0x1FEF0] =	vst v58;
	v43 =	vmul.f32 v7, v52;
	v58 =	vor.u32 v5, v47;
	v34 =	vmul.f32 v48, v10;
	v10 =	vld [tilespmem:s17+$0xA000]  }
0x1d7: {  	v41 =	vadd.f32 v54, v41;
	v54 =	vld [tilespmem:$0x1FF10]  }
0x1d8: {  	v32 =	vshll.u32 v25, $0x10;
	v29 =	vmul.f32 v39, v29;
	v21 =	vadd.f32 v43, v35;
	v3 =	vld.idx.msk [tilespmem:v3+s11+$0x0], $0xffff  }
0x1d9: {  	v2 =	vmovc v59;
	v59 =	vshll.u32 v56, $0x10;
	v47 =	vmul.f32 v25, v53;
	v25 =	vmov s15;
	v45 =	vld.idx.msk [tilespmem:v46+s12+$0x0], $0xffff  }
0x1da: {  	v25 =	vand.u32 $0xFFFFFFFC, v25;
	v52 =	vmul.f32 v55, v12;
	v21 =	vadd.f32 v34, v21;
	v30 =	vld.idx.msk [tilespmem:v30+s11+$0x0], $0xffff  }
0x1db: {  	[tilespmem:$0x1FEE0] =	vst v42;
	v42 =	vbroadcast v25, $0x0;
	v4 =	vshll.u32 v4, $0x6;
	v25 =	vld.idx.msk [tilespmem:v58+s12+$0x0], $0xffff;
	v58 =	vshll.u32 v53, $0x10  }
0x1dc: {  	v43 =	vld [tilespmem:s17+$0xA010];
	v46 =	vor.u32 v5, v4;
	v8 =	vor.u32 v6, v4;
	v53 =	vmul.f32 v32, v58  }
0x1dd: {  	v12 =	vld [tilespmem:s17+$0xA080];
	v58 =	vor.u32 v61, v4;
	v4 =	vor.u32 v18, v4;
	v3 =	vshll.u32 v3, $0x6  }
0x1de: {  	v34 =	vld [tilespmem:s17+$0xA090];
	v1 =	vadd.f32 v1, v21;
	v48 =	vor.u32 v5, v3;
	v32 =	vor.u32 v61, v3  }
0x1df: {  	v21 =	vld [tilespmem:s17+$0xA050];
	v7 =	vor.u32 v6, v3;
	v14 =	vshll.u32 v45, $0x10;
	v15 =	vshll.u32 v30, $0x6  }
0x1e0: {  	v45 =	vmul.f32 v45, v13;
	v35 =	vshll.u32 v25, $0x10;
	v30 =	vor.u32 v5, v15;
	v5 =	vld [tilespmem:s17+$0xA0E0]  }
0x1e1: {  	v3 =	vor.u32 v18, v3;
	v13 =	vmul.f32 v14, v33;
	v33 =	vmul.f32 v35, v40;
	v35 =	vld [tilespmem:s17+$0xA0C0]  }
0x1e2: {  	v14 =	vshll.u32 v39, $0x10;
	v39 =	vor.u32 v61, v15;
	v25 =	vmul.f32 v25, v20;
	v4 =	vld.idx.msk [tilespmem:v4+s12+$0x0], $0xffff  }
0x1e3: {  	v40 =	vor.u32 v6, v15;
	v15 =	vor.u32 v18, v15;
	v18 =	vmul.f32 v59, v63;
	v63 =	vld [tilespmem:$0x1FF40]  }
0x1e4: {  	v26 =	vadd.f32 v45, v26;
	v45 =	vld.idx.msk [tilespmem:v8+s12+$0x0], $0xffff;
	v25 =	vadd.f32 v25, v31  }
0x1e5: {  	v14 =	vmul.f32 v14, v37;
	v8 =	vld [tilespmem:$0x1FEF0];
	v13 =	vadd.f32 v13, v27  }
0x1e6: {  	v37 =	vld.idx.msk [tilespmem:v42+s11+$0x0], $0xffff;
	v16 =	vadd.f32 v16, v26;
	v31 =	vadd.f32 v29, v25;
	v25 =	vmul.f32 v36, v19  }
0x1e7: {  	v0 =	vadd.f32 v0, v24;
	v27 =	vadd.f32 v49, v13;
	v36 =	vld.idx.msk [tilespmem:v46+s12+$0x0], $0xffff  }
0x1e8: {  	v20 =	vadd.f32 v25, v16;
	v16 =	vld [tilespmem:s17+$0xA060]  }
0x1e9: {  	v0 =	vadd.f32 v18, v0;
	v27 =	vadd.f32 v50, v27;
	v50 =	vmovc v11;
	v11 =	vmul.f32 v17, v9;
	v9 =	vld [tilespmem:$0x1FED0]  }
0x1ea: {  	v17 =	vmul.f32 v57, v23;
	v23 =	vadd.f32 v33, v28;
	v28 =	vshll.u32 v2, $0x10;
	v57 =	vmovc v38;
	v33 =	vld [tilespmem:$0x1FEE0]  }
0x1eb: {  	v13 =	vld [tilespmem:s17+$0xA020];
	v2 =	vadd.f32 v54, v41;
	v46 =	vshll.u32 v57, $0x10;
	v27 =	vadd.f32 v62, v27  }
0x1ec: {  	v29 =	vld [tilespmem:s17+$0xA040];
	v19 =	vmovc v50;
	v50 =	vshll.u32 v50, $0x10;
	v26 =	vadd.f32 v22, v20;
	v17 =	vadd.f32 v17, v63  }
0x1ed: {  	v59 =	vmovc v35;
	v25 =	vld.idx.msk [tilespmem:v58+s12+$0x0], $0xffff;
	v14 =	vadd.f32 v14, v23;
	v23 =	vshll.u32 v5, $0x10;
	v58 =	vshll.u32 v36, $0x10  }
0x1ee: {  	v38 =	vld.idx.msk [tilespmem:v3+s12+$0x0], $0xffff;
	v22 =	vmul.f32 v36, v59;
	v24 =	vmul.f32 v56, v9;
	v9 =	vshll.u32 v55, $0x10  }
0x1ef: {  	v0 =	vadd.f32 v33, v0;
	v49 =	vshll.u32 v16, $0x10;
	v55 =	vld [tilespmem:$0x1FF20];
	v18 =	vmul.f32 v9, v60  }
0x1f0: {  	v33 =	vshll.u32 v13, $0x10;
	v9 =	vld [tilespmem:s17+$0xA070];
	v60 =	vshll.u32 v12, $0x10;
	v35 =	vadd.f32 v24, v17  }
0x1f1: {  	v56 =	vld [tilespmem:$0x1FF30];
	v17 =	vmul.f32 v8, v28;
	v14 =	vadd.f32 v18, v14;
	v18 =	vadd.f32 v52, v31  }
0x1f2: {  	v24 =	vadd.f32 v53, v0;
	v53 =	vld.idx.msk [tilespmem:v7+s12+$0x0], $0xffff;
	v52 =	vshll.u32 v4, $0x10;
	v42 =	vadd.f32 v11, v35  }
0x1f3: {  	p0 =	sne.s32 s4, $0x7C00;
	v35 =	vadd.f32 v44, v1;
	v62 =	vmul.f32 v52, v23;
	v31 =	vadd.f32 v51, v18;
	v51 =	vld.idx.msk [tilespmem:v40+s12+$0x0], $0xffff  }
.Ltmp16:
0x1f4: {  	v36 =	vld.idx.msk [tilespmem:v15+s12+$0x0], $0xffff;
	v28 =	vadd.f32 v17, v14;
	v18 =	vmul.f32 v4, v5;
	v0 =	vadd.f32 v47, v42;
	(pc) =	sbr.rel @p0 .LBB2_15-.Ltmp16, $4  }
0x1f5: {  	v20 =	vmovc v10;
	v23 =	vld [tilespmem:s17+$0xA030];
	v40 =	vshll.u32 v10, $0x10;
	v63 =	vshll.u32 v9, $0x10;
	v47 =	vshll.u32 v37, $0x6  }
0x1f6: {  	v17 =	vld.idx.msk [tilespmem:v39+s12+$0x0], $0xffff;
	v10 =	vmovc v43;
	v42 =	vshll.u32 v34, $0x10;
	v37 =	vshll.u32 v29, $0x10;
	[tilespmem:$0x1FF40] =	vst v0;
	v0 =	vadd.f32 v55, v2  }
0x1f7: {  	v39 =	vld.idx.msk [tilespmem:v48+s12+$0x0], $0xffff;
	v52 =	vshll.u32 v10, $0x10;
	v44 =	vor.u32 v61, v47;
	v48 =	vshll.u32 v53, $0x10  }
0x1f8: {  	s4 =	sadd.s32 $0x400, s4;
	s15 =	sadd.s32 $0x4, s15;
	v43 =	vld [tilespmem:s17+$0xA0D0];
	v54 =	vor.u32 v6, v47;
	v41 =	vadd.f32 v56, v0;
	v55 =	vshll.u32 v51, $0x10  }
0x1f9: {  	_ = 	snop  }
0x1fa: {  	v56 =	vld [tilespmem:$0x1FFF0];
	_ =	sdelay $0x1  }
0x1fb: {  	v3 =	vlaneseq.u32  }
0x1fc: {  	v1 =	vld.idx.msk [tilespmem:v32+s12+$0x0], $0xffff;
	v11 =	vmul.f32 v55, v42;
	v15 =	vmul.f32 v53, v21;
	v8 =	vshll.u32 v38, $0x10  }
0x1fd: {  	v2 =	vld.idx.msk [tilespmem:v44+s12+$0x0], $0xffff;
	v34 =	vmul.f32 v51, v34;
	v51 =	vshll.u32 v36, $0x10;
	v3 =	vor.u32 v3, v47  }
0x1fe: {  	v5 =	vld.idx.msk [tilespmem:v54+s12+$0x0], $0xffff;
	v61 =	vshll.u32 v21, $0x10;
	v16 =	vmul.f32 v38, v16;
	v0 =	vor.u32 v56, v47  }
0x1ff: {  	v30 =	vld.idx.msk [tilespmem:v30+s12+$0x0], $0xffff;
	v7 =	vmul.f32 v36, v19;
	v6 =	vshll.u32 v59, $0x10;
	v32 =	vmul.f32 v8, v49  }
0x200: {  	v21 =	vmul.f32 v48, v61;
	v6 =	vmul.f32 v58, v6;
	v14 =	vshll.u32 v17, $0x10  }
0x201: {  	v4 =	vshll.u32 v23, $0x10;
	v14 =	vmul.f32 v14, v46;
	v46 =	vmul.f32 v51, v50  }
0x202: {  	v29 =	vmul.f32 v39, v29;
	v44 =	vshll.u32 v43, $0x10;
	v43 =	vmul.f32 v45, v43;
	v3 =	vld.idx.msk [tilespmem:v3+s12+$0x0], $0xffff  }
0x203: {  	v47 =	vshll.u32 v1, $0x10;
	v54 =	vshll.u32 v5, $0x10;
	v5 =	vmul.f32 v5, v10;
	v0 =	vld.idx.msk [tilespmem:v0+s12+$0x0], $0xffff  }
0x204: {  	v53 =	vshll.u32 v2, $0x10;
	v12 =	vmul.f32 v30, v12;
	v50 =	vmul.f32 v54, v52  }
0x205: {  	v2 =	vmul.f32 v2, v23;
	v4 =	vmul.f32 v53, v4;
	v5 =	vadd.f32 v5, v41  }
0x206: {  	v52 =	vshll.u32 v39, $0x10;
	v61 =	vmul.f32 v47, v63;
	v63 =	vld [tilespmem:$0x1FF40];
	v35 =	vadd.f32 v50, v35  }
0x207: {  	v4 =	vadd.f32 v4, v24;
	v5 =	vadd.f32 v15, v5;
	v51 =	vshll.u32 v3, $0x10  }
0x208: {  	v8 =	vmul.f32 v51, v40;
	v55 =	vshll.u32 v0, $0x10;
	v0 =	vmul.f32 v0, v13  }
0x209: {  	v21 =	vadd.f32 v21, v35;
	v4 =	vadd.f32 v61, v4;
	v3 =	vmul.f32 v3, v20  }
0x20a: {  	v8 =	vadd.f32 v8, v28;
	v13 =	vmul.f32 v52, v37;
	v0 =	vadd.f32 v0, v26  }
0x20b: {  	v53 =	vshll.u32 v30, $0x10;
	v2 =	vadd.f32 v2, v63;
	v3 =	vadd.f32 v3, v31  }
0x20c: {  	v54 =	vmul.f32 v53, v60;
	v8 =	vadd.f32 v13, v8;
	v0 =	vadd.f32 v16, v0  }
0x20d: {  	v5 =	vadd.f32 v34, v5;
	v3 =	vadd.f32 v29, v3;
	v10 =	vmul.f32 v55, v33  }
0x20e: {  	v45 =	vshll.u32 v45, $0x10;
	v55 =	vld [tilespmem:s17+$0xA0F0];
	v0 =	vadd.f32 v7, v0;
	v7 =	vadd.f32 v54, v8  }
0x20f: {  	v1 =	vmul.f32 v1, v9;
	v3 =	vadd.f32 v12, v3;
	v10 =	vadd.f32 v10, v27  }
0x210: {  	v60 =	vmul.f32 v45, v44;
	v11 =	vadd.f32 v11, v21;
	v6 =	vadd.f32 v6, v7  }
0x211: {  	v3 =	vadd.f32 v22, v3;
	v10 =	vadd.f32 v32, v10  }
0x212: {  	v42 =	vshll.u32 v25, $0x10;
	v1 =	vadd.f32 v1, v2;
	v8 =	vadd.f32 v60, v11;
	[tilespmem:s19+$0x0] =	vst.add.f32.msk $0xffff, v6  }
0x213: {  	v2 =	vadd.f32 v43, v5;
	v10 =	vadd.f32 v46, v10;
	v7 =	vshll.u32 v55, $0x10;
	[tilespmem:s20+$0x0] =	vst.add.f32.msk $0xffff, v3  }
0x214: {  	v4 =	vadd.f32 v14, v4;
	v6 =	vmul.f32 v17, v57;
	v3 =	vmul.f32 v42, v7;
	[tilespmem:s21+$0x0] =	vst.add.f32.msk $0xffff, v8  }
0x215: {  	p0 =	seq.s32 s16, $0xF;
	v0 =	vadd.f32 v18, v0;
	v5 =	vadd.f32 v62, v10;
	[tilespmem:s22+$0x0] =	vst.add.f32.msk $0xffff, v2  }
.Ltmp17:
0x216: {  	v7 =	vmul.f32 v25, v55;
	v1 =	vadd.f32 v6, v1;
	v2 =	vadd.f32 v3, v4;
	v3 =	vld [tilespmem:$0x1FFE0];
	(pc) =	sbr.rel @!p0 .LBB2_18-.Ltmp17, $4  }
.Ltmp18:
0x217: {  	[tilespmem:s23+$0x0] =	vst.add.f32.msk $0xffff, v5;
	(pc) =	sbr.rel @p0 .LBB2_17-.Ltmp18, $4  }
0x218: {  	v1 =	vadd.f32 v7, v1;
	[tilespmem:s24+$0x0] =	vst.add.f32.msk $0xffff, v0  }
0x219: {  	[tilespmem:s25+$0x0] =	vst.add.f32.msk $0xffff, v2  }
0x21a: {  	v62 =	vlaneseq.u32;
	v4 =	vmov v56;
	[tilespmem:s26+$0x0] =	vst.add.f32.msk $0xffff, v1  }
0x21b: {  	_ = 	snop  }
.LBB2_20:
0x21c: {  	_ =	sfence.sel $0x180000  }
0x21d: {  	[bflag:$0x0] =	sbarrier.arrive $0xFFFF  }
0x21e: {  	_ =	strace $0x90000047  }
0x21f: {  	s0 =	stileid.u32;
	[bflag:$0x2] =	sbarrier.arrive $0xFFFF  }
0x220: {  	p0 =	sne.s32 s0, $0x0;
	s0 =	rddreg [dreg:$0x3]  }
0x221: {  	s0 =	sadd.s32 @!p0 $0x100000, s0  }
0x222: {  	[sflag:s0] =	ssyncadd.tile.s32 @!p0 $0x1;
	_ =	shalt  }
.Lfunc_end2:
_tile_overlayer_lowered:
.L_overlay_start_2:
0x223: {  	(tag) =	ssettag $0x2  }
0x224: {  	s0 =	rddreg [dreg:$0x0];
	s2 =	stileid.u32  }
0x225: {  	s1 =	rddreg [dreg:$0x1];
	p0 =	sne.s32 s2, $0x0  }
0x226: {  	s3 =	rddreg [dreg:$0x2];
	[bflag:$0x3] =	sbarrier.arrive $0xFFFF;
	s2 =	simm.s32 @!p0 $0x1C05  }
0x227: {  	[timem:s3], [sflag:s2] =	dma.local @!p0 [hbm:s0], s1  }
0x228: {  	s0 =	simm.s32 @!p0 $0x5  }
0x229: {  	_ =	swait.ge @!p0 [sflag:s0], s1  }
0x22a: {  	s1 =	ssub.s32 @!p0 $0x0, s1;
	[sflag:s0] =	ssyncset.done @!p0 $0x0  }
0x22b: {  	[sflag:s0] =	ssyncadd.s32 @!p0 s1  }
0x22c: {  	[bflag:$0x3] =	sbarrier.arrive $0xFFFF  }
0x22d: {  	_ =	shalt  }

</sc_bundles>
